<compile_context>
chip_gen: v7x
topology: tpu7x:2x2x1
jax: 0.10.2.dev20260603
libtpu: 0.0.44.dev20260713+nightly
codegen_flags: <defaults>
</compile_context>

<pallas_src>
import jax
import jax.numpy as jnp
from jax import lax
from jax.experimental import pallas as pl
from jax.experimental.pallas import tpu as pltpu
from jax.experimental.pallas import tpu_sc as plsc

N = 10000
E = 320000
D = 128
DE = 16
H = 128
L = 3
C = 40

NC = 2
NS = 16
NW = NC * NS
CHUNK = 128
NCHUNKS = E // CHUNK
CPW = NCHUNKS // NW
NTAIL = NCHUNKS - CPW * NW
RPT = 624
RTAIL = N - RPT * NS
BE = 8000


def _tile_copy(s, src_ref, dst_ref):
    row0 = s * RPT
    pltpu.sync_copy(src_ref.at[pl.ds(row0, RPT), :],
                    dst_ref.at[pl.ds(row0, RPT), :])

    @pl.when(s == NS - 1)
    def _():
        pltpu.sync_copy(src_ref.at[pl.ds(RPT * NS, RTAIL), :],
                        dst_ref.at[pl.ds(RPT * NS, RTAIL), :])



def _spmv_body(table, src, dst, zinit, out,
               src_v0, dst_v0, rows_v0, src_v1, dst_v1, rows_v1,
               src_v2, dst_v2, rows_v2, acc, sem0, sem1, sem2):
    c = lax.axis_index("c")
    s = lax.axis_index("s")
    wid = c * NS + s

    _tile_copy(s, zinit, acc)
    plsc.subcore_barrier()

    sv = (src_v0, src_v1, src_v2)
    dv = (dst_v0, dst_v1, dst_v2)
    rv = (rows_v0, rows_v1, rows_v2)
    sems = (sem0, sem1, sem2)

    def start(j, b):
        base = j * CHUNK
        pltpu.sync_copy(src.at[pl.ds(base, CHUNK)], sv[b])
        pltpu.sync_copy(dst.at[pl.ds(base, CHUNK)], dv[b])
        pltpu.async_copy(table.at[sv[b]], rv[b], sems[b])

    def finish(b):
        pltpu.make_async_copy(table.at[sv[b]], rv[b], sems[b]).wait()
        pltpu.sync_copy(rv[b], acc.at[dv[b]], add=True)

    j0 = wid * CPW
    start(j0, 0)
    start(j0 + 1, 1)
    start(j0 + 2, 2)

    def body(i, _):
        j = j0 + 3 * i
        finish(0)
        start(j + 3, 0)
        finish(1)
        start(j + 4, 1)
        finish(2)
        start(j + 5, 2)
        return 0

    lax.fori_loop(0, (CPW - 3) // 3, body, 0)
    finish(0)
    finish(1)
    finish(2)

    @pl.when(wid < NTAIL)
    def _():
        start(NW * CPW + wid, 0)
        finish(0)

    plsc.subcore_barrier()
    _tile_copy(s, acc, out.at[c])


_sc_spmv = pl.kernel(
    _spmv_body,
    out_type=jax.ShapeDtypeStruct((NC, N, D), jnp.float32),
    mesh=plsc.VectorSubcoreMesh(core_axis_name="c", subcore_axis_name="s"),
    scratch_types=[
        pltpu.VMEM((CHUNK,), jnp.int32),
        pltpu.VMEM((CHUNK,), jnp.int32),
        pltpu.VMEM((CHUNK, D), jnp.float32),
        pltpu.VMEM((CHUNK,), jnp.int32),
        pltpu.VMEM((CHUNK,), jnp.int32),
        pltpu.VMEM((CHUNK, D), jnp.float32),
        pltpu.VMEM((CHUNK,), jnp.int32),
        pltpu.VMEM((CHUNK,), jnp.int32),
        pltpu.VMEM((CHUNK, D), jnp.float32),
        pltpu.VMEM_SHARED((N, D), jnp.float32),
        pltpu.SemaphoreType.DMA,
        pltpu.SemaphoreType.DMA,
        pltpu.SemaphoreType.DMA,
    ],
)



def _edge_scatter_body(eh_full, dst, zinit, out,
                       dst_v0, rows_v0, dst_v1, rows_v1, dst_v2, rows_v2,
                       acc, sem0, sem1, sem2):
    c = lax.axis_index("c")
    s = lax.axis_index("s")
    wid = c * NS + s

    _tile_copy(s, zinit, acc)
    plsc.subcore_barrier()

    dv = (dst_v0, dst_v1, dst_v2)
    rv = (rows_v0, rows_v1, rows_v2)
    sems = (sem0, sem1, sem2)

    def start(j, b):
        base = j * CHUNK
        pltpu.sync_copy(dst.at[pl.ds(base, CHUNK)], dv[b])
        pltpu.async_copy(eh_full.at[pl.ds(base, CHUNK), :], rv[b], sems[b])

    def finish(j, b):
        base = j * CHUNK
        pltpu.make_async_copy(eh_full.at[pl.ds(base, CHUNK), :], rv[b],
                              sems[b]).wait()
        pltpu.sync_copy(rv[b], acc.at[dv[b]], add=True)

    j0 = wid * CPW
    start(j0, 0)
    start(j0 + 1, 1)
    start(j0 + 2, 2)

    def body(i, _):
        j = j0 + 3 * i
        finish(j, 0)
        start(j + 3, 0)
        finish(j + 1, 1)
        start(j + 4, 1)
        finish(j + 2, 2)
        start(j + 5, 2)
        return 0

    lax.fori_loop(0, (CPW - 3) // 3, body, 0)
    finish(j0 + CPW - 3, 0)
    finish(j0 + CPW - 2, 1)
    finish(j0 + CPW - 1, 2)

    @pl.when(wid < NTAIL)
    def _():
        start(NW * CPW + wid, 0)
        finish(NW * CPW + wid, 0)

    plsc.subcore_barrier()
    _tile_copy(s, acc, out.at[c])


_sc_edge_scatter = pl.kernel(
    _edge_scatter_body,
    out_type=jax.ShapeDtypeStruct((NC, N, D), jnp.float32),
    mesh=plsc.VectorSubcoreMesh(core_axis_name="c", subcore_axis_name="s"),
    scratch_types=[
        pltpu.VMEM((CHUNK,), jnp.int32),
        pltpu.VMEM((CHUNK, D), jnp.float32),
        pltpu.VMEM((CHUNK,), jnp.int32),
        pltpu.VMEM((CHUNK, D), jnp.float32),
        pltpu.VMEM((CHUNK,), jnp.int32),
        pltpu.VMEM((CHUNK, D), jnp.float32),
        pltpu.VMEM_SHARED((N, D), jnp.float32),
        pltpu.SemaphoreType.DMA,
        pltpu.SemaphoreType.DMA,
        pltpu.SemaphoreType.DMA,
    ],
)



_DN = (((1,), (1,)), ((), ()))


def _eh_body(e_ref, we_ref, be_ref, o_ref):
    o_ref[...] = lax.dot_general(e_ref[...], we_ref[...], _DN,
                                 preferred_element_type=jnp.float32) + be_ref[...]


def _tc_eh(e, W_edge, b_edge):
    return pl.pallas_call(
        _eh_body,
        grid=(E // BE,),
        in_specs=[pl.BlockSpec((BE, DE), lambda i: (i, 0)),
                  pl.BlockSpec((H, DE), lambda i: (0, 0)),
                  pl.BlockSpec((1, H), lambda i: (0, 0))],
        out_specs=pl.BlockSpec((BE, H), lambda i: (i, 0)),
        out_shape=jax.ShapeDtypeStruct((E, H), jnp.float32),
    )(e, W_edge, b_edge.reshape(1, H))


def _h_body(x_ref, wn_ref, bn_ref, h_ref):
    h_ref[...] = lax.dot_general(x_ref[...], wn_ref[...], _DN,
                                 preferred_element_type=jnp.float32) + bn_ref[...]


def _tc_h(x, W_node, b_node):
    return pl.pallas_call(
        _h_body,
        out_shape=jax.ShapeDtypeStruct((N, H), jnp.float32),
    )(x, W_node, b_node.reshape(1, H))


def _layer0_body(p_ref, pe_ref, tin_ref, w1_ref, b1_ref, g1_ref, be1_ref,
                 w2_ref, b2_ref, hs_ref, tout_ref, eh_ref):
    eh = pe_ref[0] + pe_ref[1]
    eh_ref[...] = eh
    aggr = p_ref[0] + p_ref[1] + eh
    z = lax.dot_general(aggr, w1_ref[...], _DN,
                        preferred_element_type=jnp.float32) + b1_ref[...]
    m = jnp.mean(z, axis=0, keepdims=True)
    v = jnp.mean((z - m) ** 2, axis=0, keepdims=True)
    z = g1_ref[...] * (z - m) / jnp.sqrt(v + 1e-5) + be1_ref[...]
    z = jnp.maximum(z, 0.0)
    z = lax.dot_general(z, w2_ref[...], _DN,
                        preferred_element_type=jnp.float32) + b2_ref[...]
    hs = jnp.where(z > 0, z, 0.2 * z)
    hs_ref[...] = hs
    tout_ref[...] = tin_ref[...] + hs


def _tc_layer0(p, pe, total, W1l, b1l, g1l, be1l, W2l, b2l):
    return pl.pallas_call(
        _layer0_body,
        out_shape=[jax.ShapeDtypeStruct((N, H), jnp.float32),
                   jax.ShapeDtypeStruct((N, H), jnp.float32),
                   jax.ShapeDtypeStruct((N, H), jnp.float32)],
    )(p, pe, total, W1l, b1l.reshape(1, 2 * H), g1l.reshape(1, 2 * H),
      be1l.reshape(1, 2 * H), W2l, b2l.reshape(1, H))


def _layer_body(p_ref, eh_ref, tin_ref, w1_ref, b1_ref, g1_ref, be1_ref,
                w2_ref, b2_ref, hs_ref, tout_ref):
    aggr = p_ref[0] + p_ref[1] + eh_ref[...]
    z = lax.dot_general(aggr, w1_ref[...], _DN,
                        preferred_element_type=jnp.float32) + b1_ref[...]
    m = jnp.mean(z, axis=0, keepdims=True)
    v = jnp.mean((z - m) ** 2, axis=0, keepdims=True)
    z = g1_ref[...] * (z - m) / jnp.sqrt(v + 1e-5) + be1_ref[...]
    z = jnp.maximum(z, 0.0)
    z = lax.dot_general(z, w2_ref[...], _DN,
                        preferred_element_type=jnp.float32) + b2_ref[...]
    hs = jnp.where(z > 0, z, 0.2 * z)
    hs_ref[...] = hs
    tout_ref[...] = tin_ref[...] + hs


def _tc_layer(p, eh, total, W1l, b1l, g1l, be1l, W2l, b2l):
    return pl.pallas_call(
        _layer_body,
        out_shape=[jax.ShapeDtypeStruct((N, H), jnp.float32),
                   jax.ShapeDtypeStruct((N, H), jnp.float32)],
    )(p, eh, total, W1l, b1l.reshape(1, 2 * H), g1l.reshape(1, 2 * H),
      be1l.reshape(1, 2 * H), W2l, b2l.reshape(1, H))


def _head_body(t_ref, wo1_ref, bo1_ref, go_ref, beo_ref, ap_ref, wo2_ref,
               bo2_ref, o_ref):
    z = lax.dot_general(t_ref[...], wo1_ref[...], _DN,
                        preferred_element_type=jnp.float32) + bo1_ref[...]
    m = jnp.mean(z, axis=0, keepdims=True)
    v = jnp.mean((z - m) ** 2, axis=0, keepdims=True)
    z = go_ref[...] * (z - m) / jnp.sqrt(v + 1e-5) + beo_ref[...]
    z = jnp.where(z > 0, z, ap_ref[...] * z)
    o_ref[...] = lax.dot_general(z, wo2_ref[...], _DN,
                                 preferred_element_type=jnp.float32) + bo2_ref[...]


def _tc_head(total, Wo1, bo1, go, beo, a_prelu, Wo2, bo2):
    return pl.pallas_call(
        _head_body,
        out_shape=jax.ShapeDtypeStruct((N, C), jnp.float32),
    )(total, Wo1, bo1.reshape(1, 2 * H), go.reshape(1, 2 * H),
      beo.reshape(1, 2 * H), a_prelu.reshape(1, 1), Wo2, bo2.reshape(1, C))



def kernel(x, edge_index, e, W_node, b_node, W_edge, b_edge, W1, b1, g1, be1,
           W2, b2, Wo1, bo1, go, beo, a_prelu, Wo2, bo2):
    src = edge_index[0]
    dst = edge_index[1]

    zin_d = jnp.zeros((N, D), jnp.float32)

    h = _tc_h(x, W_node, b_node)
    p = _sc_spmv(h, src, dst, zin_d)
    eh_full = _tc_eh(e, W_edge, b_edge)
    pe = _sc_edge_scatter(eh_full, dst, zin_d)

    hs, total, eh = _tc_layer0(p, pe, h, W1[0], b1[0], g1[0], be1[0],
                               W2[0], b2[0])
    for l in range(1, L):
        p = _sc_spmv(hs, src, dst, zin_d)
        hs, total = _tc_layer(p, eh, total, W1[l], b1[l], g1[l], be1[l],
                              W2[l], b2[l])

    return _tc_head(total, Wo1, bo1, go, beo, a_prelu, Wo2, bo2)

# --- scband reference (transcript-rebuilt; emitter-appended) ---
"""Pipeline reference for scband-gnn-32598801777143 (READ-ONLY COPY).

The authoritative reference and input builder live on the scoring server;
editing this copy changes nothing except your own understanding.
"""

import jax, jax.numpy as jnp
import numpy as np

N = 10000
E = 320000
D = 128
DE = 16
H = 128
L = 3
C = 40


def _bn(z, g, b, eps=1e-5):
    m = jnp.mean(z, axis=0)
    v = jnp.var(z, axis=0)
    return g * (z - m) / jnp.sqrt(v + eps) + b


def setup_inputs(seed: int = 0) -> dict:
    key = jax.random.key(seed)
    ks = jax.random.split(key, 24)
    s = 0.1
    inp = {}
    inp['x'] = jax.random.normal(ks[0], (N, D), jnp.float32)
    inp['edge_index'] = jax.random.randint(ks[1], (2, E), 0, N, dtype=jnp.int32)
    inp['e'] = jax.random.normal(ks[2], (E, DE), jnp.float32)
    inp['W_node'] = jax.random.normal(ks[3], (H, D), jnp.float32) * s
    inp['b_node'] = jnp.zeros((H,), jnp.float32)
    inp['W_edge'] = jax.random.normal(ks[4], (H, DE), jnp.float32) * s
    inp['b_edge'] = jnp.zeros((H,), jnp.float32)
    inp['W1'] = jax.random.normal(ks[5], (L, 2 * H, H), jnp.float32) * s
    inp['b1'] = jnp.zeros((L, 2 * H), jnp.float32)
    inp['g1'] = jnp.ones((L, 2 * H), jnp.float32)
    inp['be1'] = jnp.zeros((L, 2 * H), jnp.float32)
    inp['W2'] = jax.random.normal(ks[6], (L, H, 2 * H), jnp.float32) * s
    inp['b2'] = jnp.zeros((L, H), jnp.float32)
    inp['Wo1'] = jax.random.normal(ks[7], (2 * H, H), jnp.float32) * s
    inp['bo1'] = jnp.zeros((2 * H,), jnp.float32)
    inp['go'] = jnp.ones((2 * H,), jnp.float32)
    inp['beo'] = jnp.zeros((2 * H,), jnp.float32)
    inp['a_prelu'] = jnp.asarray(0.25, jnp.float32)
    inp['Wo2'] = jax.random.normal(ks[8], (C, 2 * H), jnp.float32) * s
    inp['bo2'] = jnp.zeros((C,), jnp.float32)
    return inp


def reference(x, edge_index, e, W_node, b_node, W_edge, b_edge, W1, b1, g1, be1, W2, b2, Wo1, bo1, go, beo, a_prelu, Wo2, bo2):
    h = x @ W_node.T + b_node
    eh = e @ W_edge.T + b_edge
    src = edge_index[0]
    dst = edge_index[1]
    hs = h
    total = h  # JK='sum' includes the initial embedding
    for l in range(L):
        msg = hs[src] + eh                      # message: x_j + edge_attr (gather)
        aggr = jax.ops.segment_sum(msg, dst, num_segments=N)  # add aggregation (scatter-add)
        z = aggr @ W1[l].T + b1[l]
        z = _bn(z, g1[l], be1[l])
        z = jax.nn.relu(z)
        z = z @ W2[l].T + b2[l]
        hs = jnp.where(z > 0, z, 0.2 * z)       # leaky_relu(0.2); dropout = identity (eval)
        total = total + hs
    z = total @ Wo1.T + bo1
    z = _bn(z, go, beo)
    z = jnp.where(z > 0, z, a_prelu * z)        # PReLU
    return z @ Wo2.T + bo2

if __name__ == "__main__":
    import jax
    _d = setup_inputs()
    print(jax.jit(kernel)(*tuple(_d.values())))

</pallas_src>

<mosaic_0001>
#map = affine_map<(d0, d1) -> (0, 0)>
#map1 = affine_map<(d0, d1) -> (0)>
#map2 = affine_map<(d0, d1) -> (0, 0, 0)>
module attributes {stable_mosaic.version = 14 : i64} {
  func.func @_edge_scatter_body(%arg0: i32, %arg1: i32, %arg2: memref<320000x128xf32, #tpu.memory_space<hbm>>, %arg3: memref<320000xi32, #tpu.memory_space<hbm>>, %arg4: memref<10000x128xf32, #tpu.memory_space<hbm>>, %arg5: memref<2x10000x128xf32, #tpu.memory_space<hbm>>, %arg6: memref<128xi32, #tpu.memory_space<vmem>>, %arg7: memref<128x128xf32, #tpu.memory_space<vmem>>, %arg8: memref<128xi32, #tpu.memory_space<vmem>>, %arg9: memref<128x128xf32, #tpu.memory_space<vmem>>, %arg10: memref<128xi32, #tpu.memory_space<vmem>>, %arg11: memref<128x128xf32, #tpu.memory_space<vmem>>, %arg12: memref<10000x128xf32, #tpu.memory_space<vmem_shared>>, %arg13: memref<!tpu.dma_semaphore, #tpu.memory_space<semaphore_mem>>, %arg14: memref<!tpu.dma_semaphore, #tpu.memory_space<semaphore_mem>>, %arg15: memref<!tpu.dma_semaphore, #tpu.memory_space<semaphore_mem>>) attributes {dimension_semantics = [#tpu.dimension_semantics<core_parallel>, #tpu.dimension_semantics<subcore_parallel>], iteration_bounds = array<i64: 2, 16>, scalar_prefetch = 0 : i64, scratch_operands = 10 : i64, tpu.core_type = #tpu.core_type<sc_vector_subcore>, window_params = [{transform_indices = #map}, {transform_indices = #map1}, {transform_indices = #map}, {transform_indices = #map2}]} {
    %mul3A = arith.constant 16 : i32
    %mul3A_0 = arith.muli %arg0, %mul3A : i32
    %add3A = arith.addi %mul3A_0, %arg1 : i32
    %mul3A_1 = arith.constant 624 : i32
    %mul3A_2 = arith.muli %arg1, %mul3A_1 : i32
    "tpu.region"() ({
      %run_scoped3A = tpu.sem_alloc : memref<!tpu.dma_semaphore, #tpu.memory_space<semaphore_mem>>
      %dma_start3A_74 = arith.constant 0 : i32
      %dma_start3A_75 = tpu.memref_slice %arg12[%mul3A_2, %dma_start3A_74] : memref<10000x128xf32, #tpu.memory_space<vmem_shared>> -> memref<624x128xf32, #tpu.memory_space<vmem_shared>>
      %dma_start3A_76 = arith.constant 0 : i32
      %dma_start3A_77 = tpu.memref_slice %arg4[%mul3A_2, %dma_start3A_76] : memref<10000x128xf32, #tpu.memory_space<hbm>> -> memref<624x128xf32, #tpu.memory_space<hbm>>
      tpu.enqueue_dma source(%dma_start3A_77 : memref<624x128xf32, #tpu.memory_space<hbm>>) target(%dma_start3A_75 : memref<624x128xf32, #tpu.memory_space<vmem_shared>>) target_semaphore(%run_scoped3A : memref<!tpu.dma_semaphore, #tpu.memory_space<semaphore_mem>>)
      %dma_wait3A_78 = arith.constant 0 : i32
      %dma_wait3A_79 = tpu.memref_slice %arg12[%mul3A_2, %dma_wait3A_78] : memref<10000x128xf32, #tpu.memory_space<vmem_shared>> -> memref<624x128xf32, #tpu.memory_space<vmem_shared>>
      %dma_wait3A_80 = arith.constant 0 : i32
      %dma_wait3A_81 = tpu.memref_slice %arg4[%mul3A_2, %dma_wait3A_80] : memref<10000x128xf32, #tpu.memory_space<hbm>> -> memref<624x128xf32, #tpu.memory_space<hbm>>
      tpu.wait_dma2 semaphore(%run_scoped3A : memref<!tpu.dma_semaphore, #tpu.memory_space<semaphore_mem>>) src(%dma_wait3A_81 : memref<624x128xf32, #tpu.memory_space<hbm>>) dst(%dma_wait3A_79 : memref<624x128xf32, #tpu.memory_space<vmem_shared>>)
      tpu.yield
    }) : () -> ()
    %eq3A = arith.constant 15 : i32
    %eq3A_3 = arith.cmpi eq, %arg1, %eq3A : i32
    %convert_element_type3A = arith.extui %eq3A_3 : i1 to i32
    %cond3A = arith.constant 0 : i32
    %cond3A_4 = arith.cmpi ne, %convert_element_type3A, %cond3A : i32
    scf.if %cond3A_4 {
      "tpu.region"() ({
        %run_scoped3A = tpu.sem_alloc : memref<!tpu.dma_semaphore, #tpu.memory_space<semaphore_mem>>
        %dma_start3A_74 = arith.constant 9984 : i32
        %dma_start3A_75 = arith.constant 0 : i32
        %dma_start3A_76 = tpu.memref_slice %arg12[%dma_start3A_74, %dma_start3A_75] : memref<10000x128xf32, #tpu.memory_space<vmem_shared>> -> memref<16x128xf32, #tpu.memory_space<vmem_shared>>
        %dma_start3A_77 = arith.constant 9984 : i32
        %dma_start3A_78 = arith.constant 0 : i32
        %dma_start3A_79 = tpu.memref_slice %arg4[%dma_start3A_77, %dma_start3A_78] : memref<10000x128xf32, #tpu.memory_space<hbm>> -> memref<16x128xf32, #tpu.memory_space<hbm>>
        tpu.enqueue_dma source(%dma_start3A_79 : memref<16x128xf32, #tpu.memory_space<hbm>>) target(%dma_start3A_76 : memref<16x128xf32, #tpu.memory_space<vmem_shared>>) target_semaphore(%run_scoped3A : memref<!tpu.dma_semaphore, #tpu.memory_space<semaphore_mem>>)
        %dma_wait3A_80 = arith.constant 9984 : i32
        %dma_wait3A_81 = arith.constant 0 : i32
        %dma_wait3A_82 = tpu.memref_slice %arg12[%dma_wait3A_80, %dma_wait3A_81] : memref<10000x128xf32, #tpu.memory_space<vmem_shared>> -> memref<16x128xf32, #tpu.memory_space<vmem_shared>>
        %dma_wait3A_83 = arith.constant 9984 : i32
        %dma_wait3A_84 = arith.constant 0 : i32
        %dma_wait3A_85 = tpu.memref_slice %arg4[%dma_wait3A_83, %dma_wait3A_84] : memref<10000x128xf32, #tpu.memory_space<hbm>> -> memref<16x128xf32, #tpu.memory_space<hbm>>
        tpu.wait_dma2 semaphore(%run_scoped3A : memref<!tpu.dma_semaphore, #tpu.memory_space<semaphore_mem>>) src(%dma_wait3A_85 : memref<16x128xf32, #tpu.memory_space<hbm>>) dst(%dma_wait3A_82 : memref<16x128xf32, #tpu.memory_space<vmem_shared>>)
        tpu.yield
      }) : () -> ()
    } else {
    }
    %barrier3A = arith.constant 0 : index
    tpu.barrier barrier_id(%barrier3A)
    %mul3A_5 = arith.constant 78 : i32
    %mul3A_6 = arith.muli %add3A, %mul3A_5 : i32
    %mul3A_7 = arith.constant 128 : i32
    %mul3A_8 = arith.muli %mul3A_6, %mul3A_7 : i32
    "tpu.region"() ({
      %run_scoped3A = tpu.sem_alloc : memref<!tpu.dma_semaphore, #tpu.memory_space<semaphore_mem>>
      %dma_start3A_74 = tpu.memref_slice %arg3[%mul3A_8] : memref<320000xi32, #tpu.memory_space<hbm>> -> memref<128xi32, #tpu.memory_space<hbm>>
      %dma_start3A_75 = tpu.memref_slice %arg3[%mul3A_8] : memref<320000xi32, #tpu.memory_space<hbm>> -> memref<128xi32, #tpu.memory_space<hbm>>
      tpu.enqueue_dma source(%dma_start3A_75 : memref<128xi32, #tpu.memory_space<hbm>>) target(%arg6 : memref<128xi32, #tpu.memory_space<vmem>>) target_semaphore(%run_scoped3A : memref<!tpu.dma_semaphore, #tpu.memory_space<semaphore_mem>>)
      %dma_wait3A_76 = tpu.memref_slice %arg3[%mul3A_8] : memref<320000xi32, #tpu.memory_space<hbm>> -> memref<128xi32, #tpu.memory_space<hbm>>
      %dma_wait3A_77 = tpu.memref_slice %arg3[%mul3A_8] : memref<320000xi32, #tpu.memory_space<hbm>> -> memref<128xi32, #tpu.memory_space<hbm>>
      tpu.wait_dma2 semaphore(%run_scoped3A : memref<!tpu.dma_semaphore, #tpu.memory_space<semaphore_mem>>) src(%dma_wait3A_77 : memref<128xi32, #tpu.memory_space<hbm>>) dst(%arg6 : memref<128xi32, #tpu.memory_space<vmem>>)
      tpu.yield
    }) : () -> ()
    %dma_start3A = arith.constant 0 : i32
    %dma_start3A_9 = tpu.memref_slice %arg2[%mul3A_8, %dma_start3A] : memref<320000x128xf32, #tpu.memory_space<hbm>> -> memref<128x128xf32, #tpu.memory_space<hbm>>
    %dma_start3A_10 = arith.constant 0 : i32
    %dma_start3A_11 = tpu.memref_slice %arg2[%mul3A_8, %dma_start3A_10] : memref<320000x128xf32, #tpu.memory_space<hbm>> -> memref<128x128xf32, #tpu.memory_space<hbm>>
    tpu.enqueue_dma source(%dma_start3A_11 : memref<128x128xf32, #tpu.memory_space<hbm>>) target(%arg7 : memref<128x128xf32, #tpu.memory_space<vmem>>) target_semaphore(%arg13 : memref<!tpu.dma_semaphore, #tpu.memory_space<semaphore_mem>>)
    %add3A_12 = arith.constant 1 : i32
    %add3A_13 = arith.addi %mul3A_6, %add3A_12 : i32
    %mul3A_14 = arith.constant 128 : i32
    %mul3A_15 = arith.muli %add3A_13, %mul3A_14 : i32
    "tpu.region"() ({
      %run_scoped3A = tpu.sem_alloc : memref<!tpu.dma_semaphore, #tpu.memory_space<semaphore_mem>>
      %dma_start3A_74 = tpu.memref_slice %arg3[%mul3A_15] : memref<320000xi32, #tpu.memory_space<hbm>> -> memref<128xi32, #tpu.memory_space<hbm>>
      %dma_start3A_75 = tpu.memref_slice %arg3[%mul3A_15] : memref<320000xi32, #tpu.memory_space<hbm>> -> memref<128xi32, #tpu.memory_space<hbm>>
      tpu.enqueue_dma source(%dma_start3A_75 : memref<128xi32, #tpu.memory_space<hbm>>) target(%arg8 : memref<128xi32, #tpu.memory_space<vmem>>) target_semaphore(%run_scoped3A : memref<!tpu.dma_semaphore, #tpu.memory_space<semaphore_mem>>)
      %dma_wait3A_76 = tpu.memref_slice %arg3[%mul3A_15] : memref<320000xi32, #tpu.memory_space<hbm>> -> memref<128xi32, #tpu.memory_space<hbm>>
      %dma_wait3A_77 = tpu.memref_slice %arg3[%mul3A_15] : memref<320000xi32, #tpu.memory_space<hbm>> -> memref<128xi32, #tpu.memory_space<hbm>>
      tpu.wait_dma2 semaphore(%run_scoped3A : memref<!tpu.dma_semaphore, #tpu.memory_space<semaphore_mem>>) src(%dma_wait3A_77 : memref<128xi32, #tpu.memory_space<hbm>>) dst(%arg8 : memref<128xi32, #tpu.memory_space<vmem>>)
      tpu.yield
    }) : () -> ()
    %dma_start3A_16 = arith.constant 0 : i32
    %dma_start3A_17 = tpu.memref_slice %arg2[%mul3A_15, %dma_start3A_16] : memref<320000x128xf32, #tpu.memory_space<hbm>> -> memref<128x128xf32, #tpu.memory_space<hbm>>
    %dma_start3A_18 = arith.constant 0 : i32
    %dma_start3A_19 = tpu.memref_slice %arg2[%mul3A_15, %dma_start3A_18] : memref<320000x128xf32, #tpu.memory_space<hbm>> -> memref<128x128xf32, #tpu.memory_space<hbm>>
    tpu.enqueue_dma source(%dma_start3A_19 : memref<128x128xf32, #tpu.memory_space<hbm>>) target(%arg9 : memref<128x128xf32, #tpu.memory_space<vmem>>) target_semaphore(%arg14 : memref<!tpu.dma_semaphore, #tpu.memory_space<semaphore_mem>>)
    %add3A_20 = arith.constant 2 : i32
    %add3A_21 = arith.addi %mul3A_6, %add3A_20 : i32
    %mul3A_22 = arith.constant 128 : i32
    %mul3A_23 = arith.muli %add3A_21, %mul3A_22 : i32
    "tpu.region"() ({
      %run_scoped3A = tpu.sem_alloc : memref<!tpu.dma_semaphore, #tpu.memory_space<semaphore_mem>>
      %dma_start3A_74 = tpu.memref_slice %arg3[%mul3A_23] : memref<320000xi32, #tpu.memory_space<hbm>> -> memref<128xi32, #tpu.memory_space<hbm>>
      %dma_start3A_75 = tpu.memref_slice %arg3[%mul3A_23] : memref<320000xi32, #tpu.memory_space<hbm>> -> memref<128xi32, #tpu.memory_space<hbm>>
      tpu.enqueue_dma source(%dma_start3A_75 : memref<128xi32, #tpu.memory_space<hbm>>) target(%arg10 : memref<128xi32, #tpu.memory_space<vmem>>) target_semaphore(%run_scoped3A : memref<!tpu.dma_semaphore, #tpu.memory_space<semaphore_mem>>)
      %dma_wait3A_76 = tpu.memref_slice %arg3[%mul3A_23] : memref<320000xi32, #tpu.memory_space<hbm>> -> memref<128xi32, #tpu.memory_space<hbm>>
      %dma_wait3A_77 = tpu.memref_slice %arg3[%mul3A_23] : memref<320000xi32, #tpu.memory_space<hbm>> -> memref<128xi32, #tpu.memory_space<hbm>>
      tpu.wait_dma2 semaphore(%run_scoped3A : memref<!tpu.dma_semaphore, #tpu.memory_space<semaphore_mem>>) src(%dma_wait3A_77 : memref<128xi32, #tpu.memory_space<hbm>>) dst(%arg10 : memref<128xi32, #tpu.memory_space<vmem>>)
      tpu.yield
    }) : () -> ()
    %dma_start3A_24 = arith.constant 0 : i32
    %dma_start3A_25 = tpu.memref_slice %arg2[%mul3A_23, %dma_start3A_24] : memref<320000x128xf32, #tpu.memory_space<hbm>> -> memref<128x128xf32, #tpu.memory_space<hbm>>
    %dma_start3A_26 = arith.constant 0 : i32
    %dma_start3A_27 = tpu.memref_slice %arg2[%mul3A_23, %dma_start3A_26] : memref<320000x128xf32, #tpu.memory_space<hbm>> -> memref<128x128xf32, #tpu.memory_space<hbm>>
    tpu.enqueue_dma source(%dma_start3A_27 : memref<128x128xf32, #tpu.memory_space<hbm>>) target(%arg11 : memref<128x128xf32, #tpu.memory_space<vmem>>) target_semaphore(%arg15 : memref<!tpu.dma_semaphore, #tpu.memory_space<semaphore_mem>>)
    %scan3A = arith.constant 0 : i32
    %scan3A_28 = arith.constant 0 : i32
    %scan3A_29 = arith.constant 25 : i32
    %scan3A_30 = arith.addi %scan3A_28, %scan3A_29 : i32
    %scan3A_31 = arith.constant 1 : i32
    %scan3A_32 = scf.for %scan3A_74 = %scan3A_28 to %scan3A_30 step %scan3A_31 iter_args(%scan3A_75 = %scan3A) -> (i32)  : i32 {
      %mul3A_76 = arith.constant 3 : i32
      %mul3A_77 = arith.muli %mul3A_76, %scan3A_74 : i32
      %add3A_78 = arith.addi %mul3A_6, %mul3A_77 : i32
      %mul3A_79 = arith.constant 128 : i32
      %mul3A_80 = arith.muli %add3A_78, %mul3A_79 : i32
      %dma_wait3A_81 = arith.constant 0 : i32
      %dma_wait3A_82 = tpu.memref_slice %arg2[%mul3A_80, %dma_wait3A_81] : memref<320000x128xf32, #tpu.memory_space<hbm>> -> memref<128x128xf32, #tpu.memory_space<hbm>>
      %dma_wait3A_83 = arith.constant 0 : i32
      %dma_wait3A_84 = tpu.memref_slice %arg2[%mul3A_80, %dma_wait3A_83] : memref<320000x128xf32, #tpu.memory_space<hbm>> -> memref<128x128xf32, #tpu.memory_space<hbm>>
      tpu.wait_dma2 semaphore(%arg13 : memref<!tpu.dma_semaphore, #tpu.memory_space<semaphore_mem>>) src(%dma_wait3A_84 : memref<128x128xf32, #tpu.memory_space<hbm>>) dst(%arg7 : memref<128x128xf32, #tpu.memory_space<vmem>>)
      "tpu.region"() ({
        %run_scoped3A = tpu.sem_alloc : memref<!tpu.dma_semaphore, #tpu.memory_space<semaphore_mem>>
        %dma_start3A_126 = arith.constant 0 : i32
        %dma_start3A_127 = arith.constant 0 : i32
        %dma_start3A_128 = tpu.memref_slice %arg12[%dma_start3A_126, %dma_start3A_127] : memref<10000x128xf32, #tpu.memory_space<vmem_shared>> -> memref<10000x128xf32, #tpu.memory_space<vmem_shared>>
        tpu.enqueue_indirect_dma source(%arg7 : memref<128x128xf32, #tpu.memory_space<vmem>>) target(%dma_start3A_128 : memref<10000x128xf32, #tpu.memory_space<vmem_shared>>) offsets(%arg6 : memref<128xi32, #tpu.memory_space<vmem>>) semaphore(%run_scoped3A : memref<!tpu.dma_semaphore, #tpu.memory_space<semaphore_mem>>) {add = true}
        %dma_wait3A_129 = arith.constant 0 : i32
        %dma_wait3A_130 = arith.constant 0 : i32
        %dma_wait3A_131 = tpu.memref_slice %arg12[%dma_wait3A_129, %dma_wait3A_130] : memref<10000x128xf32, #tpu.memory_space<vmem_shared>> -> memref<10000x128xf32, #tpu.memory_space<vmem_shared>>
        tpu.wait_indirect_dma semaphore(%run_scoped3A : memref<!tpu.dma_semaphore, #tpu.memory_space<semaphore_mem>>) src(%arg7 : memref<128x128xf32, #tpu.memory_space<vmem>>) dst(%dma_wait3A_131 : memref<10000x128xf32, #tpu.memory_space<vmem_shared>>)
        tpu.yield
      }) : () -> ()
      %add3A_85 = arith.constant 3 : i32
      %add3A_86 = arith.addi %add3A_78, %add3A_85 : i32
      %mul3A_87 = arith.constant 128 : i32
      %mul3A_88 = arith.muli %add3A_86, %mul3A_87 : i32
      "tpu.region"() ({
        %run_scoped3A = tpu.sem_alloc : memref<!tpu.dma_semaphore, #tpu.memory_space<semaphore_mem>>
        %dma_start3A_126 = tpu.memref_slice %arg3[%mul3A_88] : memref<320000xi32, #tpu.memory_space<hbm>> -> memref<128xi32, #tpu.memory_space<hbm>>
        %dma_start3A_127 = tpu.memref_slice %arg3[%mul3A_88] : memref<320000xi32, #tpu.memory_space<hbm>> -> memref<128xi32, #tpu.memory_space<hbm>>
        tpu.enqueue_dma source(%dma_start3A_127 : memref<128xi32, #tpu.memory_space<hbm>>) target(%arg6 : memref<128xi32, #tpu.memory_space<vmem>>) target_semaphore(%run_scoped3A : memref<!tpu.dma_semaphore, #tpu.memory_space<semaphore_mem>>)
        %dma_wait3A_128 = tpu.memref_slice %arg3[%mul3A_88] : memref<320000xi32, #tpu.memory_space<hbm>> -> memref<128xi32, #tpu.memory_space<hbm>>
        %dma_wait3A_129 = tpu.memref_slice %arg3[%mul3A_88] : memref<320000xi32, #tpu.memory_space<hbm>> -> memref<128xi32, #tpu.memory_space<hbm>>
        tpu.wait_dma2 semaphore(%run_scoped3A : memref<!tpu.dma_semaphore, #tpu.memory_space<semaphore_mem>>) src(%dma_wait3A_129 : memref<128xi32, #tpu.memory_space<hbm>>) dst(%arg6 : memref<128xi32, #tpu.memory_space<vmem>>)
        tpu.yield
      }) : () -> ()
      %dma_start3A_89 = arith.constant 0 : i32
      %dma_start3A_90 = tpu.memref_slice %arg2[%mul3A_88, %dma_start3A_89] : memref<320000x128xf32, #tpu.memory_space<hbm>> -> memref<128x128xf32, #tpu.memory_space<hbm>>
      %dma_start3A_91 = arith.constant 0 : i32
      %dma_start3A_92 = tpu.memref_slice %arg2[%mul3A_88, %dma_start3A_91] : memref<320000x128xf32, #tpu.memory_space<hbm>> -> memref<128x128xf32, #tpu.memory_space<hbm>>
      tpu.enqueue_dma source(%dma_start3A_92 : memref<128x128xf32, #tpu.memory_space<hbm>>) target(%arg7 : memref<128x128xf32, #tpu.memory_space<vmem>>) target_semaphore(%arg13 : memref<!tpu.dma_semaphore, #tpu.memory_space<semaphore_mem>>)
      %add3A_93 = arith.constant 1 : i32
      %add3A_94 = arith.addi %add3A_78, %add3A_93 : i32
      %mul3A_95 = arith.constant 128 : i32
      %mul3A_96 = arith.muli %add3A_94, %mul3A_95 : i32
      %dma_wait3A_97 = arith.constant 0 : i32
      %dma_wait3A_98 = tpu.memref_slice %arg2[%mul3A_96, %dma_wait3A_97] : memref<320000x128xf32, #tpu.memory_space<hbm>> -> memref<128x128xf32, #tpu.memory_space<hbm>>
      %dma_wait3A_99 = arith.constant 0 : i32
      %dma_wait3A_100 = tpu.memref_slice %arg2[%mul3A_96, %dma_wait3A_99] : memref<320000x128xf32, #tpu.memory_space<hbm>> -> memref<128x128xf32, #tpu.memory_space<hbm>>
      tpu.wait_dma2 semaphore(%arg14 : memref<!tpu.dma_semaphore, #tpu.memory_space<semaphore_mem>>) src(%dma_wait3A_100 : memref<128x128xf32, #tpu.memory_space<hbm>>) dst(%arg9 : memref<128x128xf32, #tpu.memory_space<vmem>>)
      "tpu.region"() ({
        %run_scoped3A = tpu.sem_alloc : memref<!tpu.dma_semaphore, #tpu.memory_space<semaphore_mem>>
        %dma_start3A_126 = arith.constant 0 : i32
        %dma_start3A_127 = arith.constant 0 : i32
        %dma_start3A_128 = tpu.memref_slice %arg12[%dma_start3A_126, %dma_start3A_127] : memref<10000x128xf32, #tpu.memory_space<vmem_shared>> -> memref<10000x128xf32, #tpu.memory_space<vmem_shared>>
        tpu.enqueue_indirect_dma source(%arg9 : memref<128x128xf32, #tpu.memory_space<vmem>>) target(%dma_start3A_128 : memref<10000x128xf32, #tpu.memory_space<vmem_shared>>) offsets(%arg8 : memref<128xi32, #tpu.memory_space<vmem>>) semaphore(%run_scoped3A : memref<!tpu.dma_semaphore, #tpu.memory_space<semaphore_mem>>) {add = true}
        %dma_wait3A_129 = arith.constant 0 : i32
        %dma_wait3A_130 = arith.constant 0 : i32
        %dma_wait3A_131 = tpu.memref_slice %arg12[%dma_wait3A_129, %dma_wait3A_130] : memref<10000x128xf32, #tpu.memory_space<vmem_shared>> -> memref<10000x128xf32, #tpu.memory_space<vmem_shared>>
        tpu.wait_indirect_dma semaphore(%run_scoped3A : memref<!tpu.dma_semaphore, #tpu.memory_space<semaphore_mem>>) src(%arg9 : memref<128x128xf32, #tpu.memory_space<vmem>>) dst(%dma_wait3A_131 : memref<10000x128xf32, #tpu.memory_space<vmem_shared>>)
        tpu.yield
      }) : () -> ()
      %add3A_101 = arith.constant 4 : i32
      %add3A_102 = arith.addi %add3A_78, %add3A_101 : i32
      %mul3A_103 = arith.constant 128 : i32
      %mul3A_104 = arith.muli %add3A_102, %mul3A_103 : i32
      "tpu.region"() ({
        %run_scoped3A = tpu.sem_alloc : memref<!tpu.dma_semaphore, #tpu.memory_space<semaphore_mem>>
        %dma_start3A_126 = tpu.memref_slice %arg3[%mul3A_104] : memref<320000xi32, #tpu.memory_space<hbm>> -> memref<128xi32, #tpu.memory_space<hbm>>
        %dma_start3A_127 = tpu.memref_slice %arg3[%mul3A_104] : memref<320000xi32, #tpu.memory_space<hbm>> -> memref<128xi32, #tpu.memory_space<hbm>>
        tpu.enqueue_dma source(%dma_start3A_127 : memref<128xi32, #tpu.memory_space<hbm>>) target(%arg8 : memref<128xi32, #tpu.memory_space<vmem>>) target_semaphore(%run_scoped3A : memref<!tpu.dma_semaphore, #tpu.memory_space<semaphore_mem>>)
        %dma_wait3A_128 = tpu.memref_slice %arg3[%mul3A_104] : memref<320000xi32, #tpu.memory_space<hbm>> -> memref<128xi32, #tpu.memory_space<hbm>>
        %dma_wait3A_129 = tpu.memref_slice %arg3[%mul3A_104] : memref<320000xi32, #tpu.memory_space<hbm>> -> memref<128xi32, #tpu.memory_space<hbm>>
        tpu.wait_dma2 semaphore(%run_scoped3A : memref<!tpu.dma_semaphore, #tpu.memory_space<semaphore_mem>>) src(%dma_wait3A_129 : memref<128xi32, #tpu.memory_space<hbm>>) dst(%arg8 : memref<128xi32, #tpu.memory_space<vmem>>)
        tpu.yield
      }) : () -> ()
      %dma_start3A_105 = arith.constant 0 : i32
      %dma_start3A_106 = tpu.memref_slice %arg2[%mul3A_104, %dma_start3A_105] : memref<320000x128xf32, #tpu.memory_space<hbm>> -> memref<128x128xf32, #tpu.memory_space<hbm>>
      %dma_start3A_107 = arith.constant 0 : i32
      %dma_start3A_108 = tpu.memref_slice %arg2[%mul3A_104, %dma_start3A_107] : memref<320000x128xf32, #tpu.memory_space<hbm>> -> memref<128x128xf32, #tpu.memory_space<hbm>>
      tpu.enqueue_dma source(%dma_start3A_108 : memref<128x128xf32, #tpu.memory_space<hbm>>) target(%arg9 : memref<128x128xf32, #tpu.memory_space<vmem>>) target_semaphore(%arg14 : memref<!tpu.dma_semaphore, #tpu.memory_space<semaphore_mem>>)
      %add3A_109 = arith.constant 2 : i32
      %add3A_110 = arith.addi %add3A_78, %add3A_109 : i32
      %mul3A_111 = arith.constant 128 : i32
      %mul3A_112 = arith.muli %add3A_110, %mul3A_111 : i32
      %dma_wait3A_113 = arith.constant 0 : i32
      %dma_wait3A_114 = tpu.memref_slice %arg2[%mul3A_112, %dma_wait3A_113] : memref<320000x128xf32, #tpu.memory_space<hbm>> -> memref<128x128xf32, #tpu.memory_space<hbm>>
      %dma_wait3A_115 = arith.constant 0 : i32
      %dma_wait3A_116 = tpu.memref_slice %arg2[%mul3A_112, %dma_wait3A_115] : memref<320000x128xf32, #tpu.memory_space<hbm>> -> memref<128x128xf32, #tpu.memory_space<hbm>>
      tpu.wait_dma2 semaphore(%arg15 : memref<!tpu.dma_semaphore, #tpu.memory_space<semaphore_mem>>) src(%dma_wait3A_116 : memref<128x128xf32, #tpu.memory_space<hbm>>) dst(%arg11 : memref<128x128xf32, #tpu.memory_space<vmem>>)
      "tpu.region"() ({
        %run_scoped3A = tpu.sem_alloc : memref<!tpu.dma_semaphore, #tpu.memory_space<semaphore_mem>>
        %dma_start3A_126 = arith.constant 0 : i32
        %dma_start3A_127 = arith.constant 0 : i32
        %dma_start3A_128 = tpu.memref_slice %arg12[%dma_start3A_126, %dma_start3A_127] : memref<10000x128xf32, #tpu.memory_space<vmem_shared>> -> memref<10000x128xf32, #tpu.memory_space<vmem_shared>>
        tpu.enqueue_indirect_dma source(%arg11 : memref<128x128xf32, #tpu.memory_space<vmem>>) target(%dma_start3A_128 : memref<10000x128xf32, #tpu.memory_space<vmem_shared>>) offsets(%arg10 : memref<128xi32, #tpu.memory_space<vmem>>) semaphore(%run_scoped3A : memref<!tpu.dma_semaphore, #tpu.memory_space<semaphore_mem>>) {add = true}
        %dma_wait3A_129 = arith.constant 0 : i32
        %dma_wait3A_130 = arith.constant 0 : i32
        %dma_wait3A_131 = tpu.memref_slice %arg12[%dma_wait3A_129, %dma_wait3A_130] : memref<10000x128xf32, #tpu.memory_space<vmem_shared>> -> memref<10000x128xf32, #tpu.memory_space<vmem_shared>>
        tpu.wait_indirect_dma semaphore(%run_scoped3A : memref<!tpu.dma_semaphore, #tpu.memory_space<semaphore_mem>>) src(%arg11 : memref<128x128xf32, #tpu.memory_space<vmem>>) dst(%dma_wait3A_131 : memref<10000x128xf32, #tpu.memory_space<vmem_shared>>)
        tpu.yield
      }) : () -> ()
      %add3A_117 = arith.constant 5 : i32
      %add3A_118 = arith.addi %add3A_78, %add3A_117 : i32
      %mul3A_119 = arith.constant 128 : i32
      %mul3A_120 = arith.muli %add3A_118, %mul3A_119 : i32
      "tpu.region"() ({
        %run_scoped3A = tpu.sem_alloc : memref<!tpu.dma_semaphore, #tpu.memory_space<semaphore_mem>>
        %dma_start3A_126 = tpu.memref_slice %arg3[%mul3A_120] : memref<320000xi32, #tpu.memory_space<hbm>> -> memref<128xi32, #tpu.memory_space<hbm>>
        %dma_start3A_127 = tpu.memref_slice %arg3[%mul3A_120] : memref<320000xi32, #tpu.memory_space<hbm>> -> memref<128xi32, #tpu.memory_space<hbm>>
        tpu.enqueue_dma source(%dma_start3A_127 : memref<128xi32, #tpu.memory_space<hbm>>) target(%arg10 : memref<128xi32, #tpu.memory_space<vmem>>) target_semaphore(%run_scoped3A : memref<!tpu.dma_semaphore, #tpu.memory_space<semaphore_mem>>)
        %dma_wait3A_128 = tpu.memref_slice %arg3[%mul3A_120] : memref<320000xi32, #tpu.memory_space<hbm>> -> memref<128xi32, #tpu.memory_space<hbm>>
        %dma_wait3A_129 = tpu.memref_slice %arg3[%mul3A_120] : memref<320000xi32, #tpu.memory_space<hbm>> -> memref<128xi32, #tpu.memory_space<hbm>>
        tpu.wait_dma2 semaphore(%run_scoped3A : memref<!tpu.dma_semaphore, #tpu.memory_space<semaphore_mem>>) src(%dma_wait3A_129 : memref<128xi32, #tpu.memory_space<hbm>>) dst(%arg10 : memref<128xi32, #tpu.memory_space<vmem>>)
        tpu.yield
      }) : () -> ()
      %dma_start3A_121 = arith.constant 0 : i32
      %dma_start3A_122 = tpu.memref_slice %arg2[%mul3A_120, %dma_start3A_121] : memref<320000x128xf32, #tpu.memory_space<hbm>> -> memref<128x128xf32, #tpu.memory_space<hbm>>
      %dma_start3A_123 = arith.constant 0 : i32
      %dma_start3A_124 = tpu.memref_slice %arg2[%mul3A_120, %dma_start3A_123] : memref<320000x128xf32, #tpu.memory_space<hbm>> -> memref<128x128xf32, #tpu.memory_space<hbm>>
      tpu.enqueue_dma source(%dma_start3A_124 : memref<128x128xf32, #tpu.memory_space<hbm>>) target(%arg11 : memref<128x128xf32, #tpu.memory_space<vmem>>) target_semaphore(%arg15 : memref<!tpu.dma_semaphore, #tpu.memory_space<semaphore_mem>>)
      %scan3A_125 = arith.constant 0 : i32
      scf.yield %scan3A_125 : i32
    }
    %scan3A_33 = arith.constant 25 : i32
    %add3A_34 = arith.constant 78 : i32
    %add3A_35 = arith.addi %mul3A_6, %add3A_34 : i32
    %sub3A = arith.constant 3 : i32
    %sub3A_36 = arith.subi %add3A_35, %sub3A : i32
    %mul3A_37 = arith.constant 128 : i32
    %mul3A_38 = arith.muli %sub3A_36, %mul3A_37 : i32
    %dma_wait3A = arith.constant 0 : i32
    %dma_wait3A_39 = tpu.memref_slice %arg2[%mul3A_38, %dma_wait3A] : memref<320000x128xf32, #tpu.memory_space<hbm>> -> memref<128x128xf32, #tpu.memory_space<hbm>>
    %dma_wait3A_40 = arith.constant 0 : i32
    %dma_wait3A_41 = tpu.memref_slice %arg2[%mul3A_38, %dma_wait3A_40] : memref<320000x128xf32, #tpu.memory_space<hbm>> -> memref<128x128xf32, #tpu.memory_space<hbm>>
    tpu.wait_dma2 semaphore(%arg13 : memref<!tpu.dma_semaphore, #tpu.memory_space<semaphore_mem>>) src(%dma_wait3A_41 : memref<128x128xf32, #tpu.memory_space<hbm>>) dst(%arg7 : memref<128x128xf32, #tpu.memory_space<vmem>>)
    "tpu.region"() ({
      %run_scoped3A = tpu.sem_alloc : memref<!tpu.dma_semaphore, #tpu.memory_space<semaphore_mem>>
      %dma_start3A_74 = arith.constant 0 : i32
      %dma_start3A_75 = arith.constant 0 : i32
      %dma_start3A_76 = tpu.memref_slice %arg12[%dma_start3A_74, %dma_start3A_75] : memref<10000x128xf32, #tpu.memory_space<vmem_shared>> -> memref<10000x128xf32, #tpu.memory_space<vmem_shared>>
      tpu.enqueue_indirect_dma source(%arg7 : memref<128x128xf32, #tpu.memory_space<vmem>>) target(%dma_start3A_76 : memref<10000x128xf32, #tpu.memory_space<vmem_shared>>) offsets(%arg6 : memref<128xi32, #tpu.memory_space<vmem>>) semaphore(%run_scoped3A : memref<!tpu.dma_semaphore, #tpu.memory_space<semaphore_mem>>) {add = true}
      %dma_wait3A_77 = arith.constant 0 : i32
      %dma_wait3A_78 = arith.constant 0 : i32
      %dma_wait3A_79 = tpu.memref_slice %arg12[%dma_wait3A_77, %dma_wait3A_78] : memref<10000x128xf32, #tpu.memory_space<vmem_shared>> -> memref<10000x128xf32, #tpu.memory_space<vmem_shared>>
      tpu.wait_indirect_dma semaphore(%run_scoped3A : memref<!tpu.dma_semaphore, #tpu.memory_space<semaphore_mem>>) src(%arg7 : memref<128x128xf32, #tpu.memory_space<vmem>>) dst(%dma_wait3A_79 : memref<10000x128xf32, #tpu.memory_space<vmem_shared>>)
      tpu.yield
    }) : () -> ()
    %add3A_42 = arith.constant 78 : i32
    %add3A_43 = arith.addi %mul3A_6, %add3A_42 : i32
    %sub3A_44 = arith.constant 2 : i32
    %sub3A_45 = arith.subi %add3A_43, %sub3A_44 : i32
    %mul3A_46 = arith.constant 128 : i32
    %mul3A_47 = arith.muli %sub3A_45, %mul3A_46 : i32
    %dma_wait3A_48 = arith.constant 0 : i32
    %dma_wait3A_49 = tpu.memref_slice %arg2[%mul3A_47, %dma_wait3A_48] : memref<320000x128xf32, #tpu.memory_space<hbm>> -> memref<128x128xf32, #tpu.memory_space<hbm>>
    %dma_wait3A_50 = arith.constant 0 : i32
    %dma_wait3A_51 = tpu.memref_slice %arg2[%mul3A_47, %dma_wait3A_50] : memref<320000x128xf32, #tpu.memory_space<hbm>> -> memref<128x128xf32, #tpu.memory_space<hbm>>
    tpu.wait_dma2 semaphore(%arg14 : memref<!tpu.dma_semaphore, #tpu.memory_space<semaphore_mem>>) src(%dma_wait3A_51 : memref<128x128xf32, #tpu.memory_space<hbm>>) dst(%arg9 : memref<128x128xf32, #tpu.memory_space<vmem>>)
    "tpu.region"() ({
      %run_scoped3A = tpu.sem_alloc : memref<!tpu.dma_semaphore, #tpu.memory_space<semaphore_mem>>
      %dma_start3A_74 = arith.constant 0 : i32
      %dma_start3A_75 = arith.constant 0 : i32
      %dma_start3A_76 = tpu.memref_slice %arg12[%dma_start3A_74, %dma_start3A_75] : memref<10000x128xf32, #tpu.memory_space<vmem_shared>> -> memref<10000x128xf32, #tpu.memory_space<vmem_shared>>
      tpu.enqueue_indirect_dma source(%arg9 : memref<128x128xf32, #tpu.memory_space<vmem>>) target(%dma_start3A_76 : memref<10000x128xf32, #tpu.memory_space<vmem_shared>>) offsets(%arg8 : memref<128xi32, #tpu.memory_space<vmem>>) semaphore(%run_scoped3A : memref<!tpu.dma_semaphore, #tpu.memory_space<semaphore_mem>>) {add = true}
      %dma_wait3A_77 = arith.constant 0 : i32
      %dma_wait3A_78 = arith.constant 0 : i32
      %dma_wait3A_79 = tpu.memref_slice %arg12[%dma_wait3A_77, %dma_wait3A_78] : memref<10000x128xf32, #tpu.memory_space<vmem_shared>> -> memref<10000x128xf32, #tpu.memory_space<vmem_shared>>
      tpu.wait_indirect_dma semaphore(%run_scoped3A : memref<!tpu.dma_semaphore, #tpu.memory_space<semaphore_mem>>) src(%arg9 : memref<128x128xf32, #tpu.memory_space<vmem>>) dst(%dma_wait3A_79 : memref<10000x128xf32, #tpu.memory_space<vmem_shared>>)
      tpu.yield
    }) : () -> ()
    %add3A_52 = arith.constant 78 : i32
    %add3A_53 = arith.addi %mul3A_6, %add3A_52 : i32
    %sub3A_54 = arith.constant 1 : i32
    %sub3A_55 = arith.subi %add3A_53, %sub3A_54 : i32
    %mul3A_56 = arith.constant 128 : i32
    %mul3A_57 = arith.muli %sub3A_55, %mul3A_56 : i32
    %dma_wait3A_58 = arith.constant 0 : i32
    %dma_wait3A_59 = tpu.memref_slice %arg2[%mul3A_57, %dma_wait3A_58] : memref<320000x128xf32, #tpu.memory_space<hbm>> -> memref<128x128xf32, #tpu.memory_space<hbm>>
    %dma_wait3A_60 = arith.constant 0 : i32
    %dma_wait3A_61 = tpu.memref_slice %arg2[%mul3A_57, %dma_wait3A_60] : memref<320000x128xf32, #tpu.memory_space<hbm>> -> memref<128x128xf32, #tpu.memory_space<hbm>>
    tpu.wait_dma2 semaphore(%arg15 : memref<!tpu.dma_semaphore, #tpu.memory_space<semaphore_mem>>) src(%dma_wait3A_61 : memref<128x128xf32, #tpu.memory_space<hbm>>) dst(%arg11 : memref<128x128xf32, #tpu.memory_space<vmem>>)
    "tpu.region"() ({
      %run_scoped3A = tpu.sem_alloc : memref<!tpu.dma_semaphore, #tpu.memory_space<semaphore_mem>>
      %dma_start3A_74 = arith.constant 0 : i32
      %dma_start3A_75 = arith.constant 0 : i32
      %dma_start3A_76 = tpu.memref_slice %arg12[%dma_start3A_74, %dma_start3A_75] : memref<10000x128xf32, #tpu.memory_space<vmem_shared>> -> memref<10000x128xf32, #tpu.memory_space<vmem_shared>>
      tpu.enqueue_indirect_dma source(%arg11 : memref<128x128xf32, #tpu.memory_space<vmem>>) target(%dma_start3A_76 : memref<10000x128xf32, #tpu.memory_space<vmem_shared>>) offsets(%arg10 : memref<128xi32, #tpu.memory_space<vmem>>) semaphore(%run_scoped3A : memref<!tpu.dma_semaphore, #tpu.memory_space<semaphore_mem>>) {add = true}
      %dma_wait3A_77 = arith.constant 0 : i32
      %dma_wait3A_78 = arith.constant 0 : i32
      %dma_wait3A_79 = tpu.memref_slice %arg12[%dma_wait3A_77, %dma_wait3A_78] : memref<10000x128xf32, #tpu.memory_space<vmem_shared>> -> memref<10000x128xf32, #tpu.memory_space<vmem_shared>>
      tpu.wait_indirect_dma semaphore(%run_scoped3A : memref<!tpu.dma_semaphore, #tpu.memory_space<semaphore_mem>>) src(%arg11 : memref<128x128xf32, #tpu.memory_space<vmem>>) dst(%dma_wait3A_79 : memref<10000x128xf32, #tpu.memory_space<vmem_shared>>)
      tpu.yield
    }) : () -> ()
    %lt3A = arith.constant 4 : i32
    %lt3A_62 = arith.cmpi slt, %add3A, %lt3A : i32
    %convert_element_type3A_63 = arith.extui %lt3A_62 : i1 to i32
    %cond3A_64 = arith.constant 0 : i32
    %cond3A_65 = arith.cmpi ne, %convert_element_type3A_63, %cond3A_64 : i32
    scf.if %cond3A_65 {
      %add3A_74 = arith.constant 2496 : i32
      %add3A_75 = arith.addi %add3A_74, %add3A : i32
      %mul3A_76 = arith.constant 128 : i32
      %mul3A_77 = arith.muli %add3A_75, %mul3A_76 : i32
      "tpu.region"() ({
        %run_scoped3A = tpu.sem_alloc : memref<!tpu.dma_semaphore, #tpu.memory_space<semaphore_mem>>
        %dma_start3A_90 = tpu.memref_slice %arg3[%mul3A_77] : memref<320000xi32, #tpu.memory_space<hbm>> -> memref<128xi32, #tpu.memory_space<hbm>>
        %dma_start3A_91 = tpu.memref_slice %arg3[%mul3A_77] : memref<320000xi32, #tpu.memory_space<hbm>> -> memref<128xi32, #tpu.memory_space<hbm>>
        tpu.enqueue_dma source(%dma_start3A_91 : memref<128xi32, #tpu.memory_space<hbm>>) target(%arg6 : memref<128xi32, #tpu.memory_space<vmem>>) target_semaphore(%run_scoped3A : memref<!tpu.dma_semaphore, #tpu.memory_space<semaphore_mem>>)
        %dma_wait3A_92 = tpu.memref_slice %arg3[%mul3A_77] : memref<320000xi32, #tpu.memory_space<hbm>> -> memref<128xi32, #tpu.memory_space<hbm>>
        %dma_wait3A_93 = tpu.memref_slice %arg3[%mul3A_77] : memref<320000xi32, #tpu.memory_space<hbm>> -> memref<128xi32, #tpu.memory_space<hbm>>
        tpu.wait_dma2 semaphore(%run_scoped3A : memref<!tpu.dma_semaphore, #tpu.memory_space<semaphore_mem>>) src(%dma_wait3A_93 : memref<128xi32, #tpu.memory_space<hbm>>) dst(%arg6 : memref<128xi32, #tpu.memory_space<vmem>>)
        tpu.yield
      }) : () -> ()
      %dma_start3A_78 = arith.constant 0 : i32
      %dma_start3A_79 = tpu.memref_slice %arg2[%mul3A_77, %dma_start3A_78] : memref<320000x128xf32, #tpu.memory_space<hbm>> -> memref<128x128xf32, #tpu.memory_space<hbm>>
      %dma_start3A_80 = arith.constant 0 : i32
      %dma_start3A_81 = tpu.memref_slice %arg2[%mul3A_77, %dma_start3A_80] : memref<320000x128xf32, #tpu.memory_space<hbm>> -> memref<128x128xf32, #tpu.memory_space<hbm>>
      tpu.enqueue_dma source(%dma_start3A_81 : memref<128x128xf32, #tpu.memory_space<hbm>>) target(%arg7 : memref<128x128xf32, #tpu.memory_space<vmem>>) target_semaphore(%arg13 : memref<!tpu.dma_semaphore, #tpu.memory_space<semaphore_mem>>)
      %add3A_82 = arith.constant 2496 : i32
      %add3A_83 = arith.addi %add3A_82, %add3A : i32
      %mul3A_84 = arith.constant 128 : i32
      %mul3A_85 = arith.muli %add3A_83, %mul3A_84 : i32
      %dma_wait3A_86 = arith.constant 0 : i32
      %dma_wait3A_87 = tpu.memref_slice %arg2[%mul3A_85, %dma_wait3A_86] : memref<320000x128xf32, #tpu.memory_space<hbm>> -> memref<128x128xf32, #tpu.memory_space<hbm>>
      %dma_wait3A_88 = arith.constant 0 : i32
      %dma_wait3A_89 = tpu.memref_slice %arg2[%mul3A_85, %dma_wait3A_88] : memref<320000x128xf32, #tpu.memory_space<hbm>> -> memref<128x128xf32, #tpu.memory_space<hbm>>
      tpu.wait_dma2 semaphore(%arg13 : memref<!tpu.dma_semaphore, #tpu.memory_space<semaphore_mem>>) src(%dma_wait3A_89 : memref<128x128xf32, #tpu.memory_space<hbm>>) dst(%arg7 : memref<128x128xf32, #tpu.memory_space<vmem>>)
      "tpu.region"() ({
        %run_scoped3A = tpu.sem_alloc : memref<!tpu.dma_semaphore, #tpu.memory_space<semaphore_mem>>
        %dma_start3A_90 = arith.constant 0 : i32
        %dma_start3A_91 = arith.constant 0 : i32
        %dma_start3A_92 = tpu.memref_slice %arg12[%dma_start3A_90, %dma_start3A_91] : memref<10000x128xf32, #tpu.memory_space<vmem_shared>> -> memref<10000x128xf32, #tpu.memory_space<vmem_shared>>
        tpu.enqueue_indirect_dma source(%arg7 : memref<128x128xf32, #tpu.memory_space<vmem>>) target(%dma_start3A_92 : memref<10000x128xf32, #tpu.memory_space<vmem_shared>>) offsets(%arg6 : memref<128xi32, #tpu.memory_space<vmem>>) semaphore(%run_scoped3A : memref<!tpu.dma_semaphore, #tpu.memory_space<semaphore_mem>>) {add = true}
        %dma_wait3A_93 = arith.constant 0 : i32
        %dma_wait3A_94 = arith.constant 0 : i32
        %dma_wait3A_95 = tpu.memref_slice %arg12[%dma_wait3A_93, %dma_wait3A_94] : memref<10000x128xf32, #tpu.memory_space<vmem_shared>> -> memref<10000x128xf32, #tpu.memory_space<vmem_shared>>
        tpu.wait_indirect_dma semaphore(%run_scoped3A : memref<!tpu.dma_semaphore, #tpu.memory_space<semaphore_mem>>) src(%arg7 : memref<128x128xf32, #tpu.memory_space<vmem>>) dst(%dma_wait3A_95 : memref<10000x128xf32, #tpu.memory_space<vmem_shared>>)
        tpu.yield
      }) : () -> ()
    } else {
    }
    %barrier3A_66 = arith.constant 0 : index
    tpu.barrier barrier_id(%barrier3A_66)
    %mul3A_67 = arith.constant 624 : i32
    %mul3A_68 = arith.muli %arg1, %mul3A_67 : i32
    "tpu.region"() ({
      %run_scoped3A = tpu.sem_alloc : memref<!tpu.dma_semaphore, #tpu.memory_space<semaphore_mem>>
      %dma_start3A_74 = arith.constant 0 : i32
      %dma_start3A_75 = arith.constant 0 : i32
      %dma_start3A_76 = tpu.memref_slice %arg5[%arg0, %dma_start3A_74, %dma_start3A_75] : memref<2x10000x128xf32, #tpu.memory_space<hbm>> -> memref<1x10000x128xf32, #tpu.memory_space<hbm>>
      %dma_start3A_77 = tpu.memref_squeeze %dma_start3A_76 : memref<1x10000x128xf32, #tpu.memory_space<hbm>> -> memref<10000x128xf32, #tpu.memory_space<hbm>>
      %dma_start3A_78 = arith.constant 0 : i32
      %dma_start3A_79 = tpu.memref_slice %dma_start3A_77[%mul3A_68, %dma_start3A_78] : memref<10000x128xf32, #tpu.memory_space<hbm>> -> memref<624x128xf32, #tpu.memory_space<hbm>>
      %dma_start3A_80 = arith.constant 0 : i32
      %dma_start3A_81 = tpu.memref_slice %arg12[%mul3A_68, %dma_start3A_80] : memref<10000x128xf32, #tpu.memory_space<vmem_shared>> -> memref<624x128xf32, #tpu.memory_space<vmem_shared>>
      tpu.enqueue_dma source(%dma_start3A_81 : memref<624x128xf32, #tpu.memory_space<vmem_shared>>) target(%dma_start3A_79 : memref<624x128xf32, #tpu.memory_space<hbm>>) target_semaphore(%run_scoped3A : memref<!tpu.dma_semaphore, #tpu.memory_space<semaphore_mem>>)
      %dma_wait3A_82 = arith.constant 0 : i32
      %dma_wait3A_83 = arith.constant 0 : i32
      %dma_wait3A_84 = tpu.memref_slice %arg5[%arg0, %dma_wait3A_82, %dma_wait3A_83] : memref<2x10000x128xf32, #tpu.memory_space<hbm>> -> memref<1x10000x128xf32, #tpu.memory_space<hbm>>
      %dma_wait3A_85 = tpu.memref_squeeze %dma_wait3A_84 : memref<1x10000x128xf32, #tpu.memory_space<hbm>> -> memref<10000x128xf32, #tpu.memory_space<hbm>>
      %dma_wait3A_86 = arith.constant 0 : i32
      %dma_wait3A_87 = tpu.memref_slice %dma_wait3A_85[%mul3A_68, %dma_wait3A_86] : memref<10000x128xf32, #tpu.memory_space<hbm>> -> memref<624x128xf32, #tpu.memory_space<hbm>>
      %dma_wait3A_88 = arith.constant 0 : i32
      %dma_wait3A_89 = tpu.memref_slice %arg12[%mul3A_68, %dma_wait3A_88] : memref<10000x128xf32, #tpu.memory_space<vmem_shared>> -> memref<624x128xf32, #tpu.memory_space<vmem_shared>>
      tpu.wait_dma2 semaphore(%run_scoped3A : memref<!tpu.dma_semaphore, #tpu.memory_space<semaphore_mem>>) src(%dma_wait3A_89 : memref<624x128xf32, #tpu.memory_space<vmem_shared>>) dst(%dma_wait3A_87 : memref<624x128xf32, #tpu.memory_space<hbm>>)
      tpu.yield
    }) : () -> ()
    %eq3A_69 = arith.constant 15 : i32
    %eq3A_70 = arith.cmpi eq, %arg1, %eq3A_69 : i32
    %convert_element_type3A_71 = arith.extui %eq3A_70 : i1 to i32
    %cond3A_72 = arith.constant 0 : i32
    %cond3A_73 = arith.cmpi ne, %convert_element_type3A_71, %cond3A_72 : i32
    scf.if %cond3A_73 {
      "tpu.region"() ({
        %run_scoped3A = tpu.sem_alloc : memref<!tpu.dma_semaphore, #tpu.memory_space<semaphore_mem>>
        %dma_start3A_74 = arith.constant 0 : i32
        %dma_start3A_75 = arith.constant 0 : i32
        %dma_start3A_76 = tpu.memref_slice %arg5[%arg0, %dma_start3A_74, %dma_start3A_75] : memref<2x10000x128xf32, #tpu.memory_space<hbm>> -> memref<1x10000x128xf32, #tpu.memory_space<hbm>>
        %dma_start3A_77 = tpu.memref_squeeze %dma_start3A_76 : memref<1x10000x128xf32, #tpu.memory_space<hbm>> -> memref<10000x128xf32, #tpu.memory_space<hbm>>
        %dma_start3A_78 = arith.constant 9984 : i32
        %dma_start3A_79 = arith.constant 0 : i32
        %dma_start3A_80 = tpu.memref_slice %dma_start3A_77[%dma_start3A_78, %dma_start3A_79] : memref<10000x128xf32, #tpu.memory_space<hbm>> -> memref<16x128xf32, #tpu.memory_space<hbm>>
        %dma_start3A_81 = arith.constant 9984 : i32
        %dma_start3A_82 = arith.constant 0 : i32
        %dma_start3A_83 = tpu.memref_slice %arg12[%dma_start3A_81, %dma_start3A_82] : memref<10000x128xf32, #tpu.memory_space<vmem_shared>> -> memref<16x128xf32, #tpu.memory_space<vmem_shared>>
        tpu.enqueue_dma source(%dma_start3A_83 : memref<16x128xf32, #tpu.memory_space<vmem_shared>>) target(%dma_start3A_80 : memref<16x128xf32, #tpu.memory_space<hbm>>) target_semaphore(%run_scoped3A : memref<!tpu.dma_semaphore, #tpu.memory_space<semaphore_mem>>)
        %dma_wait3A_84 = arith.constant 0 : i32
        %dma_wait3A_85 = arith.constant 0 : i32
        %dma_wait3A_86 = tpu.memref_slice %arg5[%arg0, %dma_wait3A_84, %dma_wait3A_85] : memref<2x10000x128xf32, #tpu.memory_space<hbm>> -> memref<1x10000x128xf32, #tpu.memory_space<hbm>>
        %dma_wait3A_87 = tpu.memref_squeeze %dma_wait3A_86 : memref<1x10000x128xf32, #tpu.memory_space<hbm>> -> memref<10000x128xf32, #tpu.memory_space<hbm>>
        %dma_wait3A_88 = arith.constant 9984 : i32
        %dma_wait3A_89 = arith.constant 0 : i32
        %dma_wait3A_90 = tpu.memref_slice %dma_wait3A_87[%dma_wait3A_88, %dma_wait3A_89] : memref<10000x128xf32, #tpu.memory_space<hbm>> -> memref<16x128xf32, #tpu.memory_space<hbm>>
        %dma_wait3A_91 = arith.constant 9984 : i32
        %dma_wait3A_92 = arith.constant 0 : i32
        %dma_wait3A_93 = tpu.memref_slice %arg12[%dma_wait3A_91, %dma_wait3A_92] : memref<10000x128xf32, #tpu.memory_space<vmem_shared>> -> memref<16x128xf32, #tpu.memory_space<vmem_shared>>
        tpu.wait_dma2 semaphore(%run_scoped3A : memref<!tpu.dma_semaphore, #tpu.memory_space<semaphore_mem>>) src(%dma_wait3A_93 : memref<16x128xf32, #tpu.memory_space<vmem_shared>>) dst(%dma_wait3A_90 : memref<16x128xf32, #tpu.memory_space<hbm>>)
        tpu.yield
      }) : () -> ()
    } else {
    }
    return
  }
}

#map = affine_map<(d0, d1) -> (0, 0)>
#map1 = affine_map<(d0, d1) -> (0)>
#map2 = affine_map<(d0, d1) -> (0, 0, 0)>
module attributes {stable_mosaic.version = 14 : i64} {
  func.func @_spmv_body(%arg0: i32, %arg1: i32, %arg2: memref<10000x128xf32, #tpu.memory_space<hbm>>, %arg3: memref<320000xi32, #tpu.memory_space<hbm>>, %arg4: memref<320000xi32, #tpu.memory_space<hbm>>, %arg5: memref<10000x128xf32, #tpu.memory_space<hbm>>, %arg6: memref<2x10000x128xf32, #tpu.memory_space<hbm>>, %arg7: memref<128xi32, #tpu.memory_space<vmem>>, %arg8: memref<128xi32, #tpu.memory_space<vmem>>, %arg9: memref<128x128xf32, #tpu.memory_space<vmem>>, %arg10: memref<128xi32, #tpu.memory_space<vmem>>, %arg11: memref<128xi32, #tpu.memory_space<vmem>>, %arg12: memref<128x128xf32, #tpu.memory_space<vmem>>, %arg13: memref<128xi32, #tpu.memory_space<vmem>>, %arg14: memref<128xi32, #tpu.memory_space<vmem>>, %arg15: memref<128x128xf32, #tpu.memory_space<vmem>>, %arg16: memref<10000x128xf32, #tpu.memory_space<vmem_shared>>, %arg17: memref<!tpu.dma_semaphore, #tpu.memory_space<semaphore_mem>>, %arg18: memref<!tpu.dma_semaphore, #tpu.memory_space<semaphore_mem>>, %arg19: memref<!tpu.dma_semaphore, #tpu.memory_space<semaphore_mem>>) attributes {dimension_semantics = [#tpu.dimension_semantics<core_parallel>, #tpu.dimension_semantics<subcore_parallel>], iteration_bounds = array<i64: 2, 16>, scalar_prefetch = 0 : i64, scratch_operands = 13 : i64, tpu.core_type = #tpu.core_type<sc_vector_subcore>, window_params = [{transform_indices = #map}, {transform_indices = #map1}, {transform_indices = #map1}, {transform_indices = #map}, {transform_indices = #map2}]} {
    %mul3A = arith.constant 16 : i32
    %mul3A_0 = arith.muli %arg0, %mul3A : i32
    %add3A = arith.addi %mul3A_0, %arg1 : i32
    %mul3A_1 = arith.constant 624 : i32
    %mul3A_2 = arith.muli %arg1, %mul3A_1 : i32
    "tpu.region"() ({
      %run_scoped3A = tpu.sem_alloc : memref<!tpu.dma_semaphore, #tpu.memory_space<semaphore_mem>>
      %dma_start3A_51 = arith.constant 0 : i32
      %dma_start3A_52 = tpu.memref_slice %arg16[%mul3A_2, %dma_start3A_51] : memref<10000x128xf32, #tpu.memory_space<vmem_shared>> -> memref<624x128xf32, #tpu.memory_space<vmem_shared>>
      %dma_start3A_53 = arith.constant 0 : i32
      %dma_start3A_54 = tpu.memref_slice %arg5[%mul3A_2, %dma_start3A_53] : memref<10000x128xf32, #tpu.memory_space<hbm>> -> memref<624x128xf32, #tpu.memory_space<hbm>>
      tpu.enqueue_dma source(%dma_start3A_54 : memref<624x128xf32, #tpu.memory_space<hbm>>) target(%dma_start3A_52 : memref<624x128xf32, #tpu.memory_space<vmem_shared>>) target_semaphore(%run_scoped3A : memref<!tpu.dma_semaphore, #tpu.memory_space<semaphore_mem>>)
      %dma_wait3A_55 = arith.constant 0 : i32
      %dma_wait3A_56 = tpu.memref_slice %arg16[%mul3A_2, %dma_wait3A_55] : memref<10000x128xf32, #tpu.memory_space<vmem_shared>> -> memref<624x128xf32, #tpu.memory_space<vmem_shared>>
      %dma_wait3A_57 = arith.constant 0 : i32
      %dma_wait3A_58 = tpu.memref_slice %arg5[%mul3A_2, %dma_wait3A_57] : memref<10000x128xf32, #tpu.memory_space<hbm>> -> memref<624x128xf32, #tpu.memory_space<hbm>>
      tpu.wait_dma2 semaphore(%run_scoped3A : memref<!tpu.dma_semaphore, #tpu.memory_space<semaphore_mem>>) src(%dma_wait3A_58 : memref<624x128xf32, #tpu.memory_space<hbm>>) dst(%dma_wait3A_56 : memref<624x128xf32, #tpu.memory_space<vmem_shared>>)
      tpu.yield
    }) : () -> ()
    %eq3A = arith.constant 15 : i32
    %eq3A_3 = arith.cmpi eq, %arg1, %eq3A : i32
    %convert_element_type3A = arith.extui %eq3A_3 : i1 to i32
    %cond3A = arith.constant 0 : i32
    %cond3A_4 = arith.cmpi ne, %convert_element_type3A, %cond3A : i32
    scf.if %cond3A_4 {
      "tpu.region"() ({
        %run_scoped3A = tpu.sem_alloc : memref<!tpu.dma_semaphore, #tpu.memory_space<semaphore_mem>>
        %dma_start3A_51 = arith.constant 9984 : i32
        %dma_start3A_52 = arith.constant 0 : i32
        %dma_start3A_53 = tpu.memref_slice %arg16[%dma_start3A_51, %dma_start3A_52] : memref<10000x128xf32, #tpu.memory_space<vmem_shared>> -> memref<16x128xf32, #tpu.memory_space<vmem_shared>>
        %dma_start3A_54 = arith.constant 9984 : i32
        %dma_start3A_55 = arith.constant 0 : i32
        %dma_start3A_56 = tpu.memref_slice %arg5[%dma_start3A_54, %dma_start3A_55] : memref<10000x128xf32, #tpu.memory_space<hbm>> -> memref<16x128xf32, #tpu.memory_space<hbm>>
        tpu.enqueue_dma source(%dma_start3A_56 : memref<16x128xf32, #tpu.memory_space<hbm>>) target(%dma_start3A_53 : memref<16x128xf32, #tpu.memory_space<vmem_shared>>) target_semaphore(%run_scoped3A : memref<!tpu.dma_semaphore, #tpu.memory_space<semaphore_mem>>)
        %dma_wait3A_57 = arith.constant 9984 : i32
        %dma_wait3A_58 = arith.constant 0 : i32
        %dma_wait3A_59 = tpu.memref_slice %arg16[%dma_wait3A_57, %dma_wait3A_58] : memref<10000x128xf32, #tpu.memory_space<vmem_shared>> -> memref<16x128xf32, #tpu.memory_space<vmem_shared>>
        %dma_wait3A_60 = arith.constant 9984 : i32
        %dma_wait3A_61 = arith.constant 0 : i32
        %dma_wait3A_62 = tpu.memref_slice %arg5[%dma_wait3A_60, %dma_wait3A_61] : memref<10000x128xf32, #tpu.memory_space<hbm>> -> memref<16x128xf32, #tpu.memory_space<hbm>>
        tpu.wait_dma2 semaphore(%run_scoped3A : memref<!tpu.dma_semaphore, #tpu.memory_space<semaphore_mem>>) src(%dma_wait3A_62 : memref<16x128xf32, #tpu.memory_space<hbm>>) dst(%dma_wait3A_59 : memref<16x128xf32, #tpu.memory_space<vmem_shared>>)
        tpu.yield
      }) : () -> ()
    } else {
    }
    %barrier3A = arith.constant 0 : index
    tpu.barrier barrier_id(%barrier3A)
    %mul3A_5 = arith.constant 78 : i32
    %mul3A_6 = arith.muli %add3A, %mul3A_5 : i32
    %mul3A_7 = arith.constant 128 : i32
    %mul3A_8 = arith.muli %mul3A_6, %mul3A_7 : i32
    "tpu.region"() ({
      %run_scoped3A = tpu.sem_alloc : memref<!tpu.dma_semaphore, #tpu.memory_space<semaphore_mem>>
      %dma_start3A_51 = tpu.memref_slice %arg3[%mul3A_8] : memref<320000xi32, #tpu.memory_space<hbm>> -> memref<128xi32, #tpu.memory_space<hbm>>
      %dma_start3A_52 = tpu.memref_slice %arg3[%mul3A_8] : memref<320000xi32, #tpu.memory_space<hbm>> -> memref<128xi32, #tpu.memory_space<hbm>>
      tpu.enqueue_dma source(%dma_start3A_52 : memref<128xi32, #tpu.memory_space<hbm>>) target(%arg7 : memref<128xi32, #tpu.memory_space<vmem>>) target_semaphore(%run_scoped3A : memref<!tpu.dma_semaphore, #tpu.memory_space<semaphore_mem>>)
      %dma_wait3A_53 = tpu.memref_slice %arg3[%mul3A_8] : memref<320000xi32, #tpu.memory_space<hbm>> -> memref<128xi32, #tpu.memory_space<hbm>>
      %dma_wait3A_54 = tpu.memref_slice %arg3[%mul3A_8] : memref<320000xi32, #tpu.memory_space<hbm>> -> memref<128xi32, #tpu.memory_space<hbm>>
      tpu.wait_dma2 semaphore(%run_scoped3A : memref<!tpu.dma_semaphore, #tpu.memory_space<semaphore_mem>>) src(%dma_wait3A_54 : memref<128xi32, #tpu.memory_space<hbm>>) dst(%arg7 : memref<128xi32, #tpu.memory_space<vmem>>)
      tpu.yield
    }) : () -> ()
    "tpu.region"() ({
      %run_scoped3A = tpu.sem_alloc : memref<!tpu.dma_semaphore, #tpu.memory_space<semaphore_mem>>
      %dma_start3A_51 = tpu.memref_slice %arg4[%mul3A_8] : memref<320000xi32, #tpu.memory_space<hbm>> -> memref<128xi32, #tpu.memory_space<hbm>>
      %dma_start3A_52 = tpu.memref_slice %arg4[%mul3A_8] : memref<320000xi32, #tpu.memory_space<hbm>> -> memref<128xi32, #tpu.memory_space<hbm>>
      tpu.enqueue_dma source(%dma_start3A_52 : memref<128xi32, #tpu.memory_space<hbm>>) target(%arg8 : memref<128xi32, #tpu.memory_space<vmem>>) target_semaphore(%run_scoped3A : memref<!tpu.dma_semaphore, #tpu.memory_space<semaphore_mem>>)
      %dma_wait3A_53 = tpu.memref_slice %arg4[%mul3A_8] : memref<320000xi32, #tpu.memory_space<hbm>> -> memref<128xi32, #tpu.memory_space<hbm>>
      %dma_wait3A_54 = tpu.memref_slice %arg4[%mul3A_8] : memref<320000xi32, #tpu.memory_space<hbm>> -> memref<128xi32, #tpu.memory_space<hbm>>
      tpu.wait_dma2 semaphore(%run_scoped3A : memref<!tpu.dma_semaphore, #tpu.memory_space<semaphore_mem>>) src(%dma_wait3A_54 : memref<128xi32, #tpu.memory_space<hbm>>) dst(%arg8 : memref<128xi32, #tpu.memory_space<vmem>>)
      tpu.yield
    }) : () -> ()
    %dma_start3A = arith.constant 0 : i32
    %dma_start3A_9 = arith.constant 0 : i32
    %dma_start3A_10 = tpu.memref_slice %arg2[%dma_start3A, %dma_start3A_9] : memref<10000x128xf32, #tpu.memory_space<hbm>> -> memref<10000x128xf32, #tpu.memory_space<hbm>>
    tpu.enqueue_indirect_dma source(%dma_start3A_10 : memref<10000x128xf32, #tpu.memory_space<hbm>>) target(%arg9 : memref<128x128xf32, #tpu.memory_space<vmem>>) offsets(%arg7 : memref<128xi32, #tpu.memory_space<vmem>>) semaphore(%arg17 : memref<!tpu.dma_semaphore, #tpu.memory_space<semaphore_mem>>)
    %add3A_11 = arith.constant 1 : i32
    %add3A_12 = arith.addi %mul3A_6, %add3A_11 : i32
    %mul3A_13 = arith.constant 128 : i32
    %mul3A_14 = arith.muli %add3A_12, %mul3A_13 : i32
    "tpu.region"() ({
      %run_scoped3A = tpu.sem_alloc : memref<!tpu.dma_semaphore, #tpu.memory_space<semaphore_mem>>
      %dma_start3A_51 = tpu.memref_slice %arg3[%mul3A_14] : memref<320000xi32, #tpu.memory_space<hbm>> -> memref<128xi32, #tpu.memory_space<hbm>>
      %dma_start3A_52 = tpu.memref_slice %arg3[%mul3A_14] : memref<320000xi32, #tpu.memory_space<hbm>> -> memref<128xi32, #tpu.memory_space<hbm>>
      tpu.enqueue_dma source(%dma_start3A_52 : memref<128xi32, #tpu.memory_space<hbm>>) target(%arg10 : memref<128xi32, #tpu.memory_space<vmem>>) target_semaphore(%run_scoped3A : memref<!tpu.dma_semaphore, #tpu.memory_space<semaphore_mem>>)
      %dma_wait3A_53 = tpu.memref_slice %arg3[%mul3A_14] : memref<320000xi32, #tpu.memory_space<hbm>> -> memref<128xi32, #tpu.memory_space<hbm>>
      %dma_wait3A_54 = tpu.memref_slice %arg3[%mul3A_14] : memref<320000xi32, #tpu.memory_space<hbm>> -> memref<128xi32, #tpu.memory_space<hbm>>
      tpu.wait_dma2 semaphore(%run_scoped3A : memref<!tpu.dma_semaphore, #tpu.memory_space<semaphore_mem>>) src(%dma_wait3A_54 : memref<128xi32, #tpu.memory_space<hbm>>) dst(%arg10 : memref<128xi32, #tpu.memory_space<vmem>>)
      tpu.yield
    }) : () -> ()
    "tpu.region"() ({
      %run_scoped3A = tpu.sem_alloc : memref<!tpu.dma_semaphore, #tpu.memory_space<semaphore_mem>>
      %dma_start3A_51 = tpu.memref_slice %arg4[%mul3A_14] : memref<320000xi32, #tpu.memory_space<hbm>> -> memref<128xi32, #tpu.memory_space<hbm>>
      %dma_start3A_52 = tpu.memref_slice %arg4[%mul3A_14] : memref<320000xi32, #tpu.memory_space<hbm>> -> memref<128xi32, #tpu.memory_space<hbm>>
      tpu.enqueue_dma source(%dma_start3A_52 : memref<128xi32, #tpu.memory_space<hbm>>) target(%arg11 : memref<128xi32, #tpu.memory_space<vmem>>) target_semaphore(%run_scoped3A : memref<!tpu.dma_semaphore, #tpu.memory_space<semaphore_mem>>)
      %dma_wait3A_53 = tpu.memref_slice %arg4[%mul3A_14] : memref<320000xi32, #tpu.memory_space<hbm>> -> memref<128xi32, #tpu.memory_space<hbm>>
      %dma_wait3A_54 = tpu.memref_slice %arg4[%mul3A_14] : memref<320000xi32, #tpu.memory_space<hbm>> -> memref<128xi32, #tpu.memory_space<hbm>>
      tpu.wait_dma2 semaphore(%run_scoped3A : memref<!tpu.dma_semaphore, #tpu.memory_space<semaphore_mem>>) src(%dma_wait3A_54 : memref<128xi32, #tpu.memory_space<hbm>>) dst(%arg11 : memref<128xi32, #tpu.memory_space<vmem>>)
      tpu.yield
    }) : () -> ()
    %dma_start3A_15 = arith.constant 0 : i32
    %dma_start3A_16 = arith.constant 0 : i32
    %dma_start3A_17 = tpu.memref_slice %arg2[%dma_start3A_15, %dma_start3A_16] : memref<10000x128xf32, #tpu.memory_space<hbm>> -> memref<10000x128xf32, #tpu.memory_space<hbm>>
    tpu.enqueue_indirect_dma source(%dma_start3A_17 : memref<10000x128xf32, #tpu.memory_space<hbm>>) target(%arg12 : memref<128x128xf32, #tpu.memory_space<vmem>>) offsets(%arg10 : memref<128xi32, #tpu.memory_space<vmem>>) semaphore(%arg18 : memref<!tpu.dma_semaphore, #tpu.memory_space<semaphore_mem>>)
    %add3A_18 = arith.constant 2 : i32
    %add3A_19 = arith.addi %mul3A_6, %add3A_18 : i32
    %mul3A_20 = arith.constant 128 : i32
    %mul3A_21 = arith.muli %add3A_19, %mul3A_20 : i32
    "tpu.region"() ({
      %run_scoped3A = tpu.sem_alloc : memref<!tpu.dma_semaphore, #tpu.memory_space<semaphore_mem>>
      %dma_start3A_51 = tpu.memref_slice %arg3[%mul3A_21] : memref<320000xi32, #tpu.memory_space<hbm>> -> memref<128xi32, #tpu.memory_space<hbm>>
      %dma_start3A_52 = tpu.memref_slice %arg3[%mul3A_21] : memref<320000xi32, #tpu.memory_space<hbm>> -> memref<128xi32, #tpu.memory_space<hbm>>
      tpu.enqueue_dma source(%dma_start3A_52 : memref<128xi32, #tpu.memory_space<hbm>>) target(%arg13 : memref<128xi32, #tpu.memory_space<vmem>>) target_semaphore(%run_scoped3A : memref<!tpu.dma_semaphore, #tpu.memory_space<semaphore_mem>>)
      %dma_wait3A_53 = tpu.memref_slice %arg3[%mul3A_21] : memref<320000xi32, #tpu.memory_space<hbm>> -> memref<128xi32, #tpu.memory_space<hbm>>
      %dma_wait3A_54 = tpu.memref_slice %arg3[%mul3A_21] : memref<320000xi32, #tpu.memory_space<hbm>> -> memref<128xi32, #tpu.memory_space<hbm>>
      tpu.wait_dma2 semaphore(%run_scoped3A : memref<!tpu.dma_semaphore, #tpu.memory_space<semaphore_mem>>) src(%dma_wait3A_54 : memref<128xi32, #tpu.memory_space<hbm>>) dst(%arg13 : memref<128xi32, #tpu.memory_space<vmem>>)
      tpu.yield
    }) : () -> ()
    "tpu.region"() ({
      %run_scoped3A = tpu.sem_alloc : memref<!tpu.dma_semaphore, #tpu.memory_space<semaphore_mem>>
      %dma_start3A_51 = tpu.memref_slice %arg4[%mul3A_21] : memref<320000xi32, #tpu.memory_space<hbm>> -> memref<128xi32, #tpu.memory_space<hbm>>
      %dma_start3A_52 = tpu.memref_slice %arg4[%mul3A_21] : memref<320000xi32, #tpu.memory_space<hbm>> -> memref<128xi32, #tpu.memory_space<hbm>>
      tpu.enqueue_dma source(%dma_start3A_52 : memref<128xi32, #tpu.memory_space<hbm>>) target(%arg14 : memref<128xi32, #tpu.memory_space<vmem>>) target_semaphore(%run_scoped3A : memref<!tpu.dma_semaphore, #tpu.memory_space<semaphore_mem>>)
      %dma_wait3A_53 = tpu.memref_slice %arg4[%mul3A_21] : memref<320000xi32, #tpu.memory_space<hbm>> -> memref<128xi32, #tpu.memory_space<hbm>>
      %dma_wait3A_54 = tpu.memref_slice %arg4[%mul3A_21] : memref<320000xi32, #tpu.memory_space<hbm>> -> memref<128xi32, #tpu.memory_space<hbm>>
      tpu.wait_dma2 semaphore(%run_scoped3A : memref<!tpu.dma_semaphore, #tpu.memory_space<semaphore_mem>>) src(%dma_wait3A_54 : memref<128xi32, #tpu.memory_space<hbm>>) dst(%arg14 : memref<128xi32, #tpu.memory_space<vmem>>)
      tpu.yield
    }) : () -> ()
    %dma_start3A_22 = arith.constant 0 : i32
    %dma_start3A_23 = arith.constant 0 : i32
    %dma_start3A_24 = tpu.memref_slice %arg2[%dma_start3A_22, %dma_start3A_23] : memref<10000x128xf32, #tpu.memory_space<hbm>> -> memref<10000x128xf32, #tpu.memory_space<hbm>>
    tpu.enqueue_indirect_dma source(%dma_start3A_24 : memref<10000x128xf32, #tpu.memory_space<hbm>>) target(%arg15 : memref<128x128xf32, #tpu.memory_space<vmem>>) offsets(%arg13 : memref<128xi32, #tpu.memory_space<vmem>>) semaphore(%arg19 : memref<!tpu.dma_semaphore, #tpu.memory_space<semaphore_mem>>)
    %scan3A = arith.constant 0 : i32
    %scan3A_25 = arith.constant 0 : i32
    %scan3A_26 = arith.constant 25 : i32
    %scan3A_27 = arith.addi %scan3A_25, %scan3A_26 : i32
    %scan3A_28 = arith.constant 1 : i32
    %scan3A_29 = scf.for %scan3A_51 = %scan3A_25 to %scan3A_27 step %scan3A_28 iter_args(%scan3A_52 = %scan3A) -> (i32)  : i32 {
      %mul3A_53 = arith.constant 3 : i32
      %mul3A_54 = arith.muli %mul3A_53, %scan3A_51 : i32
      %add3A_55 = arith.addi %mul3A_6, %mul3A_54 : i32
      %dma_wait3A_56 = arith.constant 0 : i32
      %dma_wait3A_57 = arith.constant 0 : i32
      %dma_wait3A_58 = tpu.memref_slice %arg2[%dma_wait3A_56, %dma_wait3A_57] : memref<10000x128xf32, #tpu.memory_space<hbm>> -> memref<10000x128xf32, #tpu.memory_space<hbm>>
      tpu.wait_indirect_dma semaphore(%arg17 : memref<!tpu.dma_semaphore, #tpu.memory_space<semaphore_mem>>) src(%dma_wait3A_58 : memref<10000x128xf32, #tpu.memory_space<hbm>>) dst(%arg9 : memref<128x128xf32, #tpu.memory_space<vmem>>)
      "tpu.region"() ({
        %run_scoped3A = tpu.sem_alloc : memref<!tpu.dma_semaphore, #tpu.memory_space<semaphore_mem>>
        %dma_start3A_87 = arith.constant 0 : i32
        %dma_start3A_88 = arith.constant 0 : i32
        %dma_start3A_89 = tpu.memref_slice %arg16[%dma_start3A_87, %dma_start3A_88] : memref<10000x128xf32, #tpu.memory_space<vmem_shared>> -> memref<10000x128xf32, #tpu.memory_space<vmem_shared>>
        tpu.enqueue_indirect_dma source(%arg9 : memref<128x128xf32, #tpu.memory_space<vmem>>) target(%dma_start3A_89 : memref<10000x128xf32, #tpu.memory_space<vmem_shared>>) offsets(%arg8 : memref<128xi32, #tpu.memory_space<vmem>>) semaphore(%run_scoped3A : memref<!tpu.dma_semaphore, #tpu.memory_space<semaphore_mem>>) {add = true}
        %dma_wait3A_90 = arith.constant 0 : i32
        %dma_wait3A_91 = arith.constant 0 : i32
        %dma_wait3A_92 = tpu.memref_slice %arg16[%dma_wait3A_90, %dma_wait3A_91] : memref<10000x128xf32, #tpu.memory_space<vmem_shared>> -> memref<10000x128xf32, #tpu.memory_space<vmem_shared>>
        tpu.wait_indirect_dma semaphore(%run_scoped3A : memref<!tpu.dma_semaphore, #tpu.memory_space<semaphore_mem>>) src(%arg9 : memref<128x128xf32, #tpu.memory_space<vmem>>) dst(%dma_wait3A_92 : memref<10000x128xf32, #tpu.memory_space<vmem_shared>>)
        tpu.yield
      }) : () -> ()
      %add3A_59 = arith.constant 3 : i32
      %add3A_60 = arith.addi %add3A_55, %add3A_59 : i32
      %mul3A_61 = arith.constant 128 : i32
      %mul3A_62 = arith.muli %add3A_60, %mul3A_61 : i32
      "tpu.region"() ({
        %run_scoped3A = tpu.sem_alloc : memref<!tpu.dma_semaphore, #tpu.memory_space<semaphore_mem>>
        %dma_start3A_87 = tpu.memref_slice %arg3[%mul3A_62] : memref<320000xi32, #tpu.memory_space<hbm>> -> memref<128xi32, #tpu.memory_space<hbm>>
        %dma_start3A_88 = tpu.memref_slice %arg3[%mul3A_62] : memref<320000xi32, #tpu.memory_space<hbm>> -> memref<128xi32, #tpu.memory_space<hbm>>
        tpu.enqueue_dma source(%dma_start3A_88 : memref<128xi32, #tpu.memory_space<hbm>>) target(%arg7 : memref<128xi32, #tpu.memory_space<vmem>>) target_semaphore(%run_scoped3A : memref<!tpu.dma_semaphore, #tpu.memory_space<semaphore_mem>>)
        %dma_wait3A_89 = tpu.memref_slice %arg3[%mul3A_62] : memref<320000xi32, #tpu.memory_space<hbm>> -> memref<128xi32, #tpu.memory_space<hbm>>
        %dma_wait3A_90 = tpu.memref_slice %arg3[%mul3A_62] : memref<320000xi32, #tpu.memory_space<hbm>> -> memref<128xi32, #tpu.memory_space<hbm>>
        tpu.wait_dma2 semaphore(%run_scoped3A : memref<!tpu.dma_semaphore, #tpu.memory_space<semaphore_mem>>) src(%dma_wait3A_90 : memref<128xi32, #tpu.memory_space<hbm>>) dst(%arg7 : memref<128xi32, #tpu.memory_space<vmem>>)
        tpu.yield
      }) : () -> ()
      "tpu.region"() ({
        %run_scoped3A = tpu.sem_alloc : memref<!tpu.dma_semaphore, #tpu.memory_space<semaphore_mem>>
        %dma_start3A_87 = tpu.memref_slice %arg4[%mul3A_62] : memref<320000xi32, #tpu.memory_space<hbm>> -> memref<128xi32, #tpu.memory_space<hbm>>
        %dma_start3A_88 = tpu.memref_slice %arg4[%mul3A_62] : memref<320000xi32, #tpu.memory_space<hbm>> -> memref<128xi32, #tpu.memory_space<hbm>>
        tpu.enqueue_dma source(%dma_start3A_88 : memref<128xi32, #tpu.memory_space<hbm>>) target(%arg8 : memref<128xi32, #tpu.memory_space<vmem>>) target_semaphore(%run_scoped3A : memref<!tpu.dma_semaphore, #tpu.memory_space<semaphore_mem>>)
        %dma_wait3A_89 = tpu.memref_slice %arg4[%mul3A_62] : memref<320000xi32, #tpu.memory_space<hbm>> -> memref<128xi32, #tpu.memory_space<hbm>>
        %dma_wait3A_90 = tpu.memref_slice %arg4[%mul3A_62] : memref<320000xi32, #tpu.memory_space<hbm>> -> memref<128xi32, #tpu.memory_space<hbm>>
        tpu.wait_dma2 semaphore(%run_scoped3A : memref<!tpu.dma_semaphore, #tpu.memory_space<semaphore_mem>>) src(%dma_wait3A_90 : memref<128xi32, #tpu.memory_space<hbm>>) dst(%arg8 : memref<128xi32, #tpu.memory_space<vmem>>)
        tpu.yield
      }) : () -> ()
      %dma_start3A_63 = arith.constant 0 : i32
      %dma_start3A_64 = arith.constant 0 : i32
      %dma_start3A_65 = tpu.memref_slice %arg2[%dma_start3A_63, %dma_start3A_64] : memref<10000x128xf32, #tpu.memory_space<hbm>> -> memref<10000x128xf32, #tpu.memory_space<hbm>>
      tpu.enqueue_indirect_dma source(%dma_start3A_65 : memref<10000x128xf32, #tpu.memory_space<hbm>>) target(%arg9 : memref<128x128xf32, #tpu.memory_space<vmem>>) offsets(%arg7 : memref<128xi32, #tpu.memory_space<vmem>>) semaphore(%arg17 : memref<!tpu.dma_semaphore, #tpu.memory_space<semaphore_mem>>)
      %dma_wait3A_66 = arith.constant 0 : i32
      %dma_wait3A_67 = arith.constant 0 : i32
      %dma_wait3A_68 = tpu.memref_slice %arg2[%dma_wait3A_66, %dma_wait3A_67] : memref<10000x128xf32, #tpu.memory_space<hbm>> -> memref<10000x128xf32, #tpu.memory_space<hbm>>
      tpu.wait_indirect_dma semaphore(%arg18 : memref<!tpu.dma_semaphore, #tpu.memory_space<semaphore_mem>>) src(%dma_wait3A_68 : memref<10000x128xf32, #tpu.memory_space<hbm>>) dst(%arg12 : memref<128x128xf32, #tpu.memory_space<vmem>>)
      "tpu.region"() ({
        %run_scoped3A = tpu.sem_alloc : memref<!tpu.dma_semaphore, #tpu.memory_space<semaphore_mem>>
        %dma_start3A_87 = arith.constant 0 : i32
        %dma_start3A_88 = arith.constant 0 : i32
        %dma_start3A_89 = tpu.memref_slice %arg16[%dma_start3A_87, %dma_start3A_88] : memref<10000x128xf32, #tpu.memory_space<vmem_shared>> -> memref<10000x128xf32, #tpu.memory_space<vmem_shared>>
        tpu.enqueue_indirect_dma source(%arg12 : memref<128x128xf32, #tpu.memory_space<vmem>>) target(%dma_start3A_89 : memref<10000x128xf32, #tpu.memory_space<vmem_shared>>) offsets(%arg11 : memref<128xi32, #tpu.memory_space<vmem>>) semaphore(%run_scoped3A : memref<!tpu.dma_semaphore, #tpu.memory_space<semaphore_mem>>) {add = true}
        %dma_wait3A_90 = arith.constant 0 : i32
        %dma_wait3A_91 = arith.constant 0 : i32
        %dma_wait3A_92 = tpu.memref_slice %arg16[%dma_wait3A_90, %dma_wait3A_91] : memref<10000x128xf32, #tpu.memory_space<vmem_shared>> -> memref<10000x128xf32, #tpu.memory_space<vmem_shared>>
        tpu.wait_indirect_dma semaphore(%run_scoped3A : memref<!tpu.dma_semaphore, #tpu.memory_space<semaphore_mem>>) src(%arg12 : memref<128x128xf32, #tpu.memory_space<vmem>>) dst(%dma_wait3A_92 : memref<10000x128xf32, #tpu.memory_space<vmem_shared>>)
        tpu.yield
      }) : () -> ()
      %add3A_69 = arith.constant 4 : i32
      %add3A_70 = arith.addi %add3A_55, %add3A_69 : i32
      %mul3A_71 = arith.constant 128 : i32
      %mul3A_72 = arith.muli %add3A_70, %mul3A_71 : i32
      "tpu.region"() ({
        %run_scoped3A = tpu.sem_alloc : memref<!tpu.dma_semaphore, #tpu.memory_space<semaphore_mem>>
        %dma_start3A_87 = tpu.memref_slice %arg3[%mul3A_72] : memref<320000xi32, #tpu.memory_space<hbm>> -> memref<128xi32, #tpu.memory_space<hbm>>
        %dma_start3A_88 = tpu.memref_slice %arg3[%mul3A_72] : memref<320000xi32, #tpu.memory_space<hbm>> -> memref<128xi32, #tpu.memory_space<hbm>>
        tpu.enqueue_dma source(%dma_start3A_88 : memref<128xi32, #tpu.memory_space<hbm>>) target(%arg10 : memref<128xi32, #tpu.memory_space<vmem>>) target_semaphore(%run_scoped3A : memref<!tpu.dma_semaphore, #tpu.memory_space<semaphore_mem>>)
        %dma_wait3A_89 = tpu.memref_slice %arg3[%mul3A_72] : memref<320000xi32, #tpu.memory_space<hbm>> -> memref<128xi32, #tpu.memory_space<hbm>>
        %dma_wait3A_90 = tpu.memref_slice %arg3[%mul3A_72] : memref<320000xi32, #tpu.memory_space<hbm>> -> memref<128xi32, #tpu.memory_space<hbm>>
        tpu.wait_dma2 semaphore(%run_scoped3A : memref<!tpu.dma_semaphore, #tpu.memory_space<semaphore_mem>>) src(%dma_wait3A_90 : memref<128xi32, #tpu.memory_space<hbm>>) dst(%arg10 : memref<128xi32, #tpu.memory_space<vmem>>)
        tpu.yield
      }) : () -> ()
      "tpu.region"() ({
        %run_scoped3A = tpu.sem_alloc : memref<!tpu.dma_semaphore, #tpu.memory_space<semaphore_mem>>
        %dma_start3A_87 = tpu.memref_slice %arg4[%mul3A_72] : memref<320000xi32, #tpu.memory_space<hbm>> -> memref<128xi32, #tpu.memory_space<hbm>>
        %dma_start3A_88 = tpu.memref_slice %arg4[%mul3A_72] : memref<320000xi32, #tpu.memory_space<hbm>> -> memref<128xi32, #tpu.memory_space<hbm>>
        tpu.enqueue_dma source(%dma_start3A_88 : memref<128xi32, #tpu.memory_space<hbm>>) target(%arg11 : memref<128xi32, #tpu.memory_space<vmem>>) target_semaphore(%run_scoped3A : memref<!tpu.dma_semaphore, #tpu.memory_space<semaphore_mem>>)
        %dma_wait3A_89 = tpu.memref_slice %arg4[%mul3A_72] : memref<320000xi32, #tpu.memory_space<hbm>> -> memref<128xi32, #tpu.memory_space<hbm>>
        %dma_wait3A_90 = tpu.memref_slice %arg4[%mul3A_72] : memref<320000xi32, #tpu.memory_space<hbm>> -> memref<128xi32, #tpu.memory_space<hbm>>
        tpu.wait_dma2 semaphore(%run_scoped3A : memref<!tpu.dma_semaphore, #tpu.memory_space<semaphore_mem>>) src(%dma_wait3A_90 : memref<128xi32, #tpu.memory_space<hbm>>) dst(%arg11 : memref<128xi32, #tpu.memory_space<vmem>>)
        tpu.yield
      }) : () -> ()
      %dma_start3A_73 = arith.constant 0 : i32
      %dma_start3A_74 = arith.constant 0 : i32
      %dma_start3A_75 = tpu.memref_slice %arg2[%dma_start3A_73, %dma_start3A_74] : memref<10000x128xf32, #tpu.memory_space<hbm>> -> memref<10000x128xf32, #tpu.memory_space<hbm>>
      tpu.enqueue_indirect_dma source(%dma_start3A_75 : memref<10000x128xf32, #tpu.memory_space<hbm>>) target(%arg12 : memref<128x128xf32, #tpu.memory_space<vmem>>) offsets(%arg10 : memref<128xi32, #tpu.memory_space<vmem>>) semaphore(%arg18 : memref<!tpu.dma_semaphore, #tpu.memory_space<semaphore_mem>>)
      %dma_wait3A_76 = arith.constant 0 : i32
      %dma_wait3A_77 = arith.constant 0 : i32
      %dma_wait3A_78 = tpu.memref_slice %arg2[%dma_wait3A_76, %dma_wait3A_77] : memref<10000x128xf32, #tpu.memory_space<hbm>> -> memref<10000x128xf32, #tpu.memory_space<hbm>>
      tpu.wait_indirect_dma semaphore(%arg19 : memref<!tpu.dma_semaphore, #tpu.memory_space<semaphore_mem>>) src(%dma_wait3A_78 : memref<10000x128xf32, #tpu.memory_space<hbm>>) dst(%arg15 : memref<128x128xf32, #tpu.memory_space<vmem>>)
      "tpu.region"() ({
        %run_scoped3A = tpu.sem_alloc : memref<!tpu.dma_semaphore, #tpu.memory_space<semaphore_mem>>
        %dma_start3A_87 = arith.constant 0 : i32
        %dma_start3A_88 = arith.constant 0 : i32
        %dma_start3A_89 = tpu.memref_slice %arg16[%dma_start3A_87, %dma_start3A_88] : memref<10000x128xf32, #tpu.memory_space<vmem_shared>> -> memref<10000x128xf32, #tpu.memory_space<vmem_shared>>
        tpu.enqueue_indirect_dma source(%arg15 : memref<128x128xf32, #tpu.memory_space<vmem>>) target(%dma_start3A_89 : memref<10000x128xf32, #tpu.memory_space<vmem_shared>>) offsets(%arg14 : memref<128xi32, #tpu.memory_space<vmem>>) semaphore(%run_scoped3A : memref<!tpu.dma_semaphore, #tpu.memory_space<semaphore_mem>>) {add = true}
        %dma_wait3A_90 = arith.constant 0 : i32
        %dma_wait3A_91 = arith.constant 0 : i32
        %dma_wait3A_92 = tpu.memref_slice %arg16[%dma_wait3A_90, %dma_wait3A_91] : memref<10000x128xf32, #tpu.memory_space<vmem_shared>> -> memref<10000x128xf32, #tpu.memory_space<vmem_shared>>
        tpu.wait_indirect_dma semaphore(%run_scoped3A : memref<!tpu.dma_semaphore, #tpu.memory_space<semaphore_mem>>) src(%arg15 : memref<128x128xf32, #tpu.memory_space<vmem>>) dst(%dma_wait3A_92 : memref<10000x128xf32, #tpu.memory_space<vmem_shared>>)
        tpu.yield
      }) : () -> ()
      %add3A_79 = arith.constant 5 : i32
      %add3A_80 = arith.addi %add3A_55, %add3A_79 : i32
      %mul3A_81 = arith.constant 128 : i32
      %mul3A_82 = arith.muli %add3A_80, %mul3A_81 : i32
      "tpu.region"() ({
        %run_scoped3A = tpu.sem_alloc : memref<!tpu.dma_semaphore, #tpu.memory_space<semaphore_mem>>
        %dma_start3A_87 = tpu.memref_slice %arg3[%mul3A_82] : memref<320000xi32, #tpu.memory_space<hbm>> -> memref<128xi32, #tpu.memory_space<hbm>>
        %dma_start3A_88 = tpu.memref_slice %arg3[%mul3A_82] : memref<320000xi32, #tpu.memory_space<hbm>> -> memref<128xi32, #tpu.memory_space<hbm>>
        tpu.enqueue_dma source(%dma_start3A_88 : memref<128xi32, #tpu.memory_space<hbm>>) target(%arg13 : memref<128xi32, #tpu.memory_space<vmem>>) target_semaphore(%run_scoped3A : memref<!tpu.dma_semaphore, #tpu.memory_space<semaphore_mem>>)
        %dma_wait3A_89 = tpu.memref_slice %arg3[%mul3A_82] : memref<320000xi32, #tpu.memory_space<hbm>> -> memref<128xi32, #tpu.memory_space<hbm>>
        %dma_wait3A_90 = tpu.memref_slice %arg3[%mul3A_82] : memref<320000xi32, #tpu.memory_space<hbm>> -> memref<128xi32, #tpu.memory_space<hbm>>
        tpu.wait_dma2 semaphore(%run_scoped3A : memref<!tpu.dma_semaphore, #tpu.memory_space<semaphore_mem>>) src(%dma_wait3A_90 : memref<128xi32, #tpu.memory_space<hbm>>) dst(%arg13 : memref<128xi32, #tpu.memory_space<vmem>>)
        tpu.yield
      }) : () -> ()
      "tpu.region"() ({
        %run_scoped3A = tpu.sem_alloc : memref<!tpu.dma_semaphore, #tpu.memory_space<semaphore_mem>>
        %dma_start3A_87 = tpu.memref_slice %arg4[%mul3A_82] : memref<320000xi32, #tpu.memory_space<hbm>> -> memref<128xi32, #tpu.memory_space<hbm>>
        %dma_start3A_88 = tpu.memref_slice %arg4[%mul3A_82] : memref<320000xi32, #tpu.memory_space<hbm>> -> memref<128xi32, #tpu.memory_space<hbm>>
        tpu.enqueue_dma source(%dma_start3A_88 : memref<128xi32, #tpu.memory_space<hbm>>) target(%arg14 : memref<128xi32, #tpu.memory_space<vmem>>) target_semaphore(%run_scoped3A : memref<!tpu.dma_semaphore, #tpu.memory_space<semaphore_mem>>)
        %dma_wait3A_89 = tpu.memref_slice %arg4[%mul3A_82] : memref<320000xi32, #tpu.memory_space<hbm>> -> memref<128xi32, #tpu.memory_space<hbm>>
        %dma_wait3A_90 = tpu.memref_slice %arg4[%mul3A_82] : memref<320000xi32, #tpu.memory_space<hbm>> -> memref<128xi32, #tpu.memory_space<hbm>>
        tpu.wait_dma2 semaphore(%run_scoped3A : memref<!tpu.dma_semaphore, #tpu.memory_space<semaphore_mem>>) src(%dma_wait3A_90 : memref<128xi32, #tpu.memory_space<hbm>>) dst(%arg14 : memref<128xi32, #tpu.memory_space<vmem>>)
        tpu.yield
      }) : () -> ()
      %dma_start3A_83 = arith.constant 0 : i32
      %dma_start3A_84 = arith.constant 0 : i32
      %dma_start3A_85 = tpu.memref_slice %arg2[%dma_start3A_83, %dma_start3A_84] : memref<10000x128xf32, #tpu.memory_space<hbm>> -> memref<10000x128xf32, #tpu.memory_space<hbm>>
      tpu.enqueue_indirect_dma source(%dma_start3A_85 : memref<10000x128xf32, #tpu.memory_space<hbm>>) target(%arg15 : memref<128x128xf32, #tpu.memory_space<vmem>>) offsets(%arg13 : memref<128xi32, #tpu.memory_space<vmem>>) semaphore(%arg19 : memref<!tpu.dma_semaphore, #tpu.memory_space<semaphore_mem>>)
      %scan3A_86 = arith.constant 0 : i32
      scf.yield %scan3A_86 : i32
    }
    %scan3A_30 = arith.constant 25 : i32
    %dma_wait3A = arith.constant 0 : i32
    %dma_wait3A_31 = arith.constant 0 : i32
    %dma_wait3A_32 = tpu.memref_slice %arg2[%dma_wait3A, %dma_wait3A_31] : memref<10000x128xf32, #tpu.memory_space<hbm>> -> memref<10000x128xf32, #tpu.memory_space<hbm>>
    tpu.wait_indirect_dma semaphore(%arg17 : memref<!tpu.dma_semaphore, #tpu.memory_space<semaphore_mem>>) src(%dma_wait3A_32 : memref<10000x128xf32, #tpu.memory_space<hbm>>) dst(%arg9 : memref<128x128xf32, #tpu.memory_space<vmem>>)
    "tpu.region"() ({
      %run_scoped3A = tpu.sem_alloc : memref<!tpu.dma_semaphore, #tpu.memory_space<semaphore_mem>>
      %dma_start3A_51 = arith.constant 0 : i32
      %dma_start3A_52 = arith.constant 0 : i32
      %dma_start3A_53 = tpu.memref_slice %arg16[%dma_start3A_51, %dma_start3A_52] : memref<10000x128xf32, #tpu.memory_space<vmem_shared>> -> memref<10000x128xf32, #tpu.memory_space<vmem_shared>>
      tpu.enqueue_indirect_dma source(%arg9 : memref<128x128xf32, #tpu.memory_space<vmem>>) target(%dma_start3A_53 : memref<10000x128xf32, #tpu.memory_space<vmem_shared>>) offsets(%arg8 : memref<128xi32, #tpu.memory_space<vmem>>) semaphore(%run_scoped3A : memref<!tpu.dma_semaphore, #tpu.memory_space<semaphore_mem>>) {add = true}
      %dma_wait3A_54 = arith.constant 0 : i32
      %dma_wait3A_55 = arith.constant 0 : i32
      %dma_wait3A_56 = tpu.memref_slice %arg16[%dma_wait3A_54, %dma_wait3A_55] : memref<10000x128xf32, #tpu.memory_space<vmem_shared>> -> memref<10000x128xf32, #tpu.memory_space<vmem_shared>>
      tpu.wait_indirect_dma semaphore(%run_scoped3A : memref<!tpu.dma_semaphore, #tpu.memory_space<semaphore_mem>>) src(%arg9 : memref<128x128xf32, #tpu.memory_space<vmem>>) dst(%dma_wait3A_56 : memref<10000x128xf32, #tpu.memory_space<vmem_shared>>)
      tpu.yield
    }) : () -> ()
    %dma_wait3A_33 = arith.constant 0 : i32
    %dma_wait3A_34 = arith.constant 0 : i32
    %dma_wait3A_35 = tpu.memref_slice %arg2[%dma_wait3A_33, %dma_wait3A_34] : memref<10000x128xf32, #tpu.memory_space<hbm>> -> memref<10000x128xf32, #tpu.memory_space<hbm>>
    tpu.wait_indirect_dma semaphore(%arg18 : memref<!tpu.dma_semaphore, #tpu.memory_space<semaphore_mem>>) src(%dma_wait3A_35 : memref<10000x128xf32, #tpu.memory_space<hbm>>) dst(%arg12 : memref<128x128xf32, #tpu.memory_space<vmem>>)
    "tpu.region"() ({
      %run_scoped3A = tpu.sem_alloc : memref<!tpu.dma_semaphore, #tpu.memory_space<semaphore_mem>>
      %dma_start3A_51 = arith.constant 0 : i32
      %dma_start3A_52 = arith.constant 0 : i32
      %dma_start3A_53 = tpu.memref_slice %arg16[%dma_start3A_51, %dma_start3A_52] : memref<10000x128xf32, #tpu.memory_space<vmem_shared>> -> memref<10000x128xf32, #tpu.memory_space<vmem_shared>>
      tpu.enqueue_indirect_dma source(%arg12 : memref<128x128xf32, #tpu.memory_space<vmem>>) target(%dma_start3A_53 : memref<10000x128xf32, #tpu.memory_space<vmem_shared>>) offsets(%arg11 : memref<128xi32, #tpu.memory_space<vmem>>) semaphore(%run_scoped3A : memref<!tpu.dma_semaphore, #tpu.memory_space<semaphore_mem>>) {add = true}
      %dma_wait3A_54 = arith.constant 0 : i32
      %dma_wait3A_55 = arith.constant 0 : i32
      %dma_wait3A_56 = tpu.memref_slice %arg16[%dma_wait3A_54, %dma_wait3A_55] : memref<10000x128xf32, #tpu.memory_space<vmem_shared>> -> memref<10000x128xf32, #tpu.memory_space<vmem_shared>>
      tpu.wait_indirect_dma semaphore(%run_scoped3A : memref<!tpu.dma_semaphore, #tpu.memory_space<semaphore_mem>>) src(%arg12 : memref<128x128xf32, #tpu.memory_space<vmem>>) dst(%dma_wait3A_56 : memref<10000x128xf32, #tpu.memory_space<vmem_shared>>)
      tpu.yield
    }) : () -> ()
    %dma_wait3A_36 = arith.constant 0 : i32
    %dma_wait3A_37 = arith.constant 0 : i32
    %dma_wait3A_38 = tpu.memref_slice %arg2[%dma_wait3A_36, %dma_wait3A_37] : memref<10000x128xf32, #tpu.memory_space<hbm>> -> memref<10000x128xf32, #tpu.memory_space<hbm>>
    tpu.wait_indirect_dma semaphore(%arg19 : memref<!tpu.dma_semaphore, #tpu.memory_space<semaphore_mem>>) src(%dma_wait3A_38 : memref<10000x128xf32, #tpu.memory_space<hbm>>) dst(%arg15 : memref<128x128xf32, #tpu.memory_space<vmem>>)
    "tpu.region"() ({
      %run_scoped3A = tpu.sem_alloc : memref<!tpu.dma_semaphore, #tpu.memory_space<semaphore_mem>>
      %dma_start3A_51 = arith.constant 0 : i32
      %dma_start3A_52 = arith.constant 0 : i32
      %dma_start3A_53 = tpu.memref_slice %arg16[%dma_start3A_51, %dma_start3A_52] : memref<10000x128xf32, #tpu.memory_space<vmem_shared>> -> memref<10000x128xf32, #tpu.memory_space<vmem_shared>>
      tpu.enqueue_indirect_dma source(%arg15 : memref<128x128xf32, #tpu.memory_space<vmem>>) target(%dma_start3A_53 : memref<10000x128xf32, #tpu.memory_space<vmem_shared>>) offsets(%arg14 : memref<128xi32, #tpu.memory_space<vmem>>) semaphore(%run_scoped3A : memref<!tpu.dma_semaphore, #tpu.memory_space<semaphore_mem>>) {add = true}
      %dma_wait3A_54 = arith.constant 0 : i32
      %dma_wait3A_55 = arith.constant 0 : i32
      %dma_wait3A_56 = tpu.memref_slice %arg16[%dma_wait3A_54, %dma_wait3A_55] : memref<10000x128xf32, #tpu.memory_space<vmem_shared>> -> memref<10000x128xf32, #tpu.memory_space<vmem_shared>>
      tpu.wait_indirect_dma semaphore(%run_scoped3A : memref<!tpu.dma_semaphore, #tpu.memory_space<semaphore_mem>>) src(%arg15 : memref<128x128xf32, #tpu.memory_space<vmem>>) dst(%dma_wait3A_56 : memref<10000x128xf32, #tpu.memory_space<vmem_shared>>)
      tpu.yield
    }) : () -> ()
    %lt3A = arith.constant 4 : i32
    %lt3A_39 = arith.cmpi slt, %add3A, %lt3A : i32
    %convert_element_type3A_40 = arith.extui %lt3A_39 : i1 to i32
    %cond3A_41 = arith.constant 0 : i32
    %cond3A_42 = arith.cmpi ne, %convert_element_type3A_40, %cond3A_41 : i32
    scf.if %cond3A_42 {
      %add3A_51 = arith.constant 2496 : i32
      %add3A_52 = arith.addi %add3A_51, %add3A : i32
      %mul3A_53 = arith.constant 128 : i32
      %mul3A_54 = arith.muli %add3A_52, %mul3A_53 : i32
      "tpu.region"() ({
        %run_scoped3A = tpu.sem_alloc : memref<!tpu.dma_semaphore, #tpu.memory_space<semaphore_mem>>
        %dma_start3A_61 = tpu.memref_slice %arg3[%mul3A_54] : memref<320000xi32, #tpu.memory_space<hbm>> -> memref<128xi32, #tpu.memory_space<hbm>>
        %dma_start3A_62 = tpu.memref_slice %arg3[%mul3A_54] : memref<320000xi32, #tpu.memory_space<hbm>> -> memref<128xi32, #tpu.memory_space<hbm>>
        tpu.enqueue_dma source(%dma_start3A_62 : memref<128xi32, #tpu.memory_space<hbm>>) target(%arg7 : memref<128xi32, #tpu.memory_space<vmem>>) target_semaphore(%run_scoped3A : memref<!tpu.dma_semaphore, #tpu.memory_space<semaphore_mem>>)
        %dma_wait3A_63 = tpu.memref_slice %arg3[%mul3A_54] : memref<320000xi32, #tpu.memory_space<hbm>> -> memref<128xi32, #tpu.memory_space<hbm>>
        %dma_wait3A_64 = tpu.memref_slice %arg3[%mul3A_54] : memref<320000xi32, #tpu.memory_space<hbm>> -> memref<128xi32, #tpu.memory_space<hbm>>
        tpu.wait_dma2 semaphore(%run_scoped3A : memref<!tpu.dma_semaphore, #tpu.memory_space<semaphore_mem>>) src(%dma_wait3A_64 : memref<128xi32, #tpu.memory_space<hbm>>) dst(%arg7 : memref<128xi32, #tpu.memory_space<vmem>>)
        tpu.yield
      }) : () -> ()
      "tpu.region"() ({
        %run_scoped3A = tpu.sem_alloc : memref<!tpu.dma_semaphore, #tpu.memory_space<semaphore_mem>>
        %dma_start3A_61 = tpu.memref_slice %arg4[%mul3A_54] : memref<320000xi32, #tpu.memory_space<hbm>> -> memref<128xi32, #tpu.memory_space<hbm>>
        %dma_start3A_62 = tpu.memref_slice %arg4[%mul3A_54] : memref<320000xi32, #tpu.memory_space<hbm>> -> memref<128xi32, #tpu.memory_space<hbm>>
        tpu.enqueue_dma source(%dma_start3A_62 : memref<128xi32, #tpu.memory_space<hbm>>) target(%arg8 : memref<128xi32, #tpu.memory_space<vmem>>) target_semaphore(%run_scoped3A : memref<!tpu.dma_semaphore, #tpu.memory_space<semaphore_mem>>)
        %dma_wait3A_63 = tpu.memref_slice %arg4[%mul3A_54] : memref<320000xi32, #tpu.memory_space<hbm>> -> memref<128xi32, #tpu.memory_space<hbm>>
        %dma_wait3A_64 = tpu.memref_slice %arg4[%mul3A_54] : memref<320000xi32, #tpu.memory_space<hbm>> -> memref<128xi32, #tpu.memory_space<hbm>>
        tpu.wait_dma2 semaphore(%run_scoped3A : memref<!tpu.dma_semaphore, #tpu.memory_space<semaphore_mem>>) src(%dma_wait3A_64 : memref<128xi32, #tpu.memory_space<hbm>>) dst(%arg8 : memref<128xi32, #tpu.memory_space<vmem>>)
        tpu.yield
      }) : () -> ()
      %dma_start3A_55 = arith.constant 0 : i32
      %dma_start3A_56 = arith.constant 0 : i32
      %dma_start3A_57 = tpu.memref_slice %arg2[%dma_start3A_55, %dma_start3A_56] : memref<10000x128xf32, #tpu.memory_space<hbm>> -> memref<10000x128xf32, #tpu.memory_space<hbm>>
      tpu.enqueue_indirect_dma source(%dma_start3A_57 : memref<10000x128xf32, #tpu.memory_space<hbm>>) target(%arg9 : memref<128x128xf32, #tpu.memory_space<vmem>>) offsets(%arg7 : memref<128xi32, #tpu.memory_space<vmem>>) semaphore(%arg17 : memref<!tpu.dma_semaphore, #tpu.memory_space<semaphore_mem>>)
      %dma_wait3A_58 = arith.constant 0 : i32
      %dma_wait3A_59 = arith.constant 0 : i32
      %dma_wait3A_60 = tpu.memref_slice %arg2[%dma_wait3A_58, %dma_wait3A_59] : memref<10000x128xf32, #tpu.memory_space<hbm>> -> memref<10000x128xf32, #tpu.memory_space<hbm>>
      tpu.wait_indirect_dma semaphore(%arg17 : memref<!tpu.dma_semaphore, #tpu.memory_space<semaphore_mem>>) src(%dma_wait3A_60 : memref<10000x128xf32, #tpu.memory_space<hbm>>) dst(%arg9 : memref<128x128xf32, #tpu.memory_space<vmem>>)
      "tpu.region"() ({
        %run_scoped3A = tpu.sem_alloc : memref<!tpu.dma_semaphore, #tpu.memory_space<semaphore_mem>>
        %dma_start3A_61 = arith.constant 0 : i32
        %dma_start3A_62 = arith.constant 0 : i32
        %dma_start3A_63 = tpu.memref_slice %arg16[%dma_start3A_61, %dma_start3A_62] : memref<10000x128xf32, #tpu.memory_space<vmem_shared>> -> memref<10000x128xf32, #tpu.memory_space<vmem_shared>>
        tpu.enqueue_indirect_dma source(%arg9 : memref<128x128xf32, #tpu.memory_space<vmem>>) target(%dma_start3A_63 : memref<10000x128xf32, #tpu.memory_space<vmem_shared>>) offsets(%arg8 : memref<128xi32, #tpu.memory_space<vmem>>) semaphore(%run_scoped3A : memref<!tpu.dma_semaphore, #tpu.memory_space<semaphore_mem>>) {add = true}
        %dma_wait3A_64 = arith.constant 0 : i32
        %dma_wait3A_65 = arith.constant 0 : i32
        %dma_wait3A_66 = tpu.memref_slice %arg16[%dma_wait3A_64, %dma_wait3A_65] : memref<10000x128xf32, #tpu.memory_space<vmem_shared>> -> memref<10000x128xf32, #tpu.memory_space<vmem_shared>>
        tpu.wait_indirect_dma semaphore(%run_scoped3A : memref<!tpu.dma_semaphore, #tpu.memory_space<semaphore_mem>>) src(%arg9 : memref<128x128xf32, #tpu.memory_space<vmem>>) dst(%dma_wait3A_66 : memref<10000x128xf32, #tpu.memory_space<vmem_shared>>)
        tpu.yield
      }) : () -> ()
    } else {
    }
    %barrier3A_43 = arith.constant 0 : index
    tpu.barrier barrier_id(%barrier3A_43)
    %mul3A_44 = arith.constant 624 : i32
    %mul3A_45 = arith.muli %arg1, %mul3A_44 : i32
    "tpu.region"() ({
      %run_scoped3A = tpu.sem_alloc : memref<!tpu.dma_semaphore, #tpu.memory_space<semaphore_mem>>
      %dma_start3A_51 = arith.constant 0 : i32
      %dma_start3A_52 = arith.constant 0 : i32
      %dma_start3A_53 = tpu.memref_slice %arg6[%arg0, %dma_start3A_51, %dma_start3A_52] : memref<2x10000x128xf32, #tpu.memory_space<hbm>> -> memref<1x10000x128xf32, #tpu.memory_space<hbm>>
      %dma_start3A_54 = tpu.memref_squeeze %dma_start3A_53 : memref<1x10000x128xf32, #tpu.memory_space<hbm>> -> memref<10000x128xf32, #tpu.memory_space<hbm>>
      %dma_start3A_55 = arith.constant 0 : i32
      %dma_start3A_56 = tpu.memref_slice %dma_start3A_54[%mul3A_45, %dma_start3A_55] : memref<10000x128xf32, #tpu.memory_space<hbm>> -> memref<624x128xf32, #tpu.memory_space<hbm>>
      %dma_start3A_57 = arith.constant 0 : i32
      %dma_start3A_58 = tpu.memref_slice %arg16[%mul3A_45, %dma_start3A_57] : memref<10000x128xf32, #tpu.memory_space<vmem_shared>> -> memref<624x128xf32, #tpu.memory_space<vmem_shared>>
      tpu.enqueue_dma source(%dma_start3A_58 : memref<624x128xf32, #tpu.memory_space<vmem_shared>>) target(%dma_start3A_56 : memref<624x128xf32, #tpu.memory_space<hbm>>) target_semaphore(%run_scoped3A : memref<!tpu.dma_semaphore, #tpu.memory_space<semaphore_mem>>)
      %dma_wait3A_59 = arith.constant 0 : i32
      %dma_wait3A_60 = arith.constant 0 : i32
      %dma_wait3A_61 = tpu.memref_slice %arg6[%arg0, %dma_wait3A_59, %dma_wait3A_60] : memref<2x10000x128xf32, #tpu.memory_space<hbm>> -> memref<1x10000x128xf32, #tpu.memory_space<hbm>>
      %dma_wait3A_62 = tpu.memref_squeeze %dma_wait3A_61 : memref<1x10000x128xf32, #tpu.memory_space<hbm>> -> memref<10000x128xf32, #tpu.memory_space<hbm>>
      %dma_wait3A_63 = arith.constant 0 : i32
      %dma_wait3A_64 = tpu.memref_slice %dma_wait3A_62[%mul3A_45, %dma_wait3A_63] : memref<10000x128xf32, #tpu.memory_space<hbm>> -> memref<624x128xf32, #tpu.memory_space<hbm>>
      %dma_wait3A_65 = arith.constant 0 : i32
      %dma_wait3A_66 = tpu.memref_slice %arg16[%mul3A_45, %dma_wait3A_65] : memref<10000x128xf32, #tpu.memory_space<vmem_shared>> -> memref<624x128xf32, #tpu.memory_space<vmem_shared>>
      tpu.wait_dma2 semaphore(%run_scoped3A : memref<!tpu.dma_semaphore, #tpu.memory_space<semaphore_mem>>) src(%dma_wait3A_66 : memref<624x128xf32, #tpu.memory_space<vmem_shared>>) dst(%dma_wait3A_64 : memref<624x128xf32, #tpu.memory_space<hbm>>)
      tpu.yield
    }) : () -> ()
    %eq3A_46 = arith.constant 15 : i32
    %eq3A_47 = arith.cmpi eq, %arg1, %eq3A_46 : i32
    %convert_element_type3A_48 = arith.extui %eq3A_47 : i1 to i32
    %cond3A_49 = arith.constant 0 : i32
    %cond3A_50 = arith.cmpi ne, %convert_element_type3A_48, %cond3A_49 : i32
    scf.if %cond3A_50 {
      "tpu.region"() ({
        %run_scoped3A = tpu.sem_alloc : memref<!tpu.dma_semaphore, #tpu.memory_space<semaphore_mem>>
        %dma_start3A_51 = arith.constant 0 : i32
        %dma_start3A_52 = arith.constant 0 : i32
        %dma_start3A_53 = tpu.memref_slice %arg6[%arg0, %dma_start3A_51, %dma_start3A_52] : memref<2x10000x128xf32, #tpu.memory_space<hbm>> -> memref<1x10000x128xf32, #tpu.memory_space<hbm>>
        %dma_start3A_54 = tpu.memref_squeeze %dma_start3A_53 : memref<1x10000x128xf32, #tpu.memory_space<hbm>> -> memref<10000x128xf32, #tpu.memory_space<hbm>>
        %dma_start3A_55 = arith.constant 9984 : i32
        %dma_start3A_56 = arith.constant 0 : i32
        %dma_start3A_57 = tpu.memref_slice %dma_start3A_54[%dma_start3A_55, %dma_start3A_56] : memref<10000x128xf32, #tpu.memory_space<hbm>> -> memref<16x128xf32, #tpu.memory_space<hbm>>
        %dma_start3A_58 = arith.constant 9984 : i32
        %dma_start3A_59 = arith.constant 0 : i32
        %dma_start3A_60 = tpu.memref_slice %arg16[%dma_start3A_58, %dma_start3A_59] : memref<10000x128xf32, #tpu.memory_space<vmem_shared>> -> memref<16x128xf32, #tpu.memory_space<vmem_shared>>
        tpu.enqueue_dma source(%dma_start3A_60 : memref<16x128xf32, #tpu.memory_space<vmem_shared>>) target(%dma_start3A_57 : memref<16x128xf32, #tpu.memory_space<hbm>>) target_semaphore(%run_scoped3A : memref<!tpu.dma_semaphore, #tpu.memory_space<semaphore_mem>>)
        %dma_wait3A_61 = arith.constant 0 : i32
        %dma_wait3A_62 = arith.constant 0 : i32
        %dma_wait3A_63 = tpu.memref_slice %arg6[%arg0, %dma_wait3A_61, %dma_wait3A_62] : memref<2x10000x128xf32, #tpu.memory_space<hbm>> -> memref<1x10000x128xf32, #tpu.memory_space<hbm>>
        %dma_wait3A_64 = tpu.memref_squeeze %dma_wait3A_63 : memref<1x10000x128xf32, #tpu.memory_space<hbm>> -> memref<10000x128xf32, #tpu.memory_space<hbm>>
        %dma_wait3A_65 = arith.constant 9984 : i32
        %dma_wait3A_66 = arith.constant 0 : i32
        %dma_wait3A_67 = tpu.memref_slice %dma_wait3A_64[%dma_wait3A_65, %dma_wait3A_66] : memref<10000x128xf32, #tpu.memory_space<hbm>> -> memref<16x128xf32, #tpu.memory_space<hbm>>
        %dma_wait3A_68 = arith.constant 9984 : i32
        %dma_wait3A_69 = arith.constant 0 : i32
        %dma_wait3A_70 = tpu.memref_slice %arg16[%dma_wait3A_68, %dma_wait3A_69] : memref<10000x128xf32, #tpu.memory_space<vmem_shared>> -> memref<16x128xf32, #tpu.memory_space<vmem_shared>>
        tpu.wait_dma2 semaphore(%run_scoped3A : memref<!tpu.dma_semaphore, #tpu.memory_space<semaphore_mem>>) src(%dma_wait3A_70 : memref<16x128xf32, #tpu.memory_space<vmem_shared>>) dst(%dma_wait3A_67 : memref<16x128xf32, #tpu.memory_space<hbm>>)
        tpu.yield
      }) : () -> ()
    } else {
    }
    return
  }
}

#map = affine_map<(d0, d1) -> (0, 0)>
#map1 = affine_map<(d0, d1) -> (0)>
#map2 = affine_map<(d0, d1) -> (0, 0, 0)>
module attributes {stable_mosaic.version = 14 : i64} {
  func.func @_spmv_body(%arg0: i32, %arg1: i32, %arg2: memref<10000x128xf32, #tpu.memory_space<hbm>>, %arg3: memref<320000xi32, #tpu.memory_space<hbm>>, %arg4: memref<320000xi32, #tpu.memory_space<hbm>>, %arg5: memref<10000x128xf32, #tpu.memory_space<hbm>>, %arg6: memref<2x10000x128xf32, #tpu.memory_space<hbm>>, %arg7: memref<128xi32, #tpu.memory_space<vmem>>, %arg8: memref<128xi32, #tpu.memory_space<vmem>>, %arg9: memref<128x128xf32, #tpu.memory_space<vmem>>, %arg10: memref<128xi32, #tpu.memory_space<vmem>>, %arg11: memref<128xi32, #tpu.memory_space<vmem>>, %arg12: memref<128x128xf32, #tpu.memory_space<vmem>>, %arg13: memref<128xi32, #tpu.memory_space<vmem>>, %arg14: memref<128xi32, #tpu.memory_space<vmem>>, %arg15: memref<128x128xf32, #tpu.memory_space<vmem>>, %arg16: memref<10000x128xf32, #tpu.memory_space<vmem_shared>>, %arg17: memref<!tpu.dma_semaphore, #tpu.memory_space<semaphore_mem>>, %arg18: memref<!tpu.dma_semaphore, #tpu.memory_space<semaphore_mem>>, %arg19: memref<!tpu.dma_semaphore, #tpu.memory_space<semaphore_mem>>) attributes {dimension_semantics = [#tpu.dimension_semantics<core_parallel>, #tpu.dimension_semantics<subcore_parallel>], iteration_bounds = array<i64: 2, 16>, scalar_prefetch = 0 : i64, scratch_operands = 13 : i64, tpu.core_type = #tpu.core_type<sc_vector_subcore>, window_params = [{transform_indices = #map}, {transform_indices = #map1}, {transform_indices = #map1}, {transform_indices = #map}, {transform_indices = #map2}]} {
    %mul3A = arith.constant 16 : i32
    %mul3A_0 = arith.muli %arg0, %mul3A : i32
    %add3A = arith.addi %mul3A_0, %arg1 : i32
    %mul3A_1 = arith.constant 624 : i32
    %mul3A_2 = arith.muli %arg1, %mul3A_1 : i32
    "tpu.region"() ({
      %run_scoped3A = tpu.sem_alloc : memref<!tpu.dma_semaphore, #tpu.memory_space<semaphore_mem>>
      %dma_start3A_51 = arith.constant 0 : i32
      %dma_start3A_52 = tpu.memref_slice %arg16[%mul3A_2, %dma_start3A_51] : memref<10000x128xf32, #tpu.memory_space<vmem_shared>> -> memref<624x128xf32, #tpu.memory_space<vmem_shared>>
      %dma_start3A_53 = arith.constant 0 : i32
      %dma_start3A_54 = tpu.memref_slice %arg5[%mul3A_2, %dma_start3A_53] : memref<10000x128xf32, #tpu.memory_space<hbm>> -> memref<624x128xf32, #tpu.memory_space<hbm>>
      tpu.enqueue_dma source(%dma_start3A_54 : memref<624x128xf32, #tpu.memory_space<hbm>>) target(%dma_start3A_52 : memref<624x128xf32, #tpu.memory_space<vmem_shared>>) target_semaphore(%run_scoped3A : memref<!tpu.dma_semaphore, #tpu.memory_space<semaphore_mem>>)
      %dma_wait3A_55 = arith.constant 0 : i32
      %dma_wait3A_56 = tpu.memref_slice %arg16[%mul3A_2, %dma_wait3A_55] : memref<10000x128xf32, #tpu.memory_space<vmem_shared>> -> memref<624x128xf32, #tpu.memory_space<vmem_shared>>
      %dma_wait3A_57 = arith.constant 0 : i32
      %dma_wait3A_58 = tpu.memref_slice %arg5[%mul3A_2, %dma_wait3A_57] : memref<10000x128xf32, #tpu.memory_space<hbm>> -> memref<624x128xf32, #tpu.memory_space<hbm>>
      tpu.wait_dma2 semaphore(%run_scoped3A : memref<!tpu.dma_semaphore, #tpu.memory_space<semaphore_mem>>) src(%dma_wait3A_58 : memref<624x128xf32, #tpu.memory_space<hbm>>) dst(%dma_wait3A_56 : memref<624x128xf32, #tpu.memory_space<vmem_shared>>)
      tpu.yield
    }) : () -> ()
    %eq3A = arith.constant 15 : i32
    %eq3A_3 = arith.cmpi eq, %arg1, %eq3A : i32
    %convert_element_type3A = arith.extui %eq3A_3 : i1 to i32
    %cond3A = arith.constant 0 : i32
    %cond3A_4 = arith.cmpi ne, %convert_element_type3A, %cond3A : i32
    scf.if %cond3A_4 {
      "tpu.region"() ({
        %run_scoped3A = tpu.sem_alloc : memref<!tpu.dma_semaphore, #tpu.memory_space<semaphore_mem>>
        %dma_start3A_51 = arith.constant 9984 : i32
        %dma_start3A_52 = arith.constant 0 : i32
        %dma_start3A_53 = tpu.memref_slice %arg16[%dma_start3A_51, %dma_start3A_52] : memref<10000x128xf32, #tpu.memory_space<vmem_shared>> -> memref<16x128xf32, #tpu.memory_space<vmem_shared>>
        %dma_start3A_54 = arith.constant 9984 : i32
        %dma_start3A_55 = arith.constant 0 : i32
        %dma_start3A_56 = tpu.memref_slice %arg5[%dma_start3A_54, %dma_start3A_55] : memref<10000x128xf32, #tpu.memory_space<hbm>> -> memref<16x128xf32, #tpu.memory_space<hbm>>
        tpu.enqueue_dma source(%dma_start3A_56 : memref<16x128xf32, #tpu.memory_space<hbm>>) target(%dma_start3A_53 : memref<16x128xf32, #tpu.memory_space<vmem_shared>>) target_semaphore(%run_scoped3A : memref<!tpu.dma_semaphore, #tpu.memory_space<semaphore_mem>>)
        %dma_wait3A_57 = arith.constant 9984 : i32
        %dma_wait3A_58 = arith.constant 0 : i32
        %dma_wait3A_59 = tpu.memref_slice %arg16[%dma_wait3A_57, %dma_wait3A_58] : memref<10000x128xf32, #tpu.memory_space<vmem_shared>> -> memref<16x128xf32, #tpu.memory_space<vmem_shared>>
        %dma_wait3A_60 = arith.constant 9984 : i32
        %dma_wait3A_61 = arith.constant 0 : i32
        %dma_wait3A_62 = tpu.memref_slice %arg5[%dma_wait3A_60, %dma_wait3A_61] : memref<10000x128xf32, #tpu.memory_space<hbm>> -> memref<16x128xf32, #tpu.memory_space<hbm>>
        tpu.wait_dma2 semaphore(%run_scoped3A : memref<!tpu.dma_semaphore, #tpu.memory_space<semaphore_mem>>) src(%dma_wait3A_62 : memref<16x128xf32, #tpu.memory_space<hbm>>) dst(%dma_wait3A_59 : memref<16x128xf32, #tpu.memory_space<vmem_shared>>)
        tpu.yield
      }) : () -> ()
    } else {
    }
    %barrier3A = arith.constant 0 : index
    tpu.barrier barrier_id(%barrier3A)
    %mul3A_5 = arith.constant 78 : i32
    %mul3A_6 = arith.muli %add3A, %mul3A_5 : i32
    %mul3A_7 = arith.constant 128 : i32
    %mul3A_8 = arith.muli %mul3A_6, %mul3A_7 : i32
    "tpu.region"() ({
      %run_scoped3A = tpu.sem_alloc : memref<!tpu.dma_semaphore, #tpu.memory_space<semaphore_mem>>
      %dma_start3A_51 = tpu.memref_slice %arg3[%mul3A_8] : memref<320000xi32, #tpu.memory_space<hbm>> -> memref<128xi32, #tpu.memory_space<hbm>>
      %dma_start3A_52 = tpu.memref_slice %arg3[%mul3A_8] : memref<320000xi32, #tpu.memory_space<hbm>> -> memref<128xi32, #tpu.memory_space<hbm>>
      tpu.enqueue_dma source(%dma_start3A_52 : memref<128xi32, #tpu.memory_space<hbm>>) target(%arg7 : memref<128xi32, #tpu.memory_space<vmem>>) target_semaphore(%run_scoped3A : memref<!tpu.dma_semaphore, #tpu.memory_space<semaphore_mem>>)
      %dma_wait3A_53 = tpu.memref_slice %arg3[%mul3A_8] : memref<320000xi32, #tpu.memory_space<hbm>> -> memref<128xi32, #tpu.memory_space<hbm>>
      %dma_wait3A_54 = tpu.memref_slice %arg3[%mul3A_8] : memref<320000xi32, #tpu.memory_space<hbm>> -> memref<128xi32, #tpu.memory_space<hbm>>
      tpu.wait_dma2 semaphore(%run_scoped3A : memref<!tpu.dma_semaphore, #tpu.memory_space<semaphore_mem>>) src(%dma_wait3A_54 : memref<128xi32, #tpu.memory_space<hbm>>) dst(%arg7 : memref<128xi32, #tpu.memory_space<vmem>>)
      tpu.yield
    }) : () -> ()
    "tpu.region"() ({
      %run_scoped3A = tpu.sem_alloc : memref<!tpu.dma_semaphore, #tpu.memory_space<semaphore_mem>>
      %dma_start3A_51 = tpu.memref_slice %arg4[%mul3A_8] : memref<320000xi32, #tpu.memory_space<hbm>> -> memref<128xi32, #tpu.memory_space<hbm>>
      %dma_start3A_52 = tpu.memref_slice %arg4[%mul3A_8] : memref<320000xi32, #tpu.memory_space<hbm>> -> memref<128xi32, #tpu.memory_space<hbm>>
      tpu.enqueue_dma source(%dma_start3A_52 : memref<128xi32, #tpu.memory_space<hbm>>) target(%arg8 : memref<128xi32, #tpu.memory_space<vmem>>) target_semaphore(%run_scoped3A : memref<!tpu.dma_semaphore, #tpu.memory_space<semaphore_mem>>)
      %dma_wait3A_53 = tpu.memref_slice %arg4[%mul3A_8] : memref<320000xi32, #tpu.memory_space<hbm>> -> memref<128xi32, #tpu.memory_space<hbm>>
      %dma_wait3A_54 = tpu.memref_slice %arg4[%mul3A_8] : memref<320000xi32, #tpu.memory_space<hbm>> -> memref<128xi32, #tpu.memory_space<hbm>>
      tpu.wait_dma2 semaphore(%run_scoped3A : memref<!tpu.dma_semaphore, #tpu.memory_space<semaphore_mem>>) src(%dma_wait3A_54 : memref<128xi32, #tpu.memory_space<hbm>>) dst(%arg8 : memref<128xi32, #tpu.memory_space<vmem>>)
      tpu.yield
    }) : () -> ()
    %dma_start3A = arith.constant 0 : i32
    %dma_start3A_9 = arith.constant 0 : i32
    %dma_start3A_10 = tpu.memref_slice %arg2[%dma_start3A, %dma_start3A_9] : memref<10000x128xf32, #tpu.memory_space<hbm>> -> memref<10000x128xf32, #tpu.memory_space<hbm>>
    tpu.enqueue_indirect_dma source(%dma_start3A_10 : memref<10000x128xf32, #tpu.memory_space<hbm>>) target(%arg9 : memref<128x128xf32, #tpu.memory_space<vmem>>) offsets(%arg7 : memref<128xi32, #tpu.memory_space<vmem>>) semaphore(%arg17 : memref<!tpu.dma_semaphore, #tpu.memory_space<semaphore_mem>>)
    %add3A_11 = arith.constant 1 : i32
    %add3A_12 = arith.addi %mul3A_6, %add3A_11 : i32
    %mul3A_13 = arith.constant 128 : i32
    %mul3A_14 = arith.muli %add3A_12, %mul3A_13 : i32
    "tpu.region"() ({
      %run_scoped3A = tpu.sem_alloc : memref<!tpu.dma_semaphore, #tpu.memory_space<semaphore_mem>>
      %dma_start3A_51 = tpu.memref_slice %arg3[%mul3A_14] : memref<320000xi32, #tpu.memory_space<hbm>> -> memref<128xi32, #tpu.memory_space<hbm>>
      %dma_start3A_52 = tpu.memref_slice %arg3[%mul3A_14] : memref<320000xi32, #tpu.memory_space<hbm>> -> memref<128xi32, #tpu.memory_space<hbm>>
      tpu.enqueue_dma source(%dma_start3A_52 : memref<128xi32, #tpu.memory_space<hbm>>) target(%arg10 : memref<128xi32, #tpu.memory_space<vmem>>) target_semaphore(%run_scoped3A : memref<!tpu.dma_semaphore, #tpu.memory_space<semaphore_mem>>)
      %dma_wait3A_53 = tpu.memref_slice %arg3[%mul3A_14] : memref<320000xi32, #tpu.memory_space<hbm>> -> memref<128xi32, #tpu.memory_space<hbm>>
      %dma_wait3A_54 = tpu.memref_slice %arg3[%mul3A_14] : memref<320000xi32, #tpu.memory_space<hbm>> -> memref<128xi32, #tpu.memory_space<hbm>>
      tpu.wait_dma2 semaphore(%run_scoped3A : memref<!tpu.dma_semaphore, #tpu.memory_space<semaphore_mem>>) src(%dma_wait3A_54 : memref<128xi32, #tpu.memory_space<hbm>>) dst(%arg10 : memref<128xi32, #tpu.memory_space<vmem>>)
      tpu.yield
    }) : () -> ()
    "tpu.region"() ({
      %run_scoped3A = tpu.sem_alloc : memref<!tpu.dma_semaphore, #tpu.memory_space<semaphore_mem>>
      %dma_start3A_51 = tpu.memref_slice %arg4[%mul3A_14] : memref<320000xi32, #tpu.memory_space<hbm>> -> memref<128xi32, #tpu.memory_space<hbm>>
      %dma_start3A_52 = tpu.memref_slice %arg4[%mul3A_14] : memref<320000xi32, #tpu.memory_space<hbm>> -> memref<128xi32, #tpu.memory_space<hbm>>
      tpu.enqueue_dma source(%dma_start3A_52 : memref<128xi32, #tpu.memory_space<hbm>>) target(%arg11 : memref<128xi32, #tpu.memory_space<vmem>>) target_semaphore(%run_scoped3A : memref<!tpu.dma_semaphore, #tpu.memory_space<semaphore_mem>>)
      %dma_wait3A_53 = tpu.memref_slice %arg4[%mul3A_14] : memref<320000xi32, #tpu.memory_space<hbm>> -> memref<128xi32, #tpu.memory_space<hbm>>
      %dma_wait3A_54 = tpu.memref_slice %arg4[%mul3A_14] : memref<320000xi32, #tpu.memory_space<hbm>> -> memref<128xi32, #tpu.memory_space<hbm>>
      tpu.wait_dma2 semaphore(%run_scoped3A : memref<!tpu.dma_semaphore, #tpu.memory_space<semaphore_mem>>) src(%dma_wait3A_54 : memref<128xi32, #tpu.memory_space<hbm>>) dst(%arg11 : memref<128xi32, #tpu.memory_space<vmem>>)
      tpu.yield
    }) : () -> ()
    %dma_start3A_15 = arith.constant 0 : i32
    %dma_start3A_16 = arith.constant 0 : i32
    %dma_start3A_17 = tpu.memref_slice %arg2[%dma_start3A_15, %dma_start3A_16] : memref<10000x128xf32, #tpu.memory_space<hbm>> -> memref<10000x128xf32, #tpu.memory_space<hbm>>
    tpu.enqueue_indirect_dma source(%dma_start3A_17 : memref<10000x128xf32, #tpu.memory_space<hbm>>) target(%arg12 : memref<128x128xf32, #tpu.memory_space<vmem>>) offsets(%arg10 : memref<128xi32, #tpu.memory_space<vmem>>) semaphore(%arg18 : memref<!tpu.dma_semaphore, #tpu.memory_space<semaphore_mem>>)
    %add3A_18 = arith.constant 2 : i32
    %add3A_19 = arith.addi %mul3A_6, %add3A_18 : i32
    %mul3A_20 = arith.constant 128 : i32
    %mul3A_21 = arith.muli %add3A_19, %mul3A_20 : i32
    "tpu.region"() ({
      %run_scoped3A = tpu.sem_alloc : memref<!tpu.dma_semaphore, #tpu.memory_space<semaphore_mem>>
      %dma_start3A_51 = tpu.memref_slice %arg3[%mul3A_21] : memref<320000xi32, #tpu.memory_space<hbm>> -> memref<128xi32, #tpu.memory_space<hbm>>
      %dma_start3A_52 = tpu.memref_slice %arg3[%mul3A_21] : memref<320000xi32, #tpu.memory_space<hbm>> -> memref<128xi32, #tpu.memory_space<hbm>>
      tpu.enqueue_dma source(%dma_start3A_52 : memref<128xi32, #tpu.memory_space<hbm>>) target(%arg13 : memref<128xi32, #tpu.memory_space<vmem>>) target_semaphore(%run_scoped3A : memref<!tpu.dma_semaphore, #tpu.memory_space<semaphore_mem>>)
      %dma_wait3A_53 = tpu.memref_slice %arg3[%mul3A_21] : memref<320000xi32, #tpu.memory_space<hbm>> -> memref<128xi32, #tpu.memory_space<hbm>>
      %dma_wait3A_54 = tpu.memref_slice %arg3[%mul3A_21] : memref<320000xi32, #tpu.memory_space<hbm>> -> memref<128xi32, #tpu.memory_space<hbm>>
      tpu.wait_dma2 semaphore(%run_scoped3A : memref<!tpu.dma_semaphore, #tpu.memory_space<semaphore_mem>>) src(%dma_wait3A_54 : memref<128xi32, #tpu.memory_space<hbm>>) dst(%arg13 : memref<128xi32, #tpu.memory_space<vmem>>)
      tpu.yield
    }) : () -> ()
    "tpu.region"() ({
      %run_scoped3A = tpu.sem_alloc : memref<!tpu.dma_semaphore, #tpu.memory_space<semaphore_mem>>
      %dma_start3A_51 = tpu.memref_slice %arg4[%mul3A_21] : memref<320000xi32, #tpu.memory_space<hbm>> -> memref<128xi32, #tpu.memory_space<hbm>>
      %dma_start3A_52 = tpu.memref_slice %arg4[%mul3A_21] : memref<320000xi32, #tpu.memory_space<hbm>> -> memref<128xi32, #tpu.memory_space<hbm>>
      tpu.enqueue_dma source(%dma_start3A_52 : memref<128xi32, #tpu.memory_space<hbm>>) target(%arg14 : memref<128xi32, #tpu.memory_space<vmem>>) target_semaphore(%run_scoped3A : memref<!tpu.dma_semaphore, #tpu.memory_space<semaphore_mem>>)
      %dma_wait3A_53 = tpu.memref_slice %arg4[%mul3A_21] : memref<320000xi32, #tpu.memory_space<hbm>> -> memref<128xi32, #tpu.memory_space<hbm>>
      %dma_wait3A_54 = tpu.memref_slice %arg4[%mul3A_21] : memref<320000xi32, #tpu.memory_space<hbm>> -> memref<128xi32, #tpu.memory_space<hbm>>
      tpu.wait_dma2 semaphore(%run_scoped3A : memref<!tpu.dma_semaphore, #tpu.memory_space<semaphore_mem>>) src(%dma_wait3A_54 : memref<128xi32, #tpu.memory_space<hbm>>) dst(%arg14 : memref<128xi32, #tpu.memory_space<vmem>>)
      tpu.yield
    }) : () -> ()
    %dma_start3A_22 = arith.constant 0 : i32
    %dma_start3A_23 = arith.constant 0 : i32
    %dma_start3A_24 = tpu.memref_slice %arg2[%dma_start3A_22, %dma_start3A_23] : memref<10000x128xf32, #tpu.memory_space<hbm>> -> memref<10000x128xf32, #tpu.memory_space<hbm>>
    tpu.enqueue_indirect_dma source(%dma_start3A_24 : memref<10000x128xf32, #tpu.memory_space<hbm>>) target(%arg15 : memref<128x128xf32, #tpu.memory_space<vmem>>) offsets(%arg13 : memref<128xi32, #tpu.memory_space<vmem>>) semaphore(%arg19 : memref<!tpu.dma_semaphore, #tpu.memory_space<semaphore_mem>>)
    %scan3A = arith.constant 0 : i32
    %scan3A_25 = arith.constant 0 : i32
    %scan3A_26 = arith.constant 25 : i32
    %scan3A_27 = arith.addi %scan3A_25, %scan3A_26 : i32
    %scan3A_28 = arith.constant 1 : i32
    %scan3A_29 = scf.for %scan3A_51 = %scan3A_25 to %scan3A_27 step %scan3A_28 iter_args(%scan3A_52 = %scan3A) -> (i32)  : i32 {
      %mul3A_53 = arith.constant 3 : i32
      %mul3A_54 = arith.muli %mul3A_53, %scan3A_51 : i32
      %add3A_55 = arith.addi %mul3A_6, %mul3A_54 : i32
      %dma_wait3A_56 = arith.constant 0 : i32
      %dma_wait3A_57 = arith.constant 0 : i32
      %dma_wait3A_58 = tpu.memref_slice %arg2[%dma_wait3A_56, %dma_wait3A_57] : memref<10000x128xf32, #tpu.memory_space<hbm>> -> memref<10000x128xf32, #tpu.memory_space<hbm>>
      tpu.wait_indirect_dma semaphore(%arg17 : memref<!tpu.dma_semaphore, #tpu.memory_space<semaphore_mem>>) src(%dma_wait3A_58 : memref<10000x128xf32, #tpu.memory_space<hbm>>) dst(%arg9 : memref<128x128xf32, #tpu.memory_space<vmem>>)
      "tpu.region"() ({
        %run_scoped3A = tpu.sem_alloc : memref<!tpu.dma_semaphore, #tpu.memory_space<semaphore_mem>>
        %dma_start3A_87 = arith.constant 0 : i32
        %dma_start3A_88 = arith.constant 0 : i32
        %dma_start3A_89 = tpu.memref_slice %arg16[%dma_start3A_87, %dma_start3A_88] : memref<10000x128xf32, #tpu.memory_space<vmem_shared>> -> memref<10000x128xf32, #tpu.memory_space<vmem_shared>>
        tpu.enqueue_indirect_dma source(%arg9 : memref<128x128xf32, #tpu.memory_space<vmem>>) target(%dma_start3A_89 : memref<10000x128xf32, #tpu.memory_space<vmem_shared>>) offsets(%arg8 : memref<128xi32, #tpu.memory_space<vmem>>) semaphore(%run_scoped3A : memref<!tpu.dma_semaphore, #tpu.memory_space<semaphore_mem>>) {add = true}
        %dma_wait3A_90 = arith.constant 0 : i32
        %dma_wait3A_91 = arith.constant 0 : i32
        %dma_wait3A_92 = tpu.memref_slice %arg16[%dma_wait3A_90, %dma_wait3A_91] : memref<10000x128xf32, #tpu.memory_space<vmem_shared>> -> memref<10000x128xf32, #tpu.memory_space<vmem_shared>>
        tpu.wait_indirect_dma semaphore(%run_scoped3A : memref<!tpu.dma_semaphore, #tpu.memory_space<semaphore_mem>>) src(%arg9 : memref<128x128xf32, #tpu.memory_space<vmem>>) dst(%dma_wait3A_92 : memref<10000x128xf32, #tpu.memory_space<vmem_shared>>)
        tpu.yield
      }) : () -> ()
      %add3A_59 = arith.constant 3 : i32
      %add3A_60 = arith.addi %add3A_55, %add3A_59 : i32
      %mul3A_61 = arith.constant 128 : i32
      %mul3A_62 = arith.muli %add3A_60, %mul3A_61 : i32
      "tpu.region"() ({
        %run_scoped3A = tpu.sem_alloc : memref<!tpu.dma_semaphore, #tpu.memory_space<semaphore_mem>>
        %dma_start3A_87 = tpu.memref_slice %arg3[%mul3A_62] : memref<320000xi32, #tpu.memory_space<hbm>> -> memref<128xi32, #tpu.memory_space<hbm>>
        %dma_start3A_88 = tpu.memref_slice %arg3[%mul3A_62] : memref<320000xi32, #tpu.memory_space<hbm>> -> memref<128xi32, #tpu.memory_space<hbm>>
        tpu.enqueue_dma source(%dma_start3A_88 : memref<128xi32, #tpu.memory_space<hbm>>) target(%arg7 : memref<128xi32, #tpu.memory_space<vmem>>) target_semaphore(%run_scoped3A : memref<!tpu.dma_semaphore, #tpu.memory_space<semaphore_mem>>)
        %dma_wait3A_89 = tpu.memref_slice %arg3[%mul3A_62] : memref<320000xi32, #tpu.memory_space<hbm>> -> memref<128xi32, #tpu.memory_space<hbm>>
        %dma_wait3A_90 = tpu.memref_slice %arg3[%mul3A_62] : memref<320000xi32, #tpu.memory_space<hbm>> -> memref<128xi32, #tpu.memory_space<hbm>>
        tpu.wait_dma2 semaphore(%run_scoped3A : memref<!tpu.dma_semaphore, #tpu.memory_space<semaphore_mem>>) src(%dma_wait3A_90 : memref<128xi32, #tpu.memory_space<hbm>>) dst(%arg7 : memref<128xi32, #tpu.memory_space<vmem>>)
        tpu.yield
      }) : () -> ()
      "tpu.region"() ({
        %run_scoped3A = tpu.sem_alloc : memref<!tpu.dma_semaphore, #tpu.memory_space<semaphore_mem>>
        %dma_start3A_87 = tpu.memref_slice %arg4[%mul3A_62] : memref<320000xi32, #tpu.memory_space<hbm>> -> memref<128xi32, #tpu.memory_space<hbm>>
        %dma_start3A_88 = tpu.memref_slice %arg4[%mul3A_62] : memref<320000xi32, #tpu.memory_space<hbm>> -> memref<128xi32, #tpu.memory_space<hbm>>
        tpu.enqueue_dma source(%dma_start3A_88 : memref<128xi32, #tpu.memory_space<hbm>>) target(%arg8 : memref<128xi32, #tpu.memory_space<vmem>>) target_semaphore(%run_scoped3A : memref<!tpu.dma_semaphore, #tpu.memory_space<semaphore_mem>>)
        %dma_wait3A_89 = tpu.memref_slice %arg4[%mul3A_62] : memref<320000xi32, #tpu.memory_space<hbm>> -> memref<128xi32, #tpu.memory_space<hbm>>
        %dma_wait3A_90 = tpu.memref_slice %arg4[%mul3A_62] : memref<320000xi32, #tpu.memory_space<hbm>> -> memref<128xi32, #tpu.memory_space<hbm>>
        tpu.wait_dma2 semaphore(%run_scoped3A : memref<!tpu.dma_semaphore, #tpu.memory_space<semaphore_mem>>) src(%dma_wait3A_90 : memref<128xi32, #tpu.memory_space<hbm>>) dst(%arg8 : memref<128xi32, #tpu.memory_space<vmem>>)
        tpu.yield
      }) : () -> ()
      %dma_start3A_63 = arith.constant 0 : i32
      %dma_start3A_64 = arith.constant 0 : i32
      %dma_start3A_65 = tpu.memref_slice %arg2[%dma_start3A_63, %dma_start3A_64] : memref<10000x128xf32, #tpu.memory_space<hbm>> -> memref<10000x128xf32, #tpu.memory_space<hbm>>
      tpu.enqueue_indirect_dma source(%dma_start3A_65 : memref<10000x128xf32, #tpu.memory_space<hbm>>) target(%arg9 : memref<128x128xf32, #tpu.memory_space<vmem>>) offsets(%arg7 : memref<128xi32, #tpu.memory_space<vmem>>) semaphore(%arg17 : memref<!tpu.dma_semaphore, #tpu.memory_space<semaphore_mem>>)
      %dma_wait3A_66 = arith.constant 0 : i32
      %dma_wait3A_67 = arith.constant 0 : i32
      %dma_wait3A_68 = tpu.memref_slice %arg2[%dma_wait3A_66, %dma_wait3A_67] : memref<10000x128xf32, #tpu.memory_space<hbm>> -> memref<10000x128xf32, #tpu.memory_space<hbm>>
      tpu.wait_indirect_dma semaphore(%arg18 : memref<!tpu.dma_semaphore, #tpu.memory_space<semaphore_mem>>) src(%dma_wait3A_68 : memref<10000x128xf32, #tpu.memory_space<hbm>>) dst(%arg12 : memref<128x128xf32, #tpu.memory_space<vmem>>)
      "tpu.region"() ({
        %run_scoped3A = tpu.sem_alloc : memref<!tpu.dma_semaphore, #tpu.memory_space<semaphore_mem>>
        %dma_start3A_87 = arith.constant 0 : i32
        %dma_start3A_88 = arith.constant 0 : i32
        %dma_start3A_89 = tpu.memref_slice %arg16[%dma_start3A_87, %dma_start3A_88] : memref<10000x128xf32, #tpu.memory_space<vmem_shared>> -> memref<10000x128xf32, #tpu.memory_space<vmem_shared>>
        tpu.enqueue_indirect_dma source(%arg12 : memref<128x128xf32, #tpu.memory_space<vmem>>) target(%dma_start3A_89 : memref<10000x128xf32, #tpu.memory_space<vmem_shared>>) offsets(%arg11 : memref<128xi32, #tpu.memory_space<vmem>>) semaphore(%run_scoped3A : memref<!tpu.dma_semaphore, #tpu.memory_space<semaphore_mem>>) {add = true}
        %dma_wait3A_90 = arith.constant 0 : i32
        %dma_wait3A_91 = arith.constant 0 : i32
        %dma_wait3A_92 = tpu.memref_slice %arg16[%dma_wait3A_90, %dma_wait3A_91] : memref<10000x128xf32, #tpu.memory_space<vmem_shared>> -> memref<10000x128xf32, #tpu.memory_space<vmem_shared>>
        tpu.wait_indirect_dma semaphore(%run_scoped3A : memref<!tpu.dma_semaphore, #tpu.memory_space<semaphore_mem>>) src(%arg12 : memref<128x128xf32, #tpu.memory_space<vmem>>) dst(%dma_wait3A_92 : memref<10000x128xf32, #tpu.memory_space<vmem_shared>>)
        tpu.yield
      }) : () -> ()
      %add3A_69 = arith.constant 4 : i32
      %add3A_70 = arith.addi %add3A_55, %add3A_69 : i32
      %mul3A_71 = arith.constant 128 : i32
      %mul3A_72 = arith.muli %add3A_70, %mul3A_71 : i32
      "tpu.region"() ({
        %run_scoped3A = tpu.sem_alloc : memref<!tpu.dma_semaphore, #tpu.memory_space<semaphore_mem>>
        %dma_start3A_87 = tpu.memref_slice %arg3[%mul3A_72] : memref<320000xi32, #tpu.memory_space<hbm>> -> memref<128xi32, #tpu.memory_space<hbm>>
        %dma_start3A_88 = tpu.memref_slice %arg3[%mul3A_72] : memref<320000xi32, #tpu.memory_space<hbm>> -> memref<128xi32, #tpu.memory_space<hbm>>
        tpu.enqueue_dma source(%dma_start3A_88 : memref<128xi32, #tpu.memory_space<hbm>>) target(%arg10 : memref<128xi32, #tpu.memory_space<vmem>>) target_semaphore(%run_scoped3A : memref<!tpu.dma_semaphore, #tpu.memory_space<semaphore_mem>>)
        %dma_wait3A_89 = tpu.memref_slice %arg3[%mul3A_72] : memref<320000xi32, #tpu.memory_space<hbm>> -> memref<128xi32, #tpu.memory_space<hbm>>
        %dma_wait3A_90 = tpu.memref_slice %arg3[%mul3A_72] : memref<320000xi32, #tpu.memory_space<hbm>> -> memref<128xi32, #tpu.memory_space<hbm>>
        tpu.wait_dma2 semaphore(%run_scoped3A : memref<!tpu.dma_semaphore, #tpu.memory_space<semaphore_mem>>) src(%dma_wait3A_90 : memref<128xi32, #tpu.memory_space<hbm>>) dst(%arg10 : memref<128xi32, #tpu.memory_space<vmem>>)
        tpu.yield
      }) : () -> ()
      "tpu.region"() ({
        %run_scoped3A = tpu.sem_alloc : memref<!tpu.dma_semaphore, #tpu.memory_space<semaphore_mem>>
        %dma_start3A_87 = tpu.memref_slice %arg4[%mul3A_72] : memref<320000xi32, #tpu.memory_space<hbm>> -> memref<128xi32, #tpu.memory_space<hbm>>
        %dma_start3A_88 = tpu.memref_slice %arg4[%mul3A_72] : memref<320000xi32, #tpu.memory_space<hbm>> -> memref<128xi32, #tpu.memory_space<hbm>>
        tpu.enqueue_dma source(%dma_start3A_88 : memref<128xi32, #tpu.memory_space<hbm>>) target(%arg11 : memref<128xi32, #tpu.memory_space<vmem>>) target_semaphore(%run_scoped3A : memref<!tpu.dma_semaphore, #tpu.memory_space<semaphore_mem>>)
        %dma_wait3A_89 = tpu.memref_slice %arg4[%mul3A_72] : memref<320000xi32, #tpu.memory_space<hbm>> -> memref<128xi32, #tpu.memory_space<hbm>>
        %dma_wait3A_90 = tpu.memref_slice %arg4[%mul3A_72] : memref<320000xi32, #tpu.memory_space<hbm>> -> memref<128xi32, #tpu.memory_space<hbm>>
        tpu.wait_dma2 semaphore(%run_scoped3A : memref<!tpu.dma_semaphore, #tpu.memory_space<semaphore_mem>>) src(%dma_wait3A_90 : memref<128xi32, #tpu.memory_space<hbm>>) dst(%arg11 : memref<128xi32, #tpu.memory_space<vmem>>)
        tpu.yield
      }) : () -> ()
      %dma_start3A_73 = arith.constant 0 : i32
      %dma_start3A_74 = arith.constant 0 : i32
      %dma_start3A_75 = tpu.memref_slice %arg2[%dma_start3A_73, %dma_start3A_74] : memref<10000x128xf32, #tpu.memory_space<hbm>> -> memref<10000x128xf32, #tpu.memory_space<hbm>>
      tpu.enqueue_indirect_dma source(%dma_start3A_75 : memref<10000x128xf32, #tpu.memory_space<hbm>>) target(%arg12 : memref<128x128xf32, #tpu.memory_space<vmem>>) offsets(%arg10 : memref<128xi32, #tpu.memory_space<vmem>>) semaphore(%arg18 : memref<!tpu.dma_semaphore, #tpu.memory_space<semaphore_mem>>)
      %dma_wait3A_76 = arith.constant 0 : i32
      %dma_wait3A_77 = arith.constant 0 : i32
      %dma_wait3A_78 = tpu.memref_slice %arg2[%dma_wait3A_76, %dma_wait3A_77] : memref<10000x128xf32, #tpu.memory_space<hbm>> -> memref<10000x128xf32, #tpu.memory_space<hbm>>
      tpu.wait_indirect_dma semaphore(%arg19 : memref<!tpu.dma_semaphore, #tpu.memory_space<semaphore_mem>>) src(%dma_wait3A_78 : memref<10000x128xf32, #tpu.memory_space<hbm>>) dst(%arg15 : memref<128x128xf32, #tpu.memory_space<vmem>>)
      "tpu.region"() ({
        %run_scoped3A = tpu.sem_alloc : memref<!tpu.dma_semaphore, #tpu.memory_space<semaphore_mem>>
        %dma_start3A_87 = arith.constant 0 : i32
        %dma_start3A_88 = arith.constant 0 : i32
        %dma_start3A_89 = tpu.memref_slice %arg16[%dma_start3A_87, %dma_start3A_88] : memref<10000x128xf32, #tpu.memory_space<vmem_shared>> -> memref<10000x128xf32, #tpu.memory_space<vmem_shared>>
        tpu.enqueue_indirect_dma source(%arg15 : memref<128x128xf32, #tpu.memory_space<vmem>>) target(%dma_start3A_89 : memref<10000x128xf32, #tpu.memory_space<vmem_shared>>) offsets(%arg14 : memref<128xi32, #tpu.memory_space<vmem>>) semaphore(%run_scoped3A : memref<!tpu.dma_semaphore, #tpu.memory_space<semaphore_mem>>) {add = true}
        %dma_wait3A_90 = arith.constant 0 : i32
        %dma_wait3A_91 = arith.constant 0 : i32
        %dma_wait3A_92 = tpu.memref_slice %arg16[%dma_wait3A_90, %dma_wait3A_91] : memref<10000x128xf32, #tpu.memory_space<vmem_shared>> -> memref<10000x128xf32, #tpu.memory_space<vmem_shared>>
        tpu.wait_indirect_dma semaphore(%run_scoped3A : memref<!tpu.dma_semaphore, #tpu.memory_space<semaphore_mem>>) src(%arg15 : memref<128x128xf32, #tpu.memory_space<vmem>>) dst(%dma_wait3A_92 : memref<10000x128xf32, #tpu.memory_space<vmem_shared>>)
        tpu.yield
      }) : () -> ()
      %add3A_79 = arith.constant 5 : i32
      %add3A_80 = arith.addi %add3A_55, %add3A_79 : i32
      %mul3A_81 = arith.constant 128 : i32
      %mul3A_82 = arith.muli %add3A_80, %mul3A_81 : i32
      "tpu.region"() ({
        %run_scoped3A = tpu.sem_alloc : memref<!tpu.dma_semaphore, #tpu.memory_space<semaphore_mem>>
        %dma_start3A_87 = tpu.memref_slice %arg3[%mul3A_82] : memref<320000xi32, #tpu.memory_space<hbm>> -> memref<128xi32, #tpu.memory_space<hbm>>
        %dma_start3A_88 = tpu.memref_slice %arg3[%mul3A_82] : memref<320000xi32, #tpu.memory_space<hbm>> -> memref<128xi32, #tpu.memory_space<hbm>>
        tpu.enqueue_dma source(%dma_start3A_88 : memref<128xi32, #tpu.memory_space<hbm>>) target(%arg13 : memref<128xi32, #tpu.memory_space<vmem>>) target_semaphore(%run_scoped3A : memref<!tpu.dma_semaphore, #tpu.memory_space<semaphore_mem>>)
        %dma_wait3A_89 = tpu.memref_slice %arg3[%mul3A_82] : memref<320000xi32, #tpu.memory_space<hbm>> -> memref<128xi32, #tpu.memory_space<hbm>>
        %dma_wait3A_90 = tpu.memref_slice %arg3[%mul3A_82] : memref<320000xi32, #tpu.memory_space<hbm>> -> memref<128xi32, #tpu.memory_space<hbm>>
        tpu.wait_dma2 semaphore(%run_scoped3A : memref<!tpu.dma_semaphore, #tpu.memory_space<semaphore_mem>>) src(%dma_wait3A_90 : memref<128xi32, #tpu.memory_space<hbm>>) dst(%arg13 : memref<128xi32, #tpu.memory_space<vmem>>)
        tpu.yield
      }) : () -> ()
      "tpu.region"() ({
        %run_scoped3A = tpu.sem_alloc : memref<!tpu.dma_semaphore, #tpu.memory_space<semaphore_mem>>
        %dma_start3A_87 = tpu.memref_slice %arg4[%mul3A_82] : memref<320000xi32, #tpu.memory_space<hbm>> -> memref<128xi32, #tpu.memory_space<hbm>>
        %dma_start3A_88 = tpu.memref_slice %arg4[%mul3A_82] : memref<320000xi32, #tpu.memory_space<hbm>> -> memref<128xi32, #tpu.memory_space<hbm>>
        tpu.enqueue_dma source(%dma_start3A_88 : memref<128xi32, #tpu.memory_space<hbm>>) target(%arg14 : memref<128xi32, #tpu.memory_space<vmem>>) target_semaphore(%run_scoped3A : memref<!tpu.dma_semaphore, #tpu.memory_space<semaphore_mem>>)
        %dma_wait3A_89 = tpu.memref_slice %arg4[%mul3A_82] : memref<320000xi32, #tpu.memory_space<hbm>> -> memref<128xi32, #tpu.memory_space<hbm>>
        %dma_wait3A_90 = tpu.memref_slice %arg4[%mul3A_82] : memref<320000xi32, #tpu.memory_space<hbm>> -> memref<128xi32, #tpu.memory_space<hbm>>
        tpu.wait_dma2 semaphore(%run_scoped3A : memref<!tpu.dma_semaphore, #tpu.memory_space<semaphore_mem>>) src(%dma_wait3A_90 : memref<128xi32, #tpu.memory_space<hbm>>) dst(%arg14 : memref<128xi32, #tpu.memory_space<vmem>>)
        tpu.yield
      }) : () -> ()
      %dma_start3A_83 = arith.constant 0 : i32
      %dma_start3A_84 = arith.constant 0 : i32
      %dma_start3A_85 = tpu.memref_slice %arg2[%dma_start3A_83, %dma_start3A_84] : memref<10000x128xf32, #tpu.memory_space<hbm>> -> memref<10000x128xf32, #tpu.memory_space<hbm>>
      tpu.enqueue_indirect_dma source(%dma_start3A_85 : memref<10000x128xf32, #tpu.memory_space<hbm>>) target(%arg15 : memref<128x128xf32, #tpu.memory_space<vmem>>) offsets(%arg13 : memref<128xi32, #tpu.memory_space<vmem>>) semaphore(%arg19 : memref<!tpu.dma_semaphore, #tpu.memory_space<semaphore_mem>>)
      %scan3A_86 = arith.constant 0 : i32
      scf.yield %scan3A_86 : i32
    }
    %scan3A_30 = arith.constant 25 : i32
    %dma_wait3A = arith.constant 0 : i32
    %dma_wait3A_31 = arith.constant 0 : i32
    %dma_wait3A_32 = tpu.memref_slice %arg2[%dma_wait3A, %dma_wait3A_31] : memref<10000x128xf32, #tpu.memory_space<hbm>> -> memref<10000x128xf32, #tpu.memory_space<hbm>>
    tpu.wait_indirect_dma semaphore(%arg17 : memref<!tpu.dma_semaphore, #tpu.memory_space<semaphore_mem>>) src(%dma_wait3A_32 : memref<10000x128xf32, #tpu.memory_space<hbm>>) dst(%arg9 : memref<128x128xf32, #tpu.memory_space<vmem>>)
    "tpu.region"() ({
      %run_scoped3A = tpu.sem_alloc : memref<!tpu.dma_semaphore, #tpu.memory_space<semaphore_mem>>
      %dma_start3A_51 = arith.constant 0 : i32
      %dma_start3A_52 = arith.constant 0 : i32
      %dma_start3A_53 = tpu.memref_slice %arg16[%dma_start3A_51, %dma_start3A_52] : memref<10000x128xf32, #tpu.memory_space<vmem_shared>> -> memref<10000x128xf32, #tpu.memory_space<vmem_shared>>
      tpu.enqueue_indirect_dma source(%arg9 : memref<128x128xf32, #tpu.memory_space<vmem>>) target(%dma_start3A_53 : memref<10000x128xf32, #tpu.memory_space<vmem_shared>>) offsets(%arg8 : memref<128xi32, #tpu.memory_space<vmem>>) semaphore(%run_scoped3A : memref<!tpu.dma_semaphore, #tpu.memory_space<semaphore_mem>>) {add = true}
      %dma_wait3A_54 = arith.constant 0 : i32
      %dma_wait3A_55 = arith.constant 0 : i32
      %dma_wait3A_56 = tpu.memref_slice %arg16[%dma_wait3A_54, %dma_wait3A_55] : memref<10000x128xf32, #tpu.memory_space<vmem_shared>> -> memref<10000x128xf32, #tpu.memory_space<vmem_shared>>
      tpu.wait_indirect_dma semaphore(%run_scoped3A : memref<!tpu.dma_semaphore, #tpu.memory_space<semaphore_mem>>) src(%arg9 : memref<128x128xf32, #tpu.memory_space<vmem>>) dst(%dma_wait3A_56 : memref<10000x128xf32, #tpu.memory_space<vmem_shared>>)
      tpu.yield
    }) : () -> ()
    %dma_wait3A_33 = arith.constant 0 : i32
    %dma_wait3A_34 = arith.constant 0 : i32
    %dma_wait3A_35 = tpu.memref_slice %arg2[%dma_wait3A_33, %dma_wait3A_34] : memref<10000x128xf32, #tpu.memory_space<hbm>> -> memref<10000x128xf32, #tpu.memory_space<hbm>>
    tpu.wait_indirect_dma semaphore(%arg18 : memref<!tpu.dma_semaphore, #tpu.memory_space<semaphore_mem>>) src(%dma_wait3A_35 : memref<10000x128xf32, #tpu.memory_space<hbm>>) dst(%arg12 : memref<128x128xf32, #tpu.memory_space<vmem>>)
    "tpu.region"() ({
      %run_scoped3A = tpu.sem_alloc : memref<!tpu.dma_semaphore, #tpu.memory_space<semaphore_mem>>
      %dma_start3A_51 = arith.constant 0 : i32
      %dma_start3A_52 = arith.constant 0 : i32
      %dma_start3A_53 = tpu.memref_slice %arg16[%dma_start3A_51, %dma_start3A_52] : memref<10000x128xf32, #tpu.memory_space<vmem_shared>> -> memref<10000x128xf32, #tpu.memory_space<vmem_shared>>
      tpu.enqueue_indirect_dma source(%arg12 : memref<128x128xf32, #tpu.memory_space<vmem>>) target(%dma_start3A_53 : memref<10000x128xf32, #tpu.memory_space<vmem_shared>>) offsets(%arg11 : memref<128xi32, #tpu.memory_space<vmem>>) semaphore(%run_scoped3A : memref<!tpu.dma_semaphore, #tpu.memory_space<semaphore_mem>>) {add = true}
      %dma_wait3A_54 = arith.constant 0 : i32
      %dma_wait3A_55 = arith.constant 0 : i32
      %dma_wait3A_56 = tpu.memref_slice %arg16[%dma_wait3A_54, %dma_wait3A_55] : memref<10000x128xf32, #tpu.memory_space<vmem_shared>> -> memref<10000x128xf32, #tpu.memory_space<vmem_shared>>
      tpu.wait_indirect_dma semaphore(%run_scoped3A : memref<!tpu.dma_semaphore, #tpu.memory_space<semaphore_mem>>) src(%arg12 : memref<128x128xf32, #tpu.memory_space<vmem>>) dst(%dma_wait3A_56 : memref<10000x128xf32, #tpu.memory_space<vmem_shared>>)
      tpu.yield
    }) : () -> ()
    %dma_wait3A_36 = arith.constant 0 : i32
    %dma_wait3A_37 = arith.constant 0 : i32
    %dma_wait3A_38 = tpu.memref_slice %arg2[%dma_wait3A_36, %dma_wait3A_37] : memref<10000x128xf32, #tpu.memory_space<hbm>> -> memref<10000x128xf32, #tpu.memory_space<hbm>>
    tpu.wait_indirect_dma semaphore(%arg19 : memref<!tpu.dma_semaphore, #tpu.memory_space<semaphore_mem>>) src(%dma_wait3A_38 : memref<10000x128xf32, #tpu.memory_space<hbm>>) dst(%arg15 : memref<128x128xf32, #tpu.memory_space<vmem>>)
    "tpu.region"() ({
      %run_scoped3A = tpu.sem_alloc : memref<!tpu.dma_semaphore, #tpu.memory_space<semaphore_mem>>
      %dma_start3A_51 = arith.constant 0 : i32
      %dma_start3A_52 = arith.constant 0 : i32
      %dma_start3A_53 = tpu.memref_slice %arg16[%dma_start3A_51, %dma_start3A_52] : memref<10000x128xf32, #tpu.memory_space<vmem_shared>> -> memref<10000x128xf32, #tpu.memory_space<vmem_shared>>
      tpu.enqueue_indirect_dma source(%arg15 : memref<128x128xf32, #tpu.memory_space<vmem>>) target(%dma_start3A_53 : memref<10000x128xf32, #tpu.memory_space<vmem_shared>>) offsets(%arg14 : memref<128xi32, #tpu.memory_space<vmem>>) semaphore(%run_scoped3A : memref<!tpu.dma_semaphore, #tpu.memory_space<semaphore_mem>>) {add = true}
      %dma_wait3A_54 = arith.constant 0 : i32
      %dma_wait3A_55 = arith.constant 0 : i32
      %dma_wait3A_56 = tpu.memref_slice %arg16[%dma_wait3A_54, %dma_wait3A_55] : memref<10000x128xf32, #tpu.memory_space<vmem_shared>> -> memref<10000x128xf32, #tpu.memory_space<vmem_shared>>
      tpu.wait_indirect_dma semaphore(%run_scoped3A : memref<!tpu.dma_semaphore, #tpu.memory_space<semaphore_mem>>) src(%arg15 : memref<128x128xf32, #tpu.memory_space<vmem>>) dst(%dma_wait3A_56 : memref<10000x128xf32, #tpu.memory_space<vmem_shared>>)
      tpu.yield
    }) : () -> ()
    %lt3A = arith.constant 4 : i32
    %lt3A_39 = arith.cmpi slt, %add3A, %lt3A : i32
    %convert_element_type3A_40 = arith.extui %lt3A_39 : i1 to i32
    %cond3A_41 = arith.constant 0 : i32
    %cond3A_42 = arith.cmpi ne, %convert_element_type3A_40, %cond3A_41 : i32
    scf.if %cond3A_42 {
      %add3A_51 = arith.constant 2496 : i32
      %add3A_52 = arith.addi %add3A_51, %add3A : i32
      %mul3A_53 = arith.constant 128 : i32
      %mul3A_54 = arith.muli %add3A_52, %mul3A_53 : i32
      "tpu.region"() ({
        %run_scoped3A = tpu.sem_alloc : memref<!tpu.dma_semaphore, #tpu.memory_space<semaphore_mem>>
        %dma_start3A_61 = tpu.memref_slice %arg3[%mul3A_54] : memref<320000xi32, #tpu.memory_space<hbm>> -> memref<128xi32, #tpu.memory_space<hbm>>
        %dma_start3A_62 = tpu.memref_slice %arg3[%mul3A_54] : memref<320000xi32, #tpu.memory_space<hbm>> -> memref<128xi32, #tpu.memory_space<hbm>>
        tpu.enqueue_dma source(%dma_start3A_62 : memref<128xi32, #tpu.memory_space<hbm>>) target(%arg7 : memref<128xi32, #tpu.memory_space<vmem>>) target_semaphore(%run_scoped3A : memref<!tpu.dma_semaphore, #tpu.memory_space<semaphore_mem>>)
        %dma_wait3A_63 = tpu.memref_slice %arg3[%mul3A_54] : memref<320000xi32, #tpu.memory_space<hbm>> -> memref<128xi32, #tpu.memory_space<hbm>>
        %dma_wait3A_64 = tpu.memref_slice %arg3[%mul3A_54] : memref<320000xi32, #tpu.memory_space<hbm>> -> memref<128xi32, #tpu.memory_space<hbm>>
        tpu.wait_dma2 semaphore(%run_scoped3A : memref<!tpu.dma_semaphore, #tpu.memory_space<semaphore_mem>>) src(%dma_wait3A_64 : memref<128xi32, #tpu.memory_space<hbm>>) dst(%arg7 : memref<128xi32, #tpu.memory_space<vmem>>)
        tpu.yield
      }) : () -> ()
      "tpu.region"() ({
        %run_scoped3A = tpu.sem_alloc : memref<!tpu.dma_semaphore, #tpu.memory_space<semaphore_mem>>
        %dma_start3A_61 = tpu.memref_slice %arg4[%mul3A_54] : memref<320000xi32, #tpu.memory_space<hbm>> -> memref<128xi32, #tpu.memory_space<hbm>>
        %dma_start3A_62 = tpu.memref_slice %arg4[%mul3A_54] : memref<320000xi32, #tpu.memory_space<hbm>> -> memref<128xi32, #tpu.memory_space<hbm>>
        tpu.enqueue_dma source(%dma_start3A_62 : memref<128xi32, #tpu.memory_space<hbm>>) target(%arg8 : memref<128xi32, #tpu.memory_space<vmem>>) target_semaphore(%run_scoped3A : memref<!tpu.dma_semaphore, #tpu.memory_space<semaphore_mem>>)
        %dma_wait3A_63 = tpu.memref_slice %arg4[%mul3A_54] : memref<320000xi32, #tpu.memory_space<hbm>> -> memref<128xi32, #tpu.memory_space<hbm>>
        %dma_wait3A_64 = tpu.memref_slice %arg4[%mul3A_54] : memref<320000xi32, #tpu.memory_space<hbm>> -> memref<128xi32, #tpu.memory_space<hbm>>
        tpu.wait_dma2 semaphore(%run_scoped3A : memref<!tpu.dma_semaphore, #tpu.memory_space<semaphore_mem>>) src(%dma_wait3A_64 : memref<128xi32, #tpu.memory_space<hbm>>) dst(%arg8 : memref<128xi32, #tpu.memory_space<vmem>>)
        tpu.yield
      }) : () -> ()
      %dma_start3A_55 = arith.constant 0 : i32
      %dma_start3A_56 = arith.constant 0 : i32
      %dma_start3A_57 = tpu.memref_slice %arg2[%dma_start3A_55, %dma_start3A_56] : memref<10000x128xf32, #tpu.memory_space<hbm>> -> memref<10000x128xf32, #tpu.memory_space<hbm>>
      tpu.enqueue_indirect_dma source(%dma_start3A_57 : memref<10000x128xf32, #tpu.memory_space<hbm>>) target(%arg9 : memref<128x128xf32, #tpu.memory_space<vmem>>) offsets(%arg7 : memref<128xi32, #tpu.memory_space<vmem>>) semaphore(%arg17 : memref<!tpu.dma_semaphore, #tpu.memory_space<semaphore_mem>>)
      %dma_wait3A_58 = arith.constant 0 : i32
      %dma_wait3A_59 = arith.constant 0 : i32
      %dma_wait3A_60 = tpu.memref_slice %arg2[%dma_wait3A_58, %dma_wait3A_59] : memref<10000x128xf32, #tpu.memory_space<hbm>> -> memref<10000x128xf32, #tpu.memory_space<hbm>>
      tpu.wait_indirect_dma semaphore(%arg17 : memref<!tpu.dma_semaphore, #tpu.memory_space<semaphore_mem>>) src(%dma_wait3A_60 : memref<10000x128xf32, #tpu.memory_space<hbm>>) dst(%arg9 : memref<128x128xf32, #tpu.memory_space<vmem>>)
      "tpu.region"() ({
        %run_scoped3A = tpu.sem_alloc : memref<!tpu.dma_semaphore, #tpu.memory_space<semaphore_mem>>
        %dma_start3A_61 = arith.constant 0 : i32
        %dma_start3A_62 = arith.constant 0 : i32
        %dma_start3A_63 = tpu.memref_slice %arg16[%dma_start3A_61, %dma_start3A_62] : memref<10000x128xf32, #tpu.memory_space<vmem_shared>> -> memref<10000x128xf32, #tpu.memory_space<vmem_shared>>
        tpu.enqueue_indirect_dma source(%arg9 : memref<128x128xf32, #tpu.memory_space<vmem>>) target(%dma_start3A_63 : memref<10000x128xf32, #tpu.memory_space<vmem_shared>>) offsets(%arg8 : memref<128xi32, #tpu.memory_space<vmem>>) semaphore(%run_scoped3A : memref<!tpu.dma_semaphore, #tpu.memory_space<semaphore_mem>>) {add = true}
        %dma_wait3A_64 = arith.constant 0 : i32
        %dma_wait3A_65 = arith.constant 0 : i32
        %dma_wait3A_66 = tpu.memref_slice %arg16[%dma_wait3A_64, %dma_wait3A_65] : memref<10000x128xf32, #tpu.memory_space<vmem_shared>> -> memref<10000x128xf32, #tpu.memory_space<vmem_shared>>
        tpu.wait_indirect_dma semaphore(%run_scoped3A : memref<!tpu.dma_semaphore, #tpu.memory_space<semaphore_mem>>) src(%arg9 : memref<128x128xf32, #tpu.memory_space<vmem>>) dst(%dma_wait3A_66 : memref<10000x128xf32, #tpu.memory_space<vmem_shared>>)
        tpu.yield
      }) : () -> ()
    } else {
    }
    %barrier3A_43 = arith.constant 0 : index
    tpu.barrier barrier_id(%barrier3A_43)
    %mul3A_44 = arith.constant 624 : i32
    %mul3A_45 = arith.muli %arg1, %mul3A_44 : i32
    "tpu.region"() ({
      %run_scoped3A = tpu.sem_alloc : memref<!tpu.dma_semaphore, #tpu.memory_space<semaphore_mem>>
      %dma_start3A_51 = arith.constant 0 : i32
      %dma_start3A_52 = arith.constant 0 : i32
      %dma_start3A_53 = tpu.memref_slice %arg6[%arg0, %dma_start3A_51, %dma_start3A_52] : memref<2x10000x128xf32, #tpu.memory_space<hbm>> -> memref<1x10000x128xf32, #tpu.memory_space<hbm>>
      %dma_start3A_54 = tpu.memref_squeeze %dma_start3A_53 : memref<1x10000x128xf32, #tpu.memory_space<hbm>> -> memref<10000x128xf32, #tpu.memory_space<hbm>>
      %dma_start3A_55 = arith.constant 0 : i32
      %dma_start3A_56 = tpu.memref_slice %dma_start3A_54[%mul3A_45, %dma_start3A_55] : memref<10000x128xf32, #tpu.memory_space<hbm>> -> memref<624x128xf32, #tpu.memory_space<hbm>>
      %dma_start3A_57 = arith.constant 0 : i32
      %dma_start3A_58 = tpu.memref_slice %arg16[%mul3A_45, %dma_start3A_57] : memref<10000x128xf32, #tpu.memory_space<vmem_shared>> -> memref<624x128xf32, #tpu.memory_space<vmem_shared>>
      tpu.enqueue_dma source(%dma_start3A_58 : memref<624x128xf32, #tpu.memory_space<vmem_shared>>) target(%dma_start3A_56 : memref<624x128xf32, #tpu.memory_space<hbm>>) target_semaphore(%run_scoped3A : memref<!tpu.dma_semaphore, #tpu.memory_space<semaphore_mem>>)
      %dma_wait3A_59 = arith.constant 0 : i32
      %dma_wait3A_60 = arith.constant 0 : i32
      %dma_wait3A_61 = tpu.memref_slice %arg6[%arg0, %dma_wait3A_59, %dma_wait3A_60] : memref<2x10000x128xf32, #tpu.memory_space<hbm>> -> memref<1x10000x128xf32, #tpu.memory_space<hbm>>
      %dma_wait3A_62 = tpu.memref_squeeze %dma_wait3A_61 : memref<1x10000x128xf32, #tpu.memory_space<hbm>> -> memref<10000x128xf32, #tpu.memory_space<hbm>>
      %dma_wait3A_63 = arith.constant 0 : i32
      %dma_wait3A_64 = tpu.memref_slice %dma_wait3A_62[%mul3A_45, %dma_wait3A_63] : memref<10000x128xf32, #tpu.memory_space<hbm>> -> memref<624x128xf32, #tpu.memory_space<hbm>>
      %dma_wait3A_65 = arith.constant 0 : i32
      %dma_wait3A_66 = tpu.memref_slice %arg16[%mul3A_45, %dma_wait3A_65] : memref<10000x128xf32, #tpu.memory_space<vmem_shared>> -> memref<624x128xf32, #tpu.memory_space<vmem_shared>>
      tpu.wait_dma2 semaphore(%run_scoped3A : memref<!tpu.dma_semaphore, #tpu.memory_space<semaphore_mem>>) src(%dma_wait3A_66 : memref<624x128xf32, #tpu.memory_space<vmem_shared>>) dst(%dma_wait3A_64 : memref<624x128xf32, #tpu.memory_space<hbm>>)
      tpu.yield
    }) : () -> ()
    %eq3A_46 = arith.constant 15 : i32
    %eq3A_47 = arith.cmpi eq, %arg1, %eq3A_46 : i32
    %convert_element_type3A_48 = arith.extui %eq3A_47 : i1 to i32
    %cond3A_49 = arith.constant 0 : i32
    %cond3A_50 = arith.cmpi ne, %convert_element_type3A_48, %cond3A_49 : i32
    scf.if %cond3A_50 {
      "tpu.region"() ({
        %run_scoped3A = tpu.sem_alloc : memref<!tpu.dma_semaphore, #tpu.memory_space<semaphore_mem>>
        %dma_start3A_51 = arith.constant 0 : i32
        %dma_start3A_52 = arith.constant 0 : i32
        %dma_start3A_53 = tpu.memref_slice %arg6[%arg0, %dma_start3A_51, %dma_start3A_52] : memref<2x10000x128xf32, #tpu.memory_space<hbm>> -> memref<1x10000x128xf32, #tpu.memory_space<hbm>>
        %dma_start3A_54 = tpu.memref_squeeze %dma_start3A_53 : memref<1x10000x128xf32, #tpu.memory_space<hbm>> -> memref<10000x128xf32, #tpu.memory_space<hbm>>
        %dma_start3A_55 = arith.constant 9984 : i32
        %dma_start3A_56 = arith.constant 0 : i32
        %dma_start3A_57 = tpu.memref_slice %dma_start3A_54[%dma_start3A_55, %dma_start3A_56] : memref<10000x128xf32, #tpu.memory_space<hbm>> -> memref<16x128xf32, #tpu.memory_space<hbm>>
        %dma_start3A_58 = arith.constant 9984 : i32
        %dma_start3A_59 = arith.constant 0 : i32
        %dma_start3A_60 = tpu.memref_slice %arg16[%dma_start3A_58, %dma_start3A_59] : memref<10000x128xf32, #tpu.memory_space<vmem_shared>> -> memref<16x128xf32, #tpu.memory_space<vmem_shared>>
        tpu.enqueue_dma source(%dma_start3A_60 : memref<16x128xf32, #tpu.memory_space<vmem_shared>>) target(%dma_start3A_57 : memref<16x128xf32, #tpu.memory_space<hbm>>) target_semaphore(%run_scoped3A : memref<!tpu.dma_semaphore, #tpu.memory_space<semaphore_mem>>)
        %dma_wait3A_61 = arith.constant 0 : i32
        %dma_wait3A_62 = arith.constant 0 : i32
        %dma_wait3A_63 = tpu.memref_slice %arg6[%arg0, %dma_wait3A_61, %dma_wait3A_62] : memref<2x10000x128xf32, #tpu.memory_space<hbm>> -> memref<1x10000x128xf32, #tpu.memory_space<hbm>>
        %dma_wait3A_64 = tpu.memref_squeeze %dma_wait3A_63 : memref<1x10000x128xf32, #tpu.memory_space<hbm>> -> memref<10000x128xf32, #tpu.memory_space<hbm>>
        %dma_wait3A_65 = arith.constant 9984 : i32
        %dma_wait3A_66 = arith.constant 0 : i32
        %dma_wait3A_67 = tpu.memref_slice %dma_wait3A_64[%dma_wait3A_65, %dma_wait3A_66] : memref<10000x128xf32, #tpu.memory_space<hbm>> -> memref<16x128xf32, #tpu.memory_space<hbm>>
        %dma_wait3A_68 = arith.constant 9984 : i32
        %dma_wait3A_69 = arith.constant 0 : i32
        %dma_wait3A_70 = tpu.memref_slice %arg16[%dma_wait3A_68, %dma_wait3A_69] : memref<10000x128xf32, #tpu.memory_space<vmem_shared>> -> memref<16x128xf32, #tpu.memory_space<vmem_shared>>
        tpu.wait_dma2 semaphore(%run_scoped3A : memref<!tpu.dma_semaphore, #tpu.memory_space<semaphore_mem>>) src(%dma_wait3A_70 : memref<16x128xf32, #tpu.memory_space<vmem_shared>>) dst(%dma_wait3A_67 : memref<16x128xf32, #tpu.memory_space<hbm>>)
        tpu.yield
      }) : () -> ()
    } else {
    }
    return
  }
}

#map = affine_map<(d0, d1) -> (0, 0)>
#map1 = affine_map<(d0, d1) -> (0)>
#map2 = affine_map<(d0, d1) -> (0, 0, 0)>
module attributes {stable_mosaic.version = 14 : i64} {
  func.func @_spmv_body(%arg0: i32, %arg1: i32, %arg2: memref<10000x128xf32, #tpu.memory_space<hbm>>, %arg3: memref<320000xi32, #tpu.memory_space<hbm>>, %arg4: memref<320000xi32, #tpu.memory_space<hbm>>, %arg5: memref<10000x128xf32, #tpu.memory_space<hbm>>, %arg6: memref<2x10000x128xf32, #tpu.memory_space<hbm>>, %arg7: memref<128xi32, #tpu.memory_space<vmem>>, %arg8: memref<128xi32, #tpu.memory_space<vmem>>, %arg9: memref<128x128xf32, #tpu.memory_space<vmem>>, %arg10: memref<128xi32, #tpu.memory_space<vmem>>, %arg11: memref<128xi32, #tpu.memory_space<vmem>>, %arg12: memref<128x128xf32, #tpu.memory_space<vmem>>, %arg13: memref<128xi32, #tpu.memory_space<vmem>>, %arg14: memref<128xi32, #tpu.memory_space<vmem>>, %arg15: memref<128x128xf32, #tpu.memory_space<vmem>>, %arg16: memref<10000x128xf32, #tpu.memory_space<vmem_shared>>, %arg17: memref<!tpu.dma_semaphore, #tpu.memory_space<semaphore_mem>>, %arg18: memref<!tpu.dma_semaphore, #tpu.memory_space<semaphore_mem>>, %arg19: memref<!tpu.dma_semaphore, #tpu.memory_space<semaphore_mem>>) attributes {dimension_semantics = [#tpu.dimension_semantics<core_parallel>, #tpu.dimension_semantics<subcore_parallel>], iteration_bounds = array<i64: 2, 16>, scalar_prefetch = 0 : i64, scratch_operands = 13 : i64, tpu.core_type = #tpu.core_type<sc_vector_subcore>, window_params = [{transform_indices = #map}, {transform_indices = #map1}, {transform_indices = #map1}, {transform_indices = #map}, {transform_indices = #map2}]} {
    %mul3A = arith.constant 16 : i32
    %mul3A_0 = arith.muli %arg0, %mul3A : i32
    %add3A = arith.addi %mul3A_0, %arg1 : i32
    %mul3A_1 = arith.constant 624 : i32
    %mul3A_2 = arith.muli %arg1, %mul3A_1 : i32
    "tpu.region"() ({
      %run_scoped3A = tpu.sem_alloc : memref<!tpu.dma_semaphore, #tpu.memory_space<semaphore_mem>>
      %dma_start3A_51 = arith.constant 0 : i32
      %dma_start3A_52 = tpu.memref_slice %arg16[%mul3A_2, %dma_start3A_51] : memref<10000x128xf32, #tpu.memory_space<vmem_shared>> -> memref<624x128xf32, #tpu.memory_space<vmem_shared>>
      %dma_start3A_53 = arith.constant 0 : i32
      %dma_start3A_54 = tpu.memref_slice %arg5[%mul3A_2, %dma_start3A_53] : memref<10000x128xf32, #tpu.memory_space<hbm>> -> memref<624x128xf32, #tpu.memory_space<hbm>>
      tpu.enqueue_dma source(%dma_start3A_54 : memref<624x128xf32, #tpu.memory_space<hbm>>) target(%dma_start3A_52 : memref<624x128xf32, #tpu.memory_space<vmem_shared>>) target_semaphore(%run_scoped3A : memref<!tpu.dma_semaphore, #tpu.memory_space<semaphore_mem>>)
      %dma_wait3A_55 = arith.constant 0 : i32
      %dma_wait3A_56 = tpu.memref_slice %arg16[%mul3A_2, %dma_wait3A_55] : memref<10000x128xf32, #tpu.memory_space<vmem_shared>> -> memref<624x128xf32, #tpu.memory_space<vmem_shared>>
      %dma_wait3A_57 = arith.constant 0 : i32
      %dma_wait3A_58 = tpu.memref_slice %arg5[%mul3A_2, %dma_wait3A_57] : memref<10000x128xf32, #tpu.memory_space<hbm>> -> memref<624x128xf32, #tpu.memory_space<hbm>>
      tpu.wait_dma2 semaphore(%run_scoped3A : memref<!tpu.dma_semaphore, #tpu.memory_space<semaphore_mem>>) src(%dma_wait3A_58 : memref<624x128xf32, #tpu.memory_space<hbm>>) dst(%dma_wait3A_56 : memref<624x128xf32, #tpu.memory_space<vmem_shared>>)
      tpu.yield
    }) : () -> ()
    %eq3A = arith.constant 15 : i32
    %eq3A_3 = arith.cmpi eq, %arg1, %eq3A : i32
    %convert_element_type3A = arith.extui %eq3A_3 : i1 to i32
    %cond3A = arith.constant 0 : i32
    %cond3A_4 = arith.cmpi ne, %convert_element_type3A, %cond3A : i32
    scf.if %cond3A_4 {
      "tpu.region"() ({
        %run_scoped3A = tpu.sem_alloc : memref<!tpu.dma_semaphore, #tpu.memory_space<semaphore_mem>>
        %dma_start3A_51 = arith.constant 9984 : i32
        %dma_start3A_52 = arith.constant 0 : i32
        %dma_start3A_53 = tpu.memref_slice %arg16[%dma_start3A_51, %dma_start3A_52] : memref<10000x128xf32, #tpu.memory_space<vmem_shared>> -> memref<16x128xf32, #tpu.memory_space<vmem_shared>>
        %dma_start3A_54 = arith.constant 9984 : i32
        %dma_start3A_55 = arith.constant 0 : i32
        %dma_start3A_56 = tpu.memref_slice %arg5[%dma_start3A_54, %dma_start3A_55] : memref<10000x128xf32, #tpu.memory_space<hbm>> -> memref<16x128xf32, #tpu.memory_space<hbm>>
        tpu.enqueue_dma source(%dma_start3A_56 : memref<16x128xf32, #tpu.memory_space<hbm>>) target(%dma_start3A_53 : memref<16x128xf32, #tpu.memory_space<vmem_shared>>) target_semaphore(%run_scoped3A : memref<!tpu.dma_semaphore, #tpu.memory_space<semaphore_mem>>)
        %dma_wait3A_57 = arith.constant 9984 : i32
        %dma_wait3A_58 = arith.constant 0 : i32
        %dma_wait3A_59 = tpu.memref_slice %arg16[%dma_wait3A_57, %dma_wait3A_58] : memref<10000x128xf32, #tpu.memory_space<vmem_shared>> -> memref<16x128xf32, #tpu.memory_space<vmem_shared>>
        %dma_wait3A_60 = arith.constant 9984 : i32
        %dma_wait3A_61 = arith.constant 0 : i32
        %dma_wait3A_62 = tpu.memref_slice %arg5[%dma_wait3A_60, %dma_wait3A_61] : memref<10000x128xf32, #tpu.memory_space<hbm>> -> memref<16x128xf32, #tpu.memory_space<hbm>>
        tpu.wait_dma2 semaphore(%run_scoped3A : memref<!tpu.dma_semaphore, #tpu.memory_space<semaphore_mem>>) src(%dma_wait3A_62 : memref<16x128xf32, #tpu.memory_space<hbm>>) dst(%dma_wait3A_59 : memref<16x128xf32, #tpu.memory_space<vmem_shared>>)
        tpu.yield
      }) : () -> ()
    } else {
    }
    %barrier3A = arith.constant 0 : index
    tpu.barrier barrier_id(%barrier3A)
    %mul3A_5 = arith.constant 78 : i32
    %mul3A_6 = arith.muli %add3A, %mul3A_5 : i32
    %mul3A_7 = arith.constant 128 : i32
    %mul3A_8 = arith.muli %mul3A_6, %mul3A_7 : i32
    "tpu.region"() ({
      %run_scoped3A = tpu.sem_alloc : memref<!tpu.dma_semaphore, #tpu.memory_space<semaphore_mem>>
      %dma_start3A_51 = tpu.memref_slice %arg3[%mul3A_8] : memref<320000xi32, #tpu.memory_space<hbm>> -> memref<128xi32, #tpu.memory_space<hbm>>
      %dma_start3A_52 = tpu.memref_slice %arg3[%mul3A_8] : memref<320000xi32, #tpu.memory_space<hbm>> -> memref<128xi32, #tpu.memory_space<hbm>>
      tpu.enqueue_dma source(%dma_start3A_52 : memref<128xi32, #tpu.memory_space<hbm>>) target(%arg7 : memref<128xi32, #tpu.memory_space<vmem>>) target_semaphore(%run_scoped3A : memref<!tpu.dma_semaphore, #tpu.memory_space<semaphore_mem>>)
      %dma_wait3A_53 = tpu.memref_slice %arg3[%mul3A_8] : memref<320000xi32, #tpu.memory_space<hbm>> -> memref<128xi32, #tpu.memory_space<hbm>>
      %dma_wait3A_54 = tpu.memref_slice %arg3[%mul3A_8] : memref<320000xi32, #tpu.memory_space<hbm>> -> memref<128xi32, #tpu.memory_space<hbm>>
      tpu.wait_dma2 semaphore(%run_scoped3A : memref<!tpu.dma_semaphore, #tpu.memory_space<semaphore_mem>>) src(%dma_wait3A_54 : memref<128xi32, #tpu.memory_space<hbm>>) dst(%arg7 : memref<128xi32, #tpu.memory_space<vmem>>)
      tpu.yield
    }) : () -> ()
    "tpu.region"() ({
      %run_scoped3A = tpu.sem_alloc : memref<!tpu.dma_semaphore, #tpu.memory_space<semaphore_mem>>
      %dma_start3A_51 = tpu.memref_slice %arg4[%mul3A_8] : memref<320000xi32, #tpu.memory_space<hbm>> -> memref<128xi32, #tpu.memory_space<hbm>>
      %dma_start3A_52 = tpu.memref_slice %arg4[%mul3A_8] : memref<320000xi32, #tpu.memory_space<hbm>> -> memref<128xi32, #tpu.memory_space<hbm>>
      tpu.enqueue_dma source(%dma_start3A_52 : memref<128xi32, #tpu.memory_space<hbm>>) target(%arg8 : memref<128xi32, #tpu.memory_space<vmem>>) target_semaphore(%run_scoped3A : memref<!tpu.dma_semaphore, #tpu.memory_space<semaphore_mem>>)
      %dma_wait3A_53 = tpu.memref_slice %arg4[%mul3A_8] : memref<320000xi32, #tpu.memory_space<hbm>> -> memref<128xi32, #tpu.memory_space<hbm>>
      %dma_wait3A_54 = tpu.memref_slice %arg4[%mul3A_8] : memref<320000xi32, #tpu.memory_space<hbm>> -> memref<128xi32, #tpu.memory_space<hbm>>
      tpu.wait_dma2 semaphore(%run_scoped3A : memref<!tpu.dma_semaphore, #tpu.memory_space<semaphore_mem>>) src(%dma_wait3A_54 : memref<128xi32, #tpu.memory_space<hbm>>) dst(%arg8 : memref<128xi32, #tpu.memory_space<vmem>>)
      tpu.yield
    }) : () -> ()
    %dma_start3A = arith.constant 0 : i32
    %dma_start3A_9 = arith.constant 0 : i32
    %dma_start3A_10 = tpu.memref_slice %arg2[%dma_start3A, %dma_start3A_9] : memref<10000x128xf32, #tpu.memory_space<hbm>> -> memref<10000x128xf32, #tpu.memory_space<hbm>>
    tpu.enqueue_indirect_dma source(%dma_start3A_10 : memref<10000x128xf32, #tpu.memory_space<hbm>>) target(%arg9 : memref<128x128xf32, #tpu.memory_space<vmem>>) offsets(%arg7 : memref<128xi32, #tpu.memory_space<vmem>>) semaphore(%arg17 : memref<!tpu.dma_semaphore, #tpu.memory_space<semaphore_mem>>)
    %add3A_11 = arith.constant 1 : i32
    %add3A_12 = arith.addi %mul3A_6, %add3A_11 : i32
    %mul3A_13 = arith.constant 128 : i32
    %mul3A_14 = arith.muli %add3A_12, %mul3A_13 : i32
    "tpu.region"() ({
      %run_scoped3A = tpu.sem_alloc : memref<!tpu.dma_semaphore, #tpu.memory_space<semaphore_mem>>
      %dma_start3A_51 = tpu.memref_slice %arg3[%mul3A_14] : memref<320000xi32, #tpu.memory_space<hbm>> -> memref<128xi32, #tpu.memory_space<hbm>>
      %dma_start3A_52 = tpu.memref_slice %arg3[%mul3A_14] : memref<320000xi32, #tpu.memory_space<hbm>> -> memref<128xi32, #tpu.memory_space<hbm>>
      tpu.enqueue_dma source(%dma_start3A_52 : memref<128xi32, #tpu.memory_space<hbm>>) target(%arg10 : memref<128xi32, #tpu.memory_space<vmem>>) target_semaphore(%run_scoped3A : memref<!tpu.dma_semaphore, #tpu.memory_space<semaphore_mem>>)
      %dma_wait3A_53 = tpu.memref_slice %arg3[%mul3A_14] : memref<320000xi32, #tpu.memory_space<hbm>> -> memref<128xi32, #tpu.memory_space<hbm>>
      %dma_wait3A_54 = tpu.memref_slice %arg3[%mul3A_14] : memref<320000xi32, #tpu.memory_space<hbm>> -> memref<128xi32, #tpu.memory_space<hbm>>
      tpu.wait_dma2 semaphore(%run_scoped3A : memref<!tpu.dma_semaphore, #tpu.memory_space<semaphore_mem>>) src(%dma_wait3A_54 : memref<128xi32, #tpu.memory_space<hbm>>) dst(%arg10 : memref<128xi32, #tpu.memory_space<vmem>>)
      tpu.yield
    }) : () -> ()
    "tpu.region"() ({
      %run_scoped3A = tpu.sem_alloc : memref<!tpu.dma_semaphore, #tpu.memory_space<semaphore_mem>>
      %dma_start3A_51 = tpu.memref_slice %arg4[%mul3A_14] : memref<320000xi32, #tpu.memory_space<hbm>> -> memref<128xi32, #tpu.memory_space<hbm>>
      %dma_start3A_52 = tpu.memref_slice %arg4[%mul3A_14] : memref<320000xi32, #tpu.memory_space<hbm>> -> memref<128xi32, #tpu.memory_space<hbm>>
      tpu.enqueue_dma source(%dma_start3A_52 : memref<128xi32, #tpu.memory_space<hbm>>) target(%arg11 : memref<128xi32, #tpu.memory_space<vmem>>) target_semaphore(%run_scoped3A : memref<!tpu.dma_semaphore, #tpu.memory_space<semaphore_mem>>)
      %dma_wait3A_53 = tpu.memref_slice %arg4[%mul3A_14] : memref<320000xi32, #tpu.memory_space<hbm>> -> memref<128xi32, #tpu.memory_space<hbm>>
      %dma_wait3A_54 = tpu.memref_slice %arg4[%mul3A_14] : memref<320000xi32, #tpu.memory_space<hbm>> -> memref<128xi32, #tpu.memory_space<hbm>>
      tpu.wait_dma2 semaphore(%run_scoped3A : memref<!tpu.dma_semaphore, #tpu.memory_space<semaphore_mem>>) src(%dma_wait3A_54 : memref<128xi32, #tpu.memory_space<hbm>>) dst(%arg11 : memref<128xi32, #tpu.memory_space<vmem>>)
      tpu.yield
    }) : () -> ()
    %dma_start3A_15 = arith.constant 0 : i32
    %dma_start3A_16 = arith.constant 0 : i32
    %dma_start3A_17 = tpu.memref_slice %arg2[%dma_start3A_15, %dma_start3A_16] : memref<10000x128xf32, #tpu.memory_space<hbm>> -> memref<10000x128xf32, #tpu.memory_space<hbm>>
    tpu.enqueue_indirect_dma source(%dma_start3A_17 : memref<10000x128xf32, #tpu.memory_space<hbm>>) target(%arg12 : memref<128x128xf32, #tpu.memory_space<vmem>>) offsets(%arg10 : memref<128xi32, #tpu.memory_space<vmem>>) semaphore(%arg18 : memref<!tpu.dma_semaphore, #tpu.memory_space<semaphore_mem>>)
    %add3A_18 = arith.constant 2 : i32
    %add3A_19 = arith.addi %mul3A_6, %add3A_18 : i32
    %mul3A_20 = arith.constant 128 : i32
    %mul3A_21 = arith.muli %add3A_19, %mul3A_20 : i32
    "tpu.region"() ({
      %run_scoped3A = tpu.sem_alloc : memref<!tpu.dma_semaphore, #tpu.memory_space<semaphore_mem>>
      %dma_start3A_51 = tpu.memref_slice %arg3[%mul3A_21] : memref<320000xi32, #tpu.memory_space<hbm>> -> memref<128xi32, #tpu.memory_space<hbm>>
      %dma_start3A_52 = tpu.memref_slice %arg3[%mul3A_21] : memref<320000xi32, #tpu.memory_space<hbm>> -> memref<128xi32, #tpu.memory_space<hbm>>
      tpu.enqueue_dma source(%dma_start3A_52 : memref<128xi32, #tpu.memory_space<hbm>>) target(%arg13 : memref<128xi32, #tpu.memory_space<vmem>>) target_semaphore(%run_scoped3A : memref<!tpu.dma_semaphore, #tpu.memory_space<semaphore_mem>>)
      %dma_wait3A_53 = tpu.memref_slice %arg3[%mul3A_21] : memref<320000xi32, #tpu.memory_space<hbm>> -> memref<128xi32, #tpu.memory_space<hbm>>
      %dma_wait3A_54 = tpu.memref_slice %arg3[%mul3A_21] : memref<320000xi32, #tpu.memory_space<hbm>> -> memref<128xi32, #tpu.memory_space<hbm>>
      tpu.wait_dma2 semaphore(%run_scoped3A : memref<!tpu.dma_semaphore, #tpu.memory_space<semaphore_mem>>) src(%dma_wait3A_54 : memref<128xi32, #tpu.memory_space<hbm>>) dst(%arg13 : memref<128xi32, #tpu.memory_space<vmem>>)
      tpu.yield
    }) : () -> ()
    "tpu.region"() ({
      %run_scoped3A = tpu.sem_alloc : memref<!tpu.dma_semaphore, #tpu.memory_space<semaphore_mem>>
      %dma_start3A_51 = tpu.memref_slice %arg4[%mul3A_21] : memref<320000xi32, #tpu.memory_space<hbm>> -> memref<128xi32, #tpu.memory_space<hbm>>
      %dma_start3A_52 = tpu.memref_slice %arg4[%mul3A_21] : memref<320000xi32, #tpu.memory_space<hbm>> -> memref<128xi32, #tpu.memory_space<hbm>>
      tpu.enqueue_dma source(%dma_start3A_52 : memref<128xi32, #tpu.memory_space<hbm>>) target(%arg14 : memref<128xi32, #tpu.memory_space<vmem>>) target_semaphore(%run_scoped3A : memref<!tpu.dma_semaphore, #tpu.memory_space<semaphore_mem>>)
      %dma_wait3A_53 = tpu.memref_slice %arg4[%mul3A_21] : memref<320000xi32, #tpu.memory_space<hbm>> -> memref<128xi32, #tpu.memory_space<hbm>>
      %dma_wait3A_54 = tpu.memref_slice %arg4[%mul3A_21] : memref<320000xi32, #tpu.memory_space<hbm>> -> memref<128xi32, #tpu.memory_space<hbm>>
      tpu.wait_dma2 semaphore(%run_scoped3A : memref<!tpu.dma_semaphore, #tpu.memory_space<semaphore_mem>>) src(%dma_wait3A_54 : memref<128xi32, #tpu.memory_space<hbm>>) dst(%arg14 : memref<128xi32, #tpu.memory_space<vmem>>)
      tpu.yield
    }) : () -> ()
    %dma_start3A_22 = arith.constant 0 : i32
    %dma_start3A_23 = arith.constant 0 : i32
    %dma_start3A_24 = tpu.memref_slice %arg2[%dma_start3A_22, %dma_start3A_23] : memref<10000x128xf32, #tpu.memory_space<hbm>> -> memref<10000x128xf32, #tpu.memory_space<hbm>>
    tpu.enqueue_indirect_dma source(%dma_start3A_24 : memref<10000x128xf32, #tpu.memory_space<hbm>>) target(%arg15 : memref<128x128xf32, #tpu.memory_space<vmem>>) offsets(%arg13 : memref<128xi32, #tpu.memory_space<vmem>>) semaphore(%arg19 : memref<!tpu.dma_semaphore, #tpu.memory_space<semaphore_mem>>)
    %scan3A = arith.constant 0 : i32
    %scan3A_25 = arith.constant 0 : i32
    %scan3A_26 = arith.constant 25 : i32
    %scan3A_27 = arith.addi %scan3A_25, %scan3A_26 : i32
    %scan3A_28 = arith.constant 1 : i32
    %scan3A_29 = scf.for %scan3A_51 = %scan3A_25 to %scan3A_27 step %scan3A_28 iter_args(%scan3A_52 = %scan3A) -> (i32)  : i32 {
      %mul3A_53 = arith.constant 3 : i32
      %mul3A_54 = arith.muli %mul3A_53, %scan3A_51 : i32
      %add3A_55 = arith.addi %mul3A_6, %mul3A_54 : i32
      %dma_wait3A_56 = arith.constant 0 : i32
      %dma_wait3A_57 = arith.constant 0 : i32
      %dma_wait3A_58 = tpu.memref_slice %arg2[%dma_wait3A_56, %dma_wait3A_57] : memref<10000x128xf32, #tpu.memory_space<hbm>> -> memref<10000x128xf32, #tpu.memory_space<hbm>>
      tpu.wait_indirect_dma semaphore(%arg17 : memref<!tpu.dma_semaphore, #tpu.memory_space<semaphore_mem>>) src(%dma_wait3A_58 : memref<10000x128xf32, #tpu.memory_space<hbm>>) dst(%arg9 : memref<128x128xf32, #tpu.memory_space<vmem>>)
      "tpu.region"() ({
        %run_scoped3A = tpu.sem_alloc : memref<!tpu.dma_semaphore, #tpu.memory_space<semaphore_mem>>
        %dma_start3A_87 = arith.constant 0 : i32
        %dma_start3A_88 = arith.constant 0 : i32
        %dma_start3A_89 = tpu.memref_slice %arg16[%dma_start3A_87, %dma_start3A_88] : memref<10000x128xf32, #tpu.memory_space<vmem_shared>> -> memref<10000x128xf32, #tpu.memory_space<vmem_shared>>
        tpu.enqueue_indirect_dma source(%arg9 : memref<128x128xf32, #tpu.memory_space<vmem>>) target(%dma_start3A_89 : memref<10000x128xf32, #tpu.memory_space<vmem_shared>>) offsets(%arg8 : memref<128xi32, #tpu.memory_space<vmem>>) semaphore(%run_scoped3A : memref<!tpu.dma_semaphore, #tpu.memory_space<semaphore_mem>>) {add = true}
        %dma_wait3A_90 = arith.constant 0 : i32
        %dma_wait3A_91 = arith.constant 0 : i32
        %dma_wait3A_92 = tpu.memref_slice %arg16[%dma_wait3A_90, %dma_wait3A_91] : memref<10000x128xf32, #tpu.memory_space<vmem_shared>> -> memref<10000x128xf32, #tpu.memory_space<vmem_shared>>
        tpu.wait_indirect_dma semaphore(%run_scoped3A : memref<!tpu.dma_semaphore, #tpu.memory_space<semaphore_mem>>) src(%arg9 : memref<128x128xf32, #tpu.memory_space<vmem>>) dst(%dma_wait3A_92 : memref<10000x128xf32, #tpu.memory_space<vmem_shared>>)
        tpu.yield
      }) : () -> ()
      %add3A_59 = arith.constant 3 : i32
      %add3A_60 = arith.addi %add3A_55, %add3A_59 : i32
      %mul3A_61 = arith.constant 128 : i32
      %mul3A_62 = arith.muli %add3A_60, %mul3A_61 : i32
      "tpu.region"() ({
        %run_scoped3A = tpu.sem_alloc : memref<!tpu.dma_semaphore, #tpu.memory_space<semaphore_mem>>
        %dma_start3A_87 = tpu.memref_slice %arg3[%mul3A_62] : memref<320000xi32, #tpu.memory_space<hbm>> -> memref<128xi32, #tpu.memory_space<hbm>>
        %dma_start3A_88 = tpu.memref_slice %arg3[%mul3A_62] : memref<320000xi32, #tpu.memory_space<hbm>> -> memref<128xi32, #tpu.memory_space<hbm>>
        tpu.enqueue_dma source(%dma_start3A_88 : memref<128xi32, #tpu.memory_space<hbm>>) target(%arg7 : memref<128xi32, #tpu.memory_space<vmem>>) target_semaphore(%run_scoped3A : memref<!tpu.dma_semaphore, #tpu.memory_space<semaphore_mem>>)
        %dma_wait3A_89 = tpu.memref_slice %arg3[%mul3A_62] : memref<320000xi32, #tpu.memory_space<hbm>> -> memref<128xi32, #tpu.memory_space<hbm>>
        %dma_wait3A_90 = tpu.memref_slice %arg3[%mul3A_62] : memref<320000xi32, #tpu.memory_space<hbm>> -> memref<128xi32, #tpu.memory_space<hbm>>
        tpu.wait_dma2 semaphore(%run_scoped3A : memref<!tpu.dma_semaphore, #tpu.memory_space<semaphore_mem>>) src(%dma_wait3A_90 : memref<128xi32, #tpu.memory_space<hbm>>) dst(%arg7 : memref<128xi32, #tpu.memory_space<vmem>>)
        tpu.yield
      }) : () -> ()
      "tpu.region"() ({
        %run_scoped3A = tpu.sem_alloc : memref<!tpu.dma_semaphore, #tpu.memory_space<semaphore_mem>>
        %dma_start3A_87 = tpu.memref_slice %arg4[%mul3A_62] : memref<320000xi32, #tpu.memory_space<hbm>> -> memref<128xi32, #tpu.memory_space<hbm>>
        %dma_start3A_88 = tpu.memref_slice %arg4[%mul3A_62] : memref<320000xi32, #tpu.memory_space<hbm>> -> memref<128xi32, #tpu.memory_space<hbm>>
        tpu.enqueue_dma source(%dma_start3A_88 : memref<128xi32, #tpu.memory_space<hbm>>) target(%arg8 : memref<128xi32, #tpu.memory_space<vmem>>) target_semaphore(%run_scoped3A : memref<!tpu.dma_semaphore, #tpu.memory_space<semaphore_mem>>)
        %dma_wait3A_89 = tpu.memref_slice %arg4[%mul3A_62] : memref<320000xi32, #tpu.memory_space<hbm>> -> memref<128xi32, #tpu.memory_space<hbm>>
        %dma_wait3A_90 = tpu.memref_slice %arg4[%mul3A_62] : memref<320000xi32, #tpu.memory_space<hbm>> -> memref<128xi32, #tpu.memory_space<hbm>>
        tpu.wait_dma2 semaphore(%run_scoped3A : memref<!tpu.dma_semaphore, #tpu.memory_space<semaphore_mem>>) src(%dma_wait3A_90 : memref<128xi32, #tpu.memory_space<hbm>>) dst(%arg8 : memref<128xi32, #tpu.memory_space<vmem>>)
        tpu.yield
      }) : () -> ()
      %dma_start3A_63 = arith.constant 0 : i32
      %dma_start3A_64 = arith.constant 0 : i32
      %dma_start3A_65 = tpu.memref_slice %arg2[%dma_start3A_63, %dma_start3A_64] : memref<10000x128xf32, #tpu.memory_space<hbm>> -> memref<10000x128xf32, #tpu.memory_space<hbm>>
      tpu.enqueue_indirect_dma source(%dma_start3A_65 : memref<10000x128xf32, #tpu.memory_space<hbm>>) target(%arg9 : memref<128x128xf32, #tpu.memory_space<vmem>>) offsets(%arg7 : memref<128xi32, #tpu.memory_space<vmem>>) semaphore(%arg17 : memref<!tpu.dma_semaphore, #tpu.memory_space<semaphore_mem>>)
      %dma_wait3A_66 = arith.constant 0 : i32
      %dma_wait3A_67 = arith.constant 0 : i32
      %dma_wait3A_68 = tpu.memref_slice %arg2[%dma_wait3A_66, %dma_wait3A_67] : memref<10000x128xf32, #tpu.memory_space<hbm>> -> memref<10000x128xf32, #tpu.memory_space<hbm>>
      tpu.wait_indirect_dma semaphore(%arg18 : memref<!tpu.dma_semaphore, #tpu.memory_space<semaphore_mem>>) src(%dma_wait3A_68 : memref<10000x128xf32, #tpu.memory_space<hbm>>) dst(%arg12 : memref<128x128xf32, #tpu.memory_space<vmem>>)
      "tpu.region"() ({
        %run_scoped3A = tpu.sem_alloc : memref<!tpu.dma_semaphore, #tpu.memory_space<semaphore_mem>>
        %dma_start3A_87 = arith.constant 0 : i32
        %dma_start3A_88 = arith.constant 0 : i32
        %dma_start3A_89 = tpu.memref_slice %arg16[%dma_start3A_87, %dma_start3A_88] : memref<10000x128xf32, #tpu.memory_space<vmem_shared>> -> memref<10000x128xf32, #tpu.memory_space<vmem_shared>>
        tpu.enqueue_indirect_dma source(%arg12 : memref<128x128xf32, #tpu.memory_space<vmem>>) target(%dma_start3A_89 : memref<10000x128xf32, #tpu.memory_space<vmem_shared>>) offsets(%arg11 : memref<128xi32, #tpu.memory_space<vmem>>) semaphore(%run_scoped3A : memref<!tpu.dma_semaphore, #tpu.memory_space<semaphore_mem>>) {add = true}
        %dma_wait3A_90 = arith.constant 0 : i32
        %dma_wait3A_91 = arith.constant 0 : i32
        %dma_wait3A_92 = tpu.memref_slice %arg16[%dma_wait3A_90, %dma_wait3A_91] : memref<10000x128xf32, #tpu.memory_space<vmem_shared>> -> memref<10000x128xf32, #tpu.memory_space<vmem_shared>>
        tpu.wait_indirect_dma semaphore(%run_scoped3A : memref<!tpu.dma_semaphore, #tpu.memory_space<semaphore_mem>>) src(%arg12 : memref<128x128xf32, #tpu.memory_space<vmem>>) dst(%dma_wait3A_92 : memref<10000x128xf32, #tpu.memory_space<vmem_shared>>)
        tpu.yield
      }) : () -> ()
      %add3A_69 = arith.constant 4 : i32
      %add3A_70 = arith.addi %add3A_55, %add3A_69 : i32
      %mul3A_71 = arith.constant 128 : i32
      %mul3A_72 = arith.muli %add3A_70, %mul3A_71 : i32
      "tpu.region"() ({
        %run_scoped3A = tpu.sem_alloc : memref<!tpu.dma_semaphore, #tpu.memory_space<semaphore_mem>>
        %dma_start3A_87 = tpu.memref_slice %arg3[%mul3A_72] : memref<320000xi32, #tpu.memory_space<hbm>> -> memref<128xi32, #tpu.memory_space<hbm>>
        %dma_start3A_88 = tpu.memref_slice %arg3[%mul3A_72] : memref<320000xi32, #tpu.memory_space<hbm>> -> memref<128xi32, #tpu.memory_space<hbm>>
        tpu.enqueue_dma source(%dma_start3A_88 : memref<128xi32, #tpu.memory_space<hbm>>) target(%arg10 : memref<128xi32, #tpu.memory_space<vmem>>) target_semaphore(%run_scoped3A : memref<!tpu.dma_semaphore, #tpu.memory_space<semaphore_mem>>)
        %dma_wait3A_89 = tpu.memref_slice %arg3[%mul3A_72] : memref<320000xi32, #tpu.memory_space<hbm>> -> memref<128xi32, #tpu.memory_space<hbm>>
        %dma_wait3A_90 = tpu.memref_slice %arg3[%mul3A_72] : memref<320000xi32, #tpu.memory_space<hbm>> -> memref<128xi32, #tpu.memory_space<hbm>>
        tpu.wait_dma2 semaphore(%run_scoped3A : memref<!tpu.dma_semaphore, #tpu.memory_space<semaphore_mem>>) src(%dma_wait3A_90 : memref<128xi32, #tpu.memory_space<hbm>>) dst(%arg10 : memref<128xi32, #tpu.memory_space<vmem>>)
        tpu.yield
      }) : () -> ()
      "tpu.region"() ({
        %run_scoped3A = tpu.sem_alloc : memref<!tpu.dma_semaphore, #tpu.memory_space<semaphore_mem>>
        %dma_start3A_87 = tpu.memref_slice %arg4[%mul3A_72] : memref<320000xi32, #tpu.memory_space<hbm>> -> memref<128xi32, #tpu.memory_space<hbm>>
        %dma_start3A_88 = tpu.memref_slice %arg4[%mul3A_72] : memref<320000xi32, #tpu.memory_space<hbm>> -> memref<128xi32, #tpu.memory_space<hbm>>
        tpu.enqueue_dma source(%dma_start3A_88 : memref<128xi32, #tpu.memory_space<hbm>>) target(%arg11 : memref<128xi32, #tpu.memory_space<vmem>>) target_semaphore(%run_scoped3A : memref<!tpu.dma_semaphore, #tpu.memory_space<semaphore_mem>>)
        %dma_wait3A_89 = tpu.memref_slice %arg4[%mul3A_72] : memref<320000xi32, #tpu.memory_space<hbm>> -> memref<128xi32, #tpu.memory_space<hbm>>
        %dma_wait3A_90 = tpu.memref_slice %arg4[%mul3A_72] : memref<320000xi32, #tpu.memory_space<hbm>> -> memref<128xi32, #tpu.memory_space<hbm>>
        tpu.wait_dma2 semaphore(%run_scoped3A : memref<!tpu.dma_semaphore, #tpu.memory_space<semaphore_mem>>) src(%dma_wait3A_90 : memref<128xi32, #tpu.memory_space<hbm>>) dst(%arg11 : memref<128xi32, #tpu.memory_space<vmem>>)
        tpu.yield
      }) : () -> ()
      %dma_start3A_73 = arith.constant 0 : i32
      %dma_start3A_74 = arith.constant 0 : i32
      %dma_start3A_75 = tpu.memref_slice %arg2[%dma_start3A_73, %dma_start3A_74] : memref<10000x128xf32, #tpu.memory_space<hbm>> -> memref<10000x128xf32, #tpu.memory_space<hbm>>
      tpu.enqueue_indirect_dma source(%dma_start3A_75 : memref<10000x128xf32, #tpu.memory_space<hbm>>) target(%arg12 : memref<128x128xf32, #tpu.memory_space<vmem>>) offsets(%arg10 : memref<128xi32, #tpu.memory_space<vmem>>) semaphore(%arg18 : memref<!tpu.dma_semaphore, #tpu.memory_space<semaphore_mem>>)
      %dma_wait3A_76 = arith.constant 0 : i32
      %dma_wait3A_77 = arith.constant 0 : i32
      %dma_wait3A_78 = tpu.memref_slice %arg2[%dma_wait3A_76, %dma_wait3A_77] : memref<10000x128xf32, #tpu.memory_space<hbm>> -> memref<10000x128xf32, #tpu.memory_space<hbm>>
      tpu.wait_indirect_dma semaphore(%arg19 : memref<!tpu.dma_semaphore, #tpu.memory_space<semaphore_mem>>) src(%dma_wait3A_78 : memref<10000x128xf32, #tpu.memory_space<hbm>>) dst(%arg15 : memref<128x128xf32, #tpu.memory_space<vmem>>)
      "tpu.region"() ({
        %run_scoped3A = tpu.sem_alloc : memref<!tpu.dma_semaphore, #tpu.memory_space<semaphore_mem>>
        %dma_start3A_87 = arith.constant 0 : i32
        %dma_start3A_88 = arith.constant 0 : i32
        %dma_start3A_89 = tpu.memref_slice %arg16[%dma_start3A_87, %dma_start3A_88] : memref<10000x128xf32, #tpu.memory_space<vmem_shared>> -> memref<10000x128xf32, #tpu.memory_space<vmem_shared>>
        tpu.enqueue_indirect_dma source(%arg15 : memref<128x128xf32, #tpu.memory_space<vmem>>) target(%dma_start3A_89 : memref<10000x128xf32, #tpu.memory_space<vmem_shared>>) offsets(%arg14 : memref<128xi32, #tpu.memory_space<vmem>>) semaphore(%run_scoped3A : memref<!tpu.dma_semaphore, #tpu.memory_space<semaphore_mem>>) {add = true}
        %dma_wait3A_90 = arith.constant 0 : i32
        %dma_wait3A_91 = arith.constant 0 : i32
        %dma_wait3A_92 = tpu.memref_slice %arg16[%dma_wait3A_90, %dma_wait3A_91] : memref<10000x128xf32, #tpu.memory_space<vmem_shared>> -> memref<10000x128xf32, #tpu.memory_space<vmem_shared>>
        tpu.wait_indirect_dma semaphore(%run_scoped3A : memref<!tpu.dma_semaphore, #tpu.memory_space<semaphore_mem>>) src(%arg15 : memref<128x128xf32, #tpu.memory_space<vmem>>) dst(%dma_wait3A_92 : memref<10000x128xf32, #tpu.memory_space<vmem_shared>>)
        tpu.yield
      }) : () -> ()
      %add3A_79 = arith.constant 5 : i32
      %add3A_80 = arith.addi %add3A_55, %add3A_79 : i32
      %mul3A_81 = arith.constant 128 : i32
      %mul3A_82 = arith.muli %add3A_80, %mul3A_81 : i32
      "tpu.region"() ({
        %run_scoped3A = tpu.sem_alloc : memref<!tpu.dma_semaphore, #tpu.memory_space<semaphore_mem>>
        %dma_start3A_87 = tpu.memref_slice %arg3[%mul3A_82] : memref<320000xi32, #tpu.memory_space<hbm>> -> memref<128xi32, #tpu.memory_space<hbm>>
        %dma_start3A_88 = tpu.memref_slice %arg3[%mul3A_82] : memref<320000xi32, #tpu.memory_space<hbm>> -> memref<128xi32, #tpu.memory_space<hbm>>
        tpu.enqueue_dma source(%dma_start3A_88 : memref<128xi32, #tpu.memory_space<hbm>>) target(%arg13 : memref<128xi32, #tpu.memory_space<vmem>>) target_semaphore(%run_scoped3A : memref<!tpu.dma_semaphore, #tpu.memory_space<semaphore_mem>>)
        %dma_wait3A_89 = tpu.memref_slice %arg3[%mul3A_82] : memref<320000xi32, #tpu.memory_space<hbm>> -> memref<128xi32, #tpu.memory_space<hbm>>
        %dma_wait3A_90 = tpu.memref_slice %arg3[%mul3A_82] : memref<320000xi32, #tpu.memory_space<hbm>> -> memref<128xi32, #tpu.memory_space<hbm>>
        tpu.wait_dma2 semaphore(%run_scoped3A : memref<!tpu.dma_semaphore, #tpu.memory_space<semaphore_mem>>) src(%dma_wait3A_90 : memref<128xi32, #tpu.memory_space<hbm>>) dst(%arg13 : memref<128xi32, #tpu.memory_space<vmem>>)
        tpu.yield
      }) : () -> ()
      "tpu.region"() ({
        %run_scoped3A = tpu.sem_alloc : memref<!tpu.dma_semaphore, #tpu.memory_space<semaphore_mem>>
        %dma_start3A_87 = tpu.memref_slice %arg4[%mul3A_82] : memref<320000xi32, #tpu.memory_space<hbm>> -> memref<128xi32, #tpu.memory_space<hbm>>
        %dma_start3A_88 = tpu.memref_slice %arg4[%mul3A_82] : memref<320000xi32, #tpu.memory_space<hbm>> -> memref<128xi32, #tpu.memory_space<hbm>>
        tpu.enqueue_dma source(%dma_start3A_88 : memref<128xi32, #tpu.memory_space<hbm>>) target(%arg14 : memref<128xi32, #tpu.memory_space<vmem>>) target_semaphore(%run_scoped3A : memref<!tpu.dma_semaphore, #tpu.memory_space<semaphore_mem>>)
        %dma_wait3A_89 = tpu.memref_slice %arg4[%mul3A_82] : memref<320000xi32, #tpu.memory_space<hbm>> -> memref<128xi32, #tpu.memory_space<hbm>>
        %dma_wait3A_90 = tpu.memref_slice %arg4[%mul3A_82] : memref<320000xi32, #tpu.memory_space<hbm>> -> memref<128xi32, #tpu.memory_space<hbm>>
        tpu.wait_dma2 semaphore(%run_scoped3A : memref<!tpu.dma_semaphore, #tpu.memory_space<semaphore_mem>>) src(%dma_wait3A_90 : memref<128xi32, #tpu.memory_space<hbm>>) dst(%arg14 : memref<128xi32, #tpu.memory_space<vmem>>)
        tpu.yield
      }) : () -> ()
      %dma_start3A_83 = arith.constant 0 : i32
      %dma_start3A_84 = arith.constant 0 : i32
      %dma_start3A_85 = tpu.memref_slice %arg2[%dma_start3A_83, %dma_start3A_84] : memref<10000x128xf32, #tpu.memory_space<hbm>> -> memref<10000x128xf32, #tpu.memory_space<hbm>>
      tpu.enqueue_indirect_dma source(%dma_start3A_85 : memref<10000x128xf32, #tpu.memory_space<hbm>>) target(%arg15 : memref<128x128xf32, #tpu.memory_space<vmem>>) offsets(%arg13 : memref<128xi32, #tpu.memory_space<vmem>>) semaphore(%arg19 : memref<!tpu.dma_semaphore, #tpu.memory_space<semaphore_mem>>)
      %scan3A_86 = arith.constant 0 : i32
      scf.yield %scan3A_86 : i32
    }
    %scan3A_30 = arith.constant 25 : i32
    %dma_wait3A = arith.constant 0 : i32
    %dma_wait3A_31 = arith.constant 0 : i32
    %dma_wait3A_32 = tpu.memref_slice %arg2[%dma_wait3A, %dma_wait3A_31] : memref<10000x128xf32, #tpu.memory_space<hbm>> -> memref<10000x128xf32, #tpu.memory_space<hbm>>
    tpu.wait_indirect_dma semaphore(%arg17 : memref<!tpu.dma_semaphore, #tpu.memory_space<semaphore_mem>>) src(%dma_wait3A_32 : memref<10000x128xf32, #tpu.memory_space<hbm>>) dst(%arg9 : memref<128x128xf32, #tpu.memory_space<vmem>>)
    "tpu.region"() ({
      %run_scoped3A = tpu.sem_alloc : memref<!tpu.dma_semaphore, #tpu.memory_space<semaphore_mem>>
      %dma_start3A_51 = arith.constant 0 : i32
      %dma_start3A_52 = arith.constant 0 : i32
      %dma_start3A_53 = tpu.memref_slice %arg16[%dma_start3A_51, %dma_start3A_52] : memref<10000x128xf32, #tpu.memory_space<vmem_shared>> -> memref<10000x128xf32, #tpu.memory_space<vmem_shared>>
      tpu.enqueue_indirect_dma source(%arg9 : memref<128x128xf32, #tpu.memory_space<vmem>>) target(%dma_start3A_53 : memref<10000x128xf32, #tpu.memory_space<vmem_shared>>) offsets(%arg8 : memref<128xi32, #tpu.memory_space<vmem>>) semaphore(%run_scoped3A : memref<!tpu.dma_semaphore, #tpu.memory_space<semaphore_mem>>) {add = true}
      %dma_wait3A_54 = arith.constant 0 : i32
      %dma_wait3A_55 = arith.constant 0 : i32
      %dma_wait3A_56 = tpu.memref_slice %arg16[%dma_wait3A_54, %dma_wait3A_55] : memref<10000x128xf32, #tpu.memory_space<vmem_shared>> -> memref<10000x128xf32, #tpu.memory_space<vmem_shared>>
      tpu.wait_indirect_dma semaphore(%run_scoped3A : memref<!tpu.dma_semaphore, #tpu.memory_space<semaphore_mem>>) src(%arg9 : memref<128x128xf32, #tpu.memory_space<vmem>>) dst(%dma_wait3A_56 : memref<10000x128xf32, #tpu.memory_space<vmem_shared>>)
      tpu.yield
    }) : () -> ()
    %dma_wait3A_33 = arith.constant 0 : i32
    %dma_wait3A_34 = arith.constant 0 : i32
    %dma_wait3A_35 = tpu.memref_slice %arg2[%dma_wait3A_33, %dma_wait3A_34] : memref<10000x128xf32, #tpu.memory_space<hbm>> -> memref<10000x128xf32, #tpu.memory_space<hbm>>
    tpu.wait_indirect_dma semaphore(%arg18 : memref<!tpu.dma_semaphore, #tpu.memory_space<semaphore_mem>>) src(%dma_wait3A_35 : memref<10000x128xf32, #tpu.memory_space<hbm>>) dst(%arg12 : memref<128x128xf32, #tpu.memory_space<vmem>>)
    "tpu.region"() ({
      %run_scoped3A = tpu.sem_alloc : memref<!tpu.dma_semaphore, #tpu.memory_space<semaphore_mem>>
      %dma_start3A_51 = arith.constant 0 : i32
      %dma_start3A_52 = arith.constant 0 : i32
      %dma_start3A_53 = tpu.memref_slice %arg16[%dma_start3A_51, %dma_start3A_52] : memref<10000x128xf32, #tpu.memory_space<vmem_shared>> -> memref<10000x128xf32, #tpu.memory_space<vmem_shared>>
      tpu.enqueue_indirect_dma source(%arg12 : memref<128x128xf32, #tpu.memory_space<vmem>>) target(%dma_start3A_53 : memref<10000x128xf32, #tpu.memory_space<vmem_shared>>) offsets(%arg11 : memref<128xi32, #tpu.memory_space<vmem>>) semaphore(%run_scoped3A : memref<!tpu.dma_semaphore, #tpu.memory_space<semaphore_mem>>) {add = true}
      %dma_wait3A_54 = arith.constant 0 : i32
      %dma_wait3A_55 = arith.constant 0 : i32
      %dma_wait3A_56 = tpu.memref_slice %arg16[%dma_wait3A_54, %dma_wait3A_55] : memref<10000x128xf32, #tpu.memory_space<vmem_shared>> -> memref<10000x128xf32, #tpu.memory_space<vmem_shared>>
      tpu.wait_indirect_dma semaphore(%run_scoped3A : memref<!tpu.dma_semaphore, #tpu.memory_space<semaphore_mem>>) src(%arg12 : memref<128x128xf32, #tpu.memory_space<vmem>>) dst(%dma_wait3A_56 : memref<10000x128xf32, #tpu.memory_space<vmem_shared>>)
      tpu.yield
    }) : () -> ()
    %dma_wait3A_36 = arith.constant 0 : i32
    %dma_wait3A_37 = arith.constant 0 : i32
    %dma_wait3A_38 = tpu.memref_slice %arg2[%dma_wait3A_36, %dma_wait3A_37] : memref<10000x128xf32, #tpu.memory_space<hbm>> -> memref<10000x128xf32, #tpu.memory_space<hbm>>
    tpu.wait_indirect_dma semaphore(%arg19 : memref<!tpu.dma_semaphore, #tpu.memory_space<semaphore_mem>>) src(%dma_wait3A_38 : memref<10000x128xf32, #tpu.memory_space<hbm>>) dst(%arg15 : memref<128x128xf32, #tpu.memory_space<vmem>>)
    "tpu.region"() ({
      %run_scoped3A = tpu.sem_alloc : memref<!tpu.dma_semaphore, #tpu.memory_space<semaphore_mem>>
      %dma_start3A_51 = arith.constant 0 : i32
      %dma_start3A_52 = arith.constant 0 : i32
      %dma_start3A_53 = tpu.memref_slice %arg16[%dma_start3A_51, %dma_start3A_52] : memref<10000x128xf32, #tpu.memory_space<vmem_shared>> -> memref<10000x128xf32, #tpu.memory_space<vmem_shared>>
      tpu.enqueue_indirect_dma source(%arg15 : memref<128x128xf32, #tpu.memory_space<vmem>>) target(%dma_start3A_53 : memref<10000x128xf32, #tpu.memory_space<vmem_shared>>) offsets(%arg14 : memref<128xi32, #tpu.memory_space<vmem>>) semaphore(%run_scoped3A : memref<!tpu.dma_semaphore, #tpu.memory_space<semaphore_mem>>) {add = true}
      %dma_wait3A_54 = arith.constant 0 : i32
      %dma_wait3A_55 = arith.constant 0 : i32
      %dma_wait3A_56 = tpu.memref_slice %arg16[%dma_wait3A_54, %dma_wait3A_55] : memref<10000x128xf32, #tpu.memory_space<vmem_shared>> -> memref<10000x128xf32, #tpu.memory_space<vmem_shared>>
      tpu.wait_indirect_dma semaphore(%run_scoped3A : memref<!tpu.dma_semaphore, #tpu.memory_space<semaphore_mem>>) src(%arg15 : memref<128x128xf32, #tpu.memory_space<vmem>>) dst(%dma_wait3A_56 : memref<10000x128xf32, #tpu.memory_space<vmem_shared>>)
      tpu.yield
    }) : () -> ()
    %lt3A = arith.constant 4 : i32
    %lt3A_39 = arith.cmpi slt, %add3A, %lt3A : i32
    %convert_element_type3A_40 = arith.extui %lt3A_39 : i1 to i32
    %cond3A_41 = arith.constant 0 : i32
    %cond3A_42 = arith.cmpi ne, %convert_element_type3A_40, %cond3A_41 : i32
    scf.if %cond3A_42 {
      %add3A_51 = arith.constant 2496 : i32
      %add3A_52 = arith.addi %add3A_51, %add3A : i32
      %mul3A_53 = arith.constant 128 : i32
      %mul3A_54 = arith.muli %add3A_52, %mul3A_53 : i32
      "tpu.region"() ({
        %run_scoped3A = tpu.sem_alloc : memref<!tpu.dma_semaphore, #tpu.memory_space<semaphore_mem>>
        %dma_start3A_61 = tpu.memref_slice %arg3[%mul3A_54] : memref<320000xi32, #tpu.memory_space<hbm>> -> memref<128xi32, #tpu.memory_space<hbm>>
        %dma_start3A_62 = tpu.memref_slice %arg3[%mul3A_54] : memref<320000xi32, #tpu.memory_space<hbm>> -> memref<128xi32, #tpu.memory_space<hbm>>
        tpu.enqueue_dma source(%dma_start3A_62 : memref<128xi32, #tpu.memory_space<hbm>>) target(%arg7 : memref<128xi32, #tpu.memory_space<vmem>>) target_semaphore(%run_scoped3A : memref<!tpu.dma_semaphore, #tpu.memory_space<semaphore_mem>>)
        %dma_wait3A_63 = tpu.memref_slice %arg3[%mul3A_54] : memref<320000xi32, #tpu.memory_space<hbm>> -> memref<128xi32, #tpu.memory_space<hbm>>
        %dma_wait3A_64 = tpu.memref_slice %arg3[%mul3A_54] : memref<320000xi32, #tpu.memory_space<hbm>> -> memref<128xi32, #tpu.memory_space<hbm>>
        tpu.wait_dma2 semaphore(%run_scoped3A : memref<!tpu.dma_semaphore, #tpu.memory_space<semaphore_mem>>) src(%dma_wait3A_64 : memref<128xi32, #tpu.memory_space<hbm>>) dst(%arg7 : memref<128xi32, #tpu.memory_space<vmem>>)
        tpu.yield
      }) : () -> ()
      "tpu.region"() ({
        %run_scoped3A = tpu.sem_alloc : memref<!tpu.dma_semaphore, #tpu.memory_space<semaphore_mem>>
        %dma_start3A_61 = tpu.memref_slice %arg4[%mul3A_54] : memref<320000xi32, #tpu.memory_space<hbm>> -> memref<128xi32, #tpu.memory_space<hbm>>
        %dma_start3A_62 = tpu.memref_slice %arg4[%mul3A_54] : memref<320000xi32, #tpu.memory_space<hbm>> -> memref<128xi32, #tpu.memory_space<hbm>>
        tpu.enqueue_dma source(%dma_start3A_62 : memref<128xi32, #tpu.memory_space<hbm>>) target(%arg8 : memref<128xi32, #tpu.memory_space<vmem>>) target_semaphore(%run_scoped3A : memref<!tpu.dma_semaphore, #tpu.memory_space<semaphore_mem>>)
        %dma_wait3A_63 = tpu.memref_slice %arg4[%mul3A_54] : memref<320000xi32, #tpu.memory_space<hbm>> -> memref<128xi32, #tpu.memory_space<hbm>>
        %dma_wait3A_64 = tpu.memref_slice %arg4[%mul3A_54] : memref<320000xi32, #tpu.memory_space<hbm>> -> memref<128xi32, #tpu.memory_space<hbm>>
        tpu.wait_dma2 semaphore(%run_scoped3A : memref<!tpu.dma_semaphore, #tpu.memory_space<semaphore_mem>>) src(%dma_wait3A_64 : memref<128xi32, #tpu.memory_space<hbm>>) dst(%arg8 : memref<128xi32, #tpu.memory_space<vmem>>)
        tpu.yield
      }) : () -> ()
      %dma_start3A_55 = arith.constant 0 : i32
      %dma_start3A_56 = arith.constant 0 : i32
      %dma_start3A_57 = tpu.memref_slice %arg2[%dma_start3A_55, %dma_start3A_56] : memref<10000x128xf32, #tpu.memory_space<hbm>> -> memref<10000x128xf32, #tpu.memory_space<hbm>>
      tpu.enqueue_indirect_dma source(%dma_start3A_57 : memref<10000x128xf32, #tpu.memory_space<hbm>>) target(%arg9 : memref<128x128xf32, #tpu.memory_space<vmem>>) offsets(%arg7 : memref<128xi32, #tpu.memory_space<vmem>>) semaphore(%arg17 : memref<!tpu.dma_semaphore, #tpu.memory_space<semaphore_mem>>)
      %dma_wait3A_58 = arith.constant 0 : i32
      %dma_wait3A_59 = arith.constant 0 : i32
      %dma_wait3A_60 = tpu.memref_slice %arg2[%dma_wait3A_58, %dma_wait3A_59] : memref<10000x128xf32, #tpu.memory_space<hbm>> -> memref<10000x128xf32, #tpu.memory_space<hbm>>
      tpu.wait_indirect_dma semaphore(%arg17 : memref<!tpu.dma_semaphore, #tpu.memory_space<semaphore_mem>>) src(%dma_wait3A_60 : memref<10000x128xf32, #tpu.memory_space<hbm>>) dst(%arg9 : memref<128x128xf32, #tpu.memory_space<vmem>>)
      "tpu.region"() ({
        %run_scoped3A = tpu.sem_alloc : memref<!tpu.dma_semaphore, #tpu.memory_space<semaphore_mem>>
        %dma_start3A_61 = arith.constant 0 : i32
        %dma_start3A_62 = arith.constant 0 : i32
        %dma_start3A_63 = tpu.memref_slice %arg16[%dma_start3A_61, %dma_start3A_62] : memref<10000x128xf32, #tpu.memory_space<vmem_shared>> -> memref<10000x128xf32, #tpu.memory_space<vmem_shared>>
        tpu.enqueue_indirect_dma source(%arg9 : memref<128x128xf32, #tpu.memory_space<vmem>>) target(%dma_start3A_63 : memref<10000x128xf32, #tpu.memory_space<vmem_shared>>) offsets(%arg8 : memref<128xi32, #tpu.memory_space<vmem>>) semaphore(%run_scoped3A : memref<!tpu.dma_semaphore, #tpu.memory_space<semaphore_mem>>) {add = true}
        %dma_wait3A_64 = arith.constant 0 : i32
        %dma_wait3A_65 = arith.constant 0 : i32
        %dma_wait3A_66 = tpu.memref_slice %arg16[%dma_wait3A_64, %dma_wait3A_65] : memref<10000x128xf32, #tpu.memory_space<vmem_shared>> -> memref<10000x128xf32, #tpu.memory_space<vmem_shared>>
        tpu.wait_indirect_dma semaphore(%run_scoped3A : memref<!tpu.dma_semaphore, #tpu.memory_space<semaphore_mem>>) src(%arg9 : memref<128x128xf32, #tpu.memory_space<vmem>>) dst(%dma_wait3A_66 : memref<10000x128xf32, #tpu.memory_space<vmem_shared>>)
        tpu.yield
      }) : () -> ()
    } else {
    }
    %barrier3A_43 = arith.constant 0 : index
    tpu.barrier barrier_id(%barrier3A_43)
    %mul3A_44 = arith.constant 624 : i32
    %mul3A_45 = arith.muli %arg1, %mul3A_44 : i32
    "tpu.region"() ({
      %run_scoped3A = tpu.sem_alloc : memref<!tpu.dma_semaphore, #tpu.memory_space<semaphore_mem>>
      %dma_start3A_51 = arith.constant 0 : i32
      %dma_start3A_52 = arith.constant 0 : i32
      %dma_start3A_53 = tpu.memref_slice %arg6[%arg0, %dma_start3A_51, %dma_start3A_52] : memref<2x10000x128xf32, #tpu.memory_space<hbm>> -> memref<1x10000x128xf32, #tpu.memory_space<hbm>>
      %dma_start3A_54 = tpu.memref_squeeze %dma_start3A_53 : memref<1x10000x128xf32, #tpu.memory_space<hbm>> -> memref<10000x128xf32, #tpu.memory_space<hbm>>
      %dma_start3A_55 = arith.constant 0 : i32
      %dma_start3A_56 = tpu.memref_slice %dma_start3A_54[%mul3A_45, %dma_start3A_55] : memref<10000x128xf32, #tpu.memory_space<hbm>> -> memref<624x128xf32, #tpu.memory_space<hbm>>
      %dma_start3A_57 = arith.constant 0 : i32
      %dma_start3A_58 = tpu.memref_slice %arg16[%mul3A_45, %dma_start3A_57] : memref<10000x128xf32, #tpu.memory_space<vmem_shared>> -> memref<624x128xf32, #tpu.memory_space<vmem_shared>>
      tpu.enqueue_dma source(%dma_start3A_58 : memref<624x128xf32, #tpu.memory_space<vmem_shared>>) target(%dma_start3A_56 : memref<624x128xf32, #tpu.memory_space<hbm>>) target_semaphore(%run_scoped3A : memref<!tpu.dma_semaphore, #tpu.memory_space<semaphore_mem>>)
      %dma_wait3A_59 = arith.constant 0 : i32
      %dma_wait3A_60 = arith.constant 0 : i32
      %dma_wait3A_61 = tpu.memref_slice %arg6[%arg0, %dma_wait3A_59, %dma_wait3A_60] : memref<2x10000x128xf32, #tpu.memory_space<hbm>> -> memref<1x10000x128xf32, #tpu.memory_space<hbm>>
      %dma_wait3A_62 = tpu.memref_squeeze %dma_wait3A_61 : memref<1x10000x128xf32, #tpu.memory_space<hbm>> -> memref<10000x128xf32, #tpu.memory_space<hbm>>
      %dma_wait3A_63 = arith.constant 0 : i32
      %dma_wait3A_64 = tpu.memref_slice %dma_wait3A_62[%mul3A_45, %dma_wait3A_63] : memref<10000x128xf32, #tpu.memory_space<hbm>> -> memref<624x128xf32, #tpu.memory_space<hbm>>
      %dma_wait3A_65 = arith.constant 0 : i32
      %dma_wait3A_66 = tpu.memref_slice %arg16[%mul3A_45, %dma_wait3A_65] : memref<10000x128xf32, #tpu.memory_space<vmem_shared>> -> memref<624x128xf32, #tpu.memory_space<vmem_shared>>
      tpu.wait_dma2 semaphore(%run_scoped3A : memref<!tpu.dma_semaphore, #tpu.memory_space<semaphore_mem>>) src(%dma_wait3A_66 : memref<624x128xf32, #tpu.memory_space<vmem_shared>>) dst(%dma_wait3A_64 : memref<624x128xf32, #tpu.memory_space<hbm>>)
      tpu.yield
    }) : () -> ()
    %eq3A_46 = arith.constant 15 : i32
    %eq3A_47 = arith.cmpi eq, %arg1, %eq3A_46 : i32
    %convert_element_type3A_48 = arith.extui %eq3A_47 : i1 to i32
    %cond3A_49 = arith.constant 0 : i32
    %cond3A_50 = arith.cmpi ne, %convert_element_type3A_48, %cond3A_49 : i32
    scf.if %cond3A_50 {
      "tpu.region"() ({
        %run_scoped3A = tpu.sem_alloc : memref<!tpu.dma_semaphore, #tpu.memory_space<semaphore_mem>>
        %dma_start3A_51 = arith.constant 0 : i32
        %dma_start3A_52 = arith.constant 0 : i32
        %dma_start3A_53 = tpu.memref_slice %arg6[%arg0, %dma_start3A_51, %dma_start3A_52] : memref<2x10000x128xf32, #tpu.memory_space<hbm>> -> memref<1x10000x128xf32, #tpu.memory_space<hbm>>
        %dma_start3A_54 = tpu.memref_squeeze %dma_start3A_53 : memref<1x10000x128xf32, #tpu.memory_space<hbm>> -> memref<10000x128xf32, #tpu.memory_space<hbm>>
        %dma_start3A_55 = arith.constant 9984 : i32
        %dma_start3A_56 = arith.constant 0 : i32
        %dma_start3A_57 = tpu.memref_slice %dma_start3A_54[%dma_start3A_55, %dma_start3A_56] : memref<10000x128xf32, #tpu.memory_space<hbm>> -> memref<16x128xf32, #tpu.memory_space<hbm>>
        %dma_start3A_58 = arith.constant 9984 : i32
        %dma_start3A_59 = arith.constant 0 : i32
        %dma_start3A_60 = tpu.memref_slice %arg16[%dma_start3A_58, %dma_start3A_59] : memref<10000x128xf32, #tpu.memory_space<vmem_shared>> -> memref<16x128xf32, #tpu.memory_space<vmem_shared>>
        tpu.enqueue_dma source(%dma_start3A_60 : memref<16x128xf32, #tpu.memory_space<vmem_shared>>) target(%dma_start3A_57 : memref<16x128xf32, #tpu.memory_space<hbm>>) target_semaphore(%run_scoped3A : memref<!tpu.dma_semaphore, #tpu.memory_space<semaphore_mem>>)
        %dma_wait3A_61 = arith.constant 0 : i32
        %dma_wait3A_62 = arith.constant 0 : i32
        %dma_wait3A_63 = tpu.memref_slice %arg6[%arg0, %dma_wait3A_61, %dma_wait3A_62] : memref<2x10000x128xf32, #tpu.memory_space<hbm>> -> memref<1x10000x128xf32, #tpu.memory_space<hbm>>
        %dma_wait3A_64 = tpu.memref_squeeze %dma_wait3A_63 : memref<1x10000x128xf32, #tpu.memory_space<hbm>> -> memref<10000x128xf32, #tpu.memory_space<hbm>>
        %dma_wait3A_65 = arith.constant 9984 : i32
        %dma_wait3A_66 = arith.constant 0 : i32
        %dma_wait3A_67 = tpu.memref_slice %dma_wait3A_64[%dma_wait3A_65, %dma_wait3A_66] : memref<10000x128xf32, #tpu.memory_space<hbm>> -> memref<16x128xf32, #tpu.memory_space<hbm>>
        %dma_wait3A_68 = arith.constant 9984 : i32
        %dma_wait3A_69 = arith.constant 0 : i32
        %dma_wait3A_70 = tpu.memref_slice %arg16[%dma_wait3A_68, %dma_wait3A_69] : memref<10000x128xf32, #tpu.memory_space<vmem_shared>> -> memref<16x128xf32, #tpu.memory_space<vmem_shared>>
        tpu.wait_dma2 semaphore(%run_scoped3A : memref<!tpu.dma_semaphore, #tpu.memory_space<semaphore_mem>>) src(%dma_wait3A_70 : memref<16x128xf32, #tpu.memory_space<vmem_shared>>) dst(%dma_wait3A_67 : memref<16x128xf32, #tpu.memory_space<hbm>>)
        tpu.yield
      }) : () -> ()
    } else {
    }
    return
  }
}

module attributes {stable_mosaic.version = 14 : i64} {
  func.func @_h_body(%arg0: memref<10000x128xf32, #tpu.memory_space<vmem>>, %arg1: memref<128x128xf32, #tpu.memory_space<vmem>>, %arg2: memref<1x128xf32, #tpu.memory_space<vmem>>, %arg3: memref<10000x128xf32, #tpu.memory_space<vmem>>) attributes {dimension_semantics = [], scalar_prefetch = 0 : i64, scratch_operands = 0 : i64, tpu.core_type = #tpu.core_type<tc>} {
    %get3A = arith.constant 0 : index
    %get3A_0 = arith.constant 0 : index
    %get3A_1 = vector.load %arg0[%get3A, %get3A_0] : memref<10000x128xf32, #tpu.memory_space<vmem>>, vector<10000x128xf32>
    %get3A_2 = arith.constant 0 : index
    %get3A_3 = arith.constant 0 : index
    %get3A_4 = vector.load %arg1[%get3A_2, %get3A_3] : memref<128x128xf32, #tpu.memory_space<vmem>>, vector<128x128xf32>
    %dot_general3A = arith.constant dense<0.000000e+00> : vector<10000x128xf32>
    %dot_general3A_5 = tpu.matmul %get3A_1, %get3A_4, %dot_general3A {dimension_numbers = #tpu.dot_dimension_numbers<[1], [1], [0], [0], [0, 0, 1, 0], [], []>, transpose_lhs_hint = false} : vector<10000x128xf32>, vector<128x128xf32>, vector<10000x128xf32> -> vector<10000x128xf32>
    %get3A_6 = arith.constant 0 : index
    %get3A_7 = arith.constant 0 : index
    %get3A_8 = vector.load %arg2[%get3A_6, %get3A_7] : memref<1x128xf32, #tpu.memory_space<vmem>>, vector<1x128xf32>
    %add3A = vector.broadcast %get3A_8 : vector<1x128xf32> to vector<10000x128xf32>
    %add3A_9 = arith.addf %dot_general3A_5, %add3A : vector<10000x128xf32>
    %swap3A = arith.constant 0 : index
    %swap3A_10 = arith.constant 0 : index
    %swap3A_11 = vector.load %arg3[%swap3A, %swap3A_10] : memref<10000x128xf32, #tpu.memory_space<vmem>>, vector<10000x128xf32>
    tpu.vector_store %arg3[%swap3A, %swap3A_10], %add3A_9 {strides = array<i32>} : memref<10000x128xf32, #tpu.memory_space<vmem>>, vector<10000x128xf32>,
    return
  }
}

module attributes {stable_mosaic.version = 14 : i64} {
  func.func @_eh_body(%arg0: i32, %arg1: memref<8000x16xf32, #tpu.memory_space<vmem>>, %arg2: memref<128x16xf32, #tpu.memory_space<vmem>>, %arg3: memref<1x128xf32, #tpu.memory_space<vmem>>, %arg4: memref<8000x128xf32, #tpu.memory_space<vmem>>) attributes {dimension_semantics = [#tpu.dimension_semantics<arbitrary>], iteration_bounds = array<i64: 40>, scalar_prefetch = 0 : i64, scratch_operands = 0 : i64, tpu.core_type = #tpu.core_type<tc>, window_params = [{transform_indices = @transform_0, window_bounds = array<i64: 8000, 16>}, {pipeline_mode = #tpu.pipeline_mode<synchronous>, transform_indices = @transform_1, window_bounds = array<i64: 128, 16>}, {pipeline_mode = #tpu.pipeline_mode<synchronous>, transform_indices = @transform_2, window_bounds = array<i64: 1, 128>}, {transform_indices = @transform_3, window_bounds = array<i64: 8000, 128>}]} {
    %get3A = arith.constant 0 : index
    %get3A_0 = arith.constant 0 : index
    %get3A_1 = vector.load %arg1[%get3A, %get3A_0] : memref<8000x16xf32, #tpu.memory_space<vmem>>, vector<8000x16xf32>
    %get3A_2 = arith.constant 0 : index
    %get3A_3 = arith.constant 0 : index
    %get3A_4 = vector.load %arg2[%get3A_2, %get3A_3] : memref<128x16xf32, #tpu.memory_space<vmem>>, vector<128x16xf32>
    %dot_general3A = arith.constant dense<0.000000e+00> : vector<8000x128xf32>
    %dot_general3A_5 = tpu.matmul %get3A_1, %get3A_4, %dot_general3A {dimension_numbers = #tpu.dot_dimension_numbers<[1], [1], [0], [0], [0, 0, 1, 0], [], []>, transpose_lhs_hint = false} : vector<8000x16xf32>, vector<128x16xf32>, vector<8000x128xf32> -> vector<8000x128xf32>
    %get3A_6 = arith.constant 0 : index
    %get3A_7 = arith.constant 0 : index
    %get3A_8 = vector.load %arg3[%get3A_6, %get3A_7] : memref<1x128xf32, #tpu.memory_space<vmem>>, vector<1x128xf32>
    %add3A = vector.broadcast %get3A_8 : vector<1x128xf32> to vector<8000x128xf32>
    %add3A_9 = arith.addf %dot_general3A_5, %add3A : vector<8000x128xf32>
    %swap3A = arith.constant 0 : index
    %swap3A_10 = arith.constant 0 : index
    %swap3A_11 = vector.load %arg4[%swap3A, %swap3A_10] : memref<8000x128xf32, #tpu.memory_space<vmem>>, vector<8000x128xf32>
    tpu.vector_store %arg4[%swap3A, %swap3A_10], %add3A_9 {strides = array<i32>} : memref<8000x128xf32, #tpu.memory_space<vmem>>, vector<8000x128xf32>,
    return
  }
  func.func @transform_0(%arg0: i32) -> (i32, i32) {
    %c0_i32 = arith.constant 0 : i32
    %c0_i32_0 = arith.constant 0 : i32
    return %arg0, %c0_i32 : i32, i32
  }
  func.func @transform_1(%arg0: i32) -> (i32, i32) {
    %c0_i32 = arith.constant 0 : i32
    %c0_i32_0 = arith.constant 0 : i32
    %c0_i32_1 = arith.constant 0 : i32
    return %c0_i32, %c0_i32_0 : i32, i32
  }
  func.func @transform_2(%arg0: i32) -> (i32, i32) {
    %c0_i32 = arith.constant 0 : i32
    %c0_i32_0 = arith.constant 0 : i32
    %c0_i32_1 = arith.constant 0 : i32
    return %c0_i32, %c0_i32_0 : i32, i32
  }
  func.func @transform_3(%arg0: i32) -> (i32, i32) {
    %c0_i32 = arith.constant 0 : i32
    %c0_i32_0 = arith.constant 0 : i32
    return %arg0, %c0_i32 : i32, i32
  }
}

module attributes {stable_mosaic.version = 14 : i64} {
  func.func @_layer0_body(%arg0: memref<2x10000x128xf32, #tpu.memory_space<vmem>>, %arg1: memref<2x10000x128xf32, #tpu.memory_space<vmem>>, %arg2: memref<10000x128xf32, #tpu.memory_space<vmem>>, %arg3: memref<256x128xf32, #tpu.memory_space<vmem>>, %arg4: memref<1x256xf32, #tpu.memory_space<vmem>>, %arg5: memref<1x256xf32, #tpu.memory_space<vmem>>, %arg6: memref<1x256xf32, #tpu.memory_space<vmem>>, %arg7: memref<128x256xf32, #tpu.memory_space<vmem>>, %arg8: memref<1x128xf32, #tpu.memory_space<vmem>>, %arg9: memref<10000x128xf32, #tpu.memory_space<vmem>>, %arg10: memref<10000x128xf32, #tpu.memory_space<vmem>>, %arg11: memref<10000x128xf32, #tpu.memory_space<vmem>>) attributes {dimension_semantics = [], scalar_prefetch = 0 : i64, scratch_operands = 0 : i64, tpu.core_type = #tpu.core_type<tc>} {
    %get3A = arith.constant 0 : index
    %get3A_0 = arith.constant 0 : index
    %get3A_1 = arith.constant 0 : index
    %get3A_2 = vector.load %arg1[%get3A, %get3A_0, %get3A_1] : memref<2x10000x128xf32, #tpu.memory_space<vmem>>, vector<1x10000x128xf32>
    %get3A_3 = vector.shape_cast %get3A_2 : vector<1x10000x128xf32> to vector<10000x128xf32>
    %get3A_4 = arith.constant 1 : index
    %get3A_5 = arith.constant 0 : index
    %get3A_6 = arith.constant 0 : index
    %get3A_7 = vector.load %arg1[%get3A_4, %get3A_5, %get3A_6] : memref<2x10000x128xf32, #tpu.memory_space<vmem>>, vector<1x10000x128xf32>
    %get3A_8 = vector.shape_cast %get3A_7 : vector<1x10000x128xf32> to vector<10000x128xf32>
    %add3A = arith.addf %get3A_3, %get3A_8 : vector<10000x128xf32>
    %swap3A = arith.constant 0 : index
    %swap3A_9 = arith.constant 0 : index
    %swap3A_10 = vector.load %arg11[%swap3A, %swap3A_9] : memref<10000x128xf32, #tpu.memory_space<vmem>>, vector<10000x128xf32>
    tpu.vector_store %arg11[%swap3A, %swap3A_9], %add3A {strides = array<i32>} : memref<10000x128xf32, #tpu.memory_space<vmem>>, vector<10000x128xf32>,
    %get3A_11 = arith.constant 0 : index
    %get3A_12 = arith.constant 0 : index
    %get3A_13 = arith.constant 0 : index
    %get3A_14 = vector.load %arg0[%get3A_11, %get3A_12, %get3A_13] : memref<2x10000x128xf32, #tpu.memory_space<vmem>>, vector<1x10000x128xf32>
    %get3A_15 = vector.shape_cast %get3A_14 : vector<1x10000x128xf32> to vector<10000x128xf32>
    %get3A_16 = arith.constant 1 : index
    %get3A_17 = arith.constant 0 : index
    %get3A_18 = arith.constant 0 : index
    %get3A_19 = vector.load %arg0[%get3A_16, %get3A_17, %get3A_18] : memref<2x10000x128xf32, #tpu.memory_space<vmem>>, vector<1x10000x128xf32>
    %get3A_20 = vector.shape_cast %get3A_19 : vector<1x10000x128xf32> to vector<10000x128xf32>
    %add3A_21 = arith.addf %get3A_15, %get3A_20 : vector<10000x128xf32>
    %add3A_22 = arith.addf %add3A_21, %add3A : vector<10000x128xf32>
    %get3A_23 = arith.constant 0 : index
    %get3A_24 = arith.constant 0 : index
    %get3A_25 = vector.load %arg3[%get3A_23, %get3A_24] : memref<256x128xf32, #tpu.memory_space<vmem>>, vector<256x128xf32>
    %dot_general3A = arith.constant dense<0.000000e+00> : vector<10000x256xf32>
    %dot_general3A_26 = tpu.matmul %add3A_22, %get3A_25, %dot_general3A {dimension_numbers = #tpu.dot_dimension_numbers<[1], [1], [0], [0], [0, 0, 1, 0], [], []>, transpose_lhs_hint = false} : vector<10000x128xf32>, vector<256x128xf32>, vector<10000x256xf32> -> vector<10000x256xf32>
    %get3A_27 = arith.constant 0 : index
    %get3A_28 = arith.constant 0 : index
    %get3A_29 = vector.load %arg4[%get3A_27, %get3A_28] : memref<1x256xf32, #tpu.memory_space<vmem>>, vector<1x256xf32>
    %add3A_30 = vector.broadcast %get3A_29 : vector<1x256xf32> to vector<10000x256xf32>
    %add3A_31 = arith.addf %dot_general3A_26, %add3A_30 : vector<10000x256xf32>
    %reduce_sum3A = arith.constant dense<0.000000e+00> : vector<256xf32>
    %reduce_sum3A_32 = vector.multi_reduction <add>, %add3A_31, %reduce_sum3A [0] : vector<10000x256xf32> to vector<256xf32>
    %broadcast_in_dim3A = vector.shape_cast %reduce_sum3A_32 : vector<256xf32> to vector<1x256xf32>
    %div3A = arith.constant 1.000000e+04 : f32
    %div3A_33 = vector.broadcast %div3A : f32 to vector<1x256xf32>
    %div3A_34 = arith.divf %broadcast_in_dim3A, %div3A_33 : vector<1x256xf32>
    %sub3A = vector.broadcast %div3A_34 : vector<1x256xf32> to vector<10000x256xf32>
    %sub3A_35 = arith.subf %add3A_31, %sub3A : vector<10000x256xf32>
    %integer_pow3A = arith.mulf %sub3A_35, %sub3A_35 : vector<10000x256xf32>
    %reduce_sum3A_36 = arith.constant dense<0.000000e+00> : vector<256xf32>
    %reduce_sum3A_37 = vector.multi_reduction <add>, %integer_pow3A, %reduce_sum3A_36 [0] : vector<10000x256xf32> to vector<256xf32>
    %broadcast_in_dim3A_38 = vector.shape_cast %reduce_sum3A_37 : vector<256xf32> to vector<1x256xf32>
    %div3A_39 = arith.constant 1.000000e+04 : f32
    %div3A_40 = vector.broadcast %div3A_39 : f32 to vector<1x256xf32>
    %div3A_41 = arith.divf %broadcast_in_dim3A_38, %div3A_40 : vector<1x256xf32>
    %get3A_42 = arith.constant 0 : index
    %get3A_43 = arith.constant 0 : index
    %get3A_44 = vector.load %arg5[%get3A_42, %get3A_43] : memref<1x256xf32, #tpu.memory_space<vmem>>, vector<1x256xf32>
    %sub3A_45 = vector.broadcast %div3A_34 : vector<1x256xf32> to vector<10000x256xf32>
    %sub3A_46 = arith.subf %add3A_31, %sub3A_45 : vector<10000x256xf32>
    %mul3A = vector.broadcast %get3A_44 : vector<1x256xf32> to vector<10000x256xf32>
    %mul3A_47 = arith.mulf %mul3A, %sub3A_46 : vector<10000x256xf32>
    %add3A_48 = arith.constant 9.99999974E-6 : f32
    %add3A_49 = vector.broadcast %add3A_48 : f32 to vector<1x256xf32>
    %add3A_50 = arith.addf %div3A_41, %add3A_49 : vector<1x256xf32>
    %sqrt3A = math.sqrt %add3A_50 : vector<1x256xf32>
    %div3A_51 = vector.broadcast %sqrt3A : vector<1x256xf32> to vector<10000x256xf32>
    %div3A_52 = arith.divf %mul3A_47, %div3A_51 : vector<10000x256xf32>
    %get3A_53 = arith.constant 0 : index
    %get3A_54 = arith.constant 0 : index
    %get3A_55 = vector.load %arg6[%get3A_53, %get3A_54] : memref<1x256xf32, #tpu.memory_space<vmem>>, vector<1x256xf32>
    %add3A_56 = vector.broadcast %get3A_55 : vector<1x256xf32> to vector<10000x256xf32>
    %add3A_57 = arith.addf %div3A_52, %add3A_56 : vector<10000x256xf32>
    %max3A = arith.constant 0.000000e+00 : f32
    %max3A_58 = vector.broadcast %max3A : f32 to vector<10000x256xf32>
    %max3A_59 = arith.maximumf %add3A_57, %max3A_58 : vector<10000x256xf32>
    %get3A_60 = arith.constant 0 : index
    %get3A_61 = arith.constant 0 : index
    %get3A_62 = vector.load %arg7[%get3A_60, %get3A_61] : memref<128x256xf32, #tpu.memory_space<vmem>>, vector<128x256xf32>
    %dot_general3A_63 = arith.constant dense<0.000000e+00> : vector<10000x128xf32>
    %dot_general3A_64 = tpu.matmul %max3A_59, %get3A_62, %dot_general3A_63 {dimension_numbers = #tpu.dot_dimension_numbers<[1], [1], [0], [0], [0, 0, 1, 0], [], []>, transpose_lhs_hint = false} : vector<10000x256xf32>, vector<128x256xf32>, vector<10000x128xf32> -> vector<10000x128xf32>
    %get3A_65 = arith.constant 0 : index
    %get3A_66 = arith.constant 0 : index
    %get3A_67 = vector.load %arg8[%get3A_65, %get3A_66] : memref<1x128xf32, #tpu.memory_space<vmem>>, vector<1x128xf32>
    %add3A_68 = vector.broadcast %get3A_67 : vector<1x128xf32> to vector<10000x128xf32>
    %add3A_69 = arith.addf %dot_general3A_64, %add3A_68 : vector<10000x128xf32>
    %gt3A = arith.constant 0.000000e+00 : f32
    %gt3A_70 = vector.broadcast %gt3A : f32 to vector<10000x128xf32>
    %gt3A_71 = arith.cmpf ogt, %add3A_69, %gt3A_70 : vector<10000x128xf32>
    %mul3A_72 = arith.constant 2.000000e-01 : f32
    %mul3A_73 = vector.broadcast %mul3A_72 : f32 to vector<10000x128xf32>
    %mul3A_74 = arith.mulf %mul3A_73, %add3A_69 : vector<10000x128xf32>
    %select_n3A = arith.select %gt3A_71, %add3A_69, %mul3A_74 : vector<10000x128xi1>, vector<10000x128xf32>
    %swap3A_75 = arith.constant 0 : index
    %swap3A_76 = arith.constant 0 : index
    %swap3A_77 = vector.load %arg9[%swap3A_75, %swap3A_76] : memref<10000x128xf32, #tpu.memory_space<vmem>>, vector<10000x128xf32>
    tpu.vector_store %arg9[%swap3A_75, %swap3A_76], %select_n3A {strides = array<i32>} : memref<10000x128xf32, #tpu.memory_space<vmem>>, vector<10000x128xf32>,
    %get3A_78 = arith.constant 0 : index
    %get3A_79 = arith.constant 0 : index
    %get3A_80 = vector.load %arg2[%get3A_78, %get3A_79] : memref<10000x128xf32, #tpu.memory_space<vmem>>, vector<10000x128xf32>
    %add3A_81 = arith.addf %get3A_80, %select_n3A : vector<10000x128xf32>
    %swap3A_82 = arith.constant 0 : index
    %swap3A_83 = arith.constant 0 : index
    %swap3A_84 = vector.load %arg10[%swap3A_82, %swap3A_83] : memref<10000x128xf32, #tpu.memory_space<vmem>>, vector<10000x128xf32>
    tpu.vector_store %arg10[%swap3A_82, %swap3A_83], %add3A_81 {strides = array<i32>} : memref<10000x128xf32, #tpu.memory_space<vmem>>, vector<10000x128xf32>,
    return
  }
}

module attributes {stable_mosaic.version = 14 : i64} {
  func.func @_layer_body(%arg0: memref<2x10000x128xf32, #tpu.memory_space<vmem>>, %arg1: memref<10000x128xf32, #tpu.memory_space<vmem>>, %arg2: memref<10000x128xf32, #tpu.memory_space<vmem>>, %arg3: memref<256x128xf32, #tpu.memory_space<vmem>>, %arg4: memref<1x256xf32, #tpu.memory_space<vmem>>, %arg5: memref<1x256xf32, #tpu.memory_space<vmem>>, %arg6: memref<1x256xf32, #tpu.memory_space<vmem>>, %arg7: memref<128x256xf32, #tpu.memory_space<vmem>>, %arg8: memref<1x128xf32, #tpu.memory_space<vmem>>, %arg9: memref<10000x128xf32, #tpu.memory_space<vmem>>, %arg10: memref<10000x128xf32, #tpu.memory_space<vmem>>) attributes {dimension_semantics = [], scalar_prefetch = 0 : i64, scratch_operands = 0 : i64, tpu.core_type = #tpu.core_type<tc>} {
    %get3A = arith.constant 0 : index
    %get3A_0 = arith.constant 0 : index
    %get3A_1 = arith.constant 0 : index
    %get3A_2 = vector.load %arg0[%get3A, %get3A_0, %get3A_1] : memref<2x10000x128xf32, #tpu.memory_space<vmem>>, vector<1x10000x128xf32>
    %get3A_3 = vector.shape_cast %get3A_2 : vector<1x10000x128xf32> to vector<10000x128xf32>
    %get3A_4 = arith.constant 1 : index
    %get3A_5 = arith.constant 0 : index
    %get3A_6 = arith.constant 0 : index
    %get3A_7 = vector.load %arg0[%get3A_4, %get3A_5, %get3A_6] : memref<2x10000x128xf32, #tpu.memory_space<vmem>>, vector<1x10000x128xf32>
    %get3A_8 = vector.shape_cast %get3A_7 : vector<1x10000x128xf32> to vector<10000x128xf32>
    %add3A = arith.addf %get3A_3, %get3A_8 : vector<10000x128xf32>
    %get3A_9 = arith.constant 0 : index
    %get3A_10 = arith.constant 0 : index
    %get3A_11 = vector.load %arg1[%get3A_9, %get3A_10] : memref<10000x128xf32, #tpu.memory_space<vmem>>, vector<10000x128xf32>
    %add3A_12 = arith.addf %add3A, %get3A_11 : vector<10000x128xf32>
    %get3A_13 = arith.constant 0 : index
    %get3A_14 = arith.constant 0 : index
    %get3A_15 = vector.load %arg3[%get3A_13, %get3A_14] : memref<256x128xf32, #tpu.memory_space<vmem>>, vector<256x128xf32>
    %dot_general3A = arith.constant dense<0.000000e+00> : vector<10000x256xf32>
    %dot_general3A_16 = tpu.matmul %add3A_12, %get3A_15, %dot_general3A {dimension_numbers = #tpu.dot_dimension_numbers<[1], [1], [0], [0], [0, 0, 1, 0], [], []>, transpose_lhs_hint = false} : vector<10000x128xf32>, vector<256x128xf32>, vector<10000x256xf32> -> vector<10000x256xf32>
    %get3A_17 = arith.constant 0 : index
    %get3A_18 = arith.constant 0 : index
    %get3A_19 = vector.load %arg4[%get3A_17, %get3A_18] : memref<1x256xf32, #tpu.memory_space<vmem>>, vector<1x256xf32>
    %add3A_20 = vector.broadcast %get3A_19 : vector<1x256xf32> to vector<10000x256xf32>
    %add3A_21 = arith.addf %dot_general3A_16, %add3A_20 : vector<10000x256xf32>
    %reduce_sum3A = arith.constant dense<0.000000e+00> : vector<256xf32>
    %reduce_sum3A_22 = vector.multi_reduction <add>, %add3A_21, %reduce_sum3A [0] : vector<10000x256xf32> to vector<256xf32>
    %broadcast_in_dim3A = vector.shape_cast %reduce_sum3A_22 : vector<256xf32> to vector<1x256xf32>
    %div3A = arith.constant 1.000000e+04 : f32
    %div3A_23 = vector.broadcast %div3A : f32 to vector<1x256xf32>
    %div3A_24 = arith.divf %broadcast_in_dim3A, %div3A_23 : vector<1x256xf32>
    %sub3A = vector.broadcast %div3A_24 : vector<1x256xf32> to vector<10000x256xf32>
    %sub3A_25 = arith.subf %add3A_21, %sub3A : vector<10000x256xf32>
    %integer_pow3A = arith.mulf %sub3A_25, %sub3A_25 : vector<10000x256xf32>
    %reduce_sum3A_26 = arith.constant dense<0.000000e+00> : vector<256xf32>
    %reduce_sum3A_27 = vector.multi_reduction <add>, %integer_pow3A, %reduce_sum3A_26 [0] : vector<10000x256xf32> to vector<256xf32>
    %broadcast_in_dim3A_28 = vector.shape_cast %reduce_sum3A_27 : vector<256xf32> to vector<1x256xf32>
    %div3A_29 = arith.constant 1.000000e+04 : f32
    %div3A_30 = vector.broadcast %div3A_29 : f32 to vector<1x256xf32>
    %div3A_31 = arith.divf %broadcast_in_dim3A_28, %div3A_30 : vector<1x256xf32>
    %get3A_32 = arith.constant 0 : index
    %get3A_33 = arith.constant 0 : index
    %get3A_34 = vector.load %arg5[%get3A_32, %get3A_33] : memref<1x256xf32, #tpu.memory_space<vmem>>, vector<1x256xf32>
    %sub3A_35 = vector.broadcast %div3A_24 : vector<1x256xf32> to vector<10000x256xf32>
    %sub3A_36 = arith.subf %add3A_21, %sub3A_35 : vector<10000x256xf32>
    %mul3A = vector.broadcast %get3A_34 : vector<1x256xf32> to vector<10000x256xf32>
    %mul3A_37 = arith.mulf %mul3A, %sub3A_36 : vector<10000x256xf32>
    %add3A_38 = arith.constant 9.99999974E-6 : f32
    %add3A_39 = vector.broadcast %add3A_38 : f32 to vector<1x256xf32>
    %add3A_40 = arith.addf %div3A_31, %add3A_39 : vector<1x256xf32>
    %sqrt3A = math.sqrt %add3A_40 : vector<1x256xf32>
    %div3A_41 = vector.broadcast %sqrt3A : vector<1x256xf32> to vector<10000x256xf32>
    %div3A_42 = arith.divf %mul3A_37, %div3A_41 : vector<10000x256xf32>
    %get3A_43 = arith.constant 0 : index
    %get3A_44 = arith.constant 0 : index
    %get3A_45 = vector.load %arg6[%get3A_43, %get3A_44] : memref<1x256xf32, #tpu.memory_space<vmem>>, vector<1x256xf32>
    %add3A_46 = vector.broadcast %get3A_45 : vector<1x256xf32> to vector<10000x256xf32>
    %add3A_47 = arith.addf %div3A_42, %add3A_46 : vector<10000x256xf32>
    %max3A = arith.constant 0.000000e+00 : f32
    %max3A_48 = vector.broadcast %max3A : f32 to vector<10000x256xf32>
    %max3A_49 = arith.maximumf %add3A_47, %max3A_48 : vector<10000x256xf32>
    %get3A_50 = arith.constant 0 : index
    %get3A_51 = arith.constant 0 : index
    %get3A_52 = vector.load %arg7[%get3A_50, %get3A_51] : memref<128x256xf32, #tpu.memory_space<vmem>>, vector<128x256xf32>
    %dot_general3A_53 = arith.constant dense<0.000000e+00> : vector<10000x128xf32>
    %dot_general3A_54 = tpu.matmul %max3A_49, %get3A_52, %dot_general3A_53 {dimension_numbers = #tpu.dot_dimension_numbers<[1], [1], [0], [0], [0, 0, 1, 0], [], []>, transpose_lhs_hint = false} : vector<10000x256xf32>, vector<128x256xf32>, vector<10000x128xf32> -> vector<10000x128xf32>
    %get3A_55 = arith.constant 0 : index
    %get3A_56 = arith.constant 0 : index
    %get3A_57 = vector.load %arg8[%get3A_55, %get3A_56] : memref<1x128xf32, #tpu.memory_space<vmem>>, vector<1x128xf32>
    %add3A_58 = vector.broadcast %get3A_57 : vector<1x128xf32> to vector<10000x128xf32>
    %add3A_59 = arith.addf %dot_general3A_54, %add3A_58 : vector<10000x128xf32>
    %gt3A = arith.constant 0.000000e+00 : f32
    %gt3A_60 = vector.broadcast %gt3A : f32 to vector<10000x128xf32>
    %gt3A_61 = arith.cmpf ogt, %add3A_59, %gt3A_60 : vector<10000x128xf32>
    %mul3A_62 = arith.constant 2.000000e-01 : f32
    %mul3A_63 = vector.broadcast %mul3A_62 : f32 to vector<10000x128xf32>
    %mul3A_64 = arith.mulf %mul3A_63, %add3A_59 : vector<10000x128xf32>
    %select_n3A = arith.select %gt3A_61, %add3A_59, %mul3A_64 : vector<10000x128xi1>, vector<10000x128xf32>
    %swap3A = arith.constant 0 : index
    %swap3A_65 = arith.constant 0 : index
    %swap3A_66 = vector.load %arg9[%swap3A, %swap3A_65] : memref<10000x128xf32, #tpu.memory_space<vmem>>, vector<10000x128xf32>
    tpu.vector_store %arg9[%swap3A, %swap3A_65], %select_n3A {strides = array<i32>} : memref<10000x128xf32, #tpu.memory_space<vmem>>, vector<10000x128xf32>,
    %get3A_67 = arith.constant 0 : index
    %get3A_68 = arith.constant 0 : index
    %get3A_69 = vector.load %arg2[%get3A_67, %get3A_68] : memref<10000x128xf32, #tpu.memory_space<vmem>>, vector<10000x128xf32>
    %add3A_70 = arith.addf %get3A_69, %select_n3A : vector<10000x128xf32>
    %swap3A_71 = arith.constant 0 : index
    %swap3A_72 = arith.constant 0 : index
    %swap3A_73 = vector.load %arg10[%swap3A_71, %swap3A_72] : memref<10000x128xf32, #tpu.memory_space<vmem>>, vector<10000x128xf32>
    tpu.vector_store %arg10[%swap3A_71, %swap3A_72], %add3A_70 {strides = array<i32>} : memref<10000x128xf32, #tpu.memory_space<vmem>>, vector<10000x128xf32>,
    return
  }
}

module attributes {stable_mosaic.version = 14 : i64} {
  func.func @_layer_body(%arg0: memref<2x10000x128xf32, #tpu.memory_space<vmem>>, %arg1: memref<10000x128xf32, #tpu.memory_space<vmem>>, %arg2: memref<10000x128xf32, #tpu.memory_space<vmem>>, %arg3: memref<256x128xf32, #tpu.memory_space<vmem>>, %arg4: memref<1x256xf32, #tpu.memory_space<vmem>>, %arg5: memref<1x256xf32, #tpu.memory_space<vmem>>, %arg6: memref<1x256xf32, #tpu.memory_space<vmem>>, %arg7: memref<128x256xf32, #tpu.memory_space<vmem>>, %arg8: memref<1x128xf32, #tpu.memory_space<vmem>>, %arg9: memref<10000x128xf32, #tpu.memory_space<vmem>>, %arg10: memref<10000x128xf32, #tpu.memory_space<vmem>>) attributes {dimension_semantics = [], scalar_prefetch = 0 : i64, scratch_operands = 0 : i64, tpu.core_type = #tpu.core_type<tc>} {
    %get3A = arith.constant 0 : index
    %get3A_0 = arith.constant 0 : index
    %get3A_1 = arith.constant 0 : index
    %get3A_2 = vector.load %arg0[%get3A, %get3A_0, %get3A_1] : memref<2x10000x128xf32, #tpu.memory_space<vmem>>, vector<1x10000x128xf32>
    %get3A_3 = vector.shape_cast %get3A_2 : vector<1x10000x128xf32> to vector<10000x128xf32>
    %get3A_4 = arith.constant 1 : index
    %get3A_5 = arith.constant 0 : index
    %get3A_6 = arith.constant 0 : index
    %get3A_7 = vector.load %arg0[%get3A_4, %get3A_5, %get3A_6] : memref<2x10000x128xf32, #tpu.memory_space<vmem>>, vector<1x10000x128xf32>
    %get3A_8 = vector.shape_cast %get3A_7 : vector<1x10000x128xf32> to vector<10000x128xf32>
    %add3A = arith.addf %get3A_3, %get3A_8 : vector<10000x128xf32>
    %get3A_9 = arith.constant 0 : index
    %get3A_10 = arith.constant 0 : index
    %get3A_11 = vector.load %arg1[%get3A_9, %get3A_10] : memref<10000x128xf32, #tpu.memory_space<vmem>>, vector<10000x128xf32>
    %add3A_12 = arith.addf %add3A, %get3A_11 : vector<10000x128xf32>
    %get3A_13 = arith.constant 0 : index
    %get3A_14 = arith.constant 0 : index
    %get3A_15 = vector.load %arg3[%get3A_13, %get3A_14] : memref<256x128xf32, #tpu.memory_space<vmem>>, vector<256x128xf32>
    %dot_general3A = arith.constant dense<0.000000e+00> : vector<10000x256xf32>
    %dot_general3A_16 = tpu.matmul %add3A_12, %get3A_15, %dot_general3A {dimension_numbers = #tpu.dot_dimension_numbers<[1], [1], [0], [0], [0, 0, 1, 0], [], []>, transpose_lhs_hint = false} : vector<10000x128xf32>, vector<256x128xf32>, vector<10000x256xf32> -> vector<10000x256xf32>
    %get3A_17 = arith.constant 0 : index
    %get3A_18 = arith.constant 0 : index
    %get3A_19 = vector.load %arg4[%get3A_17, %get3A_18] : memref<1x256xf32, #tpu.memory_space<vmem>>, vector<1x256xf32>
    %add3A_20 = vector.broadcast %get3A_19 : vector<1x256xf32> to vector<10000x256xf32>
    %add3A_21 = arith.addf %dot_general3A_16, %add3A_20 : vector<10000x256xf32>
    %reduce_sum3A = arith.constant dense<0.000000e+00> : vector<256xf32>
    %reduce_sum3A_22 = vector.multi_reduction <add>, %add3A_21, %reduce_sum3A [0] : vector<10000x256xf32> to vector<256xf32>
    %broadcast_in_dim3A = vector.shape_cast %reduce_sum3A_22 : vector<256xf32> to vector<1x256xf32>
    %div3A = arith.constant 1.000000e+04 : f32
    %div3A_23 = vector.broadcast %div3A : f32 to vector<1x256xf32>
    %div3A_24 = arith.divf %broadcast_in_dim3A, %div3A_23 : vector<1x256xf32>
    %sub3A = vector.broadcast %div3A_24 : vector<1x256xf32> to vector<10000x256xf32>
    %sub3A_25 = arith.subf %add3A_21, %sub3A : vector<10000x256xf32>
    %integer_pow3A = arith.mulf %sub3A_25, %sub3A_25 : vector<10000x256xf32>
    %reduce_sum3A_26 = arith.constant dense<0.000000e+00> : vector<256xf32>
    %reduce_sum3A_27 = vector.multi_reduction <add>, %integer_pow3A, %reduce_sum3A_26 [0] : vector<10000x256xf32> to vector<256xf32>
    %broadcast_in_dim3A_28 = vector.shape_cast %reduce_sum3A_27 : vector<256xf32> to vector<1x256xf32>
    %div3A_29 = arith.constant 1.000000e+04 : f32
    %div3A_30 = vector.broadcast %div3A_29 : f32 to vector<1x256xf32>
    %div3A_31 = arith.divf %broadcast_in_dim3A_28, %div3A_30 : vector<1x256xf32>
    %get3A_32 = arith.constant 0 : index
    %get3A_33 = arith.constant 0 : index
    %get3A_34 = vector.load %arg5[%get3A_32, %get3A_33] : memref<1x256xf32, #tpu.memory_space<vmem>>, vector<1x256xf32>
    %sub3A_35 = vector.broadcast %div3A_24 : vector<1x256xf32> to vector<10000x256xf32>
    %sub3A_36 = arith.subf %add3A_21, %sub3A_35 : vector<10000x256xf32>
    %mul3A = vector.broadcast %get3A_34 : vector<1x256xf32> to vector<10000x256xf32>
    %mul3A_37 = arith.mulf %mul3A, %sub3A_36 : vector<10000x256xf32>
    %add3A_38 = arith.constant 9.99999974E-6 : f32
    %add3A_39 = vector.broadcast %add3A_38 : f32 to vector<1x256xf32>
    %add3A_40 = arith.addf %div3A_31, %add3A_39 : vector<1x256xf32>
    %sqrt3A = math.sqrt %add3A_40 : vector<1x256xf32>
    %div3A_41 = vector.broadcast %sqrt3A : vector<1x256xf32> to vector<10000x256xf32>
    %div3A_42 = arith.divf %mul3A_37, %div3A_41 : vector<10000x256xf32>
    %get3A_43 = arith.constant 0 : index
    %get3A_44 = arith.constant 0 : index
    %get3A_45 = vector.load %arg6[%get3A_43, %get3A_44] : memref<1x256xf32, #tpu.memory_space<vmem>>, vector<1x256xf32>
    %add3A_46 = vector.broadcast %get3A_45 : vector<1x256xf32> to vector<10000x256xf32>
    %add3A_47 = arith.addf %div3A_42, %add3A_46 : vector<10000x256xf32>
    %max3A = arith.constant 0.000000e+00 : f32
    %max3A_48 = vector.broadcast %max3A : f32 to vector<10000x256xf32>
    %max3A_49 = arith.maximumf %add3A_47, %max3A_48 : vector<10000x256xf32>
    %get3A_50 = arith.constant 0 : index
    %get3A_51 = arith.constant 0 : index
    %get3A_52 = vector.load %arg7[%get3A_50, %get3A_51] : memref<128x256xf32, #tpu.memory_space<vmem>>, vector<128x256xf32>
    %dot_general3A_53 = arith.constant dense<0.000000e+00> : vector<10000x128xf32>
    %dot_general3A_54 = tpu.matmul %max3A_49, %get3A_52, %dot_general3A_53 {dimension_numbers = #tpu.dot_dimension_numbers<[1], [1], [0], [0], [0, 0, 1, 0], [], []>, transpose_lhs_hint = false} : vector<10000x256xf32>, vector<128x256xf32>, vector<10000x128xf32> -> vector<10000x128xf32>
    %get3A_55 = arith.constant 0 : index
    %get3A_56 = arith.constant 0 : index
    %get3A_57 = vector.load %arg8[%get3A_55, %get3A_56] : memref<1x128xf32, #tpu.memory_space<vmem>>, vector<1x128xf32>
    %add3A_58 = vector.broadcast %get3A_57 : vector<1x128xf32> to vector<10000x128xf32>
    %add3A_59 = arith.addf %dot_general3A_54, %add3A_58 : vector<10000x128xf32>
    %gt3A = arith.constant 0.000000e+00 : f32
    %gt3A_60 = vector.broadcast %gt3A : f32 to vector<10000x128xf32>
    %gt3A_61 = arith.cmpf ogt, %add3A_59, %gt3A_60 : vector<10000x128xf32>
    %mul3A_62 = arith.constant 2.000000e-01 : f32
    %mul3A_63 = vector.broadcast %mul3A_62 : f32 to vector<10000x128xf32>
    %mul3A_64 = arith.mulf %mul3A_63, %add3A_59 : vector<10000x128xf32>
    %select_n3A = arith.select %gt3A_61, %add3A_59, %mul3A_64 : vector<10000x128xi1>, vector<10000x128xf32>
    %swap3A = arith.constant 0 : index
    %swap3A_65 = arith.constant 0 : index
    %swap3A_66 = vector.load %arg9[%swap3A, %swap3A_65] : memref<10000x128xf32, #tpu.memory_space<vmem>>, vector<10000x128xf32>
    tpu.vector_store %arg9[%swap3A, %swap3A_65], %select_n3A {strides = array<i32>} : memref<10000x128xf32, #tpu.memory_space<vmem>>, vector<10000x128xf32>,
    %get3A_67 = arith.constant 0 : index
    %get3A_68 = arith.constant 0 : index
    %get3A_69 = vector.load %arg2[%get3A_67, %get3A_68] : memref<10000x128xf32, #tpu.memory_space<vmem>>, vector<10000x128xf32>
    %add3A_70 = arith.addf %get3A_69, %select_n3A : vector<10000x128xf32>
    %swap3A_71 = arith.constant 0 : index
    %swap3A_72 = arith.constant 0 : index
    %swap3A_73 = vector.load %arg10[%swap3A_71, %swap3A_72] : memref<10000x128xf32, #tpu.memory_space<vmem>>, vector<10000x128xf32>
    tpu.vector_store %arg10[%swap3A_71, %swap3A_72], %add3A_70 {strides = array<i32>} : memref<10000x128xf32, #tpu.memory_space<vmem>>, vector<10000x128xf32>,
    return
  }
}

module attributes {stable_mosaic.version = 14 : i64} {
  func.func @_head_body(%arg0: memref<10000x128xf32, #tpu.memory_space<vmem>>, %arg1: memref<256x128xf32, #tpu.memory_space<vmem>>, %arg2: memref<1x256xf32, #tpu.memory_space<vmem>>, %arg3: memref<1x256xf32, #tpu.memory_space<vmem>>, %arg4: memref<1x256xf32, #tpu.memory_space<vmem>>, %arg5: memref<1x1xf32, #tpu.memory_space<vmem>>, %arg6: memref<40x256xf32, #tpu.memory_space<vmem>>, %arg7: memref<1x40xf32, #tpu.memory_space<vmem>>, %arg8: memref<10000x40xf32, #tpu.memory_space<vmem>>) attributes {dimension_semantics = [], scalar_prefetch = 0 : i64, scratch_operands = 0 : i64, tpu.core_type = #tpu.core_type<tc>} {
    %get3A = arith.constant 0 : index
    %get3A_0 = arith.constant 0 : index
    %get3A_1 = vector.load %arg0[%get3A, %get3A_0] : memref<10000x128xf32, #tpu.memory_space<vmem>>, vector<10000x128xf32>
    %get3A_2 = arith.constant 0 : index
    %get3A_3 = arith.constant 0 : index
    %get3A_4 = vector.load %arg1[%get3A_2, %get3A_3] : memref<256x128xf32, #tpu.memory_space<vmem>>, vector<256x128xf32>
    %dot_general3A = arith.constant dense<0.000000e+00> : vector<10000x256xf32>
    %dot_general3A_5 = tpu.matmul %get3A_1, %get3A_4, %dot_general3A {dimension_numbers = #tpu.dot_dimension_numbers<[1], [1], [0], [0], [0, 0, 1, 0], [], []>, transpose_lhs_hint = false} : vector<10000x128xf32>, vector<256x128xf32>, vector<10000x256xf32> -> vector<10000x256xf32>
    %get3A_6 = arith.constant 0 : index
    %get3A_7 = arith.constant 0 : index
    %get3A_8 = vector.load %arg2[%get3A_6, %get3A_7] : memref<1x256xf32, #tpu.memory_space<vmem>>, vector<1x256xf32>
    %add3A = vector.broadcast %get3A_8 : vector<1x256xf32> to vector<10000x256xf32>
    %add3A_9 = arith.addf %dot_general3A_5, %add3A : vector<10000x256xf32>
    %reduce_sum3A = arith.constant dense<0.000000e+00> : vector<256xf32>
    %reduce_sum3A_10 = vector.multi_reduction <add>, %add3A_9, %reduce_sum3A [0] : vector<10000x256xf32> to vector<256xf32>
    %broadcast_in_dim3A = vector.shape_cast %reduce_sum3A_10 : vector<256xf32> to vector<1x256xf32>
    %div3A = arith.constant 1.000000e+04 : f32
    %div3A_11 = vector.broadcast %div3A : f32 to vector<1x256xf32>
    %div3A_12 = arith.divf %broadcast_in_dim3A, %div3A_11 : vector<1x256xf32>
    %sub3A = vector.broadcast %div3A_12 : vector<1x256xf32> to vector<10000x256xf32>
    %sub3A_13 = arith.subf %add3A_9, %sub3A : vector<10000x256xf32>
    %integer_pow3A = arith.mulf %sub3A_13, %sub3A_13 : vector<10000x256xf32>
    %reduce_sum3A_14 = arith.constant dense<0.000000e+00> : vector<256xf32>
    %reduce_sum3A_15 = vector.multi_reduction <add>, %integer_pow3A, %reduce_sum3A_14 [0] : vector<10000x256xf32> to vector<256xf32>
    %broadcast_in_dim3A_16 = vector.shape_cast %reduce_sum3A_15 : vector<256xf32> to vector<1x256xf32>
    %div3A_17 = arith.constant 1.000000e+04 : f32
    %div3A_18 = vector.broadcast %div3A_17 : f32 to vector<1x256xf32>
    %div3A_19 = arith.divf %broadcast_in_dim3A_16, %div3A_18 : vector<1x256xf32>
    %get3A_20 = arith.constant 0 : index
    %get3A_21 = arith.constant 0 : index
    %get3A_22 = vector.load %arg3[%get3A_20, %get3A_21] : memref<1x256xf32, #tpu.memory_space<vmem>>, vector<1x256xf32>
    %sub3A_23 = vector.broadcast %div3A_12 : vector<1x256xf32> to vector<10000x256xf32>
    %sub3A_24 = arith.subf %add3A_9, %sub3A_23 : vector<10000x256xf32>
    %mul3A = vector.broadcast %get3A_22 : vector<1x256xf32> to vector<10000x256xf32>
    %mul3A_25 = arith.mulf %mul3A, %sub3A_24 : vector<10000x256xf32>
    %add3A_26 = arith.constant 9.99999974E-6 : f32
    %add3A_27 = vector.broadcast %add3A_26 : f32 to vector<1x256xf32>
    %add3A_28 = arith.addf %div3A_19, %add3A_27 : vector<1x256xf32>
    %sqrt3A = math.sqrt %add3A_28 : vector<1x256xf32>
    %div3A_29 = vector.broadcast %sqrt3A : vector<1x256xf32> to vector<10000x256xf32>
    %div3A_30 = arith.divf %mul3A_25, %div3A_29 : vector<10000x256xf32>
    %get3A_31 = arith.constant 0 : index
    %get3A_32 = arith.constant 0 : index
    %get3A_33 = vector.load %arg4[%get3A_31, %get3A_32] : memref<1x256xf32, #tpu.memory_space<vmem>>, vector<1x256xf32>
    %add3A_34 = vector.broadcast %get3A_33 : vector<1x256xf32> to vector<10000x256xf32>
    %add3A_35 = arith.addf %div3A_30, %add3A_34 : vector<10000x256xf32>
    %gt3A = arith.constant 0.000000e+00 : f32
    %gt3A_36 = vector.broadcast %gt3A : f32 to vector<10000x256xf32>
    %gt3A_37 = arith.cmpf ogt, %add3A_35, %gt3A_36 : vector<10000x256xf32>
    %get3A_38 = arith.constant 0 : index
    %get3A_39 = arith.constant 0 : index
    %get3A_40 = vector.load %arg5[%get3A_38, %get3A_39] : memref<1x1xf32, #tpu.memory_space<vmem>>, vector<1x1xf32>
    %mul3A_41 = vector.broadcast %get3A_40 : vector<1x1xf32> to vector<10000x256xf32>
    %mul3A_42 = arith.mulf %mul3A_41, %add3A_35 : vector<10000x256xf32>
    %select_n3A = arith.select %gt3A_37, %add3A_35, %mul3A_42 : vector<10000x256xi1>, vector<10000x256xf32>
    %get3A_43 = arith.constant 0 : index
    %get3A_44 = arith.constant 0 : index
    %get3A_45 = vector.load %arg6[%get3A_43, %get3A_44] : memref<40x256xf32, #tpu.memory_space<vmem>>, vector<40x256xf32>
    %dot_general3A_46 = arith.constant dense<0.000000e+00> : vector<10000x40xf32>
    %dot_general3A_47 = tpu.matmul %select_n3A, %get3A_45, %dot_general3A_46 {dimension_numbers = #tpu.dot_dimension_numbers<[1], [1], [0], [0], [0, 0, 1, 0], [], []>, transpose_lhs_hint = false} : vector<10000x256xf32>, vector<40x256xf32>, vector<10000x40xf32> -> vector<10000x40xf32>
    %get3A_48 = arith.constant 0 : index
    %get3A_49 = arith.constant 0 : index
    %get3A_50 = vector.load %arg7[%get3A_48, %get3A_49] : memref<1x40xf32, #tpu.memory_space<vmem>>, vector<1x40xf32>
    %add3A_51 = vector.broadcast %get3A_50 : vector<1x40xf32> to vector<10000x40xf32>
    %add3A_52 = arith.addf %dot_general3A_47, %add3A_51 : vector<10000x40xf32>
    %swap3A = arith.constant 0 : index
    %swap3A_53 = arith.constant 0 : index
    %swap3A_54 = vector.load %arg8[%swap3A, %swap3A_53] : memref<10000x40xf32, #tpu.memory_space<vmem>>, vector<10000x40xf32>
    tpu.vector_store %arg8[%swap3A, %swap3A_53], %add3A_52 {strides = array<i32>} : memref<10000x40xf32, #tpu.memory_space<vmem>>, vector<10000x40xf32>,
    return
  }
}

</mosaic_0001>

<sc_bundles>
// kernel: kernel.12.cloned.1.call-start
scs
__scs_entry_jumppad:
0x0: {  	(pc) =	sbr.rel $0x88, $3  }
0x1: {  	(tag) =	ssettag $0x0;
	lr =	simm.s32 $0x1  }
0x2: {  	[smem:$0x3F8D] =	sst lr;
	_ =	strace $0xD0000000  }
0x3: {  	_ = 	snop  }
0x4: {  	_ = 	snop  }
0x5: {  	_ = 	snop  }
0x6: {  	_ = 	snop  }
0x7: {  	_ = 	snop  }
__scs_overlays_trampoline_lowered:
0x8: {  	[smem:$0x3F9C] =	sst s0  }
0x9: {  	[smem:$0x3F9D] =	sst s1  }
0xa: {  	[smem:$0x3F9E] =	sst s2  }
0xb: {  	[smem:$0x3F9F] =	sst s3  }
0xc: {  	[smem:$0x3FA0] =	sst s4  }
0xd: {  	[smem:$0x3FA1] =	sst s5  }
0xe: {  	[smem:$0x3FA2] =	sst s6  }
0xf: {  	[smem:$0x3FA3] =	sst s7  }
0x10: {  	[smem:$0x3FA4] =	sst s8  }
0x11: {  	[smem:$0x3FA5] =	sst s9;
	s0 =	simm.s32 @!p0 $0x0  }
0x12: {  	s1 =	sld [smem:$0x3F8B];
	s0 =	simm.s32 @p0 $0x1  }
0x13: {  	[smem:$0x3FA6] =	sst s0;
	s0 =	simm.s32 @!p1 $0x0  }
0x14: {  	s2 =	sld [smem:$0x3F8A];
	s0 =	simm.s32 @p1 $0x1  }
0x15: {  	[smem:$0x3FA7] =	sst s0;
	s0 =	simm.s32 @!p2 $0x0  }
0x16: {  	s3 =	sld [smem:$0x3FDB];
	s0 =	simm.s32 @p2 $0x1  }
0x17: {  	s4 =	simm.s32 $0x1BF5;
	[smem:$0x3FA9] =	sst s0  }
0x18: {  	s0 =	sld [smem:$0x3F8C];
	_ =	swait.ge [sflag:s4], $0x0  }
0x19: {  	s7 =	sld [smem:$0x3F8D]  }
0x1a: {  	s8 =	sadd.s32 $0xFFFFE003, lr  }
0x1b: {  	s9 =	sadd.s32 $0xFFFFFEF7, lr;
	s5 =	simm.s32 $0xFFFFFFFF;
	p2 =	slt.u32 s8, $0xFFFFF086  }
0x1c: {  	p1 =	slt.u32 s9, $0xF7A;
	s5 =	simm.s32 @!p2 $0x0  }
0x1d: {  	s5 =	simm.s32 @p1 $0x1;
	p0 =	seq.s32 s7, s2  }
0x1e: {  	s7 =	smul.u32 @!p0 $0xF7A, s2;
	p2 =	seq.s32 @!p0 s5, $0x0  }
0x1f: {  	s9 =	smul.u32 $0xF7A, s1;
	s8 =	simm.s32 @!p0 $0x1BF5;
	p2 =	por !p2, p0  }
0x20: {  	[sflag:s8] =	ssyncset.s32 @!p0 $0xFFFFF086;
	s6 =	sadd.s32 @!p0 s3, s7;
	s7 =	simm.s32 @!p0 $0x108  }
0x21: {  	s3 =	sadd.s32 s3, s9;
	s6 =	sadd.s32 @!p0 $0x88, s6;
	s7 =	simm.s32 @p2 $0x1082  }
0x22: {  	[simem:s7], [sflag:s8] =	dma.local @!p0 [hbm:s6], $0xF7A  }
0x23: {  	s9 =	sor.u32 $0xD0000000, s2;
	s6 =	simm.s32 $0x108;
	_ =	swait.ge @!p0 [sflag:s8], $0x0  }
0x24: {  	s3 =	sadd.s32 $0x88, s3;
	s6 =	simm.s32 @!p1 $0x1082;
	[sflag:s4] =	ssyncset.s32 $0xFFFFF086  }
0x25: {  	[simem:s6], [sflag:s4] =	dma.local [hbm:s3], $0xF7A  }
0x26: {  	[smem:$0x3F8D] =	sst s1;
	(tag) =	ssettag s2;
	_ =	strace s9  }
0x27: {  	s1 =	sld [smem:$0x3F9D]  }
0x28: {  	s2 =	sld [smem:$0x3F9E]  }
0x29: {  	s4 =	sld [smem:$0x3FA0]  }
0x2a: {  	p0 =	seq.s32 s5, $0x0;
	s5 =	sld [smem:$0x3FA1]  }
0x2b: {  	s6 =	sld [smem:$0x3FA2]  }
0x2c: {  	s7 =	sld [smem:$0x3FA3]  }
0x2d: {  	s3 =	simm.s32 $0x108;
	s8 =	sld [smem:$0x3FA4]  }
0x2e: {  	s3 =	simm.s32 @!p0 $0x1082;
	s9 =	sld [smem:$0x3FA5]  }
0x2f: {  	lr =	sadd.s32 s0, s3;
	s0 =	sld [smem:$0x3F9C]  }
0x30: {  	s3 =	sld [smem:$0x3F9F]  }
0x31: {  	[smem:$0x3FA8] =	sst s10  }
0x32: {  	s10 =	sld [smem:$0x3FA6];
	_ =	sdelay $0x3  }
0x33: {  	p0 =	seq.s32 s10, $0x1;
	s10 =	sld [smem:$0x3FA8];
	_ =	sdelay $0x3  }
0x34: {  	[smem:$0x3FA8] =	sst s10  }
0x35: {  	s10 =	sld [smem:$0x3FA7];
	_ =	sdelay $0x3  }
0x36: {  	p1 =	seq.s32 s10, $0x1;
	s10 =	sld [smem:$0x3FA8];
	_ =	sdelay $0x3  }
0x37: {  	[smem:$0x3FA8] =	sst s10  }
0x38: {  	s10 =	sld [smem:$0x3FA9]  }
0x39: {  	_ = 	snop;
	(pc) =	sbr.ind lr, $3  }
0x3a: {  	_ = 	snop  }
0x3b: {  	_ = 	snop  }
0x3c: {  	p2 =	seq.s32 s10, $0x1;
	s10 =	sld [smem:$0x3FA8]  }
0x3d: {  	_ =	shalt  }
0x3e: {  	_ =	shalt  }
0x3f: {  	_ =	shalt  }
0x40: {  	_ =	shalt  }
0x41: {  	_ =	shalt  }
0x42: {  	_ =	shalt  }
0x43: {  	_ =	shalt  }
0x44: {  	_ =	shalt  }
0x45: {  	_ =	shalt  }
0x46: {  	_ =	shalt  }
0x47: {  	_ =	shalt  }
0x48: {  	_ =	shalt  }
0x49: {  	_ =	shalt  }
0x4a: {  	_ =	shalt  }
0x4b: {  	_ =	shalt  }
0x4c: {  	_ =	shalt  }
0x4d: {  	_ =	shalt  }
0x4e: {  	_ =	shalt  }
0x4f: {  	_ =	shalt  }
0x50: {  	_ =	shalt  }
0x51: {  	_ =	shalt  }
0x52: {  	_ =	shalt  }
0x53: {  	_ =	shalt  }
0x54: {  	_ =	shalt  }
0x55: {  	_ =	shalt  }
0x56: {  	_ =	shalt  }
0x57: {  	_ =	shalt  }
0x58: {  	_ =	shalt  }
0x59: {  	_ =	shalt  }
0x5a: {  	_ =	shalt  }
0x5b: {  	_ =	shalt  }
0x5c: {  	_ =	shalt  }
0x5d: {  	_ =	shalt  }
0x5e: {  	_ =	shalt  }
0x5f: {  	_ =	shalt  }
0x60: {  	_ =	shalt  }
0x61: {  	_ =	shalt  }
0x62: {  	_ =	shalt  }
0x63: {  	_ =	shalt  }
0x64: {  	_ =	shalt  }
0x65: {  	_ =	shalt  }
0x66: {  	_ =	shalt  }
0x67: {  	_ =	shalt  }
0x68: {  	_ =	shalt  }
0x69: {  	_ =	shalt  }
0x6a: {  	_ =	shalt  }
0x6b: {  	_ =	shalt  }
0x6c: {  	_ =	shalt  }
0x6d: {  	_ =	shalt  }
0x6e: {  	_ =	shalt  }
0x6f: {  	_ =	shalt  }
0x70: {  	_ =	shalt  }
0x71: {  	_ =	shalt  }
0x72: {  	_ =	shalt  }
0x73: {  	_ =	shalt  }
0x74: {  	_ =	shalt  }
0x75: {  	_ =	shalt  }
0x76: {  	_ =	shalt  }
0x77: {  	_ =	shalt  }
0x78: {  	_ =	shalt  }
0x79: {  	_ =	shalt  }
0x7a: {  	_ =	shalt  }
0x7b: {  	_ =	shalt  }
0x7c: {  	_ =	shalt  }
0x7d: {  	_ =	shalt  }
0x7e: {  	_ =	shalt  }
0x7f: {  	_ =	shalt  }
0x80: {  	_ =	shalt  }
0x81: {  	_ =	shalt  }
0x82: {  	_ =	shalt  }
0x83: {  	_ =	shalt  }
0x84: {  	_ =	shalt  }
0x85: {  	_ =	shalt  }
0x86: {  	_ =	shalt  }
0x87: {  	_ =	shalt  }
.Lfunc_end0:
.L_simem_size_0:
called_computation_lowered:
.L_overlay_start_0:
0x88: {  	s2 =	sld [smem:$0x3FD9]  }
0x89: {  	s3 =	sld [smem:$0x3FFE];
	_ =	sdelay $0x1  }
0x8a: {  	s1 =	srdreg.scid  }
0x8b: {  	s0 =	sand.u32 $0x1, s1  }
0x8c: {  	s17 =	sshll.u32 s0, $0xA;
	s2 =	sadd.s32 s3, s2  }
0x8d: {  	s2 =	sadd.s32 s2, s17  }
0x8e: {  	[smem:$0x3FB4] =	sst s2  }
0x8f: {  	_ = 	snop  }
0x90: {  	s2 =	sld [smem:$0x3FD0];
	(tm) =	ssettm $0x1  }
0x91: {  	s18 =	sld [smem:$0x3FFB];
	_ =	sdelay $0x3  }
0x92: {  	_ =	strace s18  }
0x93: {  	s3 =	sld [smem:$0x3FFC];
	_ =	sdelay $0x3  }
0x94: {  	_ =	strace s3  }
0x95: {  	s3 =	sld [smem:$0x3FFD];
	_ =	sdelay $0x3  }
0x96: {  	_ =	strace s3  }
0x97: {  	_ =	strace $0x8FFFFFFF  }
0x98: {  	s19 =	sld [smem:$0x3FDB];
	_ =	sdelay $0x1  }
0x99: {  	s4 =	simm.s32 $_scs_section_size  }
0x9a: {  	s5 =	simm.s32 $_size__tile_overlayer_lowered;
	s6 =	simm.s32 $_tile_overlayer_lowered  }
0x9b: {  	s22 =	simm.s32 $0x1BFF;
	s21 =	sshll.u32 s6, $0x1;
	s3 =	sadd.s32 s4, s19  }
0x9c: {  	s7 =	simm.s32 $0x0;
	s20 =	sshll.u32 s5, $0x1;
	s5 =	sadd.s32 s21, s3  }
0x9d: {  	[timem:s7], [sflag:s22] =	dma.local [hbm:s5], s20  }
0x9e: {  	_ =	swait.ge [sflag:s22], s20  }
0x9f: {  	s4 =	ssub.s32 $0x0, s20;
	[sflag:s22] =	ssyncset.done $0x0  }
0xa0: {  	[sflag:s22] =	ssyncadd.s32 s4;
	_ =	sdelay $0x1  }
0xa1: {  	s23 =	simm.s32 $0x1B8B  }
0xa2: {  	_ =	swait.ge [sflag:s23], $0x1  }
0xa3: {  	[sflag:s23] =	ssyncset.done $0x0  }
0xa4: {  	s25 =	simm.s32 $0x1B8E;
	s24 =	sld [smem:$0x3FFE];
	[sflag:s23] =	ssyncadd.s32 $0xFFFFFFFF  }
0xa5: {  	s26 =	simm.s32 $execute0_lowered;
	[smem:$0x3FD2] =	sst s25  }
0xa6: {  	s5 =	sshll.u32 s26, $0x1;
	_ =	strace $0x80000046;
	[dreg:$0x1] =	wrdreg $0xFFFFFFFF  }
0xa7: {  	s28 =	simm.s32 $_size_execute0_lowered;
	s3 =	sadd.s32 s3, s5;
	[dreg:$0x0] =	wrdreg $0x0  }
0xa8: {  	s5 =	sshll.u32 s28, $0x1;
	[dreg:$0x2] =	wrdreg s3  }
0xa9: {  	[dreg:$0x3] =	wrdreg s5  }
0xaa: {  	[dreg:$0x4] =	wrdreg $0xC0  }
0xab: {  	_ =	task [dreg:s7], $0x5FFFF  }
0xac: {  	[dreg:$0x1] =	wrdreg $0xFFFFFFFF  }
0xad: {  	[dreg:$0x0] =	wrdreg $0x60  }
0xae: {  	[dreg:$0x2] =	wrdreg s24  }
0xaf: {  	[dreg:$0x3] =	wrdreg s2  }
0xb0: {  	[dreg:$0x4] =	wrdreg $0xC3000  }
0xb1: {  	[dreg:$0x5] =	wrdreg $0x9  }
0xb2: {  	_ =	task.clear_ibuf [dreg:s7], $0x6FFFF;
	_ =	strace $0x90000046  }
0xb3: {  	s29 =	simm.s32 $0x9;
	_ =	strace $0x80000048  }
0xb4: {  	_ =	swait.ge [sflag:s29], $0x1  }
0xb5: {  	[sflag:s29] =	ssyncadd.s32 $0xFFFFFFFF  }
0xb6: {  	_ =	strace $0x90000048  }
0xb7: {  	_ =	sfence  }
0xb8: {  	s30 =	sld [smem:$0x0];
	_ =	sdelay $0x2  }
0xb9: {  	s31 =	sshll.u32 s1, $0xD;
	s1 =	sshrl.u32 s1, $0x2  }
0xba: {  	s3 =	sand.u32 $0x4000, s31;
	s1 =	sadd.s32 s1, s30  }
0xbb: {  	s0 =	sor.u32 s3, s0;
	s1 =	sshll.u32 s1, $0x11  }
0xbc: {  	s0 =	sor.u32 s1, s0  }
0xbd: {  	s0 =	sadd.s32 $0x8F2B, s0  }
0xbe: {  	[sflag:s0] =	ssyncadd.remote.s32 $0x1  }
0xbf: {  	_ =	sfence.sel $0xFFFF  }
0xc0: {  	[dreg:$0x0] =	wrdreg $0xFFFFFFFF;
	(pc) =	sbr.abs _section_cstart, $3  }
0xc1: {  	[dreg:$0x1] =	wrdreg $0xFFFFFFFF  }
0xc2: {  	_ =	task.clear_ibuf [dreg:s7], $0x2FFFF;
	_ =	strace $0x9FFFFFFF  }
0xc3: {  	(tm) =	ssettm $0x7FFFFFFF  }
tec
execute0_lowered:
.L_overlay_start_1:
0x0: {  	(tag) =	ssettag $0x1  }
0x1: {  	s0 =	rddreg [dreg:$0x0]  }
0x2: {  	s1 =	rddreg [dreg:$0x1]  }
0x3: {  	s2 =	rddreg [dreg:$0x2]  }
0x4: {  	s3 =	simm.s32 $0x0;
	s13 =	stileid.u32;
	s4 =	srdreg.scid  }
0x5: {  	s28 =	simm.s32 $0x4180;
	s29 =	simm.s32 $0x4200;
	s30 =	simm.s32 $0x8200  }
0x6: {  	s31 =	simm.s32 $0x8280;
	[smem:$0x7FF] =	sst s3;
	s8 =	smul.u32 $0x2700, s13  }
0x7: {  	s4 =	sand.u32 $0x1, s4;
	s5 =	sadd.s32 $0xF400, s0;
	s7 =	sadd.s32 $0x5600, s0  }
0x8: {  	s9 =	smul.u32 $0x4E000, s13;
	s18 =	sshll.u32 s13, $0x6;
	s14 =	sadd.s32 $0x138000, s2  }
0x9: {  	s24 =	sshll.u32 s13, $0x4;
	s25 =	smul.u32 $0x4E0, s13;
	p0 =	sne.s32 s13, $0xF  }
0xa: {  	_ =	strace $0x80000047;
	s6 =	smul.u32 $0x27100, s4;
	s10 =	ssub.s32 $0x2, s4  }
0xb: {  	s11 =	sshll.u32 s4, $0x4;
	[dreg:$0x7] =	wrdreg s14;
	s4 =	smul.u32 $0x4E00, s4  }
0xc: {  	[dreg:$0x4] =	wrdreg s8;
	s8 =	sadd.s32 s8, s0;
	s12 =	sshrl.u32 s10, $0x1  }
0xd: {  	s11 =	sor.u32 s13, s11;
	s9 =	sshrl.u32 s9, $0x2;
	s6 =	sadd.s32 s6, s0  }
0xe: {  	s10 =	ssub.s32 s10, s12;
	s9 =	sadd.s32 s9, s2;
	s17 =	smul.u32 $0x4E0, s11  }
0xf: {  	s8 =	sadd.s32 $0x36600, s8;
	s19 =	smul.u32 $0x2700, s11;
	[dreg:$0x5] =	wrdreg s9  }
0x10: {  	s0 =	sadd.s32 $0x5D600, s0;
	s26 =	sadd.s32 s4, s7;
	[dreg:$0x6] =	wrdreg s8  }
0x11: {  	p1 =	sgt.u32 s11, $0x3;
	s8 =	sor.u32 $0x1C04, s18;
	[dreg:$0x8] =	wrdreg s0  }
0x12: {  	s20 =	sadd.s32 s7, s17;
	s21 =	sor.u32 $0x10, s17;
	s12 =	sshrl.u32 s19, $0x3  }
0x13: {  	s9 =	sadd.s32 s1, s17;
	s19 =	sadd.s32 $0x5D800, s6;
	[dreg:$0x9] =	wrdreg s20  }
0x14: {  	s6 =	simm.s32 $0x3;
	[dreg:$0xa] =	wrdreg s9;
	s22 =	sadd.s32 s7, s21  }
0x15: {  	s23 =	sadd.s32 $0x20, s12;
	s0 =	sadd.s32 s1, s21;
	s20 =	smax.u32 s10, $0x1  }
0x16: {  	s21 =	sadd.s32 s25, s26;
	s26 =	simm.s32 $0x4100;
	[dreg:$0xb] =	wrdreg s22  }
0x17: {  	[dreg:$0xc] =	wrdreg s0;
	s15 =	sadd.s32 s7, s23;
	s16 =	sadd.s32 s1, s23  }
0x18: {  	s0 =	sor.u32 $0x9C00, s24;
	s23 =	simm.s32 $0x4;
	s24 =	simm.s32 $0x80  }
0x19: {  	s17 =	sadd.s32 s7, s0;
	s18 =	sadd.s32 s1, s0;
	s1 =	sadd.s32 s4, s1  }
0x1a: {  	s0 =	simm.s32 $0x8300;
	s4 =	simm.s32 $0x2;
	s7 =	simm.s32 $0x0  }
0x1b: {  	s22 =	sadd.s32 s25, s1;
	s25 =	simm.s32 $0x100;
	s1 =	simm.s32 $0x1  }
.LBB2_1:
0x1c: {  	s9 =	rddreg [dreg:$0x5]  }
0x1d: {  	s10 =	rddreg [dreg:$0x6];
	s9 =	sshrl.u32 s9, $0x3  }
0x1e: {  	[spmem:s9], [sflag:s8] =	dma.local [hbm:s10], $0x2700  }
0x1f: {  	_ =	swait.ge [sflag:s23], $0x2700  }
0x20: {  	[sflag:s23] =	ssyncset.done $0x0;
	s10 =	rddreg [dreg:$0x7]  }
0x21: {  	s11 =	rddreg [dreg:$0x8];
	[sflag:s23] =	ssyncadd.s32 $0xFFFFD900;
	s10 =	sshrl.u32 @!p0 s10, $0x3  }
0x22: {  	[spmem:s10], [sflag:s8] =	dma.local @!p0 [hbm:s11], $0x100  }
0x23: {  	s11 =	simm.s32 @!p0 $0x4  }
0x24: {  	_ =	swait.ge @!p0 [sflag:s11], $0x100  }
0x25: {  	[sflag:s11] =	ssyncset.done @!p0 $0x0  }
0x26: {  	[sflag:s11] =	ssyncadd.s32 @!p0 $0xFFFFFF00  }
0x27: {  	[bflag:$0x0] =	sbarrier.arrive $0xFFFF  }
0x28: {  	s13 =	rddreg [dreg:$0x9]  }
0x29: {  	[tilespmem:s3], [sflag:$0x4] =	stream.linear.gather [hbm4b:s13+s3], $0x80, $0x38;
	[tilespmem:$0x1FB80] =	vst v63  }
0x2a: {  	_ =	swait.ge [sflag:s23], $0x80  }
0x2b: {  	[sflag:s23] =	ssyncset.done $0x0  }
0x2c: {  	s14 =	rddreg [dreg:$0xa];
	[sflag:s23] =	ssyncadd.s32 $0xFFFFFF80  }
0x2d: {  	[tilespmem:s24], [sflag:$0x4] =	stream.linear.gather [hbm4b:s14+s3], $0x80, $0x38;
	[tilespmem:$0x1FB80] =	vst v63  }
0x2e: {  	_ =	swait.ge [sflag:s23], $0x80  }
0x2f: {  	[sflag:s23] =	ssyncset.done $0x0  }
0x30: {  	[sflag:s23] =	ssyncadd.s32 $0xFFFFFF80  }
0x31: {  	[tilespmem:s25], [sflag:$0x1] =	stream.indirect.gather [hbm4b:s5+s24], $0x80, s3, s24, $0xb8;
	[tilespmem:$0x1FB80] =	vst v63  }
0x32: {  	s12 =	rddreg [dreg:$0xb]  }
0x33: {  	[tilespmem:s26], [sflag:$0x4] =	stream.linear.gather [hbm4b:s12+s3], $0x80, $0x38;
	[tilespmem:$0x1FB80] =	vst v63  }
0x34: {  	_ =	swait.ge [sflag:s23], $0x80  }
0x35: {  	[sflag:s23] =	ssyncset.done $0x0  }
0x36: {  	s13 =	rddreg [dreg:$0xc];
	[sflag:s23] =	ssyncadd.s32 $0xFFFFFF80  }
0x37: {  	[tilespmem:s28], [sflag:$0x4] =	stream.linear.gather [hbm4b:s13+s3], $0x80, $0x38;
	[tilespmem:$0x1FB80] =	vst v63  }
0x38: {  	_ =	swait.ge [sflag:s23], $0x80  }
0x39: {  	[sflag:s23] =	ssyncset.done $0x0  }
0x3a: {  	[sflag:s23] =	ssyncadd.s32 $0xFFFFFF80  }
0x3b: {  	[tilespmem:s29], [sflag:$0x2] =	stream.indirect.gather [hbm4b:s5+s24], $0x80, s26, s24, $0xb8;
	[tilespmem:$0x1FB80] =	vst v63  }
0x3c: {  	_ = 	snop  }
0x3d: {  	[tilespmem:s30], [sflag:$0x4] =	stream.linear.gather [hbm4b:s15+s3], $0x80, $0x38;
	[tilespmem:$0x1FB80] =	vst v63  }
0x3e: {  	_ =	swait.ge [sflag:s23], $0x80  }
0x3f: {  	[sflag:s23] =	ssyncset.done $0x0  }
0x40: {  	[sflag:s23] =	ssyncadd.s32 $0xFFFFFF80  }
0x41: {  	[tilespmem:s31], [sflag:$0x4] =	stream.linear.gather [hbm4b:s16+s3], $0x80, $0x38;
	[tilespmem:$0x1FB80] =	vst v63  }
0x42: {  	_ =	swait.ge [sflag:s23], $0x80  }
0x43: {  	[sflag:s23] =	ssyncset.done $0x0  }
0x44: {  	[sflag:s23] =	ssyncadd.s32 $0xFFFFFF80  }
0x45: {  	[tilespmem:s0], [sflag:$0x3] =	stream.indirect.gather [hbm4b:s5+s24], $0x80, s30, s24, $0xb8;
	[tilespmem:$0x1FB80] =	vst v63  }
0x46: {  	_ =	swait.ge [sflag:s1], $0x4000  }
0x47: {  	[sflag:s1] =	ssyncset.done $0x0  }
0x48: {  	[sflag:s1] =	ssyncadd.s32 $0xFFFFC000  }
0x49: {  	[spmem:s2] =	stream.indirect.scatter.add.f32 [tilespmem:s25], [sflag:$0x4], $0x80, s24, s24, $0xb8;
	[tilespmem:$0x1FB80] =	vst v63  }
0x4a: {  	_ =	swait.ge [sflag:s23], $0x4000  }
0x4b: {  	s11 =	sadd.s32 $0x0, s21;
	[sflag:s23] =	ssyncset.done $0x0  }
0x4c: {  	s12 =	sadd.s32 $0x30, s11;
	[sflag:s23] =	ssyncadd.s32 $0xFFFFC000  }
0x4d: {  	[tilespmem:s3], [sflag:$0x4] =	stream.linear.gather [hbm4b:s12+s3], $0x80, $0x38;
	[tilespmem:$0x1FB80] =	vst v63  }
0x4e: {  	_ =	swait.ge [sflag:s23], $0x80  }
0x4f: {  	s12 =	sadd.s32 $0x0, s22;
	[sflag:s23] =	ssyncset.done $0x0  }
0x50: {  	s13 =	sadd.s32 $0x30, s12;
	[sflag:s23] =	ssyncadd.s32 $0xFFFFFF80  }
0x51: {  	[tilespmem:s24], [sflag:$0x4] =	stream.linear.gather [hbm4b:s13+s3], $0x80, $0x38;
	[tilespmem:$0x1FB80] =	vst v63  }
0x52: {  	_ =	swait.ge [sflag:s23], $0x80  }
0x53: {  	[sflag:s23] =	ssyncset.done $0x0  }
0x54: {  	[sflag:s23] =	ssyncadd.s32 $0xFFFFFF80  }
0x55: {  	[tilespmem:s25], [sflag:$0x1] =	stream.indirect.gather [hbm4b:s5+s24], $0x80, s3, s24, $0xb8;
	[tilespmem:$0x1FB80] =	vst v63  }
0x56: {  	_ =	swait.ge [sflag:s4], $0x4000  }
0x57: {  	[sflag:s4] =	ssyncset.done $0x0  }
0x58: {  	[sflag:s4] =	ssyncadd.s32 $0xFFFFC000  }
0x59: {  	[spmem:s2] =	stream.indirect.scatter.add.f32 [tilespmem:s29], [sflag:$0x4], $0x80, s28, s24, $0xb8;
	[tilespmem:$0x1FB80] =	vst v63  }
0x5a: {  	_ =	swait.ge [sflag:s23], $0x4000  }
0x5b: {  	[sflag:s23] =	ssyncset.done $0x0  }
0x5c: {  	s14 =	sadd.s32 $0x40, s11;
	[sflag:s23] =	ssyncadd.s32 $0xFFFFC000  }
0x5d: {  	[tilespmem:s26], [sflag:$0x4] =	stream.linear.gather [hbm4b:s14+s3], $0x80, $0x38;
	[tilespmem:$0x1FB80] =	vst v63  }
0x5e: {  	_ =	swait.ge [sflag:s23], $0x80  }
0x5f: {  	[sflag:s23] =	ssyncset.done $0x0  }
0x60: {  	s14 =	sadd.s32 $0x40, s12;
	[sflag:s23] =	ssyncadd.s32 $0xFFFFFF80  }
0x61: {  	[tilespmem:s28], [sflag:$0x4] =	stream.linear.gather [hbm4b:s14+s3], $0x80, $0x38;
	[tilespmem:$0x1FB80] =	vst v63  }
0x62: {  	_ =	swait.ge [sflag:s23], $0x80  }
0x63: {  	[sflag:s23] =	ssyncset.done $0x0  }
0x64: {  	[sflag:s23] =	ssyncadd.s32 $0xFFFFFF80  }
0x65: {  	[tilespmem:s29], [sflag:$0x2] =	stream.indirect.gather [hbm4b:s5+s24], $0x80, s26, s24, $0xb8;
	[tilespmem:$0x1FB80] =	vst v63  }
0x66: {  	_ =	swait.ge [sflag:s6], $0x4000  }
0x67: {  	[sflag:s6] =	ssyncset.done $0x0  }
0x68: {  	[sflag:s6] =	ssyncadd.s32 $0xFFFFC000  }
0x69: {  	[spmem:s2] =	stream.indirect.scatter.add.f32 [tilespmem:s0], [sflag:$0x4], $0x80, s31, s24, $0xb8;
	[tilespmem:$0x1FB80] =	vst v63  }
0x6a: {  	_ =	swait.ge [sflag:s23], $0x4000  }
0x6b: {  	[sflag:s23] =	ssyncset.done $0x0  }
0x6c: {  	s11 =	sadd.s32 $0x50, s11;
	[sflag:s23] =	ssyncadd.s32 $0xFFFFC000  }
0x6d: {  	[tilespmem:s30], [sflag:$0x4] =	stream.linear.gather [hbm4b:s11+s3], $0x80, $0x38;
	[tilespmem:$0x1FB80] =	vst v63  }
0x6e: {  	_ =	swait.ge [sflag:s23], $0x80  }
0x6f: {  	[sflag:s23] =	ssyncset.done $0x0  }
0x70: {  	s14 =	sadd.s32 $0x50, s12;
	[sflag:s23] =	ssyncadd.s32 $0xFFFFFF80  }
0x71: {  	[tilespmem:s31], [sflag:$0x4] =	stream.linear.gather [hbm4b:s14+s3], $0x80, $0x38;
	[tilespmem:$0x1FB80] =	vst v63  }
0x72: {  	_ =	swait.ge [sflag:s23], $0x80  }
0x73: {  	[sflag:s23] =	ssyncset.done $0x0  }
0x74: {  	s11 =	simm.s32 $0x30;
	[sflag:s23] =	ssyncadd.s32 $0xFFFFFF80  }
.LBB2_2:
0x75: {  	[tilespmem:s0], [sflag:$0x3] =	stream.indirect.gather [hbm4b:s5+s24], $0x80, s30, s24, $0xb8;
	[tilespmem:$0x1FB80] =	vst v63  }
0x76: {  	s13 =	smov.u32 s11  }
0x77: {  	p2 =	sne.s32 s11, $0x480;
	s11 =	sadd.s32 $0x30, s11;
	_ =	swait.ge [sflag:s1], $0x4000  }
0x78: {  	[sflag:s1] =	ssyncset.done $0x0  }
0x79: {  	[sflag:s1] =	ssyncadd.s32 $0xFFFFC000  }
0x7a: {  	[spmem:s2] =	stream.indirect.scatter.add.f32 [tilespmem:s25], [sflag:$0x4], $0x80, s24, s24, $0xb8;
	[tilespmem:$0x1FB80] =	vst v63  }
0x7b: {  	_ =	swait.ge [sflag:s23], $0x4000  }
0x7c: {  	s12 =	sadd.s32 s13, s21;
	[sflag:s23] =	ssyncset.done $0x0  }
0x7d: {  	s14 =	sadd.s32 $0x30, s12;
	[sflag:s23] =	ssyncadd.s32 $0xFFFFC000  }
0x7e: {  	[tilespmem:s3], [sflag:$0x4] =	stream.linear.gather [hbm4b:s14+s3], $0x80, $0x38;
	[tilespmem:$0x1FB80] =	vst v63  }
0x7f: {  	_ =	swait.ge [sflag:s23], $0x80  }
0x80: {  	s13 =	sadd.s32 s13, s22;
	[sflag:s23] =	ssyncset.done $0x0  }
0x81: {  	s14 =	sadd.s32 $0x30, s13;
	[sflag:s23] =	ssyncadd.s32 $0xFFFFFF80  }
0x82: {  	[tilespmem:s24], [sflag:$0x4] =	stream.linear.gather [hbm4b:s14+s3], $0x80, $0x38;
	[tilespmem:$0x1FB80] =	vst v63  }
0x83: {  	_ =	swait.ge [sflag:s23], $0x80  }
0x84: {  	[sflag:s23] =	ssyncset.done $0x0  }
0x85: {  	[sflag:s23] =	ssyncadd.s32 $0xFFFFFF80  }
0x86: {  	[tilespmem:s25], [sflag:$0x1] =	stream.indirect.gather [hbm4b:s5+s24], $0x80, s3, s24, $0xb8;
	[tilespmem:$0x1FB80] =	vst v63  }
0x87: {  	_ =	swait.ge [sflag:s4], $0x4000  }
0x88: {  	[sflag:s4] =	ssyncset.done $0x0  }
0x89: {  	[sflag:s4] =	ssyncadd.s32 $0xFFFFC000  }
0x8a: {  	[spmem:s2] =	stream.indirect.scatter.add.f32 [tilespmem:s29], [sflag:$0x4], $0x80, s28, s24, $0xb8;
	[tilespmem:$0x1FB80] =	vst v63  }
0x8b: {  	_ =	swait.ge [sflag:s23], $0x4000  }
0x8c: {  	[sflag:s23] =	ssyncset.done $0x0  }
0x8d: {  	s14 =	sadd.s32 $0x40, s12;
	[sflag:s23] =	ssyncadd.s32 $0xFFFFC000  }
0x8e: {  	[tilespmem:s26], [sflag:$0x4] =	stream.linear.gather [hbm4b:s14+s3], $0x80, $0x38;
	[tilespmem:$0x1FB80] =	vst v63  }
0x8f: {  	_ =	swait.ge [sflag:s23], $0x80  }
0x90: {  	[sflag:s23] =	ssyncset.done $0x0  }
0x91: {  	s14 =	sadd.s32 $0x40, s13;
	[sflag:s23] =	ssyncadd.s32 $0xFFFFFF80  }
0x92: {  	[tilespmem:s28], [sflag:$0x4] =	stream.linear.gather [hbm4b:s14+s3], $0x80, $0x38;
	[tilespmem:$0x1FB80] =	vst v63  }
0x93: {  	_ =	swait.ge [sflag:s23], $0x80  }
0x94: {  	[sflag:s23] =	ssyncset.done $0x0  }
0x95: {  	[sflag:s23] =	ssyncadd.s32 $0xFFFFFF80  }
0x96: {  	[tilespmem:s29], [sflag:$0x2] =	stream.indirect.gather [hbm4b:s5+s24], $0x80, s26, s24, $0xb8;
	[tilespmem:$0x1FB80] =	vst v63  }
0x97: {  	_ =	swait.ge [sflag:s6], $0x4000  }
0x98: {  	[sflag:s6] =	ssyncset.done $0x0  }
0x99: {  	[sflag:s6] =	ssyncadd.s32 $0xFFFFC000  }
0x9a: {  	[spmem:s2] =	stream.indirect.scatter.add.f32 [tilespmem:s0], [sflag:$0x4], $0x80, s31, s24, $0xb8;
	[tilespmem:$0x1FB80] =	vst v63  }
0x9b: {  	_ =	swait.ge [sflag:s23], $0x4000  }
0x9c: {  	[sflag:s23] =	ssyncset.done $0x0  }
0x9d: {  	s12 =	sadd.s32 $0x50, s12;
	[sflag:s23] =	ssyncadd.s32 $0xFFFFC000  }
0x9e: {  	[tilespmem:s30], [sflag:$0x4] =	stream.linear.gather [hbm4b:s12+s3], $0x80, $0x38;
	[tilespmem:$0x1FB80] =	vst v63  }
0x9f: {  	_ =	swait.ge [sflag:s23], $0x80  }
0xa0: {  	[sflag:s23] =	ssyncset.done $0x0  }
.Ltmp0:
0xa1: {  	s12 =	sadd.s32 $0x50, s13;
	[sflag:s23] =	ssyncadd.s32 $0xFFFFFF80;
	(pc) =	sbr.rel @p2 .LBB2_2-.Ltmp0, $4  }
0xa2: {  	[tilespmem:s31], [sflag:$0x4] =	stream.linear.gather [hbm4b:s12+s3], $0x80, $0x38;
	[tilespmem:$0x1FB80] =	vst v63  }
0xa3: {  	_ =	swait.ge [sflag:s23], $0x80  }
0xa4: {  	[sflag:s23] =	ssyncset.done $0x0  }
0xa5: {  	[sflag:s23] =	ssyncadd.s32 $0xFFFFFF80  }
0xa6: {  	[tilespmem:s0], [sflag:$0x3] =	stream.indirect.gather [hbm4b:s5+s24], $0x80, s30, s24, $0xb8;
	[tilespmem:$0x1FB80] =	vst v63  }
0xa7: {  	_ =	swait.ge [sflag:s1], $0x4000  }
0xa8: {  	[sflag:s1] =	ssyncset.done $0x0  }
0xa9: {  	[sflag:s1] =	ssyncadd.s32 $0xFFFFC000  }
0xaa: {  	[spmem:s2] =	stream.indirect.scatter.add.f32 [tilespmem:s25], [sflag:$0x4], $0x80, s24, s24, $0xb8;
	[tilespmem:$0x1FB80] =	vst v63  }
0xab: {  	_ =	swait.ge [sflag:s23], $0x4000  }
0xac: {  	[sflag:s23] =	ssyncset.done $0x0  }
0xad: {  	[sflag:s23] =	ssyncadd.s32 $0xFFFFC000  }
0xae: {  	_ =	swait.ge [sflag:s4], $0x4000  }
0xaf: {  	[sflag:s4] =	ssyncset.done $0x0  }
0xb0: {  	[sflag:s4] =	ssyncadd.s32 $0xFFFFC000  }
0xb1: {  	[spmem:s2] =	stream.indirect.scatter.add.f32 [tilespmem:s29], [sflag:$0x4], $0x80, s28, s24, $0xb8;
	[tilespmem:$0x1FB80] =	vst v63  }
0xb2: {  	_ =	swait.ge [sflag:s23], $0x4000  }
0xb3: {  	[sflag:s23] =	ssyncset.done $0x0  }
0xb4: {  	[sflag:s23] =	ssyncadd.s32 $0xFFFFC000  }
0xb5: {  	_ =	swait.ge [sflag:s6], $0x4000  }
0xb6: {  	[sflag:s6] =	ssyncset.done $0x0  }
0xb7: {  	[sflag:s6] =	ssyncadd.s32 $0xFFFFC000  }
0xb8: {  	[spmem:s2] =	stream.indirect.scatter.add.f32 [tilespmem:s0], [sflag:$0x4], $0x80, s31, s24, $0xb8;
	[tilespmem:$0x1FB80] =	vst v63  }
0xb9: {  	_ =	swait.ge [sflag:s23], $0x4000  }
0xba: {  	[sflag:s23] =	ssyncset.done $0x0  }
0xbb: {  	s11 =	simm.s32 @!p1 $0x0;
	s12 =	simm.s32 @!p1 $0x4;
	[sflag:s23] =	ssyncadd.s32 $0xFFFFC000  }
0xbc: {  	[tilespmem:s11], [sflag:$0x4] =	stream.linear.gather @!p1 [hbm4b:s17+s11], $0x80, $0x38;
	[tilespmem:$0x1FB80] =	vst v63  }
0xbd: {  	_ =	swait.ge @!p1 [sflag:s12], $0x80  }
0xbe: {  	[sflag:s12] =	ssyncset.done @!p1 $0x0  }
0xbf: {  	s13 =	simm.s32 @!p1 $0x80;
	[sflag:s12] =	ssyncadd.s32 @!p1 $0xFFFFFF80  }
0xc0: {  	[tilespmem:s13], [sflag:$0x4] =	stream.linear.gather @!p1 [hbm4b:s18+s11], $0x80, $0x38;
	[tilespmem:$0x1FB80] =	vst v63  }
0xc1: {  	_ =	swait.ge @!p1 [sflag:s12], $0x80  }
0xc2: {  	[sflag:s12] =	ssyncset.done @!p1 $0x0  }
0xc3: {  	s14 =	simm.s32 @!p1 $0x100;
	[sflag:s12] =	ssyncadd.s32 @!p1 $0xFFFFFF80  }
0xc4: {  	[tilespmem:s14], [sflag:$0x1] =	stream.indirect.gather @!p1 [hbm4b:s5+s13], $0x80, s11, s13, $0xb8;
	[tilespmem:$0x1FB80] =	vst v63  }
0xc5: {  	s11 =	simm.s32 @!p1 $0x1  }
0xc6: {  	_ =	swait.ge @!p1 [sflag:s11], $0x4000  }
0xc7: {  	[sflag:s11] =	ssyncset.done @!p1 $0x0  }
0xc8: {  	[sflag:s11] =	ssyncadd.s32 @!p1 $0xFFFFC000  }
0xc9: {  	[spmem:s2] =	stream.indirect.scatter.add.f32 @!p1 [tilespmem:s14], [sflag:$0x4], $0x80, s13, s13, $0xb8;
	[tilespmem:$0x1FB80] =	vst v63  }
0xca: {  	_ =	swait.ge @!p1 [sflag:s12], $0x4000  }
0xcb: {  	[sflag:s12] =	ssyncset.done @!p1 $0x0  }
0xcc: {  	[sflag:s12] =	ssyncadd.s32 @!p1 $0xFFFFC000  }
0xcd: {  	[bflag:$0x0] =	sbarrier.arrive $0xFFFF  }
0xce: {  	s14 =	rddreg [dreg:$0x4]  }
0xcf: {  	s11 =	sadd.s32 s14, s19  }
0xd0: {  	[hbm:s11], [sflag:s8] =	dma.local [spmem:s9], $0x2700  }
0xd1: {  	_ =	swait.ge [sflag:s23], $0x2700  }
0xd2: {  	s7 =	sadd.s32 $0x1, s7;
	[sflag:s23] =	ssyncset.done $0x0  }
0xd3: {  	p2 =	sne.s32 s7, s20;
	s9 =	sadd.s32 @!p0 $0x27000, s19;
	[sflag:s23] =	ssyncadd.s32 $0xFFFFD900  }
0xd4: {  	[hbm:s9], [sflag:s8] =	dma.local @!p0 [spmem:s10], $0x100  }
.Ltmp1:
0xd5: {  	_ = 	snop;
	(pc) =	sbr.rel @p2 .LBB2_1-.Ltmp1, $4  }
0xd6: {  	s9 =	simm.s32 @!p0 $0x4  }
0xd7: {  	_ =	swait.ge @!p0 [sflag:s9], $0x100  }
0xd8: {  	[sflag:s9] =	ssyncset.done @!p0 $0x0  }
0xd9: {  	[sflag:s9] =	ssyncadd.s32 @!p0 $0xFFFFFF00  }
0xda: {  	_ =	sfence.sel $0x180000  }
0xdb: {  	[bflag:$0x0] =	sbarrier.arrive $0xFFFF  }
0xdc: {  	_ =	strace $0x90000047  }
0xdd: {  	s0 =	stileid.u32;
	[bflag:$0x2] =	sbarrier.arrive $0xFFFF  }
0xde: {  	p0 =	sne.s32 s0, $0x0;
	s0 =	rddreg [dreg:$0x3]  }
0xdf: {  	s0 =	sadd.s32 @!p0 $0x100000, s0  }
0xe0: {  	[sflag:s0] =	ssyncadd.tile.s32 @!p0 $0x1;
	_ =	shalt  }
.Lfunc_end2:
_tile_overlayer_lowered:
.L_overlay_start_2:
0xe1: {  	(tag) =	ssettag $0x2  }
0xe2: {  	s0 =	rddreg [dreg:$0x0];
	s2 =	stileid.u32  }
0xe3: {  	s1 =	rddreg [dreg:$0x1];
	p0 =	sne.s32 s2, $0x0  }
0xe4: {  	s3 =	rddreg [dreg:$0x2];
	[bflag:$0x3] =	sbarrier.arrive $0xFFFF;
	s2 =	simm.s32 @!p0 $0x1C04  }
0xe5: {  	[timem:s3], [sflag:s2] =	dma.local @!p0 [hbm:s0], s1  }
0xe6: {  	s0 =	simm.s32 @!p0 $0x4  }
0xe7: {  	_ =	swait.ge @!p0 [sflag:s0], s1  }
0xe8: {  	s1 =	ssub.s32 @!p0 $0x0, s1;
	[sflag:s0] =	ssyncset.done @!p0 $0x0  }
0xe9: {  	[sflag:s0] =	ssyncadd.s32 @!p0 s1  }
0xea: {  	[bflag:$0x3] =	sbarrier.arrive $0xFFFF  }
0xeb: {  	_ =	shalt  }

// kernel: kernel.15.cloned.1.call-start
scs
__scs_entry_jumppad:
0x0: {  	(pc) =	sbr.rel $0x88, $3  }
0x1: {  	(tag) =	ssettag $0x0;
	lr =	simm.s32 $0x1  }
0x2: {  	[smem:$0x3F8D] =	sst lr;
	_ =	strace $0xD0000000  }
0x3: {  	_ = 	snop  }
0x4: {  	_ = 	snop  }
0x5: {  	_ = 	snop  }
0x6: {  	_ = 	snop  }
0x7: {  	_ = 	snop  }
__scs_overlays_trampoline_lowered:
0x8: {  	[smem:$0x3F9C] =	sst s0  }
0x9: {  	[smem:$0x3F9D] =	sst s1  }
0xa: {  	[smem:$0x3F9E] =	sst s2  }
0xb: {  	[smem:$0x3F9F] =	sst s3  }
0xc: {  	[smem:$0x3FA0] =	sst s4  }
0xd: {  	[smem:$0x3FA1] =	sst s5  }
0xe: {  	[smem:$0x3FA2] =	sst s6  }
0xf: {  	[smem:$0x3FA3] =	sst s7  }
0x10: {  	[smem:$0x3FA4] =	sst s8  }
0x11: {  	[smem:$0x3FA5] =	sst s9;
	s0 =	simm.s32 @!p0 $0x0  }
0x12: {  	s1 =	sld [smem:$0x3F8B];
	s0 =	simm.s32 @p0 $0x1  }
0x13: {  	[smem:$0x3FA6] =	sst s0;
	s0 =	simm.s32 @!p1 $0x0  }
0x14: {  	s2 =	sld [smem:$0x3F8A];
	s0 =	simm.s32 @p1 $0x1  }
0x15: {  	[smem:$0x3FA7] =	sst s0;
	s0 =	simm.s32 @!p2 $0x0  }
0x16: {  	s3 =	sld [smem:$0x3FDB];
	s0 =	simm.s32 @p2 $0x1  }
0x17: {  	s4 =	simm.s32 $0x1BF5;
	[smem:$0x3FA9] =	sst s0  }
0x18: {  	s0 =	sld [smem:$0x3F8C];
	_ =	swait.ge [sflag:s4], $0x0  }
0x19: {  	s7 =	sld [smem:$0x3F8D]  }
0x1a: {  	s8 =	sadd.s32 $0xFFFFE003, lr  }
0x1b: {  	s9 =	sadd.s32 $0xFFFFFEF7, lr;
	s5 =	simm.s32 $0xFFFFFFFF;
	p2 =	slt.u32 s8, $0xFFFFF086  }
0x1c: {  	p1 =	slt.u32 s9, $0xF7A;
	s5 =	simm.s32 @!p2 $0x0  }
0x1d: {  	s5 =	simm.s32 @p1 $0x1;
	p0 =	seq.s32 s7, s2  }
0x1e: {  	s7 =	smul.u32 @!p0 $0xF7A, s2;
	p2 =	seq.s32 @!p0 s5, $0x0  }
0x1f: {  	s9 =	smul.u32 $0xF7A, s1;
	s8 =	simm.s32 @!p0 $0x1BF5;
	p2 =	por !p2, p0  }
0x20: {  	[sflag:s8] =	ssyncset.s32 @!p0 $0xFFFFF086;
	s6 =	sadd.s32 @!p0 s3, s7;
	s7 =	simm.s32 @!p0 $0x108  }
0x21: {  	s3 =	sadd.s32 s3, s9;
	s6 =	sadd.s32 @!p0 $0x88, s6;
	s7 =	simm.s32 @p2 $0x1082  }
0x22: {  	[simem:s7], [sflag:s8] =	dma.local @!p0 [hbm:s6], $0xF7A  }
0x23: {  	s9 =	sor.u32 $0xD0000000, s2;
	s6 =	simm.s32 $0x108;
	_ =	swait.ge @!p0 [sflag:s8], $0x0  }
0x24: {  	s3 =	sadd.s32 $0x88, s3;
	s6 =	simm.s32 @!p1 $0x1082;
	[sflag:s4] =	ssyncset.s32 $0xFFFFF086  }
0x25: {  	[simem:s6], [sflag:s4] =	dma.local [hbm:s3], $0xF7A  }
0x26: {  	[smem:$0x3F8D] =	sst s1;
	(tag) =	ssettag s2;
	_ =	strace s9  }
0x27: {  	s1 =	sld [smem:$0x3F9D]  }
0x28: {  	s2 =	sld [smem:$0x3F9E]  }
0x29: {  	s4 =	sld [smem:$0x3FA0]  }
0x2a: {  	p0 =	seq.s32 s5, $0x0;
	s5 =	sld [smem:$0x3FA1]  }
0x2b: {  	s6 =	sld [smem:$0x3FA2]  }
0x2c: {  	s7 =	sld [smem:$0x3FA3]  }
0x2d: {  	s3 =	simm.s32 $0x108;
	s8 =	sld [smem:$0x3FA4]  }
0x2e: {  	s3 =	simm.s32 @!p0 $0x1082;
	s9 =	sld [smem:$0x3FA5]  }
0x2f: {  	lr =	sadd.s32 s0, s3;
	s0 =	sld [smem:$0x3F9C]  }
0x30: {  	s3 =	sld [smem:$0x3F9F]  }
0x31: {  	[smem:$0x3FA8] =	sst s10  }
0x32: {  	s10 =	sld [smem:$0x3FA6];
	_ =	sdelay $0x3  }
0x33: {  	p0 =	seq.s32 s10, $0x1;
	s10 =	sld [smem:$0x3FA8];
	_ =	sdelay $0x3  }
0x34: {  	[smem:$0x3FA8] =	sst s10  }
0x35: {  	s10 =	sld [smem:$0x3FA7];
	_ =	sdelay $0x3  }
0x36: {  	p1 =	seq.s32 s10, $0x1;
	s10 =	sld [smem:$0x3FA8];
	_ =	sdelay $0x3  }
0x37: {  	[smem:$0x3FA8] =	sst s10  }
0x38: {  	s10 =	sld [smem:$0x3FA9]  }
0x39: {  	_ = 	snop;
	(pc) =	sbr.ind lr, $3  }
0x3a: {  	_ = 	snop  }
0x3b: {  	_ = 	snop  }
0x3c: {  	p2 =	seq.s32 s10, $0x1;
	s10 =	sld [smem:$0x3FA8]  }
0x3d: {  	_ =	shalt  }
0x3e: {  	_ =	shalt  }
0x3f: {  	_ =	shalt  }
0x40: {  	_ =	shalt  }
0x41: {  	_ =	shalt  }
0x42: {  	_ =	shalt  }
0x43: {  	_ =	shalt  }
0x44: {  	_ =	shalt  }
0x45: {  	_ =	shalt  }
0x46: {  	_ =	shalt  }
0x47: {  	_ =	shalt  }
0x48: {  	_ =	shalt  }
0x49: {  	_ =	shalt  }
0x4a: {  	_ =	shalt  }
0x4b: {  	_ =	shalt  }
0x4c: {  	_ =	shalt  }
0x4d: {  	_ =	shalt  }
0x4e: {  	_ =	shalt  }
0x4f: {  	_ =	shalt  }
0x50: {  	_ =	shalt  }
0x51: {  	_ =	shalt  }
0x52: {  	_ =	shalt  }
0x53: {  	_ =	shalt  }
0x54: {  	_ =	shalt  }
0x55: {  	_ =	shalt  }
0x56: {  	_ =	shalt  }
0x57: {  	_ =	shalt  }
0x58: {  	_ =	shalt  }
0x59: {  	_ =	shalt  }
0x5a: {  	_ =	shalt  }
0x5b: {  	_ =	shalt  }
0x5c: {  	_ =	shalt  }
0x5d: {  	_ =	shalt  }
0x5e: {  	_ =	shalt  }
0x5f: {  	_ =	shalt  }
0x60: {  	_ =	shalt  }
0x61: {  	_ =	shalt  }
0x62: {  	_ =	shalt  }
0x63: {  	_ =	shalt  }
0x64: {  	_ =	shalt  }
0x65: {  	_ =	shalt  }
0x66: {  	_ =	shalt  }
0x67: {  	_ =	shalt  }
0x68: {  	_ =	shalt  }
0x69: {  	_ =	shalt  }
0x6a: {  	_ =	shalt  }
0x6b: {  	_ =	shalt  }
0x6c: {  	_ =	shalt  }
0x6d: {  	_ =	shalt  }
0x6e: {  	_ =	shalt  }
0x6f: {  	_ =	shalt  }
0x70: {  	_ =	shalt  }
0x71: {  	_ =	shalt  }
0x72: {  	_ =	shalt  }
0x73: {  	_ =	shalt  }
0x74: {  	_ =	shalt  }
0x75: {  	_ =	shalt  }
0x76: {  	_ =	shalt  }
0x77: {  	_ =	shalt  }
0x78: {  	_ =	shalt  }
0x79: {  	_ =	shalt  }
0x7a: {  	_ =	shalt  }
0x7b: {  	_ =	shalt  }
0x7c: {  	_ =	shalt  }
0x7d: {  	_ =	shalt  }
0x7e: {  	_ =	shalt  }
0x7f: {  	_ =	shalt  }
0x80: {  	_ =	shalt  }
0x81: {  	_ =	shalt  }
0x82: {  	_ =	shalt  }
0x83: {  	_ =	shalt  }
0x84: {  	_ =	shalt  }
0x85: {  	_ =	shalt  }
0x86: {  	_ =	shalt  }
0x87: {  	_ =	shalt  }
.Lfunc_end0:
.L_simem_size_0:
called_computation.1_lowered:
.L_overlay_start_0:
0x88: {  	s2 =	sld [smem:$0x3FD9]  }
0x89: {  	s3 =	sld [smem:$0x3FFE];
	_ =	sdelay $0x1  }
0x8a: {  	s1 =	srdreg.scid  }
0x8b: {  	s0 =	sand.u32 $0x1, s1  }
0x8c: {  	s17 =	sshll.u32 s0, $0xA;
	s2 =	sadd.s32 s3, s2  }
0x8d: {  	s2 =	sadd.s32 s2, s17  }
0x8e: {  	[smem:$0x3FB4] =	sst s2  }
0x8f: {  	_ = 	snop  }
0x90: {  	s18 =	sld [smem:$0x3FD0];
	(tm) =	ssettm $0x1  }
0x91: {  	s19 =	sld [smem:$0x3FFB];
	_ =	sdelay $0x3  }
0x92: {  	_ =	strace s19  }
0x93: {  	s2 =	sld [smem:$0x3FFC];
	_ =	sdelay $0x3  }
0x94: {  	_ =	strace s2  }
0x95: {  	s2 =	sld [smem:$0x3FFD];
	_ =	sdelay $0x3  }
0x96: {  	_ =	strace s2  }
0x97: {  	_ =	strace $0x8FFFFFFF  }
0x98: {  	s20 =	sld [smem:$0x3FDB];
	_ =	sdelay $0x1  }
0x99: {  	s4 =	simm.s32 $_scs_section_size  }
0x9a: {  	s5 =	simm.s32 $_size__tile_overlayer_lowered;
	s6 =	simm.s32 $_tile_overlayer_lowered  }
0x9b: {  	s7 =	simm.s32 $0x1BFF;
	s21 =	sshll.u32 s6, $0x1;
	s4 =	sadd.s32 s4, s20  }
0x9c: {  	s22 =	simm.s32 $0x0;
	s5 =	sshll.u32 s5, $0x1;
	s6 =	sadd.s32 s21, s4  }
0x9d: {  	[timem:s22], [sflag:s7] =	dma.local [hbm:s6], s5  }
0x9e: {  	_ =	swait.ge [sflag:s7], s5  }
0x9f: {  	s5 =	ssub.s32 $0x0, s5;
	[sflag:s7] =	ssyncset.done $0x0  }
0xa0: {  	[sflag:s7] =	ssyncadd.s32 s5;
	_ =	sdelay $0x1  }
0xa1: {  	s23 =	simm.s32 $0x1B8B  }
0xa2: {  	_ =	swait.ge [sflag:s23], $0x1  }
0xa3: {  	[sflag:s23] =	ssyncset.done $0x0  }
0xa4: {  	[sflag:s23] =	ssyncadd.s32 $0xFFFFFFFF  }
0xa5: {  	s5 =	sld [smem:$0x0]  }
0xa6: {  	s6 =	sand.u32 $0xFFFFFFFE, s1  }
0xa7: {  	p0 =	sne.s32 s1, s6  }
0xa8: {  	s6 =	sshll.u32 @p0 s6, $0xE  }
0xa9: {  	s6 =	sadd.s32 @p0 $0x11B8D, s6;
	s7 =	sshll.u32 @p0 s5, $0x11  }
0xaa: {  	s6 =	sor.u32 @p0 s7, s6  }
0xab: {  	[sflag:s6] =	ssyncadd.remote.s32 @p0 $0x1;
	_ =	sdelay $0x1  }
0xac: {  	s6 =	simm.s32 @p0 $0x1B8D  }
0xad: {  	_ =	swait.eq @p0 [sflag:s6], $0x1  }
0xae: {  	[sflag:s6] =	ssyncadd.s32 @p0 $0xFFFFFFFF  }
0xaf: {  	s7 =	sshll.u32 @!p0 s1, $0xE  }
0xb0: {  	s7 =	sor.u32 @!p0 $0x4000, s7;
	s6 =	simm.s32 @!p0 $0x1B8D  }
0xb1: {  	s5 =	sshll.u32 @!p0 s5, $0x11;
	s7 =	sadd.s32 @!p0 $0x11B8D, s7;
	_ =	swait.eq @!p0 [sflag:s6], $0x1  }
0xb2: {  	s5 =	sor.u32 @!p0 s5, s7;
	[sflag:s6] =	ssyncadd.s32 @!p0 $0xFFFFFFFF  }
0xb3: {  	s25 =	simm.s32 $0x1B8E;
	s24 =	sld [smem:$0x3FFE];
	[sflag:s5] =	ssyncadd.remote.s32 @!p0 $0x1  }
0xb4: {  	s26 =	simm.s32 $execute0_lowered;
	[smem:$0x3FD2] =	sst s25  }
0xb5: {  	s6 =	sshll.u32 s26, $0x1;
	_ =	strace $0x80000049;
	[dreg:$0x1] =	wrdreg $0xFFFFFFFF  }
0xb6: {  	s28 =	simm.s32 $_size_execute0_lowered;
	s4 =	sadd.s32 s4, s6;
	[dreg:$0x0] =	wrdreg $0x0  }
0xb7: {  	s6 =	sshll.u32 s28, $0x1;
	[dreg:$0x2] =	wrdreg s4  }
0xb8: {  	[dreg:$0x3] =	wrdreg s6  }
0xb9: {  	[dreg:$0x4] =	wrdreg $0xC0  }
0xba: {  	_ =	task [dreg:s22], $0x5FFFF  }
0xbb: {  	[dreg:$0x1] =	wrdreg $0xFFFFFFFF  }
0xbc: {  	[dreg:$0x0] =	wrdreg $0x60  }
0xbd: {  	[dreg:$0x2] =	wrdreg s24  }
0xbe: {  	[dreg:$0x3] =	wrdreg s18  }
0xbf: {  	[dreg:$0x4] =	wrdreg $0xC1800  }
0xc0: {  	[dreg:$0x5] =	wrdreg $0xA  }
0xc1: {  	_ =	task.clear_ibuf [dreg:s22], $0x6FFFF;
	_ =	strace $0x90000049  }
0xc2: {  	s29 =	simm.s32 $0xA;
	_ =	strace $0x8000004B  }
0xc3: {  	_ =	swait.ge [sflag:s29], $0x1  }
0xc4: {  	[sflag:s29] =	ssyncadd.s32 $0xFFFFFFFF  }
0xc5: {  	_ =	strace $0x9000004B  }
0xc6: {  	_ =	sfence  }
0xc7: {  	s30 =	sld [smem:$0x0];
	_ =	sdelay $0x2  }
0xc8: {  	s31 =	sshll.u32 s1, $0xD;
	s1 =	sshrl.u32 s1, $0x2  }
0xc9: {  	s4 =	sand.u32 $0x4000, s31;
	s1 =	sadd.s32 s1, s30  }
0xca: {  	s0 =	sor.u32 s4, s0;
	s1 =	sshll.u32 s1, $0x11  }
0xcb: {  	s0 =	sor.u32 s1, s0  }
0xcc: {  	s0 =	sadd.s32 $0x8F2B, s0  }
0xcd: {  	[sflag:s0] =	ssyncadd.remote.s32 $0x1  }
0xce: {  	_ =	sfence.sel $0xFFFF  }
0xcf: {  	[dreg:$0x0] =	wrdreg $0xFFFFFFFF;
	(pc) =	sbr.abs _section_cstart, $3  }
0xd0: {  	[dreg:$0x1] =	wrdreg $0xFFFFFFFF  }
0xd1: {  	_ =	task.clear_ibuf [dreg:s22], $0x2FFFF;
	_ =	strace $0x9FFFFFFF  }
0xd2: {  	(tm) =	ssettm $0x7FFFFFFF  }
0xd3: {  	_ =	shalt  }
tec
execute0_lowered:
.L_overlay_start_1:
0x0: {  	(tag) =	ssettag $0x1  }
0x1: {  	s0 =	rddreg [dreg:$0x0]  }
0x2: {  	s1 =	rddreg [dreg:$0x1]  }
0x3: {  	s3 =	rddreg [dreg:$0x2];
	s4 =	simm.s32 $0x0;
	s14 =	stileid.u32  }
0x4: {  	s2 =	srdreg.scid;
	s28 =	simm.s32 $0x4080;
	s29 =	simm.s32 $0x4100  }
0x5: {  	s30 =	simm.s32 $0x8100;
	s31 =	simm.s32 $0x8180;
	[smem:$0x7FF] =	sst s4  }
0x6: {  	s15 =	smul.u32 $0x2700, s14;
	s2 =	sand.u32 $0x1, s2;
	s5 =	sadd.s32 $0x58DA00, s0  }
0x7: {  	s9 =	smul.u32 $0x4E000, s14;
	s25 =	sshll.u32 s14, $0x6;
	s26 =	sadd.s32 $0x138000, s3  }
0x8: {  	s20 =	sshll.u32 s14, $0x7;
	p0 =	sne.s32 s14, $0xF;
	_ =	strace $0x8000004A  }
0x9: {  	s6 =	smul.u32 $0x27100, s2;
	s8 =	sshll.u32 s2, $0x4;
	s10 =	ssub.s32 $0x2, s2  }
0xa: {  	[dreg:$0x6] =	wrdreg s26;
	s21 =	sor.u32 $0x4E000, s20;
	s7 =	sadd.s32 s15, s0  }
0xb: {  	s11 =	sor.u32 s14, s8;
	s22 =	sshrl.u32 s10, $0x1;
	s9 =	sshrl.u32 s9, $0x2  }
0xc: {  	s8 =	sor.u32 $0x1C04, s25;
	s6 =	sadd.s32 s6, s0;
	s12 =	smul.u32 $0x4E0, s11  }
0xd: {  	s10 =	ssub.s32 s10, s22;
	s23 =	sadd.s32 s9, s3;
	s24 =	smul.u32 $0x27000, s11  }
0xe: {  	s7 =	sadd.s32 $0x36600, s7;
	s13 =	smul.u32 $0x2700, s11;
	[dreg:$0x4] =	wrdreg s23  }
0xf: {  	s0 =	sadd.s32 $0x5D600, s0;
	s22 =	smul.u32 $0x270000, s2;
	[dreg:$0x5] =	wrdreg s7  }
0x10: {  	s2 =	smul.u32 $0x27000, s2;
	p1 =	sgt.u32 s11, $0x3;
	[dreg:$0x7] =	wrdreg s0  }
0x11: {  	s23 =	sshrl.u32 s21, $0x3;
	s7 =	sadd.s32 s1, s12;
	s9 =	sadd.s32 s5, s24  }
0x12: {  	s12 =	sor.u32 $0x80, s13;
	s17 =	sadd.s32 $0x100, s13;
	[dreg:$0x8] =	wrdreg s7  }
0x13: {  	s24 =	smul.u32 $0x27000, s14;
	s2 =	sadd.s32 s15, s2;
	[dreg:$0x9] =	wrdreg s9  }
0x14: {  	s16 =	sshrl.u32 s12, $0x3;
	s0 =	sshll.u32 s12, $0x4;
	s18 =	sshrl.u32 s17, $0x3  }
0x15: {  	s19 =	sshll.u32 s17, $0x4;
	s17 =	sadd.s32 s1, s23;
	s7 =	sadd.s32 s1, s16  }
0x16: {  	s25 =	sadd.s32 $0x280, s2;
	s0 =	sadd.s32 s5, s0;
	[dreg:$0xa] =	wrdreg s7  }
0x17: {  	s26 =	sadd.s32 $0x200, s2;
	[dreg:$0xb] =	wrdreg s0;
	s0 =	sadd.s32 s1, s18  }
0x18: {  	s16 =	smov.u32 s15;
	s7 =	simm.s32 $0x0;
	[dreg:$0xc] =	wrdreg s0  }
0x19: {  	s0 =	sadd.s32 s5, s19;
	s19 =	sadd.s32 $0xABA00, s6;
	s6 =	simm.s32 $0x3  }
0x1a: {  	[dreg:$0xd] =	wrdreg s0;
	s0 =	sshll.u32 s21, $0x4;
	s21 =	smax.u32 s10, $0x1  }
0x1b: {  	s18 =	sadd.s32 s5, s0;
	s5 =	sadd.s32 s22, s5;
	s0 =	sshrl.u32 s25, $0x3  }
0x1c: {  	s25 =	simm.s32 $0x4;
	s20 =	sadd.s32 s24, s5;
	s5 =	sshrl.u32 s26, $0x3  }
0x1d: {  	s22 =	sadd.s32 s0, s1;
	s24 =	sadd.s32 $0x180, s2;
	s26 =	simm.s32 $0x80  }
0x1e: {  	s0 =	simm.s32 $0x1;
	s2 =	simm.s32 $0x2;
	s23 =	sadd.s32 s5, s1  }
.LBB2_1:
0x1f: {  	s5 =	rddreg [dreg:$0x4]  }
0x20: {  	s9 =	rddreg [dreg:$0x5];
	s5 =	sshrl.u32 s5, $0x3  }
0x21: {  	[spmem:s5], [sflag:s8] =	dma.local [hbm:s9], $0x2700  }
0x22: {  	_ =	swait.ge [sflag:s25], $0x2700  }
0x23: {  	[sflag:s25] =	ssyncset.done $0x0;
	s9 =	rddreg [dreg:$0x6]  }
0x24: {  	s10 =	rddreg [dreg:$0x7];
	[sflag:s25] =	ssyncadd.s32 $0xFFFFD900;
	s9 =	sshrl.u32 @!p0 s9, $0x3  }
0x25: {  	[spmem:s9], [sflag:s8] =	dma.local @!p0 [hbm:s10], $0x100  }
0x26: {  	s10 =	simm.s32 @!p0 $0x4  }
0x27: {  	_ =	swait.ge @!p0 [sflag:s10], $0x100  }
0x28: {  	[sflag:s10] =	ssyncset.done @!p0 $0x0  }
0x29: {  	[sflag:s10] =	ssyncadd.s32 @!p0 $0xFFFFFF00  }
0x2a: {  	[bflag:$0x0] =	sbarrier.arrive $0xFFFF  }
0x2b: {  	s12 =	rddreg [dreg:$0x8]  }
0x2c: {  	[tilespmem:s4], [sflag:$0x4] =	stream.linear.gather [hbm4b:s12+s4], $0x80, $0x38;
	[tilespmem:$0x1FA00] =	vst v63  }
0x2d: {  	_ =	swait.ge [sflag:s25], $0x80  }
0x2e: {  	[sflag:s25] =	ssyncset.done $0x0  }
0x2f: {  	s13 =	rddreg [dreg:$0x9];
	[sflag:s25] =	ssyncadd.s32 $0xFFFFFF80  }
0x30: {  	[tilespmem:s26], [sflag:$0x1] =	stream.linear.gather [hbm4b:s13+s4], $0x4000, $0x38;
	[tilespmem:$0x1FA00] =	vst v63  }
0x31: {  	s14 =	rddreg [dreg:$0xa]  }
0x32: {  	[tilespmem:s28], [sflag:$0x4] =	stream.linear.gather [hbm4b:s14+s4], $0x80, $0x38;
	[tilespmem:$0x1FA00] =	vst v63  }
0x33: {  	_ =	swait.ge [sflag:s25], $0x80  }
0x34: {  	[sflag:s25] =	ssyncset.done $0x0  }
0x35: {  	s15 =	rddreg [dreg:$0xb];
	[sflag:s25] =	ssyncadd.s32 $0xFFFFFF80  }
0x36: {  	[tilespmem:s29], [sflag:$0x2] =	stream.linear.gather [hbm4b:s15+s4], $0x4000, $0x38;
	[tilespmem:$0x1FA00] =	vst v63  }
0x37: {  	s11 =	rddreg [dreg:$0xc]  }
0x38: {  	[tilespmem:s30], [sflag:$0x4] =	stream.linear.gather [hbm4b:s11+s4], $0x80, $0x38;
	[tilespmem:$0x1FA00] =	vst v63  }
0x39: {  	_ =	swait.ge [sflag:s25], $0x80  }
0x3a: {  	[sflag:s25] =	ssyncset.done $0x0  }
0x3b: {  	s12 =	rddreg [dreg:$0xd];
	[sflag:s25] =	ssyncadd.s32 $0xFFFFFF80  }
0x3c: {  	[tilespmem:s31], [sflag:$0x3] =	stream.linear.gather [hbm4b:s12+s4], $0x4000, $0x38;
	[tilespmem:$0x1FA00] =	vst v63  }
0x3d: {  	_ =	swait.ge [sflag:s0], $0x4000  }
0x3e: {  	[sflag:s0] =	ssyncset.done $0x0  }
0x3f: {  	[sflag:s0] =	ssyncadd.s32 $0xFFFFC000  }
0x40: {  	[spmem:s3] =	stream.indirect.scatter.add.f32 [tilespmem:s26], [sflag:$0x4], $0x80, s4, s26, $0xb8;
	[tilespmem:$0x1FA00] =	vst v63  }
0x41: {  	_ =	swait.ge [sflag:s25], $0x4000  }
0x42: {  	s13 =	sshrl.u32 s24, $0x3;
	[sflag:s25] =	ssyncset.done $0x0  }
0x43: {  	s10 =	sadd.s32 s1, s13;
	[sflag:s25] =	ssyncadd.s32 $0xFFFFC000  }
0x44: {  	[tilespmem:s4], [sflag:$0x4] =	stream.linear.gather [hbm4b:s10+s4], $0x80, $0x38;
	[tilespmem:$0x1FA00] =	vst v63  }
0x45: {  	_ =	swait.ge [sflag:s25], $0x80  }
0x46: {  	s13 =	sadd.s32 $0x0, s20;
	[sflag:s25] =	ssyncset.done $0x0  }
0x47: {  	s14 =	sadd.s32 $0x1800, s13;
	[sflag:s25] =	ssyncadd.s32 $0xFFFFFF80  }
0x48: {  	[tilespmem:s26], [sflag:$0x1] =	stream.linear.gather [hbm4b:s14+s4], $0x4000, $0x38;
	[tilespmem:$0x1FA00] =	vst v63  }
0x49: {  	_ =	swait.ge [sflag:s2], $0x4000  }
0x4a: {  	[sflag:s2] =	ssyncset.done $0x0  }
0x4b: {  	[sflag:s2] =	ssyncadd.s32 $0xFFFFC000  }
0x4c: {  	[spmem:s3] =	stream.indirect.scatter.add.f32 [tilespmem:s29], [sflag:$0x4], $0x80, s28, s26, $0xb8;
	[tilespmem:$0x1FA00] =	vst v63  }
0x4d: {  	_ =	swait.ge [sflag:s25], $0x4000  }
0x4e: {  	[sflag:s25] =	ssyncset.done $0x0  }
0x4f: {  	[sflag:s25] =	ssyncadd.s32 $0xFFFFC000  }
0x50: {  	[tilespmem:s28], [sflag:$0x4] =	stream.linear.gather [hbm4b:s23+s4], $0x80, $0x38;
	[tilespmem:$0x1FA00] =	vst v63  }
0x51: {  	_ =	swait.ge [sflag:s25], $0x80  }
0x52: {  	[sflag:s25] =	ssyncset.done $0x0  }
0x53: {  	s15 =	sadd.s32 $0x2000, s13;
	[sflag:s25] =	ssyncadd.s32 $0xFFFFFF80  }
0x54: {  	[tilespmem:s29], [sflag:$0x2] =	stream.linear.gather [hbm4b:s15+s4], $0x4000, $0x38;
	[tilespmem:$0x1FA00] =	vst v63  }
0x55: {  	_ =	swait.ge [sflag:s6], $0x4000  }
0x56: {  	[sflag:s6] =	ssyncset.done $0x0  }
0x57: {  	[sflag:s6] =	ssyncadd.s32 $0xFFFFC000  }
0x58: {  	[spmem:s3] =	stream.indirect.scatter.add.f32 [tilespmem:s31], [sflag:$0x4], $0x80, s30, s26, $0xb8;
	[tilespmem:$0x1FA00] =	vst v63  }
0x59: {  	_ =	swait.ge [sflag:s25], $0x4000  }
0x5a: {  	[sflag:s25] =	ssyncset.done $0x0  }
0x5b: {  	[sflag:s25] =	ssyncadd.s32 $0xFFFFC000  }
0x5c: {  	[tilespmem:s30], [sflag:$0x4] =	stream.linear.gather [hbm4b:s22+s4], $0x80, $0x38;
	[tilespmem:$0x1FA00] =	vst v63  }
0x5d: {  	s11 =	sadd.s32 $0x30, s23;
	_ =	swait.ge [sflag:s25], $0x80  }
0x5e: {  	s12 =	sadd.s32 $0x180, s24;
	s10 =	simm.s32 $0x1800;
	[sflag:s25] =	ssyncset.done $0x0  }
0x5f: {  	s14 =	sadd.s32 $0x2800, s13;
	s13 =	sadd.s32 $0x30, s22;
	[sflag:s25] =	ssyncadd.s32 $0xFFFFFF80  }
.LBB2_2:
0x60: {  	[tilespmem:s31], [sflag:$0x3] =	stream.linear.gather [hbm4b:s14+s4], $0x4000, $0x38;
	[tilespmem:$0x1FA00] =	vst v63  }
0x61: {  	s14 =	smov.u32 s10  }
0x62: {  	p2 =	sne.s32 s10, $0x24000;
	s10 =	sadd.s32 $0x1800, s10;
	_ =	swait.ge [sflag:s0], $0x4000  }
0x63: {  	[sflag:s0] =	ssyncset.done $0x0  }
0x64: {  	[sflag:s0] =	ssyncadd.s32 $0xFFFFC000  }
0x65: {  	[spmem:s3] =	stream.indirect.scatter.add.f32 [tilespmem:s26], [sflag:$0x4], $0x80, s4, s26, $0xb8;
	[tilespmem:$0x1FA00] =	vst v63  }
0x66: {  	_ =	swait.ge [sflag:s25], $0x4000  }
0x67: {  	s15 =	sshrl.u32 s12, $0x3;
	[sflag:s25] =	ssyncset.done $0x0  }
0x68: {  	s15 =	sadd.s32 s1, s15;
	[sflag:s25] =	ssyncadd.s32 $0xFFFFC000  }
0x69: {  	[tilespmem:s4], [sflag:$0x4] =	stream.linear.gather [hbm4b:s15+s4], $0x80, $0x38;
	[tilespmem:$0x1FA00] =	vst v63  }
0x6a: {  	_ =	swait.ge [sflag:s25], $0x80  }
0x6b: {  	s14 =	sadd.s32 s14, s20;
	[sflag:s25] =	ssyncset.done $0x0  }
0x6c: {  	s15 =	sadd.s32 $0x1800, s14;
	[sflag:s25] =	ssyncadd.s32 $0xFFFFFF80  }
0x6d: {  	[tilespmem:s26], [sflag:$0x1] =	stream.linear.gather [hbm4b:s15+s4], $0x4000, $0x38;
	[tilespmem:$0x1FA00] =	vst v63  }
0x6e: {  	_ =	swait.ge [sflag:s2], $0x4000  }
0x6f: {  	[sflag:s2] =	ssyncset.done $0x0  }
0x70: {  	[sflag:s2] =	ssyncadd.s32 $0xFFFFC000  }
0x71: {  	[spmem:s3] =	stream.indirect.scatter.add.f32 [tilespmem:s29], [sflag:$0x4], $0x80, s28, s26, $0xb8;
	[tilespmem:$0x1FA00] =	vst v63  }
0x72: {  	_ =	swait.ge [sflag:s25], $0x4000  }
0x73: {  	[sflag:s25] =	ssyncset.done $0x0  }
0x74: {  	[sflag:s25] =	ssyncadd.s32 $0xFFFFC000  }
0x75: {  	[tilespmem:s28], [sflag:$0x4] =	stream.linear.gather [hbm4b:s11+s4], $0x80, $0x38;
	[tilespmem:$0x1FA00] =	vst v63  }
0x76: {  	_ =	swait.ge [sflag:s25], $0x80  }
0x77: {  	[sflag:s25] =	ssyncset.done $0x0  }
0x78: {  	s15 =	sadd.s32 $0x2000, s14;
	[sflag:s25] =	ssyncadd.s32 $0xFFFFFF80  }
0x79: {  	[tilespmem:s29], [sflag:$0x2] =	stream.linear.gather [hbm4b:s15+s4], $0x4000, $0x38;
	[tilespmem:$0x1FA00] =	vst v63  }
0x7a: {  	_ =	swait.ge [sflag:s6], $0x4000  }
0x7b: {  	[sflag:s6] =	ssyncset.done $0x0  }
0x7c: {  	[sflag:s6] =	ssyncadd.s32 $0xFFFFC000  }
0x7d: {  	[spmem:s3] =	stream.indirect.scatter.add.f32 [tilespmem:s31], [sflag:$0x4], $0x80, s30, s26, $0xb8;
	[tilespmem:$0x1FA00] =	vst v63  }
0x7e: {  	_ =	swait.ge [sflag:s25], $0x4000  }
0x7f: {  	[sflag:s25] =	ssyncset.done $0x0  }
.Ltmp0:
0x80: {  	[sflag:s25] =	ssyncadd.s32 $0xFFFFC000;
	(pc) =	sbr.rel @p2 .LBB2_2-.Ltmp0, $4  }
0x81: {  	[tilespmem:s30], [sflag:$0x4] =	stream.linear.gather [hbm4b:s13+s4], $0x80, $0x38;
	[tilespmem:$0x1FA00] =	vst v63  }
0x82: {  	_ =	swait.ge [sflag:s25], $0x80  }
0x83: {  	s12 =	sadd.s32 $0x180, s12;
	s11 =	sadd.s32 $0x30, s11;
	[sflag:s25] =	ssyncset.done $0x0  }
0x84: {  	s14 =	sadd.s32 $0x2800, s14;
	s13 =	sadd.s32 $0x30, s13;
	[sflag:s25] =	ssyncadd.s32 $0xFFFFFF80  }
0x85: {  	[tilespmem:s31], [sflag:$0x3] =	stream.linear.gather [hbm4b:s14+s4], $0x4000, $0x38;
	[tilespmem:$0x1FA00] =	vst v63  }
0x86: {  	_ =	swait.ge [sflag:s0], $0x4000  }
0x87: {  	[sflag:s0] =	ssyncset.done $0x0  }
0x88: {  	[sflag:s0] =	ssyncadd.s32 $0xFFFFC000  }
0x89: {  	[spmem:s3] =	stream.indirect.scatter.add.f32 [tilespmem:s26], [sflag:$0x4], $0x80, s4, s26, $0xb8;
	[tilespmem:$0x1FA00] =	vst v63  }
0x8a: {  	_ =	swait.ge [sflag:s25], $0x4000  }
0x8b: {  	[sflag:s25] =	ssyncset.done $0x0  }
0x8c: {  	[sflag:s25] =	ssyncadd.s32 $0xFFFFC000  }
0x8d: {  	_ =	swait.ge [sflag:s2], $0x4000  }
0x8e: {  	[sflag:s2] =	ssyncset.done $0x0  }
0x8f: {  	[sflag:s2] =	ssyncadd.s32 $0xFFFFC000  }
0x90: {  	[spmem:s3] =	stream.indirect.scatter.add.f32 [tilespmem:s29], [sflag:$0x4], $0x80, s28, s26, $0xb8;
	[tilespmem:$0x1FA00] =	vst v63  }
0x91: {  	_ =	swait.ge [sflag:s25], $0x4000  }
0x92: {  	[sflag:s25] =	ssyncset.done $0x0  }
0x93: {  	[sflag:s25] =	ssyncadd.s32 $0xFFFFC000  }
0x94: {  	_ =	swait.ge [sflag:s6], $0x4000  }
0x95: {  	[sflag:s6] =	ssyncset.done $0x0  }
0x96: {  	[sflag:s6] =	ssyncadd.s32 $0xFFFFC000  }
0x97: {  	[spmem:s3] =	stream.indirect.scatter.add.f32 [tilespmem:s31], [sflag:$0x4], $0x80, s30, s26, $0xb8;
	[tilespmem:$0x1FA00] =	vst v63  }
0x98: {  	_ =	swait.ge [sflag:s25], $0x4000  }
0x99: {  	[sflag:s25] =	ssyncset.done $0x0  }
0x9a: {  	s10 =	simm.s32 @!p1 $0x0;
	s11 =	simm.s32 @!p1 $0x4;
	[sflag:s25] =	ssyncadd.s32 $0xFFFFC000  }
0x9b: {  	[tilespmem:s10], [sflag:$0x4] =	stream.linear.gather @!p1 [hbm4b:s17+s10], $0x80, $0x38;
	[tilespmem:$0x1FA00] =	vst v63  }
0x9c: {  	_ =	swait.ge @!p1 [sflag:s11], $0x80  }
0x9d: {  	[sflag:s11] =	ssyncset.done @!p1 $0x0  }
0x9e: {  	s12 =	simm.s32 @!p1 $0x80;
	s13 =	simm.s32 @!p1 $0x1;
	[sflag:s11] =	ssyncadd.s32 @!p1 $0xFFFFFF80  }
0x9f: {  	[tilespmem:s12], [sflag:$0x1] =	stream.linear.gather @!p1 [hbm4b:s18+s10], $0x4000, $0x38;
	[tilespmem:$0x1FA00] =	vst v63  }
0xa0: {  	_ =	swait.ge @!p1 [sflag:s13], $0x4000  }
0xa1: {  	[sflag:s13] =	ssyncset.done @!p1 $0x0  }
0xa2: {  	[sflag:s13] =	ssyncadd.s32 @!p1 $0xFFFFC000  }
0xa3: {  	[spmem:s3] =	stream.indirect.scatter.add.f32 @!p1 [tilespmem:s12], [sflag:$0x4], $0x80, s10, s12, $0xb8;
	[tilespmem:$0x1FA00] =	vst v63  }
0xa4: {  	_ =	swait.ge @!p1 [sflag:s11], $0x4000  }
0xa5: {  	[sflag:s11] =	ssyncset.done @!p1 $0x0  }
0xa6: {  	[sflag:s11] =	ssyncadd.s32 @!p1 $0xFFFFC000  }
0xa7: {  	s15 =	sadd.s32 s16, s19;
	[bflag:$0x0] =	sbarrier.arrive $0xFFFF  }
0xa8: {  	[hbm:s15], [sflag:s8] =	dma.local [spmem:s5], $0x2700  }
0xa9: {  	_ =	swait.ge [sflag:s25], $0x2700  }
0xaa: {  	s7 =	sadd.s32 $0x1, s7;
	[sflag:s25] =	ssyncset.done $0x0  }
0xab: {  	p2 =	sne.s32 s7, s21;
	s5 =	sadd.s32 @!p0 $0x27000, s19;
	[sflag:s25] =	ssyncadd.s32 $0xFFFFD900  }
0xac: {  	[hbm:s5], [sflag:s8] =	dma.local @!p0 [spmem:s9], $0x100  }
.Ltmp1:
0xad: {  	_ = 	snop;
	(pc) =	sbr.rel @p2 .LBB2_1-.Ltmp1, $4  }
0xae: {  	s5 =	simm.s32 @!p0 $0x4  }
0xaf: {  	_ =	swait.ge @!p0 [sflag:s5], $0x100  }
0xb0: {  	[sflag:s5] =	ssyncset.done @!p0 $0x0  }
0xb1: {  	[sflag:s5] =	ssyncadd.s32 @!p0 $0xFFFFFF00  }
0xb2: {  	_ =	sfence.sel $0x180000  }
0xb3: {  	[bflag:$0x0] =	sbarrier.arrive $0xFFFF  }
0xb4: {  	_ =	strace $0x9000004A  }
0xb5: {  	s0 =	stileid.u32;
	[bflag:$0x2] =	sbarrier.arrive $0xFFFF  }
0xb6: {  	p0 =	sne.s32 s0, $0x0;
	s0 =	rddreg [dreg:$0x3]  }
0xb7: {  	s0 =	sadd.s32 @!p0 $0x100000, s0  }
0xb8: {  	[sflag:s0] =	ssyncadd.tile.s32 @!p0 $0x1;
	_ =	shalt  }
.Lfunc_end2:
_tile_overlayer_lowered:
.L_overlay_start_2:
0xb9: {  	(tag) =	ssettag $0x2  }
0xba: {  	s0 =	rddreg [dreg:$0x0];
	s2 =	stileid.u32  }
0xbb: {  	s1 =	rddreg [dreg:$0x1];
	p0 =	sne.s32 s2, $0x0  }
0xbc: {  	s3 =	rddreg [dreg:$0x2];
	[bflag:$0x3] =	sbarrier.arrive $0xFFFF;
	s2 =	simm.s32 @!p0 $0x1C04  }
0xbd: {  	[timem:s3], [sflag:s2] =	dma.local @!p0 [hbm:s0], s1  }
0xbe: {  	s0 =	simm.s32 @!p0 $0x4  }
0xbf: {  	_ =	swait.ge @!p0 [sflag:s0], s1  }
0xc0: {  	s1 =	ssub.s32 @!p0 $0x0, s1;
	[sflag:s0] =	ssyncset.done @!p0 $0x0  }
0xc1: {  	[sflag:s0] =	ssyncadd.s32 @!p0 s1  }
0xc2: {  	[bflag:$0x3] =	sbarrier.arrive $0xFFFF  }
0xc3: {  	_ =	shalt  }

// kernel: kernel.18.cloned.1.call-start
scs
__scs_entry_jumppad:
0x0: {  	(pc) =	sbr.rel $0x88, $3  }
0x1: {  	(tag) =	ssettag $0x0;
	lr =	simm.s32 $0x1  }
0x2: {  	[smem:$0x3F8D] =	sst lr;
	_ =	strace $0xD0000000  }
0x3: {  	_ = 	snop  }
0x4: {  	_ = 	snop  }
0x5: {  	_ = 	snop  }
0x6: {  	_ = 	snop  }
0x7: {  	_ = 	snop  }
__scs_overlays_trampoline_lowered:
0x8: {  	[smem:$0x3F9C] =	sst s0  }
0x9: {  	[smem:$0x3F9D] =	sst s1  }
0xa: {  	[smem:$0x3F9E] =	sst s2  }
0xb: {  	[smem:$0x3F9F] =	sst s3  }
0xc: {  	[smem:$0x3FA0] =	sst s4  }
0xd: {  	[smem:$0x3FA1] =	sst s5  }
0xe: {  	[smem:$0x3FA2] =	sst s6  }
0xf: {  	[smem:$0x3FA3] =	sst s7  }
0x10: {  	[smem:$0x3FA4] =	sst s8  }
0x11: {  	[smem:$0x3FA5] =	sst s9;
	s0 =	simm.s32 @!p0 $0x0  }
0x12: {  	s1 =	sld [smem:$0x3F8B];
	s0 =	simm.s32 @p0 $0x1  }
0x13: {  	[smem:$0x3FA6] =	sst s0;
	s0 =	simm.s32 @!p1 $0x0  }
0x14: {  	s2 =	sld [smem:$0x3F8A];
	s0 =	simm.s32 @p1 $0x1  }
0x15: {  	[smem:$0x3FA7] =	sst s0;
	s0 =	simm.s32 @!p2 $0x0  }
0x16: {  	s3 =	sld [smem:$0x3FDB];
	s0 =	simm.s32 @p2 $0x1  }
0x17: {  	s4 =	simm.s32 $0x1BF5;
	[smem:$0x3FA9] =	sst s0  }
0x18: {  	s0 =	sld [smem:$0x3F8C];
	_ =	swait.ge [sflag:s4], $0x0  }
0x19: {  	s7 =	sld [smem:$0x3F8D]  }
0x1a: {  	s8 =	sadd.s32 $0xFFFFE003, lr  }
0x1b: {  	s9 =	sadd.s32 $0xFFFFFEF7, lr;
	s5 =	simm.s32 $0xFFFFFFFF;
	p2 =	slt.u32 s8, $0xFFFFF086  }
0x1c: {  	p1 =	slt.u32 s9, $0xF7A;
	s5 =	simm.s32 @!p2 $0x0  }
0x1d: {  	s5 =	simm.s32 @p1 $0x1;
	p0 =	seq.s32 s7, s2  }
0x1e: {  	s7 =	smul.u32 @!p0 $0xF7A, s2;
	p2 =	seq.s32 @!p0 s5, $0x0  }
0x1f: {  	s9 =	smul.u32 $0xF7A, s1;
	s8 =	simm.s32 @!p0 $0x1BF5;
	p2 =	por !p2, p0  }
0x20: {  	[sflag:s8] =	ssyncset.s32 @!p0 $0xFFFFF086;
	s6 =	sadd.s32 @!p0 s3, s7;
	s7 =	simm.s32 @!p0 $0x108  }
0x21: {  	s3 =	sadd.s32 s3, s9;
	s6 =	sadd.s32 @!p0 $0x88, s6;
	s7 =	simm.s32 @p2 $0x1082  }
0x22: {  	[simem:s7], [sflag:s8] =	dma.local @!p0 [hbm:s6], $0xF7A  }
0x23: {  	s9 =	sor.u32 $0xD0000000, s2;
	s6 =	simm.s32 $0x108;
	_ =	swait.ge @!p0 [sflag:s8], $0x0  }
0x24: {  	s3 =	sadd.s32 $0x88, s3;
	s6 =	simm.s32 @!p1 $0x1082;
	[sflag:s4] =	ssyncset.s32 $0xFFFFF086  }
0x25: {  	[simem:s6], [sflag:s4] =	dma.local [hbm:s3], $0xF7A  }
0x26: {  	[smem:$0x3F8D] =	sst s1;
	(tag) =	ssettag s2;
	_ =	strace s9  }
0x27: {  	s1 =	sld [smem:$0x3F9D]  }
0x28: {  	s2 =	sld [smem:$0x3F9E]  }
0x29: {  	s4 =	sld [smem:$0x3FA0]  }
0x2a: {  	p0 =	seq.s32 s5, $0x0;
	s5 =	sld [smem:$0x3FA1]  }
0x2b: {  	s6 =	sld [smem:$0x3FA2]  }
0x2c: {  	s7 =	sld [smem:$0x3FA3]  }
0x2d: {  	s3 =	simm.s32 $0x108;
	s8 =	sld [smem:$0x3FA4]  }
0x2e: {  	s3 =	simm.s32 @!p0 $0x1082;
	s9 =	sld [smem:$0x3FA5]  }
0x2f: {  	lr =	sadd.s32 s0, s3;
	s0 =	sld [smem:$0x3F9C]  }
0x30: {  	s3 =	sld [smem:$0x3F9F]  }
0x31: {  	[smem:$0x3FA8] =	sst s10  }
0x32: {  	s10 =	sld [smem:$0x3FA6];
	_ =	sdelay $0x3  }
0x33: {  	p0 =	seq.s32 s10, $0x1;
	s10 =	sld [smem:$0x3FA8];
	_ =	sdelay $0x3  }
0x34: {  	[smem:$0x3FA8] =	sst s10  }
0x35: {  	s10 =	sld [smem:$0x3FA7];
	_ =	sdelay $0x3  }
0x36: {  	p1 =	seq.s32 s10, $0x1;
	s10 =	sld [smem:$0x3FA8];
	_ =	sdelay $0x3  }
0x37: {  	[smem:$0x3FA8] =	sst s10  }
0x38: {  	s10 =	sld [smem:$0x3FA9]  }
0x39: {  	_ = 	snop;
	(pc) =	sbr.ind lr, $3  }
0x3a: {  	_ = 	snop  }
0x3b: {  	_ = 	snop  }
0x3c: {  	p2 =	seq.s32 s10, $0x1;
	s10 =	sld [smem:$0x3FA8]  }
0x3d: {  	_ =	shalt  }
0x3e: {  	_ =	shalt  }
0x3f: {  	_ =	shalt  }
0x40: {  	_ =	shalt  }
0x41: {  	_ =	shalt  }
0x42: {  	_ =	shalt  }
0x43: {  	_ =	shalt  }
0x44: {  	_ =	shalt  }
0x45: {  	_ =	shalt  }
0x46: {  	_ =	shalt  }
0x47: {  	_ =	shalt  }
0x48: {  	_ =	shalt  }
0x49: {  	_ =	shalt  }
0x4a: {  	_ =	shalt  }
0x4b: {  	_ =	shalt  }
0x4c: {  	_ =	shalt  }
0x4d: {  	_ =	shalt  }
0x4e: {  	_ =	shalt  }
0x4f: {  	_ =	shalt  }
0x50: {  	_ =	shalt  }
0x51: {  	_ =	shalt  }
0x52: {  	_ =	shalt  }
0x53: {  	_ =	shalt  }
0x54: {  	_ =	shalt  }
0x55: {  	_ =	shalt  }
0x56: {  	_ =	shalt  }
0x57: {  	_ =	shalt  }
0x58: {  	_ =	shalt  }
0x59: {  	_ =	shalt  }
0x5a: {  	_ =	shalt  }
0x5b: {  	_ =	shalt  }
0x5c: {  	_ =	shalt  }
0x5d: {  	_ =	shalt  }
0x5e: {  	_ =	shalt  }
0x5f: {  	_ =	shalt  }
0x60: {  	_ =	shalt  }
0x61: {  	_ =	shalt  }
0x62: {  	_ =	shalt  }
0x63: {  	_ =	shalt  }
0x64: {  	_ =	shalt  }
0x65: {  	_ =	shalt  }
0x66: {  	_ =	shalt  }
0x67: {  	_ =	shalt  }
0x68: {  	_ =	shalt  }
0x69: {  	_ =	shalt  }
0x6a: {  	_ =	shalt  }
0x6b: {  	_ =	shalt  }
0x6c: {  	_ =	shalt  }
0x6d: {  	_ =	shalt  }
0x6e: {  	_ =	shalt  }
0x6f: {  	_ =	shalt  }
0x70: {  	_ =	shalt  }
0x71: {  	_ =	shalt  }
0x72: {  	_ =	shalt  }
0x73: {  	_ =	shalt  }
0x74: {  	_ =	shalt  }
0x75: {  	_ =	shalt  }
0x76: {  	_ =	shalt  }
0x77: {  	_ =	shalt  }
0x78: {  	_ =	shalt  }
0x79: {  	_ =	shalt  }
0x7a: {  	_ =	shalt  }
0x7b: {  	_ =	shalt  }
0x7c: {  	_ =	shalt  }
0x7d: {  	_ =	shalt  }
0x7e: {  	_ =	shalt  }
0x7f: {  	_ =	shalt  }
0x80: {  	_ =	shalt  }
0x81: {  	_ =	shalt  }
0x82: {  	_ =	shalt  }
0x83: {  	_ =	shalt  }
0x84: {  	_ =	shalt  }
0x85: {  	_ =	shalt  }
0x86: {  	_ =	shalt  }
0x87: {  	_ =	shalt  }
.Lfunc_end0:
.L_simem_size_0:
called_computation.2_lowered:
.L_overlay_start_0:
0x88: {  	s2 =	sld [smem:$0x3FD9]  }
0x89: {  	s3 =	sld [smem:$0x3FFE];
	_ =	sdelay $0x1  }
0x8a: {  	s1 =	srdreg.scid  }
0x8b: {  	s0 =	sand.u32 $0x1, s1  }
0x8c: {  	s17 =	sshll.u32 s0, $0xA;
	s2 =	sadd.s32 s3, s2  }
0x8d: {  	s2 =	sadd.s32 s2, s17  }
0x8e: {  	[smem:$0x3FB4] =	sst s2  }
0x8f: {  	_ = 	snop  }
0x90: {  	s2 =	sld [smem:$0x3FD0];
	(tm) =	ssettm $0x1  }
0x91: {  	s18 =	sld [smem:$0x3FFB];
	_ =	sdelay $0x3  }
0x92: {  	_ =	strace s18  }
0x93: {  	s3 =	sld [smem:$0x3FFC];
	_ =	sdelay $0x3  }
0x94: {  	_ =	strace s3  }
0x95: {  	s3 =	sld [smem:$0x3FFD];
	_ =	sdelay $0x3  }
0x96: {  	_ =	strace s3  }
0x97: {  	_ =	strace $0x8FFFFFFF  }
0x98: {  	s19 =	sld [smem:$0x3FDB];
	_ =	sdelay $0x1  }
0x99: {  	s4 =	simm.s32 $_scs_section_size  }
0x9a: {  	s5 =	simm.s32 $_size__tile_overlayer_lowered;
	s6 =	simm.s32 $_tile_overlayer_lowered  }
0x9b: {  	s22 =	simm.s32 $0x1BFF;
	s21 =	sshll.u32 s6, $0x1;
	s3 =	sadd.s32 s4, s19  }
0x9c: {  	s7 =	simm.s32 $0x0;
	s20 =	sshll.u32 s5, $0x1;
	s5 =	sadd.s32 s21, s3  }
0x9d: {  	[timem:s7], [sflag:s22] =	dma.local [hbm:s5], s20  }
0x9e: {  	_ =	swait.ge [sflag:s22], s20  }
0x9f: {  	s4 =	ssub.s32 $0x0, s20;
	[sflag:s22] =	ssyncset.done $0x0  }
0xa0: {  	[sflag:s22] =	ssyncadd.s32 s4;
	_ =	sdelay $0x1  }
0xa1: {  	s23 =	simm.s32 $0x1B8B  }
0xa2: {  	_ =	swait.ge [sflag:s23], $0x1  }
0xa3: {  	[sflag:s23] =	ssyncset.done $0x0  }
0xa4: {  	s25 =	simm.s32 $0x1B8E;
	s24 =	sld [smem:$0x3FFE];
	[sflag:s23] =	ssyncadd.s32 $0xFFFFFFFF  }
0xa5: {  	s26 =	simm.s32 $execute0_lowered;
	[smem:$0x3FD2] =	sst s25  }
0xa6: {  	s5 =	sshll.u32 s26, $0x1;
	_ =	strace $0x8000004C;
	[dreg:$0x1] =	wrdreg $0xFFFFFFFF  }
0xa7: {  	s28 =	simm.s32 $_size_execute0_lowered;
	s3 =	sadd.s32 s3, s5;
	[dreg:$0x0] =	wrdreg $0x0  }
0xa8: {  	s5 =	sshll.u32 s28, $0x1;
	[dreg:$0x2] =	wrdreg s3  }
0xa9: {  	[dreg:$0x3] =	wrdreg s5  }
0xaa: {  	[dreg:$0x4] =	wrdreg $0xC0  }
0xab: {  	_ =	task [dreg:s7], $0x5FFFF  }
0xac: {  	[dreg:$0x1] =	wrdreg $0xFFFFFFFF  }
0xad: {  	[dreg:$0x0] =	wrdreg $0x60  }
0xae: {  	[dreg:$0x2] =	wrdreg s24  }
0xaf: {  	[dreg:$0x3] =	wrdreg s2  }
0xb0: {  	[dreg:$0x4] =	wrdreg $0xC3000  }
0xb1: {  	[dreg:$0x5] =	wrdreg $0x9  }
0xb2: {  	_ =	task.clear_ibuf [dreg:s7], $0x6FFFF;
	_ =	strace $0x9000004C  }
0xb3: {  	s29 =	simm.s32 $0x9;
	_ =	strace $0x8000004E  }
0xb4: {  	_ =	swait.ge [sflag:s29], $0x1  }
0xb5: {  	[sflag:s29] =	ssyncadd.s32 $0xFFFFFFFF  }
0xb6: {  	_ =	strace $0x9000004E  }
0xb7: {  	_ =	sfence  }
0xb8: {  	s30 =	sld [smem:$0x0];
	_ =	sdelay $0x2  }
0xb9: {  	s31 =	sshll.u32 s1, $0xD;
	s1 =	sshrl.u32 s1, $0x2  }
0xba: {  	s3 =	sand.u32 $0x4000, s31;
	s1 =	sadd.s32 s1, s30  }
0xbb: {  	s0 =	sor.u32 s3, s0;
	s1 =	sshll.u32 s1, $0x11  }
0xbc: {  	s0 =	sor.u32 s1, s0  }
0xbd: {  	s0 =	sadd.s32 $0x8F2B, s0  }
0xbe: {  	[sflag:s0] =	ssyncadd.remote.s32 $0x1  }
0xbf: {  	_ =	sfence.sel $0xFFFF  }
0xc0: {  	[dreg:$0x0] =	wrdreg $0xFFFFFFFF;
	(pc) =	sbr.abs _section_cstart, $3  }
0xc1: {  	[dreg:$0x1] =	wrdreg $0xFFFFFFFF  }
0xc2: {  	_ =	task.clear_ibuf [dreg:s7], $0x2FFFF;
	_ =	strace $0x9FFFFFFF  }
0xc3: {  	(tm) =	ssettm $0x7FFFFFFF  }
tec
execute0_lowered:
.L_overlay_start_1:
0x0: {  	(tag) =	ssettag $0x1  }
0x1: {  	s0 =	rddreg [dreg:$0x0]  }
0x2: {  	s1 =	rddreg [dreg:$0x1]  }
0x3: {  	s2 =	rddreg [dreg:$0x2]  }
0x4: {  	s3 =	simm.s32 $0x0;
	s13 =	stileid.u32;
	s4 =	srdreg.scid  }
0x5: {  	s28 =	simm.s32 $0x4180;
	s29 =	simm.s32 $0x4200;
	s30 =	simm.s32 $0x8200  }
0x6: {  	s31 =	simm.s32 $0x8280;
	[smem:$0x7FF] =	sst s3;
	s8 =	smul.u32 $0x2700, s13  }
0x7: {  	s4 =	sand.u32 $0x1, s4;
	s5 =	sadd.s32 $0xF400, s0;
	s7 =	sadd.s32 $0x5600, s0  }
0x8: {  	s9 =	smul.u32 $0x4E000, s13;
	s18 =	sshll.u32 s13, $0x6;
	s14 =	sadd.s32 $0x138000, s2  }
0x9: {  	s24 =	sshll.u32 s13, $0x4;
	s25 =	smul.u32 $0x4E0, s13;
	p0 =	sne.s32 s13, $0xF  }
0xa: {  	_ =	strace $0x8000004D;
	s6 =	smul.u32 $0x27100, s4;
	s10 =	ssub.s32 $0x2, s4  }
0xb: {  	s11 =	sshll.u32 s4, $0x4;
	[dreg:$0x7] =	wrdreg s14;
	s4 =	smul.u32 $0x4E00, s4  }
0xc: {  	[dreg:$0x4] =	wrdreg s8;
	s8 =	sadd.s32 s8, s0;
	s12 =	sshrl.u32 s10, $0x1  }
0xd: {  	s11 =	sor.u32 s13, s11;
	s9 =	sshrl.u32 s9, $0x2;
	s6 =	sadd.s32 s6, s0  }
0xe: {  	s10 =	ssub.s32 s10, s12;
	s9 =	sadd.s32 s9, s2;
	s17 =	smul.u32 $0x4E0, s11  }
0xf: {  	s8 =	sadd.s32 $0x36600, s8;
	s19 =	smul.u32 $0x2700, s11;
	[dreg:$0x5] =	wrdreg s9  }
0x10: {  	s0 =	sadd.s32 $0x5D600, s0;
	s26 =	sadd.s32 s4, s7;
	[dreg:$0x6] =	wrdreg s8  }
0x11: {  	p1 =	sgt.u32 s11, $0x3;
	s8 =	sor.u32 $0x1C04, s18;
	[dreg:$0x8] =	wrdreg s0  }
0x12: {  	s20 =	sadd.s32 s7, s17;
	s21 =	sor.u32 $0x10, s17;
	s12 =	sshrl.u32 s19, $0x3  }
0x13: {  	s9 =	sadd.s32 s1, s17;
	s19 =	sadd.s32 $0x5D800, s6;
	[dreg:$0x9] =	wrdreg s20  }
0x14: {  	s6 =	simm.s32 $0x3;
	[dreg:$0xa] =	wrdreg s9;
	s22 =	sadd.s32 s7, s21  }
0x15: {  	s23 =	sadd.s32 $0x20, s12;
	s0 =	sadd.s32 s1, s21;
	s20 =	smax.u32 s10, $0x1  }
0x16: {  	s21 =	sadd.s32 s25, s26;
	s26 =	simm.s32 $0x4100;
	[dreg:$0xb] =	wrdreg s22  }
0x17: {  	[dreg:$0xc] =	wrdreg s0;
	s15 =	sadd.s32 s7, s23;
	s16 =	sadd.s32 s1, s23  }
0x18: {  	s0 =	sor.u32 $0x9C00, s24;
	s23 =	simm.s32 $0x4;
	s24 =	simm.s32 $0x80  }
0x19: {  	s17 =	sadd.s32 s7, s0;
	s18 =	sadd.s32 s1, s0;
	s1 =	sadd.s32 s4, s1  }
0x1a: {  	s0 =	simm.s32 $0x8300;
	s4 =	simm.s32 $0x2;
	s7 =	simm.s32 $0x0  }
0x1b: {  	s22 =	sadd.s32 s25, s1;
	s25 =	simm.s32 $0x100;
	s1 =	simm.s32 $0x1  }
.LBB2_1:
0x1c: {  	s9 =	rddreg [dreg:$0x5]  }
0x1d: {  	s10 =	rddreg [dreg:$0x6];
	s9 =	sshrl.u32 s9, $0x3  }
0x1e: {  	[spmem:s9], [sflag:s8] =	dma.local [hbm:s10], $0x2700  }
0x1f: {  	_ =	swait.ge [sflag:s23], $0x2700  }
0x20: {  	[sflag:s23] =	ssyncset.done $0x0;
	s10 =	rddreg [dreg:$0x7]  }
0x21: {  	s11 =	rddreg [dreg:$0x8];
	[sflag:s23] =	ssyncadd.s32 $0xFFFFD900;
	s10 =	sshrl.u32 @!p0 s10, $0x3  }
0x22: {  	[spmem:s10], [sflag:s8] =	dma.local @!p0 [hbm:s11], $0x100  }
0x23: {  	s11 =	simm.s32 @!p0 $0x4  }
0x24: {  	_ =	swait.ge @!p0 [sflag:s11], $0x100  }
0x25: {  	[sflag:s11] =	ssyncset.done @!p0 $0x0  }
0x26: {  	[sflag:s11] =	ssyncadd.s32 @!p0 $0xFFFFFF00  }
0x27: {  	[bflag:$0x0] =	sbarrier.arrive $0xFFFF  }
0x28: {  	s13 =	rddreg [dreg:$0x9]  }
0x29: {  	[tilespmem:s3], [sflag:$0x4] =	stream.linear.gather [hbm4b:s13+s3], $0x80, $0x38;
	[tilespmem:$0x1FB80] =	vst v63  }
0x2a: {  	_ =	swait.ge [sflag:s23], $0x80  }
0x2b: {  	[sflag:s23] =	ssyncset.done $0x0  }
0x2c: {  	s14 =	rddreg [dreg:$0xa];
	[sflag:s23] =	ssyncadd.s32 $0xFFFFFF80  }
0x2d: {  	[tilespmem:s24], [sflag:$0x4] =	stream.linear.gather [hbm4b:s14+s3], $0x80, $0x38;
	[tilespmem:$0x1FB80] =	vst v63  }
0x2e: {  	_ =	swait.ge [sflag:s23], $0x80  }
0x2f: {  	[sflag:s23] =	ssyncset.done $0x0  }
0x30: {  	[sflag:s23] =	ssyncadd.s32 $0xFFFFFF80  }
0x31: {  	[tilespmem:s25], [sflag:$0x1] =	stream.indirect.gather [hbm4b:s5+s24], $0x80, s3, s24, $0xb8;
	[tilespmem:$0x1FB80] =	vst v63  }
0x32: {  	s12 =	rddreg [dreg:$0xb]  }
0x33: {  	[tilespmem:s26], [sflag:$0x4] =	stream.linear.gather [hbm4b:s12+s3], $0x80, $0x38;
	[tilespmem:$0x1FB80] =	vst v63  }
0x34: {  	_ =	swait.ge [sflag:s23], $0x80  }
0x35: {  	[sflag:s23] =	ssyncset.done $0x0  }
0x36: {  	s13 =	rddreg [dreg:$0xc];
	[sflag:s23] =	ssyncadd.s32 $0xFFFFFF80  }
0x37: {  	[tilespmem:s28], [sflag:$0x4] =	stream.linear.gather [hbm4b:s13+s3], $0x80, $0x38;
	[tilespmem:$0x1FB80] =	vst v63  }
0x38: {  	_ =	swait.ge [sflag:s23], $0x80  }
0x39: {  	[sflag:s23] =	ssyncset.done $0x0  }
0x3a: {  	[sflag:s23] =	ssyncadd.s32 $0xFFFFFF80  }
0x3b: {  	[tilespmem:s29], [sflag:$0x2] =	stream.indirect.gather [hbm4b:s5+s24], $0x80, s26, s24, $0xb8;
	[tilespmem:$0x1FB80] =	vst v63  }
0x3c: {  	_ = 	snop  }
0x3d: {  	[tilespmem:s30], [sflag:$0x4] =	stream.linear.gather [hbm4b:s15+s3], $0x80, $0x38;
	[tilespmem:$0x1FB80] =	vst v63  }
0x3e: {  	_ =	swait.ge [sflag:s23], $0x80  }
0x3f: {  	[sflag:s23] =	ssyncset.done $0x0  }
0x40: {  	[sflag:s23] =	ssyncadd.s32 $0xFFFFFF80  }
0x41: {  	[tilespmem:s31], [sflag:$0x4] =	stream.linear.gather [hbm4b:s16+s3], $0x80, $0x38;
	[tilespmem:$0x1FB80] =	vst v63  }
0x42: {  	_ =	swait.ge [sflag:s23], $0x80  }
0x43: {  	[sflag:s23] =	ssyncset.done $0x0  }
0x44: {  	[sflag:s23] =	ssyncadd.s32 $0xFFFFFF80  }
0x45: {  	[tilespmem:s0], [sflag:$0x3] =	stream.indirect.gather [hbm4b:s5+s24], $0x80, s30, s24, $0xb8;
	[tilespmem:$0x1FB80] =	vst v63  }
0x46: {  	_ =	swait.ge [sflag:s1], $0x4000  }
0x47: {  	[sflag:s1] =	ssyncset.done $0x0  }
0x48: {  	[sflag:s1] =	ssyncadd.s32 $0xFFFFC000  }
0x49: {  	[spmem:s2] =	stream.indirect.scatter.add.f32 [tilespmem:s25], [sflag:$0x4], $0x80, s24, s24, $0xb8;
	[tilespmem:$0x1FB80] =	vst v63  }
0x4a: {  	_ =	swait.ge [sflag:s23], $0x4000  }
0x4b: {  	s11 =	sadd.s32 $0x0, s21;
	[sflag:s23] =	ssyncset.done $0x0  }
0x4c: {  	s12 =	sadd.s32 $0x30, s11;
	[sflag:s23] =	ssyncadd.s32 $0xFFFFC000  }
0x4d: {  	[tilespmem:s3], [sflag:$0x4] =	stream.linear.gather [hbm4b:s12+s3], $0x80, $0x38;
	[tilespmem:$0x1FB80] =	vst v63  }
0x4e: {  	_ =	swait.ge [sflag:s23], $0x80  }
0x4f: {  	s12 =	sadd.s32 $0x0, s22;
	[sflag:s23] =	ssyncset.done $0x0  }
0x50: {  	s13 =	sadd.s32 $0x30, s12;
	[sflag:s23] =	ssyncadd.s32 $0xFFFFFF80  }
0x51: {  	[tilespmem:s24], [sflag:$0x4] =	stream.linear.gather [hbm4b:s13+s3], $0x80, $0x38;
	[tilespmem:$0x1FB80] =	vst v63  }
0x52: {  	_ =	swait.ge [sflag:s23], $0x80  }
0x53: {  	[sflag:s23] =	ssyncset.done $0x0  }
0x54: {  	[sflag:s23] =	ssyncadd.s32 $0xFFFFFF80  }
0x55: {  	[tilespmem:s25], [sflag:$0x1] =	stream.indirect.gather [hbm4b:s5+s24], $0x80, s3, s24, $0xb8;
	[tilespmem:$0x1FB80] =	vst v63  }
0x56: {  	_ =	swait.ge [sflag:s4], $0x4000  }
0x57: {  	[sflag:s4] =	ssyncset.done $0x0  }
0x58: {  	[sflag:s4] =	ssyncadd.s32 $0xFFFFC000  }
0x59: {  	[spmem:s2] =	stream.indirect.scatter.add.f32 [tilespmem:s29], [sflag:$0x4], $0x80, s28, s24, $0xb8;
	[tilespmem:$0x1FB80] =	vst v63  }
0x5a: {  	_ =	swait.ge [sflag:s23], $0x4000  }
0x5b: {  	[sflag:s23] =	ssyncset.done $0x0  }
0x5c: {  	s14 =	sadd.s32 $0x40, s11;
	[sflag:s23] =	ssyncadd.s32 $0xFFFFC000  }
0x5d: {  	[tilespmem:s26], [sflag:$0x4] =	stream.linear.gather [hbm4b:s14+s3], $0x80, $0x38;
	[tilespmem:$0x1FB80] =	vst v63  }
0x5e: {  	_ =	swait.ge [sflag:s23], $0x80  }
0x5f: {  	[sflag:s23] =	ssyncset.done $0x0  }
0x60: {  	s14 =	sadd.s32 $0x40, s12;
	[sflag:s23] =	ssyncadd.s32 $0xFFFFFF80  }
0x61: {  	[tilespmem:s28], [sflag:$0x4] =	stream.linear.gather [hbm4b:s14+s3], $0x80, $0x38;
	[tilespmem:$0x1FB80] =	vst v63  }
0x62: {  	_ =	swait.ge [sflag:s23], $0x80  }
0x63: {  	[sflag:s23] =	ssyncset.done $0x0  }
0x64: {  	[sflag:s23] =	ssyncadd.s32 $0xFFFFFF80  }
0x65: {  	[tilespmem:s29], [sflag:$0x2] =	stream.indirect.gather [hbm4b:s5+s24], $0x80, s26, s24, $0xb8;
	[tilespmem:$0x1FB80] =	vst v63  }
0x66: {  	_ =	swait.ge [sflag:s6], $0x4000  }
0x67: {  	[sflag:s6] =	ssyncset.done $0x0  }
0x68: {  	[sflag:s6] =	ssyncadd.s32 $0xFFFFC000  }
0x69: {  	[spmem:s2] =	stream.indirect.scatter.add.f32 [tilespmem:s0], [sflag:$0x4], $0x80, s31, s24, $0xb8;
	[tilespmem:$0x1FB80] =	vst v63  }
0x6a: {  	_ =	swait.ge [sflag:s23], $0x4000  }
0x6b: {  	[sflag:s23] =	ssyncset.done $0x0  }
0x6c: {  	s11 =	sadd.s32 $0x50, s11;
	[sflag:s23] =	ssyncadd.s32 $0xFFFFC000  }
0x6d: {  	[tilespmem:s30], [sflag:$0x4] =	stream.linear.gather [hbm4b:s11+s3], $0x80, $0x38;
	[tilespmem:$0x1FB80] =	vst v63  }
0x6e: {  	_ =	swait.ge [sflag:s23], $0x80  }
0x6f: {  	[sflag:s23] =	ssyncset.done $0x0  }
0x70: {  	s14 =	sadd.s32 $0x50, s12;
	[sflag:s23] =	ssyncadd.s32 $0xFFFFFF80  }
0x71: {  	[tilespmem:s31], [sflag:$0x4] =	stream.linear.gather [hbm4b:s14+s3], $0x80, $0x38;
	[tilespmem:$0x1FB80] =	vst v63  }
0x72: {  	_ =	swait.ge [sflag:s23], $0x80  }
0x73: {  	[sflag:s23] =	ssyncset.done $0x0  }
0x74: {  	s11 =	simm.s32 $0x30;
	[sflag:s23] =	ssyncadd.s32 $0xFFFFFF80  }
.LBB2_2:
0x75: {  	[tilespmem:s0], [sflag:$0x3] =	stream.indirect.gather [hbm4b:s5+s24], $0x80, s30, s24, $0xb8;
	[tilespmem:$0x1FB80] =	vst v63  }
0x76: {  	s13 =	smov.u32 s11  }
0x77: {  	p2 =	sne.s32 s11, $0x480;
	s11 =	sadd.s32 $0x30, s11;
	_ =	swait.ge [sflag:s1], $0x4000  }
0x78: {  	[sflag:s1] =	ssyncset.done $0x0  }
0x79: {  	[sflag:s1] =	ssyncadd.s32 $0xFFFFC000  }
0x7a: {  	[spmem:s2] =	stream.indirect.scatter.add.f32 [tilespmem:s25], [sflag:$0x4], $0x80, s24, s24, $0xb8;
	[tilespmem:$0x1FB80] =	vst v63  }
0x7b: {  	_ =	swait.ge [sflag:s23], $0x4000  }
0x7c: {  	s12 =	sadd.s32 s13, s21;
	[sflag:s23] =	ssyncset.done $0x0  }
0x7d: {  	s14 =	sadd.s32 $0x30, s12;
	[sflag:s23] =	ssyncadd.s32 $0xFFFFC000  }
0x7e: {  	[tilespmem:s3], [sflag:$0x4] =	stream.linear.gather [hbm4b:s14+s3], $0x80, $0x38;
	[tilespmem:$0x1FB80] =	vst v63  }
0x7f: {  	_ =	swait.ge [sflag:s23], $0x80  }
0x80: {  	s13 =	sadd.s32 s13, s22;
	[sflag:s23] =	ssyncset.done $0x0  }
0x81: {  	s14 =	sadd.s32 $0x30, s13;
	[sflag:s23] =	ssyncadd.s32 $0xFFFFFF80  }
0x82: {  	[tilespmem:s24], [sflag:$0x4] =	stream.linear.gather [hbm4b:s14+s3], $0x80, $0x38;
	[tilespmem:$0x1FB80] =	vst v63  }
0x83: {  	_ =	swait.ge [sflag:s23], $0x80  }
0x84: {  	[sflag:s23] =	ssyncset.done $0x0  }
0x85: {  	[sflag:s23] =	ssyncadd.s32 $0xFFFFFF80  }
0x86: {  	[tilespmem:s25], [sflag:$0x1] =	stream.indirect.gather [hbm4b:s5+s24], $0x80, s3, s24, $0xb8;
	[tilespmem:$0x1FB80] =	vst v63  }
0x87: {  	_ =	swait.ge [sflag:s4], $0x4000  }
0x88: {  	[sflag:s4] =	ssyncset.done $0x0  }
0x89: {  	[sflag:s4] =	ssyncadd.s32 $0xFFFFC000  }
0x8a: {  	[spmem:s2] =	stream.indirect.scatter.add.f32 [tilespmem:s29], [sflag:$0x4], $0x80, s28, s24, $0xb8;
	[tilespmem:$0x1FB80] =	vst v63  }
0x8b: {  	_ =	swait.ge [sflag:s23], $0x4000  }
0x8c: {  	[sflag:s23] =	ssyncset.done $0x0  }
0x8d: {  	s14 =	sadd.s32 $0x40, s12;
	[sflag:s23] =	ssyncadd.s32 $0xFFFFC000  }
0x8e: {  	[tilespmem:s26], [sflag:$0x4] =	stream.linear.gather [hbm4b:s14+s3], $0x80, $0x38;
	[tilespmem:$0x1FB80] =	vst v63  }
0x8f: {  	_ =	swait.ge [sflag:s23], $0x80  }
0x90: {  	[sflag:s23] =	ssyncset.done $0x0  }
0x91: {  	s14 =	sadd.s32 $0x40, s13;
	[sflag:s23] =	ssyncadd.s32 $0xFFFFFF80  }
0x92: {  	[tilespmem:s28], [sflag:$0x4] =	stream.linear.gather [hbm4b:s14+s3], $0x80, $0x38;
	[tilespmem:$0x1FB80] =	vst v63  }
0x93: {  	_ =	swait.ge [sflag:s23], $0x80  }
0x94: {  	[sflag:s23] =	ssyncset.done $0x0  }
0x95: {  	[sflag:s23] =	ssyncadd.s32 $0xFFFFFF80  }
0x96: {  	[tilespmem:s29], [sflag:$0x2] =	stream.indirect.gather [hbm4b:s5+s24], $0x80, s26, s24, $0xb8;
	[tilespmem:$0x1FB80] =	vst v63  }
0x97: {  	_ =	swait.ge [sflag:s6], $0x4000  }
0x98: {  	[sflag:s6] =	ssyncset.done $0x0  }
0x99: {  	[sflag:s6] =	ssyncadd.s32 $0xFFFFC000  }
0x9a: {  	[spmem:s2] =	stream.indirect.scatter.add.f32 [tilespmem:s0], [sflag:$0x4], $0x80, s31, s24, $0xb8;
	[tilespmem:$0x1FB80] =	vst v63  }
0x9b: {  	_ =	swait.ge [sflag:s23], $0x4000  }
0x9c: {  	[sflag:s23] =	ssyncset.done $0x0  }
0x9d: {  	s12 =	sadd.s32 $0x50, s12;
	[sflag:s23] =	ssyncadd.s32 $0xFFFFC000  }
0x9e: {  	[tilespmem:s30], [sflag:$0x4] =	stream.linear.gather [hbm4b:s12+s3], $0x80, $0x38;
	[tilespmem:$0x1FB80] =	vst v63  }
0x9f: {  	_ =	swait.ge [sflag:s23], $0x80  }
0xa0: {  	[sflag:s23] =	ssyncset.done $0x0  }
.Ltmp0:
0xa1: {  	s12 =	sadd.s32 $0x50, s13;
	[sflag:s23] =	ssyncadd.s32 $0xFFFFFF80;
	(pc) =	sbr.rel @p2 .LBB2_2-.Ltmp0, $4  }
0xa2: {  	[tilespmem:s31], [sflag:$0x4] =	stream.linear.gather [hbm4b:s12+s3], $0x80, $0x38;
	[tilespmem:$0x1FB80] =	vst v63  }
0xa3: {  	_ =	swait.ge [sflag:s23], $0x80  }
0xa4: {  	[sflag:s23] =	ssyncset.done $0x0  }
0xa5: {  	[sflag:s23] =	ssyncadd.s32 $0xFFFFFF80  }
0xa6: {  	[tilespmem:s0], [sflag:$0x3] =	stream.indirect.gather [hbm4b:s5+s24], $0x80, s30, s24, $0xb8;
	[tilespmem:$0x1FB80] =	vst v63  }
0xa7: {  	_ =	swait.ge [sflag:s1], $0x4000  }
0xa8: {  	[sflag:s1] =	ssyncset.done $0x0  }
0xa9: {  	[sflag:s1] =	ssyncadd.s32 $0xFFFFC000  }
0xaa: {  	[spmem:s2] =	stream.indirect.scatter.add.f32 [tilespmem:s25], [sflag:$0x4], $0x80, s24, s24, $0xb8;
	[tilespmem:$0x1FB80] =	vst v63  }
0xab: {  	_ =	swait.ge [sflag:s23], $0x4000  }
0xac: {  	[sflag:s23] =	ssyncset.done $0x0  }
0xad: {  	[sflag:s23] =	ssyncadd.s32 $0xFFFFC000  }
0xae: {  	_ =	swait.ge [sflag:s4], $0x4000  }
0xaf: {  	[sflag:s4] =	ssyncset.done $0x0  }
0xb0: {  	[sflag:s4] =	ssyncadd.s32 $0xFFFFC000  }
0xb1: {  	[spmem:s2] =	stream.indirect.scatter.add.f32 [tilespmem:s29], [sflag:$0x4], $0x80, s28, s24, $0xb8;
	[tilespmem:$0x1FB80] =	vst v63  }
0xb2: {  	_ =	swait.ge [sflag:s23], $0x4000  }
0xb3: {  	[sflag:s23] =	ssyncset.done $0x0  }
0xb4: {  	[sflag:s23] =	ssyncadd.s32 $0xFFFFC000  }
0xb5: {  	_ =	swait.ge [sflag:s6], $0x4000  }
0xb6: {  	[sflag:s6] =	ssyncset.done $0x0  }
0xb7: {  	[sflag:s6] =	ssyncadd.s32 $0xFFFFC000  }
0xb8: {  	[spmem:s2] =	stream.indirect.scatter.add.f32 [tilespmem:s0], [sflag:$0x4], $0x80, s31, s24, $0xb8;
	[tilespmem:$0x1FB80] =	vst v63  }
0xb9: {  	_ =	swait.ge [sflag:s23], $0x4000  }
0xba: {  	[sflag:s23] =	ssyncset.done $0x0  }
0xbb: {  	s11 =	simm.s32 @!p1 $0x0;
	s12 =	simm.s32 @!p1 $0x4;
	[sflag:s23] =	ssyncadd.s32 $0xFFFFC000  }
0xbc: {  	[tilespmem:s11], [sflag:$0x4] =	stream.linear.gather @!p1 [hbm4b:s17+s11], $0x80, $0x38;
	[tilespmem:$0x1FB80] =	vst v63  }
0xbd: {  	_ =	swait.ge @!p1 [sflag:s12], $0x80  }
0xbe: {  	[sflag:s12] =	ssyncset.done @!p1 $0x0  }
0xbf: {  	s13 =	simm.s32 @!p1 $0x80;
	[sflag:s12] =	ssyncadd.s32 @!p1 $0xFFFFFF80  }
0xc0: {  	[tilespmem:s13], [sflag:$0x4] =	stream.linear.gather @!p1 [hbm4b:s18+s11], $0x80, $0x38;
	[tilespmem:$0x1FB80] =	vst v63  }
0xc1: {  	_ =	swait.ge @!p1 [sflag:s12], $0x80  }
0xc2: {  	[sflag:s12] =	ssyncset.done @!p1 $0x0  }
0xc3: {  	s14 =	simm.s32 @!p1 $0x100;
	[sflag:s12] =	ssyncadd.s32 @!p1 $0xFFFFFF80  }
0xc4: {  	[tilespmem:s14], [sflag:$0x1] =	stream.indirect.gather @!p1 [hbm4b:s5+s13], $0x80, s11, s13, $0xb8;
	[tilespmem:$0x1FB80] =	vst v63  }
0xc5: {  	s11 =	simm.s32 @!p1 $0x1  }
0xc6: {  	_ =	swait.ge @!p1 [sflag:s11], $0x4000  }
0xc7: {  	[sflag:s11] =	ssyncset.done @!p1 $0x0  }
0xc8: {  	[sflag:s11] =	ssyncadd.s32 @!p1 $0xFFFFC000  }
0xc9: {  	[spmem:s2] =	stream.indirect.scatter.add.f32 @!p1 [tilespmem:s14], [sflag:$0x4], $0x80, s13, s13, $0xb8;
	[tilespmem:$0x1FB80] =	vst v63  }
0xca: {  	_ =	swait.ge @!p1 [sflag:s12], $0x4000  }
0xcb: {  	[sflag:s12] =	ssyncset.done @!p1 $0x0  }
0xcc: {  	[sflag:s12] =	ssyncadd.s32 @!p1 $0xFFFFC000  }
0xcd: {  	[bflag:$0x0] =	sbarrier.arrive $0xFFFF  }
0xce: {  	s14 =	rddreg [dreg:$0x4]  }
0xcf: {  	s11 =	sadd.s32 s14, s19  }
0xd0: {  	[hbm:s11], [sflag:s8] =	dma.local [spmem:s9], $0x2700  }
0xd1: {  	_ =	swait.ge [sflag:s23], $0x2700  }
0xd2: {  	s7 =	sadd.s32 $0x1, s7;
	[sflag:s23] =	ssyncset.done $0x0  }
0xd3: {  	p2 =	sne.s32 s7, s20;
	s9 =	sadd.s32 @!p0 $0x27000, s19;
	[sflag:s23] =	ssyncadd.s32 $0xFFFFD900  }
0xd4: {  	[hbm:s9], [sflag:s8] =	dma.local @!p0 [spmem:s10], $0x100  }
.Ltmp1:
0xd5: {  	_ = 	snop;
	(pc) =	sbr.rel @p2 .LBB2_1-.Ltmp1, $4  }
0xd6: {  	s9 =	simm.s32 @!p0 $0x4  }
0xd7: {  	_ =	swait.ge @!p0 [sflag:s9], $0x100  }
0xd8: {  	[sflag:s9] =	ssyncset.done @!p0 $0x0  }
0xd9: {  	[sflag:s9] =	ssyncadd.s32 @!p0 $0xFFFFFF00  }
0xda: {  	_ =	sfence.sel $0x180000  }
0xdb: {  	[bflag:$0x0] =	sbarrier.arrive $0xFFFF  }
0xdc: {  	_ =	strace $0x9000004D  }
0xdd: {  	s0 =	stileid.u32;
	[bflag:$0x2] =	sbarrier.arrive $0xFFFF  }
0xde: {  	p0 =	sne.s32 s0, $0x0;
	s0 =	rddreg [dreg:$0x3]  }
0xdf: {  	s0 =	sadd.s32 @!p0 $0x100000, s0  }
0xe0: {  	[sflag:s0] =	ssyncadd.tile.s32 @!p0 $0x1;
	_ =	shalt  }
.Lfunc_end2:
_tile_overlayer_lowered:
.L_overlay_start_2:
0xe1: {  	(tag) =	ssettag $0x2  }
0xe2: {  	s0 =	rddreg [dreg:$0x0];
	s2 =	stileid.u32  }
0xe3: {  	s1 =	rddreg [dreg:$0x1];
	p0 =	sne.s32 s2, $0x0  }
0xe4: {  	s3 =	rddreg [dreg:$0x2];
	[bflag:$0x3] =	sbarrier.arrive $0xFFFF;
	s2 =	simm.s32 @!p0 $0x1C04  }
0xe5: {  	[timem:s3], [sflag:s2] =	dma.local @!p0 [hbm:s0], s1  }
0xe6: {  	s0 =	simm.s32 @!p0 $0x4  }
0xe7: {  	_ =	swait.ge @!p0 [sflag:s0], s1  }
0xe8: {  	s1 =	ssub.s32 @!p0 $0x0, s1;
	[sflag:s0] =	ssyncset.done @!p0 $0x0  }
0xe9: {  	[sflag:s0] =	ssyncadd.s32 @!p0 s1  }
0xea: {  	[bflag:$0x3] =	sbarrier.arrive $0xFFFF  }
0xeb: {  	_ =	shalt  }

// kernel: kernel.21.cloned.1.call-start
scs
__scs_entry_jumppad:
0x0: {  	(pc) =	sbr.rel $0x88, $3  }
0x1: {  	(tag) =	ssettag $0x0;
	lr =	simm.s32 $0x1  }
0x2: {  	[smem:$0x3F8D] =	sst lr;
	_ =	strace $0xD0000000  }
0x3: {  	_ = 	snop  }
0x4: {  	_ = 	snop  }
0x5: {  	_ = 	snop  }
0x6: {  	_ = 	snop  }
0x7: {  	_ = 	snop  }
__scs_overlays_trampoline_lowered:
0x8: {  	[smem:$0x3F9C] =	sst s0  }
0x9: {  	[smem:$0x3F9D] =	sst s1  }
0xa: {  	[smem:$0x3F9E] =	sst s2  }
0xb: {  	[smem:$0x3F9F] =	sst s3  }
0xc: {  	[smem:$0x3FA0] =	sst s4  }
0xd: {  	[smem:$0x3FA1] =	sst s5  }
0xe: {  	[smem:$0x3FA2] =	sst s6  }
0xf: {  	[smem:$0x3FA3] =	sst s7  }
0x10: {  	[smem:$0x3FA4] =	sst s8  }
0x11: {  	[smem:$0x3FA5] =	sst s9;
	s0 =	simm.s32 @!p0 $0x0  }
0x12: {  	s1 =	sld [smem:$0x3F8B];
	s0 =	simm.s32 @p0 $0x1  }
0x13: {  	[smem:$0x3FA6] =	sst s0;
	s0 =	simm.s32 @!p1 $0x0  }
0x14: {  	s2 =	sld [smem:$0x3F8A];
	s0 =	simm.s32 @p1 $0x1  }
0x15: {  	[smem:$0x3FA7] =	sst s0;
	s0 =	simm.s32 @!p2 $0x0  }
0x16: {  	s3 =	sld [smem:$0x3FDB];
	s0 =	simm.s32 @p2 $0x1  }
0x17: {  	s4 =	simm.s32 $0x1BF5;
	[smem:$0x3FA9] =	sst s0  }
0x18: {  	s0 =	sld [smem:$0x3F8C];
	_ =	swait.ge [sflag:s4], $0x0  }
0x19: {  	s7 =	sld [smem:$0x3F8D]  }
0x1a: {  	s8 =	sadd.s32 $0xFFFFE003, lr  }
0x1b: {  	s9 =	sadd.s32 $0xFFFFFEF7, lr;
	s5 =	simm.s32 $0xFFFFFFFF;
	p2 =	slt.u32 s8, $0xFFFFF086  }
0x1c: {  	p1 =	slt.u32 s9, $0xF7A;
	s5 =	simm.s32 @!p2 $0x0  }
0x1d: {  	s5 =	simm.s32 @p1 $0x1;
	p0 =	seq.s32 s7, s2  }
0x1e: {  	s7 =	smul.u32 @!p0 $0xF7A, s2;
	p2 =	seq.s32 @!p0 s5, $0x0  }
0x1f: {  	s9 =	smul.u32 $0xF7A, s1;
	s8 =	simm.s32 @!p0 $0x1BF5;
	p2 =	por !p2, p0  }
0x20: {  	[sflag:s8] =	ssyncset.s32 @!p0 $0xFFFFF086;
	s6 =	sadd.s32 @!p0 s3, s7;
	s7 =	simm.s32 @!p0 $0x108  }
0x21: {  	s3 =	sadd.s32 s3, s9;
	s6 =	sadd.s32 @!p0 $0x88, s6;
	s7 =	simm.s32 @p2 $0x1082  }
0x22: {  	[simem:s7], [sflag:s8] =	dma.local @!p0 [hbm:s6], $0xF7A  }
0x23: {  	s9 =	sor.u32 $0xD0000000, s2;
	s6 =	simm.s32 $0x108;
	_ =	swait.ge @!p0 [sflag:s8], $0x0  }
0x24: {  	s3 =	sadd.s32 $0x88, s3;
	s6 =	simm.s32 @!p1 $0x1082;
	[sflag:s4] =	ssyncset.s32 $0xFFFFF086  }
0x25: {  	[simem:s6], [sflag:s4] =	dma.local [hbm:s3], $0xF7A  }
0x26: {  	[smem:$0x3F8D] =	sst s1;
	(tag) =	ssettag s2;
	_ =	strace s9  }
0x27: {  	s1 =	sld [smem:$0x3F9D]  }
0x28: {  	s2 =	sld [smem:$0x3F9E]  }
0x29: {  	s4 =	sld [smem:$0x3FA0]  }
0x2a: {  	p0 =	seq.s32 s5, $0x0;
	s5 =	sld [smem:$0x3FA1]  }
0x2b: {  	s6 =	sld [smem:$0x3FA2]  }
0x2c: {  	s7 =	sld [smem:$0x3FA3]  }
0x2d: {  	s3 =	simm.s32 $0x108;
	s8 =	sld [smem:$0x3FA4]  }
0x2e: {  	s3 =	simm.s32 @!p0 $0x1082;
	s9 =	sld [smem:$0x3FA5]  }
0x2f: {  	lr =	sadd.s32 s0, s3;
	s0 =	sld [smem:$0x3F9C]  }
0x30: {  	s3 =	sld [smem:$0x3F9F]  }
0x31: {  	[smem:$0x3FA8] =	sst s10  }
0x32: {  	s10 =	sld [smem:$0x3FA6];
	_ =	sdelay $0x3  }
0x33: {  	p0 =	seq.s32 s10, $0x1;
	s10 =	sld [smem:$0x3FA8];
	_ =	sdelay $0x3  }
0x34: {  	[smem:$0x3FA8] =	sst s10  }
0x35: {  	s10 =	sld [smem:$0x3FA7];
	_ =	sdelay $0x3  }
0x36: {  	p1 =	seq.s32 s10, $0x1;
	s10 =	sld [smem:$0x3FA8];
	_ =	sdelay $0x3  }
0x37: {  	[smem:$0x3FA8] =	sst s10  }
0x38: {  	s10 =	sld [smem:$0x3FA9]  }
0x39: {  	_ = 	snop;
	(pc) =	sbr.ind lr, $3  }
0x3a: {  	_ = 	snop  }
0x3b: {  	_ = 	snop  }
0x3c: {  	p2 =	seq.s32 s10, $0x1;
	s10 =	sld [smem:$0x3FA8]  }
0x3d: {  	_ =	shalt  }
0x3e: {  	_ =	shalt  }
0x3f: {  	_ =	shalt  }
0x40: {  	_ =	shalt  }
0x41: {  	_ =	shalt  }
0x42: {  	_ =	shalt  }
0x43: {  	_ =	shalt  }
0x44: {  	_ =	shalt  }
0x45: {  	_ =	shalt  }
0x46: {  	_ =	shalt  }
0x47: {  	_ =	shalt  }
0x48: {  	_ =	shalt  }
0x49: {  	_ =	shalt  }
0x4a: {  	_ =	shalt  }
0x4b: {  	_ =	shalt  }
0x4c: {  	_ =	shalt  }
0x4d: {  	_ =	shalt  }
0x4e: {  	_ =	shalt  }
0x4f: {  	_ =	shalt  }
0x50: {  	_ =	shalt  }
0x51: {  	_ =	shalt  }
0x52: {  	_ =	shalt  }
0x53: {  	_ =	shalt  }
0x54: {  	_ =	shalt  }
0x55: {  	_ =	shalt  }
0x56: {  	_ =	shalt  }
0x57: {  	_ =	shalt  }
0x58: {  	_ =	shalt  }
0x59: {  	_ =	shalt  }
0x5a: {  	_ =	shalt  }
0x5b: {  	_ =	shalt  }
0x5c: {  	_ =	shalt  }
0x5d: {  	_ =	shalt  }
0x5e: {  	_ =	shalt  }
0x5f: {  	_ =	shalt  }
0x60: {  	_ =	shalt  }
0x61: {  	_ =	shalt  }
0x62: {  	_ =	shalt  }
0x63: {  	_ =	shalt  }
0x64: {  	_ =	shalt  }
0x65: {  	_ =	shalt  }
0x66: {  	_ =	shalt  }
0x67: {  	_ =	shalt  }
0x68: {  	_ =	shalt  }
0x69: {  	_ =	shalt  }
0x6a: {  	_ =	shalt  }
0x6b: {  	_ =	shalt  }
0x6c: {  	_ =	shalt  }
0x6d: {  	_ =	shalt  }
0x6e: {  	_ =	shalt  }
0x6f: {  	_ =	shalt  }
0x70: {  	_ =	shalt  }
0x71: {  	_ =	shalt  }
0x72: {  	_ =	shalt  }
0x73: {  	_ =	shalt  }
0x74: {  	_ =	shalt  }
0x75: {  	_ =	shalt  }
0x76: {  	_ =	shalt  }
0x77: {  	_ =	shalt  }
0x78: {  	_ =	shalt  }
0x79: {  	_ =	shalt  }
0x7a: {  	_ =	shalt  }
0x7b: {  	_ =	shalt  }
0x7c: {  	_ =	shalt  }
0x7d: {  	_ =	shalt  }
0x7e: {  	_ =	shalt  }
0x7f: {  	_ =	shalt  }
0x80: {  	_ =	shalt  }
0x81: {  	_ =	shalt  }
0x82: {  	_ =	shalt  }
0x83: {  	_ =	shalt  }
0x84: {  	_ =	shalt  }
0x85: {  	_ =	shalt  }
0x86: {  	_ =	shalt  }
0x87: {  	_ =	shalt  }
.Lfunc_end0:
.L_simem_size_0:
called_computation.3_lowered:
.L_overlay_start_0:
0x88: {  	s2 =	sld [smem:$0x3FD9]  }
0x89: {  	s3 =	sld [smem:$0x3FFE];
	_ =	sdelay $0x1  }
0x8a: {  	s1 =	srdreg.scid  }
0x8b: {  	s0 =	sand.u32 $0x1, s1  }
0x8c: {  	s17 =	sshll.u32 s0, $0xA;
	s2 =	sadd.s32 s3, s2  }
0x8d: {  	s2 =	sadd.s32 s2, s17  }
0x8e: {  	[smem:$0x3FB4] =	sst s2  }
0x8f: {  	_ = 	snop  }
0x90: {  	s2 =	sld [smem:$0x3FD0];
	(tm) =	ssettm $0x1  }
0x91: {  	s18 =	sld [smem:$0x3FFB];
	_ =	sdelay $0x3  }
0x92: {  	_ =	strace s18  }
0x93: {  	s3 =	sld [smem:$0x3FFC];
	_ =	sdelay $0x3  }
0x94: {  	_ =	strace s3  }
0x95: {  	s3 =	sld [smem:$0x3FFD];
	_ =	sdelay $0x3  }
0x96: {  	_ =	strace s3  }
0x97: {  	_ =	strace $0x8FFFFFFF  }
0x98: {  	s19 =	sld [smem:$0x3FDB];
	_ =	sdelay $0x1  }
0x99: {  	s4 =	simm.s32 $_scs_section_size  }
0x9a: {  	s5 =	simm.s32 $_size__tile_overlayer_lowered;
	s6 =	simm.s32 $_tile_overlayer_lowered  }
0x9b: {  	s22 =	simm.s32 $0x1BFF;
	s21 =	sshll.u32 s6, $0x1;
	s3 =	sadd.s32 s4, s19  }
0x9c: {  	s7 =	simm.s32 $0x0;
	s20 =	sshll.u32 s5, $0x1;
	s5 =	sadd.s32 s21, s3  }
0x9d: {  	[timem:s7], [sflag:s22] =	dma.local [hbm:s5], s20  }
0x9e: {  	_ =	swait.ge [sflag:s22], s20  }
0x9f: {  	s4 =	ssub.s32 $0x0, s20;
	[sflag:s22] =	ssyncset.done $0x0  }
0xa0: {  	[sflag:s22] =	ssyncadd.s32 s4;
	_ =	sdelay $0x1  }
0xa1: {  	s23 =	simm.s32 $0x1B8B  }
0xa2: {  	_ =	swait.ge [sflag:s23], $0x1  }
0xa3: {  	[sflag:s23] =	ssyncset.done $0x0  }
0xa4: {  	s25 =	simm.s32 $0x1B8E;
	s24 =	sld [smem:$0x3FFE];
	[sflag:s23] =	ssyncadd.s32 $0xFFFFFFFF  }
0xa5: {  	s26 =	simm.s32 $execute0_lowered;
	[smem:$0x3FD2] =	sst s25  }
0xa6: {  	s5 =	sshll.u32 s26, $0x1;
	_ =	strace $0x8000004F;
	[dreg:$0x1] =	wrdreg $0xFFFFFFFF  }
0xa7: {  	s28 =	simm.s32 $_size_execute0_lowered;
	s3 =	sadd.s32 s3, s5;
	[dreg:$0x0] =	wrdreg $0x0  }
0xa8: {  	s5 =	sshll.u32 s28, $0x1;
	[dreg:$0x2] =	wrdreg s3  }
0xa9: {  	[dreg:$0x3] =	wrdreg s5  }
0xaa: {  	[dreg:$0x4] =	wrdreg $0xC0  }
0xab: {  	_ =	task [dreg:s7], $0x5FFFF  }
0xac: {  	[dreg:$0x1] =	wrdreg $0xFFFFFFFF  }
0xad: {  	[dreg:$0x0] =	wrdreg $0x60  }
0xae: {  	[dreg:$0x2] =	wrdreg s24  }
0xaf: {  	[dreg:$0x3] =	wrdreg s2  }
0xb0: {  	[dreg:$0x4] =	wrdreg $0xC3000  }
0xb1: {  	[dreg:$0x5] =	wrdreg $0x9  }
0xb2: {  	_ =	task.clear_ibuf [dreg:s7], $0x6FFFF;
	_ =	strace $0x9000004F  }
0xb3: {  	s29 =	simm.s32 $0x9;
	_ =	strace $0x80000051  }
0xb4: {  	_ =	swait.ge [sflag:s29], $0x1  }
0xb5: {  	[sflag:s29] =	ssyncadd.s32 $0xFFFFFFFF  }
0xb6: {  	_ =	strace $0x90000051  }
0xb7: {  	_ =	sfence  }
0xb8: {  	s30 =	sld [smem:$0x0];
	_ =	sdelay $0x2  }
0xb9: {  	s31 =	sshll.u32 s1, $0xD;
	s1 =	sshrl.u32 s1, $0x2  }
0xba: {  	s3 =	sand.u32 $0x4000, s31;
	s1 =	sadd.s32 s1, s30  }
0xbb: {  	s0 =	sor.u32 s3, s0;
	s1 =	sshll.u32 s1, $0x11  }
0xbc: {  	s0 =	sor.u32 s1, s0  }
0xbd: {  	s0 =	sadd.s32 $0x8F2B, s0  }
0xbe: {  	[sflag:s0] =	ssyncadd.remote.s32 $0x1  }
0xbf: {  	_ =	sfence.sel $0xFFFF  }
0xc0: {  	[dreg:$0x0] =	wrdreg $0xFFFFFFFF;
	(pc) =	sbr.abs _section_cstart, $3  }
0xc1: {  	[dreg:$0x1] =	wrdreg $0xFFFFFFFF  }
0xc2: {  	_ =	task.clear_ibuf [dreg:s7], $0x2FFFF;
	_ =	strace $0x9FFFFFFF  }
0xc3: {  	(tm) =	ssettm $0x7FFFFFFF  }
tec
execute0_lowered:
.L_overlay_start_1:
0x0: {  	(tag) =	ssettag $0x1  }
0x1: {  	s0 =	rddreg [dreg:$0x0]  }
0x2: {  	s1 =	rddreg [dreg:$0x1]  }
0x3: {  	s2 =	rddreg [dreg:$0x2]  }
0x4: {  	s3 =	simm.s32 $0x0;
	s13 =	stileid.u32;
	s4 =	srdreg.scid  }
0x5: {  	s28 =	simm.s32 $0x4180;
	s29 =	simm.s32 $0x4200;
	s30 =	simm.s32 $0x8200  }
0x6: {  	s31 =	simm.s32 $0x8280;
	[smem:$0x7FF] =	sst s3;
	s8 =	smul.u32 $0x2700, s13  }
0x7: {  	s4 =	sand.u32 $0x1, s4;
	s5 =	sadd.s32 $0xF400, s0;
	s7 =	sadd.s32 $0x5600, s0  }
0x8: {  	s9 =	smul.u32 $0x4E000, s13;
	s18 =	sshll.u32 s13, $0x6;
	s14 =	sadd.s32 $0x138000, s2  }
0x9: {  	s24 =	sshll.u32 s13, $0x4;
	s25 =	smul.u32 $0x4E0, s13;
	p0 =	sne.s32 s13, $0xF  }
0xa: {  	_ =	strace $0x80000050;
	s6 =	smul.u32 $0x27100, s4;
	s10 =	ssub.s32 $0x2, s4  }
0xb: {  	s11 =	sshll.u32 s4, $0x4;
	[dreg:$0x7] =	wrdreg s14;
	s4 =	smul.u32 $0x4E00, s4  }
0xc: {  	[dreg:$0x4] =	wrdreg s8;
	s8 =	sadd.s32 s8, s0;
	s12 =	sshrl.u32 s10, $0x1  }
0xd: {  	s11 =	sor.u32 s13, s11;
	s9 =	sshrl.u32 s9, $0x2;
	s6 =	sadd.s32 s6, s0  }
0xe: {  	s10 =	ssub.s32 s10, s12;
	s9 =	sadd.s32 s9, s2;
	s17 =	smul.u32 $0x4E0, s11  }
0xf: {  	s8 =	sadd.s32 $0x36600, s8;
	s19 =	smul.u32 $0x2700, s11;
	[dreg:$0x5] =	wrdreg s9  }
0x10: {  	s0 =	sadd.s32 $0x5D600, s0;
	s26 =	sadd.s32 s4, s7;
	[dreg:$0x6] =	wrdreg s8  }
0x11: {  	p1 =	sgt.u32 s11, $0x3;
	s8 =	sor.u32 $0x1C04, s18;
	[dreg:$0x8] =	wrdreg s0  }
0x12: {  	s20 =	sadd.s32 s7, s17;
	s21 =	sor.u32 $0x10, s17;
	s12 =	sshrl.u32 s19, $0x3  }
0x13: {  	s9 =	sadd.s32 s1, s17;
	s19 =	sadd.s32 $0x5D800, s6;
	[dreg:$0x9] =	wrdreg s20  }
0x14: {  	s6 =	simm.s32 $0x3;
	[dreg:$0xa] =	wrdreg s9;
	s22 =	sadd.s32 s7, s21  }
0x15: {  	s23 =	sadd.s32 $0x20, s12;
	s0 =	sadd.s32 s1, s21;
	s20 =	smax.u32 s10, $0x1  }
0x16: {  	s21 =	sadd.s32 s25, s26;
	s26 =	simm.s32 $0x4100;
	[dreg:$0xb] =	wrdreg s22  }
0x17: {  	[dreg:$0xc] =	wrdreg s0;
	s15 =	sadd.s32 s7, s23;
	s16 =	sadd.s32 s1, s23  }
0x18: {  	s0 =	sor.u32 $0x9C00, s24;
	s23 =	simm.s32 $0x4;
	s24 =	simm.s32 $0x80  }
0x19: {  	s17 =	sadd.s32 s7, s0;
	s18 =	sadd.s32 s1, s0;
	s1 =	sadd.s32 s4, s1  }
0x1a: {  	s0 =	simm.s32 $0x8300;
	s4 =	simm.s32 $0x2;
	s7 =	simm.s32 $0x0  }
0x1b: {  	s22 =	sadd.s32 s25, s1;
	s25 =	simm.s32 $0x100;
	s1 =	simm.s32 $0x1  }
.LBB2_1:
0x1c: {  	s9 =	rddreg [dreg:$0x5]  }
0x1d: {  	s10 =	rddreg [dreg:$0x6];
	s9 =	sshrl.u32 s9, $0x3  }
0x1e: {  	[spmem:s9], [sflag:s8] =	dma.local [hbm:s10], $0x2700  }
0x1f: {  	_ =	swait.ge [sflag:s23], $0x2700  }
0x20: {  	[sflag:s23] =	ssyncset.done $0x0;
	s10 =	rddreg [dreg:$0x7]  }
0x21: {  	s11 =	rddreg [dreg:$0x8];
	[sflag:s23] =	ssyncadd.s32 $0xFFFFD900;
	s10 =	sshrl.u32 @!p0 s10, $0x3  }
0x22: {  	[spmem:s10], [sflag:s8] =	dma.local @!p0 [hbm:s11], $0x100  }
0x23: {  	s11 =	simm.s32 @!p0 $0x4  }
0x24: {  	_ =	swait.ge @!p0 [sflag:s11], $0x100  }
0x25: {  	[sflag:s11] =	ssyncset.done @!p0 $0x0  }
0x26: {  	[sflag:s11] =	ssyncadd.s32 @!p0 $0xFFFFFF00  }
0x27: {  	[bflag:$0x0] =	sbarrier.arrive $0xFFFF  }
0x28: {  	s13 =	rddreg [dreg:$0x9]  }
0x29: {  	[tilespmem:s3], [sflag:$0x4] =	stream.linear.gather [hbm4b:s13+s3], $0x80, $0x38;
	[tilespmem:$0x1FB80] =	vst v63  }
0x2a: {  	_ =	swait.ge [sflag:s23], $0x80  }
0x2b: {  	[sflag:s23] =	ssyncset.done $0x0  }
0x2c: {  	s14 =	rddreg [dreg:$0xa];
	[sflag:s23] =	ssyncadd.s32 $0xFFFFFF80  }
0x2d: {  	[tilespmem:s24], [sflag:$0x4] =	stream.linear.gather [hbm4b:s14+s3], $0x80, $0x38;
	[tilespmem:$0x1FB80] =	vst v63  }
0x2e: {  	_ =	swait.ge [sflag:s23], $0x80  }
0x2f: {  	[sflag:s23] =	ssyncset.done $0x0  }
0x30: {  	[sflag:s23] =	ssyncadd.s32 $0xFFFFFF80  }
0x31: {  	[tilespmem:s25], [sflag:$0x1] =	stream.indirect.gather [hbm4b:s5+s24], $0x80, s3, s24, $0xb8;
	[tilespmem:$0x1FB80] =	vst v63  }
0x32: {  	s12 =	rddreg [dreg:$0xb]  }
0x33: {  	[tilespmem:s26], [sflag:$0x4] =	stream.linear.gather [hbm4b:s12+s3], $0x80, $0x38;
	[tilespmem:$0x1FB80] =	vst v63  }
0x34: {  	_ =	swait.ge [sflag:s23], $0x80  }
0x35: {  	[sflag:s23] =	ssyncset.done $0x0  }
0x36: {  	s13 =	rddreg [dreg:$0xc];
	[sflag:s23] =	ssyncadd.s32 $0xFFFFFF80  }
0x37: {  	[tilespmem:s28], [sflag:$0x4] =	stream.linear.gather [hbm4b:s13+s3], $0x80, $0x38;
	[tilespmem:$0x1FB80] =	vst v63  }
0x38: {  	_ =	swait.ge [sflag:s23], $0x80  }
0x39: {  	[sflag:s23] =	ssyncset.done $0x0  }
0x3a: {  	[sflag:s23] =	ssyncadd.s32 $0xFFFFFF80  }
0x3b: {  	[tilespmem:s29], [sflag:$0x2] =	stream.indirect.gather [hbm4b:s5+s24], $0x80, s26, s24, $0xb8;
	[tilespmem:$0x1FB80] =	vst v63  }
0x3c: {  	_ = 	snop  }
0x3d: {  	[tilespmem:s30], [sflag:$0x4] =	stream.linear.gather [hbm4b:s15+s3], $0x80, $0x38;
	[tilespmem:$0x1FB80] =	vst v63  }
0x3e: {  	_ =	swait.ge [sflag:s23], $0x80  }
0x3f: {  	[sflag:s23] =	ssyncset.done $0x0  }
0x40: {  	[sflag:s23] =	ssyncadd.s32 $0xFFFFFF80  }
0x41: {  	[tilespmem:s31], [sflag:$0x4] =	stream.linear.gather [hbm4b:s16+s3], $0x80, $0x38;
	[tilespmem:$0x1FB80] =	vst v63  }
0x42: {  	_ =	swait.ge [sflag:s23], $0x80  }
0x43: {  	[sflag:s23] =	ssyncset.done $0x0  }
0x44: {  	[sflag:s23] =	ssyncadd.s32 $0xFFFFFF80  }
0x45: {  	[tilespmem:s0], [sflag:$0x3] =	stream.indirect.gather [hbm4b:s5+s24], $0x80, s30, s24, $0xb8;
	[tilespmem:$0x1FB80] =	vst v63  }
0x46: {  	_ =	swait.ge [sflag:s1], $0x4000  }
0x47: {  	[sflag:s1] =	ssyncset.done $0x0  }
0x48: {  	[sflag:s1] =	ssyncadd.s32 $0xFFFFC000  }
0x49: {  	[spmem:s2] =	stream.indirect.scatter.add.f32 [tilespmem:s25], [sflag:$0x4], $0x80, s24, s24, $0xb8;
	[tilespmem:$0x1FB80] =	vst v63  }
0x4a: {  	_ =	swait.ge [sflag:s23], $0x4000  }
0x4b: {  	s11 =	sadd.s32 $0x0, s21;
	[sflag:s23] =	ssyncset.done $0x0  }
0x4c: {  	s12 =	sadd.s32 $0x30, s11;
	[sflag:s23] =	ssyncadd.s32 $0xFFFFC000  }
0x4d: {  	[tilespmem:s3], [sflag:$0x4] =	stream.linear.gather [hbm4b:s12+s3], $0x80, $0x38;
	[tilespmem:$0x1FB80] =	vst v63  }
0x4e: {  	_ =	swait.ge [sflag:s23], $0x80  }
0x4f: {  	s12 =	sadd.s32 $0x0, s22;
	[sflag:s23] =	ssyncset.done $0x0  }
0x50: {  	s13 =	sadd.s32 $0x30, s12;
	[sflag:s23] =	ssyncadd.s32 $0xFFFFFF80  }
0x51: {  	[tilespmem:s24], [sflag:$0x4] =	stream.linear.gather [hbm4b:s13+s3], $0x80, $0x38;
	[tilespmem:$0x1FB80] =	vst v63  }
0x52: {  	_ =	swait.ge [sflag:s23], $0x80  }
0x53: {  	[sflag:s23] =	ssyncset.done $0x0  }
0x54: {  	[sflag:s23] =	ssyncadd.s32 $0xFFFFFF80  }
0x55: {  	[tilespmem:s25], [sflag:$0x1] =	stream.indirect.gather [hbm4b:s5+s24], $0x80, s3, s24, $0xb8;
	[tilespmem:$0x1FB80] =	vst v63  }
0x56: {  	_ =	swait.ge [sflag:s4], $0x4000  }
0x57: {  	[sflag:s4] =	ssyncset.done $0x0  }
0x58: {  	[sflag:s4] =	ssyncadd.s32 $0xFFFFC000  }
0x59: {  	[spmem:s2] =	stream.indirect.scatter.add.f32 [tilespmem:s29], [sflag:$0x4], $0x80, s28, s24, $0xb8;
	[tilespmem:$0x1FB80] =	vst v63  }
0x5a: {  	_ =	swait.ge [sflag:s23], $0x4000  }
0x5b: {  	[sflag:s23] =	ssyncset.done $0x0  }
0x5c: {  	s14 =	sadd.s32 $0x40, s11;
	[sflag:s23] =	ssyncadd.s32 $0xFFFFC000  }
0x5d: {  	[tilespmem:s26], [sflag:$0x4] =	stream.linear.gather [hbm4b:s14+s3], $0x80, $0x38;
	[tilespmem:$0x1FB80] =	vst v63  }
0x5e: {  	_ =	swait.ge [sflag:s23], $0x80  }
0x5f: {  	[sflag:s23] =	ssyncset.done $0x0  }
0x60: {  	s14 =	sadd.s32 $0x40, s12;
	[sflag:s23] =	ssyncadd.s32 $0xFFFFFF80  }
0x61: {  	[tilespmem:s28], [sflag:$0x4] =	stream.linear.gather [hbm4b:s14+s3], $0x80, $0x38;
	[tilespmem:$0x1FB80] =	vst v63  }
0x62: {  	_ =	swait.ge [sflag:s23], $0x80  }
0x63: {  	[sflag:s23] =	ssyncset.done $0x0  }
0x64: {  	[sflag:s23] =	ssyncadd.s32 $0xFFFFFF80  }
0x65: {  	[tilespmem:s29], [sflag:$0x2] =	stream.indirect.gather [hbm4b:s5+s24], $0x80, s26, s24, $0xb8;
	[tilespmem:$0x1FB80] =	vst v63  }
0x66: {  	_ =	swait.ge [sflag:s6], $0x4000  }
0x67: {  	[sflag:s6] =	ssyncset.done $0x0  }
0x68: {  	[sflag:s6] =	ssyncadd.s32 $0xFFFFC000  }
0x69: {  	[spmem:s2] =	stream.indirect.scatter.add.f32 [tilespmem:s0], [sflag:$0x4], $0x80, s31, s24, $0xb8;
	[tilespmem:$0x1FB80] =	vst v63  }
0x6a: {  	_ =	swait.ge [sflag:s23], $0x4000  }
0x6b: {  	[sflag:s23] =	ssyncset.done $0x0  }
0x6c: {  	s11 =	sadd.s32 $0x50, s11;
	[sflag:s23] =	ssyncadd.s32 $0xFFFFC000  }
0x6d: {  	[tilespmem:s30], [sflag:$0x4] =	stream.linear.gather [hbm4b:s11+s3], $0x80, $0x38;
	[tilespmem:$0x1FB80] =	vst v63  }
0x6e: {  	_ =	swait.ge [sflag:s23], $0x80  }
0x6f: {  	[sflag:s23] =	ssyncset.done $0x0  }
0x70: {  	s14 =	sadd.s32 $0x50, s12;
	[sflag:s23] =	ssyncadd.s32 $0xFFFFFF80  }
0x71: {  	[tilespmem:s31], [sflag:$0x4] =	stream.linear.gather [hbm4b:s14+s3], $0x80, $0x38;
	[tilespmem:$0x1FB80] =	vst v63  }
0x72: {  	_ =	swait.ge [sflag:s23], $0x80  }
0x73: {  	[sflag:s23] =	ssyncset.done $0x0  }
0x74: {  	s11 =	simm.s32 $0x30;
	[sflag:s23] =	ssyncadd.s32 $0xFFFFFF80  }
.LBB2_2:
0x75: {  	[tilespmem:s0], [sflag:$0x3] =	stream.indirect.gather [hbm4b:s5+s24], $0x80, s30, s24, $0xb8;
	[tilespmem:$0x1FB80] =	vst v63  }
0x76: {  	s13 =	smov.u32 s11  }
0x77: {  	p2 =	sne.s32 s11, $0x480;
	s11 =	sadd.s32 $0x30, s11;
	_ =	swait.ge [sflag:s1], $0x4000  }
0x78: {  	[sflag:s1] =	ssyncset.done $0x0  }
0x79: {  	[sflag:s1] =	ssyncadd.s32 $0xFFFFC000  }
0x7a: {  	[spmem:s2] =	stream.indirect.scatter.add.f32 [tilespmem:s25], [sflag:$0x4], $0x80, s24, s24, $0xb8;
	[tilespmem:$0x1FB80] =	vst v63  }
0x7b: {  	_ =	swait.ge [sflag:s23], $0x4000  }
0x7c: {  	s12 =	sadd.s32 s13, s21;
	[sflag:s23] =	ssyncset.done $0x0  }
0x7d: {  	s14 =	sadd.s32 $0x30, s12;
	[sflag:s23] =	ssyncadd.s32 $0xFFFFC000  }
0x7e: {  	[tilespmem:s3], [sflag:$0x4] =	stream.linear.gather [hbm4b:s14+s3], $0x80, $0x38;
	[tilespmem:$0x1FB80] =	vst v63  }
0x7f: {  	_ =	swait.ge [sflag:s23], $0x80  }
0x80: {  	s13 =	sadd.s32 s13, s22;
	[sflag:s23] =	ssyncset.done $0x0  }
0x81: {  	s14 =	sadd.s32 $0x30, s13;
	[sflag:s23] =	ssyncadd.s32 $0xFFFFFF80  }
0x82: {  	[tilespmem:s24], [sflag:$0x4] =	stream.linear.gather [hbm4b:s14+s3], $0x80, $0x38;
	[tilespmem:$0x1FB80] =	vst v63  }
0x83: {  	_ =	swait.ge [sflag:s23], $0x80  }
0x84: {  	[sflag:s23] =	ssyncset.done $0x0  }
0x85: {  	[sflag:s23] =	ssyncadd.s32 $0xFFFFFF80  }
0x86: {  	[tilespmem:s25], [sflag:$0x1] =	stream.indirect.gather [hbm4b:s5+s24], $0x80, s3, s24, $0xb8;
	[tilespmem:$0x1FB80] =	vst v63  }
0x87: {  	_ =	swait.ge [sflag:s4], $0x4000  }
0x88: {  	[sflag:s4] =	ssyncset.done $0x0  }
0x89: {  	[sflag:s4] =	ssyncadd.s32 $0xFFFFC000  }
0x8a: {  	[spmem:s2] =	stream.indirect.scatter.add.f32 [tilespmem:s29], [sflag:$0x4], $0x80, s28, s24, $0xb8;
	[tilespmem:$0x1FB80] =	vst v63  }
0x8b: {  	_ =	swait.ge [sflag:s23], $0x4000  }
0x8c: {  	[sflag:s23] =	ssyncset.done $0x0  }
0x8d: {  	s14 =	sadd.s32 $0x40, s12;
	[sflag:s23] =	ssyncadd.s32 $0xFFFFC000  }
0x8e: {  	[tilespmem:s26], [sflag:$0x4] =	stream.linear.gather [hbm4b:s14+s3], $0x80, $0x38;
	[tilespmem:$0x1FB80] =	vst v63  }
0x8f: {  	_ =	swait.ge [sflag:s23], $0x80  }
0x90: {  	[sflag:s23] =	ssyncset.done $0x0  }
0x91: {  	s14 =	sadd.s32 $0x40, s13;
	[sflag:s23] =	ssyncadd.s32 $0xFFFFFF80  }
0x92: {  	[tilespmem:s28], [sflag:$0x4] =	stream.linear.gather [hbm4b:s14+s3], $0x80, $0x38;
	[tilespmem:$0x1FB80] =	vst v63  }
0x93: {  	_ =	swait.ge [sflag:s23], $0x80  }
0x94: {  	[sflag:s23] =	ssyncset.done $0x0  }
0x95: {  	[sflag:s23] =	ssyncadd.s32 $0xFFFFFF80  }
0x96: {  	[tilespmem:s29], [sflag:$0x2] =	stream.indirect.gather [hbm4b:s5+s24], $0x80, s26, s24, $0xb8;
	[tilespmem:$0x1FB80] =	vst v63  }
0x97: {  	_ =	swait.ge [sflag:s6], $0x4000  }
0x98: {  	[sflag:s6] =	ssyncset.done $0x0  }
0x99: {  	[sflag:s6] =	ssyncadd.s32 $0xFFFFC000  }
0x9a: {  	[spmem:s2] =	stream.indirect.scatter.add.f32 [tilespmem:s0], [sflag:$0x4], $0x80, s31, s24, $0xb8;
	[tilespmem:$0x1FB80] =	vst v63  }
0x9b: {  	_ =	swait.ge [sflag:s23], $0x4000  }
0x9c: {  	[sflag:s23] =	ssyncset.done $0x0  }
0x9d: {  	s12 =	sadd.s32 $0x50, s12;
	[sflag:s23] =	ssyncadd.s32 $0xFFFFC000  }
0x9e: {  	[tilespmem:s30], [sflag:$0x4] =	stream.linear.gather [hbm4b:s12+s3], $0x80, $0x38;
	[tilespmem:$0x1FB80] =	vst v63  }
0x9f: {  	_ =	swait.ge [sflag:s23], $0x80  }
0xa0: {  	[sflag:s23] =	ssyncset.done $0x0  }
.Ltmp0:
0xa1: {  	s12 =	sadd.s32 $0x50, s13;
	[sflag:s23] =	ssyncadd.s32 $0xFFFFFF80;
	(pc) =	sbr.rel @p2 .LBB2_2-.Ltmp0, $4  }
0xa2: {  	[tilespmem:s31], [sflag:$0x4] =	stream.linear.gather [hbm4b:s12+s3], $0x80, $0x38;
	[tilespmem:$0x1FB80] =	vst v63  }
0xa3: {  	_ =	swait.ge [sflag:s23], $0x80  }
0xa4: {  	[sflag:s23] =	ssyncset.done $0x0  }
0xa5: {  	[sflag:s23] =	ssyncadd.s32 $0xFFFFFF80  }
0xa6: {  	[tilespmem:s0], [sflag:$0x3] =	stream.indirect.gather [hbm4b:s5+s24], $0x80, s30, s24, $0xb8;
	[tilespmem:$0x1FB80] =	vst v63  }
0xa7: {  	_ =	swait.ge [sflag:s1], $0x4000  }
0xa8: {  	[sflag:s1] =	ssyncset.done $0x0  }
0xa9: {  	[sflag:s1] =	ssyncadd.s32 $0xFFFFC000  }
0xaa: {  	[spmem:s2] =	stream.indirect.scatter.add.f32 [tilespmem:s25], [sflag:$0x4], $0x80, s24, s24, $0xb8;
	[tilespmem:$0x1FB80] =	vst v63  }
0xab: {  	_ =	swait.ge [sflag:s23], $0x4000  }
0xac: {  	[sflag:s23] =	ssyncset.done $0x0  }
0xad: {  	[sflag:s23] =	ssyncadd.s32 $0xFFFFC000  }
0xae: {  	_ =	swait.ge [sflag:s4], $0x4000  }
0xaf: {  	[sflag:s4] =	ssyncset.done $0x0  }
0xb0: {  	[sflag:s4] =	ssyncadd.s32 $0xFFFFC000  }
0xb1: {  	[spmem:s2] =	stream.indirect.scatter.add.f32 [tilespmem:s29], [sflag:$0x4], $0x80, s28, s24, $0xb8;
	[tilespmem:$0x1FB80] =	vst v63  }
0xb2: {  	_ =	swait.ge [sflag:s23], $0x4000  }
0xb3: {  	[sflag:s23] =	ssyncset.done $0x0  }
0xb4: {  	[sflag:s23] =	ssyncadd.s32 $0xFFFFC000  }
0xb5: {  	_ =	swait.ge [sflag:s6], $0x4000  }
0xb6: {  	[sflag:s6] =	ssyncset.done $0x0  }
0xb7: {  	[sflag:s6] =	ssyncadd.s32 $0xFFFFC000  }
0xb8: {  	[spmem:s2] =	stream.indirect.scatter.add.f32 [tilespmem:s0], [sflag:$0x4], $0x80, s31, s24, $0xb8;
	[tilespmem:$0x1FB80] =	vst v63  }
0xb9: {  	_ =	swait.ge [sflag:s23], $0x4000  }
0xba: {  	[sflag:s23] =	ssyncset.done $0x0  }
0xbb: {  	s11 =	simm.s32 @!p1 $0x0;
	s12 =	simm.s32 @!p1 $0x4;
	[sflag:s23] =	ssyncadd.s32 $0xFFFFC000  }
0xbc: {  	[tilespmem:s11], [sflag:$0x4] =	stream.linear.gather @!p1 [hbm4b:s17+s11], $0x80, $0x38;
	[tilespmem:$0x1FB80] =	vst v63  }
0xbd: {  	_ =	swait.ge @!p1 [sflag:s12], $0x80  }
0xbe: {  	[sflag:s12] =	ssyncset.done @!p1 $0x0  }
0xbf: {  	s13 =	simm.s32 @!p1 $0x80;
	[sflag:s12] =	ssyncadd.s32 @!p1 $0xFFFFFF80  }
0xc0: {  	[tilespmem:s13], [sflag:$0x4] =	stream.linear.gather @!p1 [hbm4b:s18+s11], $0x80, $0x38;
	[tilespmem:$0x1FB80] =	vst v63  }
0xc1: {  	_ =	swait.ge @!p1 [sflag:s12], $0x80  }
0xc2: {  	[sflag:s12] =	ssyncset.done @!p1 $0x0  }
0xc3: {  	s14 =	simm.s32 @!p1 $0x100;
	[sflag:s12] =	ssyncadd.s32 @!p1 $0xFFFFFF80  }
0xc4: {  	[tilespmem:s14], [sflag:$0x1] =	stream.indirect.gather @!p1 [hbm4b:s5+s13], $0x80, s11, s13, $0xb8;
	[tilespmem:$0x1FB80] =	vst v63  }
0xc5: {  	s11 =	simm.s32 @!p1 $0x1  }
0xc6: {  	_ =	swait.ge @!p1 [sflag:s11], $0x4000  }
0xc7: {  	[sflag:s11] =	ssyncset.done @!p1 $0x0  }
0xc8: {  	[sflag:s11] =	ssyncadd.s32 @!p1 $0xFFFFC000  }
0xc9: {  	[spmem:s2] =	stream.indirect.scatter.add.f32 @!p1 [tilespmem:s14], [sflag:$0x4], $0x80, s13, s13, $0xb8;
	[tilespmem:$0x1FB80] =	vst v63  }
0xca: {  	_ =	swait.ge @!p1 [sflag:s12], $0x4000  }
0xcb: {  	[sflag:s12] =	ssyncset.done @!p1 $0x0  }
0xcc: {  	[sflag:s12] =	ssyncadd.s32 @!p1 $0xFFFFC000  }
0xcd: {  	[bflag:$0x0] =	sbarrier.arrive $0xFFFF  }
0xce: {  	s14 =	rddreg [dreg:$0x4]  }
0xcf: {  	s11 =	sadd.s32 s14, s19  }
0xd0: {  	[hbm:s11], [sflag:s8] =	dma.local [spmem:s9], $0x2700  }
0xd1: {  	_ =	swait.ge [sflag:s23], $0x2700  }
0xd2: {  	s7 =	sadd.s32 $0x1, s7;
	[sflag:s23] =	ssyncset.done $0x0  }
0xd3: {  	p2 =	sne.s32 s7, s20;
	s9 =	sadd.s32 @!p0 $0x27000, s19;
	[sflag:s23] =	ssyncadd.s32 $0xFFFFD900  }
0xd4: {  	[hbm:s9], [sflag:s8] =	dma.local @!p0 [spmem:s10], $0x100  }
.Ltmp1:
0xd5: {  	_ = 	snop;
	(pc) =	sbr.rel @p2 .LBB2_1-.Ltmp1, $4  }
0xd6: {  	s9 =	simm.s32 @!p0 $0x4  }
0xd7: {  	_ =	swait.ge @!p0 [sflag:s9], $0x100  }
0xd8: {  	[sflag:s9] =	ssyncset.done @!p0 $0x0  }
0xd9: {  	[sflag:s9] =	ssyncadd.s32 @!p0 $0xFFFFFF00  }
0xda: {  	_ =	sfence.sel $0x180000  }
0xdb: {  	[bflag:$0x0] =	sbarrier.arrive $0xFFFF  }
0xdc: {  	_ =	strace $0x90000050  }
0xdd: {  	s0 =	stileid.u32;
	[bflag:$0x2] =	sbarrier.arrive $0xFFFF  }
0xde: {  	p0 =	sne.s32 s0, $0x0;
	s0 =	rddreg [dreg:$0x3]  }
0xdf: {  	s0 =	sadd.s32 @!p0 $0x100000, s0  }
0xe0: {  	[sflag:s0] =	ssyncadd.tile.s32 @!p0 $0x1;
	_ =	shalt  }
.Lfunc_end2:
_tile_overlayer_lowered:
.L_overlay_start_2:
0xe1: {  	(tag) =	ssettag $0x2  }
0xe2: {  	s0 =	rddreg [dreg:$0x0];
	s2 =	stileid.u32  }
0xe3: {  	s1 =	rddreg [dreg:$0x1];
	p0 =	sne.s32 s2, $0x0  }
0xe4: {  	s3 =	rddreg [dreg:$0x2];
	[bflag:$0x3] =	sbarrier.arrive $0xFFFF;
	s2 =	simm.s32 @!p0 $0x1C04  }
0xe5: {  	[timem:s3], [sflag:s2] =	dma.local @!p0 [hbm:s0], s1  }
0xe6: {  	s0 =	simm.s32 @!p0 $0x4  }
0xe7: {  	_ =	swait.ge @!p0 [sflag:s0], s1  }
0xe8: {  	s1 =	ssub.s32 @!p0 $0x0, s1;
	[sflag:s0] =	ssyncset.done @!p0 $0x0  }
0xe9: {  	[sflag:s0] =	ssyncadd.s32 @!p0 s1  }
0xea: {  	[bflag:$0x3] =	sbarrier.arrive $0xFFFF  }
0xeb: {  	_ =	shalt  }

</sc_bundles>
